<compile_context>
chip_gen: v7x
topology: tpu7x:2x2x1
jax: 0.10.2.dev20260603
libtpu: 0.0.44.dev20260713+nightly
codegen_flags: <defaults>
</compile_context>

<pallas_src>
import functools

import jax
import jax.numpy as jnp
from jax import lax
from jax.experimental import pallas as pl
from jax.experimental.pallas import tpu as pltpu
from jax.experimental.pallas import tpu_sc as plsc

_NC, _NS, _L = 2, 16, 16
_NW = _NC * _NS
_V = 30522
_VPAD = 30528
_NEG = -3.0e38


def _sc_body(qflat_hbm, qid_hbm, qw_hbm, d_hbm, didf_hbm, dwf_hbm,
             qcls_hbm, dcls_hbm, out_hbm,
             table, didb, dwb, qbuf, qidb, qwb, clsq, clsd,
             hits, rows, mbuf, cbuf, outb, sem,
             *, n_per_w, ld, kdld):
    iot = lax.iota(jnp.int32, _L)
    wid = lax.axis_index("c") * _NS + lax.axis_index("s")

    b0 = wid * n_per_w
    cps = [pltpu.async_copy(didf_hbm.at[pl.ds(b0, n_per_w)], didb, sem),
           pltpu.async_copy(dwf_hbm.at[pl.ds(b0, n_per_w)], dwb, sem),
           pltpu.async_copy(qid_hbm.at[pl.ds(b0, n_per_w)], qidb, sem),
           pltpu.async_copy(qw_hbm.at[pl.ds(b0, n_per_w)], qwb, sem),
           pltpu.async_copy(qflat_hbm.at[pl.ds(b0, n_per_w)], qbuf, sem),
           pltpu.async_copy(qcls_hbm.at[pl.ds(b0, n_per_w)], clsq, sem),
           pltpu.async_copy(dcls_hbm.at[pl.ds(b0, n_per_w)], clsd, sem)]

    def _init(k, c):
        z = jnp.zeros((_L,), jnp.int32)
        for u in range(12):
            table[pl.ds(k * 12 * _L + u * _L, _L)] = z
        return c
    lax.fori_loop(0, _VPAD // (12 * _L), _init, 0)

    for cp in cps:
        cp.wait()

    outv = jnp.zeros((_L,), jnp.float32)
    for t in range(n_per_w):
        b = b0 + t

        qv0 = qidb[t, pl.ds(0, _L)]
        qv1 = qidb[t, pl.ds(_L, _L)]
        one = jnp.ones((_L,), jnp.int32)
        plsc.store_scatter(table, [qv0], one)
        plsc.store_scatter(table, [qv1], one)

        cacc = jnp.zeros((_L,), jnp.float32)
        for k in range(128 // _L):
            cacc = cacc + (clsq[t, pl.ds(k * _L, _L)] *
                           clsd[t, pl.ds(k * _L, _L)])
        cls_b = jnp.sum(cacc)

        def _probe(cc, count):
            hms = []
            for u in range(8):
                dv = didb[t, pl.ds((cc * 8 + u) * _L, _L)]
                tv = plsc.load_gather(table, [dv])
                hms.append(tv == 1)
            anym = ((hms[0] | hms[1]) | (hms[2] | hms[3])) | \
                   ((hms[4] | hms[5]) | (hms[6] | hms[7]))

            def _grp(cnt):
                for u in range(8):
                    def _rec(st):
                        hm2, c2 = st
                        l = plsc.all_reduce_ffs(hm2)
                        l = jnp.max(l) if l.ndim else l
                        p = (cc * 8 + u) * _L + l
                        plsc.store_scatter(
                            hits, [jnp.full((_L,), c2, jnp.int32)],
                            jnp.full((_L,), p, jnp.int32), mask=iot == 0)
                        return hm2 & (iot != l), c2 + 1
                    _, cnt = lax.while_loop(lambda s: jnp.any(s[0]), _rec,
                                            (hms[u], cnt))
                return cnt

            return lax.cond(jnp.any(anym), _grp, lambda c2: c2, count)
        count = lax.fori_loop(0, kdld // (8 * _L), _probe, jnp.int32(0))

        for half in range(2):
            mbuf[pl.ds(half * _L, _L)] = jnp.full((_L,), _NEG, jnp.float32)
            cbuf[pl.ds(half * _L, _L)] = jnp.zeros((_L,), jnp.int32)

        def _hitstep(h):
            hb = plsc.load_gather(hits, [jnp.full((_L,), h, jnp.int32)])
            jb = jnp.bitwise_and(hb, ld - 1)
            cp = pltpu.async_copy(d_hbm.at[b].at[jb], rows, sem)
            tfull = jnp.full((_L,), t, jnp.int32)
            xb = plsc.load_gather(didb, [tfull, hb])
            wb = plsc.load_gather(dwb, [tfull, hb])
            cp.wait()
            for half, qv in ((0, qv0), (1, qv1)):
                qm = qv == xb

                def _imatch(s2):
                    qm2 = s2
                    i16 = plsc.all_reduce_ffs(qm2)
                    i16 = jnp.max(i16) if i16.ndim else i16
                    base = (half * _L + i16) * 128
                    acc = jnp.zeros((_L,), jnp.float32)
                    for k in range(128 // _L):
                        acc = acc + (qbuf[t, pl.ds(base + k * _L, _L)] *
                                     rows[0, pl.ds(k * _L, _L)])
                    val = jnp.sum(acc) * wb
                    oh = iot == i16
                    mold = mbuf[pl.ds(half * _L, _L)]
                    mbuf[pl.ds(half * _L, _L)] = jnp.where(
                        oh, jnp.maximum(mold, val), mold)
                    cold = cbuf[pl.ds(half * _L, _L)]
                    cbuf[pl.ds(half * _L, _L)] = jnp.where(
                        oh, cold + 1, cold)
                    return qm2 & (iot != i16)

                lax.while_loop(lambda s: jnp.any(s), _imatch, qm)
            return h + 1
        lax.while_loop(lambda h: h < count, _hitstep, jnp.int32(0))

        tok = jnp.float32(0.0)
        for half in range(2):
            mh = mbuf[pl.ds(half * _L, _L)]
            ch = cbuf[pl.ds(half * _L, _L)]
            mh = jnp.where(ch < kdld, jnp.maximum(mh, 0.0), mh)
            tok = tok + jnp.sum(qwb[t, pl.ds(half * _L, _L)] * mh)
        outv = jnp.where(iot == t, tok + cls_b, outv)

        zero = jnp.zeros((_L,), jnp.int32)
        plsc.store_scatter(table, [qv0], zero)
        plsc.store_scatter(table, [qv1], zero)

    outb[...] = outv
    pltpu.sync_copy(outb, out_hbm.at[wid])


def kernel(query_expert_repr, query_expert_weights, query_expert_ids,
           doc_expert_repr, doc_expert_weights, doc_expert_ids,
           query_cls_repr, doc_cls_repr):
    B, Lq, D = query_expert_repr.shape
    _, Ld, Kd = doc_expert_ids.shape
    n_per_w = B // _NW
    kdld = Kd * Ld

    qflat = query_expert_repr.reshape(B, Lq * D)
    qid = query_expert_ids.reshape(B, Lq).astype(jnp.int32)
    qw = query_expert_weights.reshape(B, Lq)
    didf = jnp.swapaxes(doc_expert_ids, 1, 2).reshape(B, kdld)
    dwf = jnp.swapaxes(doc_expert_weights, 1, 2).reshape(B, kdld)

    mesh = plsc.VectorSubcoreMesh(core_axis_name="c", subcore_axis_name="s",
                                  num_cores=_NC, num_subcores=_NS)
    body = functools.partial(_sc_body, n_per_w=n_per_w, ld=Ld, kdld=kdld)
    out2 = pl.kernel(
        body,
        out_type=jax.ShapeDtypeStruct((_NW, _L), jnp.float32),
        mesh=mesh,
        compiler_params=pltpu.CompilerParams(needs_layout_passes=False),
        scratch_types=[
            pltpu.VMEM((_VPAD,), jnp.int32),
            pltpu.VMEM((n_per_w, kdld), jnp.int32),
            pltpu.VMEM((n_per_w, kdld), jnp.float32),
            pltpu.VMEM((n_per_w, Lq * D), jnp.float32),
            pltpu.VMEM((n_per_w, Lq), jnp.int32),
            pltpu.VMEM((n_per_w, Lq), jnp.float32),
            pltpu.VMEM((n_per_w, D), jnp.float32),
            pltpu.VMEM((n_per_w, D), jnp.float32),
            pltpu.VMEM((kdld,), jnp.int32),
            pltpu.VMEM((_L, D), jnp.float32),
            pltpu.VMEM((2 * _L,), jnp.float32),
            pltpu.VMEM((2 * _L,), jnp.int32),
            pltpu.VMEM((_L,), jnp.float32),
            pltpu.SemaphoreType.DMA,
        ],
    )(qflat, qid, qw, doc_expert_repr, didf, dwf,
      query_cls_repr, doc_cls_repr)
    return out2[:, :n_per_w].reshape(B)

# --- scband reference (transcript-rebuilt; emitter-appended) ---
"""Pipeline reference for scband-citadel-15118284882566 (READ-ONLY COPY).

The authoritative reference and input builder live on the scoring server;
editing this copy changes nothing except your own understanding.
"""

import jax, jax.numpy as jnp
import numpy as np


def setup_inputs(seed: int = 0) -> dict:
    key = jax.random.key(seed)
    ks = jax.random.split(key, 8)
    B, Lq, Ld, Kq, Kd, D, Dc, V = 128, 32, 256, 1, 5, 128, 128, 30522
    return {
        "query_expert_repr": jax.random.normal(ks[0], (B, Lq, D), dtype=jnp.float32),
        "query_expert_weights": jax.random.uniform(ks[1], (B, Lq, Kq), dtype=jnp.float32),
        "query_expert_ids": jax.random.randint(ks[2], (B, Lq, Kq), 0, V, dtype=jnp.int64) if jax.config.jax_enable_x64 else jax.random.randint(ks[2], (B, Lq, Kq), 0, V, dtype=jnp.int32),
        "doc_expert_repr": jax.random.normal(ks[3], (B, Ld, D), dtype=jnp.float32),
        "doc_expert_weights": jax.random.uniform(ks[4], (B, Ld, Kd), dtype=jnp.float32),
        "doc_expert_ids": jax.random.randint(ks[5], (B, Ld, Kd), 0, V, dtype=jnp.int32),
        "query_cls_repr": jax.random.normal(ks[6], (B, Dc), dtype=jnp.float32),
        "doc_cls_repr": jax.random.normal(ks[7], (B, Dc), dtype=jnp.float32),
    }


def reference(query_expert_repr, query_expert_weights, query_expert_ids,
              doc_expert_repr, doc_expert_weights, doc_expert_ids,
              query_cls_repr, doc_cls_repr):
    # CITADEL.score_pair with citadel_score_type == 'full'
    # tok_score_pair
    scores_wo = jnp.einsum('ijd,ikd->ijk', query_expert_repr, doc_expert_repr)  # [B,Lq,Ld]
    weights = (query_expert_weights[:, :, :, None, None] *
               doc_expert_weights[:, None, None, :, :])  # [B,Lq,Kq,Ld,Kd]
    exact_match = (query_expert_ids[:, :, :, None, None] ==
                   doc_expert_ids[:, None, None, :, :]).astype(jnp.float32)
    scores = scores_wo[:, :, None, :, None] * weights * exact_match  # [B,Lq,Kq,Ld,Kd]
    B, Lq, Kq, Ld, Kd = scores.shape
    scores = scores.reshape(B, Lq * Kq, Ld * Kd)
    tok_scores = scores.max(axis=-1).sum(axis=-1)  # [B]
    cls_scores = (query_cls_repr * doc_cls_repr).sum(axis=-1)  # [B]
    return tok_scores + cls_scores


if False:  # reference __main__ guard neutralized (emitter)
    out = reference(**setup_inputs())
    print(out.shape, out.dtype)

if __name__ == "__main__":
    import jax
    _d = setup_inputs()
    print(jax.jit(kernel)(*tuple(_d.values())))

</pallas_src>

<mosaic_0001>
#map = affine_map<(d0, d1) -> (0, 0)>
#map1 = affine_map<(d0, d1) -> (0, 0, 0)>
module attributes {stable_mosaic.version = 14 : i64} {
  func.func @_sc_body(%arg0: i32, %arg1: i32, %arg2: memref<128x4096xf32, #tpu.memory_space<hbm>>, %arg3: memref<128x32xi32, #tpu.memory_space<hbm>>, %arg4: memref<128x32xf32, #tpu.memory_space<hbm>>, %arg5: memref<128x256x128xf32, #tpu.memory_space<hbm>>, %arg6: memref<128x1280xi32, #tpu.memory_space<hbm>>, %arg7: memref<128x1280xf32, #tpu.memory_space<hbm>>, %arg8: memref<128x128xf32, #tpu.memory_space<hbm>>, %arg9: memref<128x128xf32, #tpu.memory_space<hbm>>, %arg10: memref<32x16xf32, #tpu.memory_space<hbm>>, %arg11: memref<30528xi32, #tpu.memory_space<vmem>>, %arg12: memref<4x1280xi32, #tpu.memory_space<vmem>>, %arg13: memref<4x1280xf32, #tpu.memory_space<vmem>>, %arg14: memref<4x4096xf32, #tpu.memory_space<vmem>>, %arg15: memref<4x32xi32, #tpu.memory_space<vmem>>, %arg16: memref<4x32xf32, #tpu.memory_space<vmem>>, %arg17: memref<4x128xf32, #tpu.memory_space<vmem>>, %arg18: memref<4x128xf32, #tpu.memory_space<vmem>>, %arg19: memref<1280xi32, #tpu.memory_space<vmem>>, %arg20: memref<16x128xf32, #tpu.memory_space<vmem>>, %arg21: memref<32xf32, #tpu.memory_space<vmem>>, %arg22: memref<32xi32, #tpu.memory_space<vmem>>, %arg23: memref<16xf32, #tpu.memory_space<vmem>>, %arg24: memref<!tpu.dma_semaphore, #tpu.memory_space<semaphore_mem>>) attributes {dimension_semantics = [#tpu.dimension_semantics<core_parallel>, #tpu.dimension_semantics<subcore_parallel>], iteration_bounds = array<i64: 2, 16>, scalar_prefetch = 0 : i64, scratch_operands = 14 : i64, tpu.core_type = #tpu.core_type<sc_vector_subcore>, window_params = [{transform_indices = #map}, {transform_indices = #map}, {transform_indices = #map}, {transform_indices = #map1}, {transform_indices = #map}, {transform_indices = #map}, {transform_indices = #map}, {transform_indices = #map}, {transform_indices = #map}]} {
    %iota3A = tpu.iota {dimensions = array<i32: 0>} : vector<16xi32>
    %mul3A = arith.constant 16 : i32
    %mul3A_0 = arith.muli %arg0, %mul3A : i32
    %add3A = arith.addi %mul3A_0, %arg1 : i32
    %mul3A_1 = arith.constant 4 : i32
    %mul3A_2 = arith.muli %add3A, %mul3A_1 : i32
    %dma_start3A = arith.constant 0 : i32
    %dma_start3A_3 = tpu.memref_slice %arg6[%mul3A_2, %dma_start3A] : memref<128x1280xi32, #tpu.memory_space<hbm>> -> memref<4x1280xi32, #tpu.memory_space<hbm>>
    %dma_start3A_4 = arith.constant 0 : i32
    %dma_start3A_5 = tpu.memref_slice %arg6[%mul3A_2, %dma_start3A_4] : memref<128x1280xi32, #tpu.memory_space<hbm>> -> memref<4x1280xi32, #tpu.memory_space<hbm>>
    tpu.enqueue_dma source(%dma_start3A_5 : memref<4x1280xi32, #tpu.memory_space<hbm>>) target(%arg12 : memref<4x1280xi32, #tpu.memory_space<vmem>>) target_semaphore(%arg24 : memref<!tpu.dma_semaphore, #tpu.memory_space<semaphore_mem>>)
    %dma_start3A_6 = arith.constant 0 : i32
    %dma_start3A_7 = tpu.memref_slice %arg7[%mul3A_2, %dma_start3A_6] : memref<128x1280xf32, #tpu.memory_space<hbm>> -> memref<4x1280xf32, #tpu.memory_space<hbm>>
    %dma_start3A_8 = arith.constant 0 : i32
    %dma_start3A_9 = tpu.memref_slice %arg7[%mul3A_2, %dma_start3A_8] : memref<128x1280xf32, #tpu.memory_space<hbm>> -> memref<4x1280xf32, #tpu.memory_space<hbm>>
    tpu.enqueue_dma source(%dma_start3A_9 : memref<4x1280xf32, #tpu.memory_space<hbm>>) target(%arg13 : memref<4x1280xf32, #tpu.memory_space<vmem>>) target_semaphore(%arg24 : memref<!tpu.dma_semaphore, #tpu.memory_space<semaphore_mem>>)
    %dma_start3A_10 = arith.constant 0 : i32
    %dma_start3A_11 = tpu.memref_slice %arg3[%mul3A_2, %dma_start3A_10] : memref<128x32xi32, #tpu.memory_space<hbm>> -> memref<4x32xi32, #tpu.memory_space<hbm>>
    %dma_start3A_12 = arith.constant 0 : i32
    %dma_start3A_13 = tpu.memref_slice %arg3[%mul3A_2, %dma_start3A_12] : memref<128x32xi32, #tpu.memory_space<hbm>> -> memref<4x32xi32, #tpu.memory_space<hbm>>
    tpu.enqueue_dma source(%dma_start3A_13 : memref<4x32xi32, #tpu.memory_space<hbm>>) target(%arg15 : memref<4x32xi32, #tpu.memory_space<vmem>>) target_semaphore(%arg24 : memref<!tpu.dma_semaphore, #tpu.memory_space<semaphore_mem>>)
    %dma_start3A_14 = arith.constant 0 : i32
    %dma_start3A_15 = tpu.memref_slice %arg4[%mul3A_2, %dma_start3A_14] : memref<128x32xf32, #tpu.memory_space<hbm>> -> memref<4x32xf32, #tpu.memory_space<hbm>>
    %dma_start3A_16 = arith.constant 0 : i32
    %dma_start3A_17 = tpu.memref_slice %arg4[%mul3A_2, %dma_start3A_16] : memref<128x32xf32, #tpu.memory_space<hbm>> -> memref<4x32xf32, #tpu.memory_space<hbm>>
    tpu.enqueue_dma source(%dma_start3A_17 : memref<4x32xf32, #tpu.memory_space<hbm>>) target(%arg16 : memref<4x32xf32, #tpu.memory_space<vmem>>) target_semaphore(%arg24 : memref<!tpu.dma_semaphore, #tpu.memory_space<semaphore_mem>>)
    %dma_start3A_18 = arith.constant 0 : i32
    %dma_start3A_19 = tpu.memref_slice %arg2[%mul3A_2, %dma_start3A_18] : memref<128x4096xf32, #tpu.memory_space<hbm>> -> memref<4x4096xf32, #tpu.memory_space<hbm>>
    %dma_start3A_20 = arith.constant 0 : i32
    %dma_start3A_21 = tpu.memref_slice %arg2[%mul3A_2, %dma_start3A_20] : memref<128x4096xf32, #tpu.memory_space<hbm>> -> memref<4x4096xf32, #tpu.memory_space<hbm>>
    tpu.enqueue_dma source(%dma_start3A_21 : memref<4x4096xf32, #tpu.memory_space<hbm>>) target(%arg14 : memref<4x4096xf32, #tpu.memory_space<vmem>>) target_semaphore(%arg24 : memref<!tpu.dma_semaphore, #tpu.memory_space<semaphore_mem>>)
    %dma_start3A_22 = arith.constant 0 : i32
    %dma_start3A_23 = tpu.memref_slice %arg8[%mul3A_2, %dma_start3A_22] : memref<128x128xf32, #tpu.memory_space<hbm>> -> memref<4x128xf32, #tpu.memory_space<hbm>>
    %dma_start3A_24 = arith.constant 0 : i32
    %dma_start3A_25 = tpu.memref_slice %arg8[%mul3A_2, %dma_start3A_24] : memref<128x128xf32, #tpu.memory_space<hbm>> -> memref<4x128xf32, #tpu.memory_space<hbm>>
    tpu.enqueue_dma source(%dma_start3A_25 : memref<4x128xf32, #tpu.memory_space<hbm>>) target(%arg17 : memref<4x128xf32, #tpu.memory_space<vmem>>) target_semaphore(%arg24 : memref<!tpu.dma_semaphore, #tpu.memory_space<semaphore_mem>>)
    %dma_start3A_26 = arith.constant 0 : i32
    %dma_start3A_27 = tpu.memref_slice %arg9[%mul3A_2, %dma_start3A_26] : memref<128x128xf32, #tpu.memory_space<hbm>> -> memref<4x128xf32, #tpu.memory_space<hbm>>
    %dma_start3A_28 = arith.constant 0 : i32
    %dma_start3A_29 = tpu.memref_slice %arg9[%mul3A_2, %dma_start3A_28] : memref<128x128xf32, #tpu.memory_space<hbm>> -> memref<4x128xf32, #tpu.memory_space<hbm>>
    tpu.enqueue_dma source(%dma_start3A_29 : memref<4x128xf32, #tpu.memory_space<hbm>>) target(%arg18 : memref<4x128xf32, #tpu.memory_space<vmem>>) target_semaphore(%arg24 : memref<!tpu.dma_semaphore, #tpu.memory_space<semaphore_mem>>)
    %scan3A = arith.constant 0 : i32
    %scan3A_30 = arith.constant 0 : i32
    %scan3A_31 = arith.constant 159 : i32
    %scan3A_32 = arith.addi %scan3A_30, %scan3A_31 : i32
    %scan3A_33 = arith.constant 1 : i32
    scf.for %scan3A_753 = %scan3A_30 to %scan3A_32 step %scan3A_33  : i32 {
      %broadcast_in_dim3A_754 = arith.constant 0 : i32
      %broadcast_in_dim3A_755 = vector.broadcast %broadcast_in_dim3A_754 : i32 to vector<16xi32>
      %mul3A_756 = arith.constant 12 : i32
      %mul3A_757 = arith.muli %scan3A_753, %mul3A_756 : i32
      %mul3A_758 = arith.constant 16 : i32
      %mul3A_759 = arith.muli %mul3A_757, %mul3A_758 : i32
      %add3A_760 = arith.constant 0 : i32
      %add3A_761 = arith.addi %mul3A_759, %add3A_760 : i32
      %swap3A_762 = arith.index_cast %add3A_761 : i32 to index
      %swap3A_763 = tpu.vector_load %arg11[%swap3A_762] {strides = array<i32>} : memref<30528xi32, #tpu.memory_space<vmem>>, vector<16xi32>,
      tpu.vector_store %arg11[%swap3A_762], %broadcast_in_dim3A_755 {strides = array<i32>} : memref<30528xi32, #tpu.memory_space<vmem>>, vector<16xi32>,
      %mul3A_764 = arith.constant 12 : i32
      %mul3A_765 = arith.muli %scan3A_753, %mul3A_764 : i32
      %mul3A_766 = arith.constant 16 : i32
      %mul3A_767 = arith.muli %mul3A_765, %mul3A_766 : i32
      %add3A_768 = arith.constant 16 : i32
      %add3A_769 = arith.addi %mul3A_767, %add3A_768 : i32
      %swap3A_770 = arith.index_cast %add3A_769 : i32 to index
      %swap3A_771 = tpu.vector_load %arg11[%swap3A_770] {strides = array<i32>} : memref<30528xi32, #tpu.memory_space<vmem>>, vector<16xi32>,
      tpu.vector_store %arg11[%swap3A_770], %broadcast_in_dim3A_755 {strides = array<i32>} : memref<30528xi32, #tpu.memory_space<vmem>>, vector<16xi32>,
      %mul3A_772 = arith.constant 12 : i32
      %mul3A_773 = arith.muli %scan3A_753, %mul3A_772 : i32
      %mul3A_774 = arith.constant 16 : i32
      %mul3A_775 = arith.muli %mul3A_773, %mul3A_774 : i32
      %add3A_776 = arith.constant 32 : i32
      %add3A_777 = arith.addi %mul3A_775, %add3A_776 : i32
      %swap3A_778 = arith.index_cast %add3A_777 : i32 to index
      %swap3A_779 = tpu.vector_load %arg11[%swap3A_778] {strides = array<i32>} : memref<30528xi32, #tpu.memory_space<vmem>>, vector<16xi32>,
      tpu.vector_store %arg11[%swap3A_778], %broadcast_in_dim3A_755 {strides = array<i32>} : memref<30528xi32, #tpu.memory_space<vmem>>, vector<16xi32>,
      %mul3A_780 = arith.constant 12 : i32
      %mul3A_781 = arith.muli %scan3A_753, %mul3A_780 : i32
      %mul3A_782 = arith.constant 16 : i32
      %mul3A_783 = arith.muli %mul3A_781, %mul3A_782 : i32
      %add3A_784 = arith.constant 48 : i32
      %add3A_785 = arith.addi %mul3A_783, %add3A_784 : i32
      %swap3A_786 = arith.index_cast %add3A_785 : i32 to index
      %swap3A_787 = tpu.vector_load %arg11[%swap3A_786] {strides = array<i32>} : memref<30528xi32, #tpu.memory_space<vmem>>, vector<16xi32>,
      tpu.vector_store %arg11[%swap3A_786], %broadcast_in_dim3A_755 {strides = array<i32>} : memref<30528xi32, #tpu.memory_space<vmem>>, vector<16xi32>,
      %mul3A_788 = arith.constant 12 : i32
      %mul3A_789 = arith.muli %scan3A_753, %mul3A_788 : i32
      %mul3A_790 = arith.constant 16 : i32
      %mul3A_791 = arith.muli %mul3A_789, %mul3A_790 : i32
      %add3A_792 = arith.constant 64 : i32
      %add3A_793 = arith.addi %mul3A_791, %add3A_792 : i32
      %swap3A_794 = arith.index_cast %add3A_793 : i32 to index
      %swap3A_795 = tpu.vector_load %arg11[%swap3A_794] {strides = array<i32>} : memref<30528xi32, #tpu.memory_space<vmem>>, vector<16xi32>,
      tpu.vector_store %arg11[%swap3A_794], %broadcast_in_dim3A_755 {strides = array<i32>} : memref<30528xi32, #tpu.memory_space<vmem>>, vector<16xi32>,
      %mul3A_796 = arith.constant 12 : i32
      %mul3A_797 = arith.muli %scan3A_753, %mul3A_796 : i32
      %mul3A_798 = arith.constant 16 : i32
      %mul3A_799 = arith.muli %mul3A_797, %mul3A_798 : i32
      %add3A_800 = arith.constant 80 : i32
      %add3A_801 = arith.addi %mul3A_799, %add3A_800 : i32
      %swap3A_802 = arith.index_cast %add3A_801 : i32 to index
      %swap3A_803 = tpu.vector_load %arg11[%swap3A_802] {strides = array<i32>} : memref<30528xi32, #tpu.memory_space<vmem>>, vector<16xi32>,
      tpu.vector_store %arg11[%swap3A_802], %broadcast_in_dim3A_755 {strides = array<i32>} : memref<30528xi32, #tpu.memory_space<vmem>>, vector<16xi32>,
      %mul3A_804 = arith.constant 12 : i32
      %mul3A_805 = arith.muli %scan3A_753, %mul3A_804 : i32
      %mul3A_806 = arith.constant 16 : i32
      %mul3A_807 = arith.muli %mul3A_805, %mul3A_806 : i32
      %add3A_808 = arith.constant 96 : i32
      %add3A_809 = arith.addi %mul3A_807, %add3A_808 : i32
      %swap3A_810 = arith.index_cast %add3A_809 : i32 to index
      %swap3A_811 = tpu.vector_load %arg11[%swap3A_810] {strides = array<i32>} : memref<30528xi32, #tpu.memory_space<vmem>>, vector<16xi32>,
      tpu.vector_store %arg11[%swap3A_810], %broadcast_in_dim3A_755 {strides = array<i32>} : memref<30528xi32, #tpu.memory_space<vmem>>, vector<16xi32>,
      %mul3A_812 = arith.constant 12 : i32
      %mul3A_813 = arith.muli %scan3A_753, %mul3A_812 : i32
      %mul3A_814 = arith.constant 16 : i32
      %mul3A_815 = arith.muli %mul3A_813, %mul3A_814 : i32
      %add3A_816 = arith.constant 112 : i32
      %add3A_817 = arith.addi %mul3A_815, %add3A_816 : i32
      %swap3A_818 = arith.index_cast %add3A_817 : i32 to index
      %swap3A_819 = tpu.vector_load %arg11[%swap3A_818] {strides = array<i32>} : memref<30528xi32, #tpu.memory_space<vmem>>, vector<16xi32>,
      tpu.vector_store %arg11[%swap3A_818], %broadcast_in_dim3A_755 {strides = array<i32>} : memref<30528xi32, #tpu.memory_space<vmem>>, vector<16xi32>,
      %mul3A_820 = arith.constant 12 : i32
      %mul3A_821 = arith.muli %scan3A_753, %mul3A_820 : i32
      %mul3A_822 = arith.constant 16 : i32
      %mul3A_823 = arith.muli %mul3A_821, %mul3A_822 : i32
      %add3A_824 = arith.constant 128 : i32
      %add3A_825 = arith.addi %mul3A_823, %add3A_824 : i32
      %swap3A_826 = arith.index_cast %add3A_825 : i32 to index
      %swap3A_827 = tpu.vector_load %arg11[%swap3A_826] {strides = array<i32>} : memref<30528xi32, #tpu.memory_space<vmem>>, vector<16xi32>,
      tpu.vector_store %arg11[%swap3A_826], %broadcast_in_dim3A_755 {strides = array<i32>} : memref<30528xi32, #tpu.memory_space<vmem>>, vector<16xi32>,
      %mul3A_828 = arith.constant 12 : i32
      %mul3A_829 = arith.muli %scan3A_753, %mul3A_828 : i32
      %mul3A_830 = arith.constant 16 : i32
      %mul3A_831 = arith.muli %mul3A_829, %mul3A_830 : i32
      %add3A_832 = arith.constant 144 : i32
      %add3A_833 = arith.addi %mul3A_831, %add3A_832 : i32
      %swap3A_834 = arith.index_cast %add3A_833 : i32 to index
      %swap3A_835 = tpu.vector_load %arg11[%swap3A_834] {strides = array<i32>} : memref<30528xi32, #tpu.memory_space<vmem>>, vector<16xi32>,
      tpu.vector_store %arg11[%swap3A_834], %broadcast_in_dim3A_755 {strides = array<i32>} : memref<30528xi32, #tpu.memory_space<vmem>>, vector<16xi32>,
      %mul3A_836 = arith.constant 12 : i32
      %mul3A_837 = arith.muli %scan3A_753, %mul3A_836 : i32
      %mul3A_838 = arith.constant 16 : i32
      %mul3A_839 = arith.muli %mul3A_837, %mul3A_838 : i32
      %add3A_840 = arith.constant 160 : i32
      %add3A_841 = arith.addi %mul3A_839, %add3A_840 : i32
      %swap3A_842 = arith.index_cast %add3A_841 : i32 to index
      %swap3A_843 = tpu.vector_load %arg11[%swap3A_842] {strides = array<i32>} : memref<30528xi32, #tpu.memory_space<vmem>>, vector<16xi32>,
      tpu.vector_store %arg11[%swap3A_842], %broadcast_in_dim3A_755 {strides = array<i32>} : memref<30528xi32, #tpu.memory_space<vmem>>, vector<16xi32>,
      %mul3A_844 = arith.constant 12 : i32
      %mul3A_845 = arith.muli %scan3A_753, %mul3A_844 : i32
      %mul3A_846 = arith.constant 16 : i32
      %mul3A_847 = arith.muli %mul3A_845, %mul3A_846 : i32
      %add3A_848 = arith.constant 176 : i32
      %add3A_849 = arith.addi %mul3A_847, %add3A_848 : i32
      %swap3A_850 = arith.index_cast %add3A_849 : i32 to index
      %swap3A_851 = tpu.vector_load %arg11[%swap3A_850] {strides = array<i32>} : memref<30528xi32, #tpu.memory_space<vmem>>, vector<16xi32>,
      tpu.vector_store %arg11[%swap3A_850], %broadcast_in_dim3A_755 {strides = array<i32>} : memref<30528xi32, #tpu.memory_space<vmem>>, vector<16xi32>,
    }
    %scan3A_34 = arith.constant 159 : i32
    %dma_wait3A = arith.constant 0 : i32
    %dma_wait3A_35 = tpu.memref_slice %arg6[%mul3A_2, %dma_wait3A] : memref<128x1280xi32, #tpu.memory_space<hbm>> -> memref<4x1280xi32, #tpu.memory_space<hbm>>
    %dma_wait3A_36 = arith.constant 0 : i32
    %dma_wait3A_37 = tpu.memref_slice %arg6[%mul3A_2, %dma_wait3A_36] : memref<128x1280xi32, #tpu.memory_space<hbm>> -> memref<4x1280xi32, #tpu.memory_space<hbm>>
    tpu.wait_dma2 semaphore(%arg24 : memref<!tpu.dma_semaphore, #tpu.memory_space<semaphore_mem>>) src(%dma_wait3A_37 : memref<4x1280xi32, #tpu.memory_space<hbm>>) dst(%arg12 : memref<4x1280xi32, #tpu.memory_space<vmem>>)
    %dma_wait3A_38 = arith.constant 0 : i32
    %dma_wait3A_39 = tpu.memref_slice %arg7[%mul3A_2, %dma_wait3A_38] : memref<128x1280xf32, #tpu.memory_space<hbm>> -> memref<4x1280xf32, #tpu.memory_space<hbm>>
    %dma_wait3A_40 = arith.constant 0 : i32
    %dma_wait3A_41 = tpu.memref_slice %arg7[%mul3A_2, %dma_wait3A_40] : memref<128x1280xf32, #tpu.memory_space<hbm>> -> memref<4x1280xf32, #tpu.memory_space<hbm>>
    tpu.wait_dma2 semaphore(%arg24 : memref<!tpu.dma_semaphore, #tpu.memory_space<semaphore_mem>>) src(%dma_wait3A_41 : memref<4x1280xf32, #tpu.memory_space<hbm>>) dst(%arg13 : memref<4x1280xf32, #tpu.memory_space<vmem>>)
    %dma_wait3A_42 = arith.constant 0 : i32
    %dma_wait3A_43 = tpu.memref_slice %arg3[%mul3A_2, %dma_wait3A_42] : memref<128x32xi32, #tpu.memory_space<hbm>> -> memref<4x32xi32, #tpu.memory_space<hbm>>
    %dma_wait3A_44 = arith.constant 0 : i32
    %dma_wait3A_45 = tpu.memref_slice %arg3[%mul3A_2, %dma_wait3A_44] : memref<128x32xi32, #tpu.memory_space<hbm>> -> memref<4x32xi32, #tpu.memory_space<hbm>>
    tpu.wait_dma2 semaphore(%arg24 : memref<!tpu.dma_semaphore, #tpu.memory_space<semaphore_mem>>) src(%dma_wait3A_45 : memref<4x32xi32, #tpu.memory_space<hbm>>) dst(%arg15 : memref<4x32xi32, #tpu.memory_space<vmem>>)
    %dma_wait3A_46 = arith.constant 0 : i32
    %dma_wait3A_47 = tpu.memref_slice %arg4[%mul3A_2, %dma_wait3A_46] : memref<128x32xf32, #tpu.memory_space<hbm>> -> memref<4x32xf32, #tpu.memory_space<hbm>>
    %dma_wait3A_48 = arith.constant 0 : i32
    %dma_wait3A_49 = tpu.memref_slice %arg4[%mul3A_2, %dma_wait3A_48] : memref<128x32xf32, #tpu.memory_space<hbm>> -> memref<4x32xf32, #tpu.memory_space<hbm>>
    tpu.wait_dma2 semaphore(%arg24 : memref<!tpu.dma_semaphore, #tpu.memory_space<semaphore_mem>>) src(%dma_wait3A_49 : memref<4x32xf32, #tpu.memory_space<hbm>>) dst(%arg16 : memref<4x32xf32, #tpu.memory_space<vmem>>)
    %dma_wait3A_50 = arith.constant 0 : i32
    %dma_wait3A_51 = tpu.memref_slice %arg2[%mul3A_2, %dma_wait3A_50] : memref<128x4096xf32, #tpu.memory_space<hbm>> -> memref<4x4096xf32, #tpu.memory_space<hbm>>
    %dma_wait3A_52 = arith.constant 0 : i32
    %dma_wait3A_53 = tpu.memref_slice %arg2[%mul3A_2, %dma_wait3A_52] : memref<128x4096xf32, #tpu.memory_space<hbm>> -> memref<4x4096xf32, #tpu.memory_space<hbm>>
    tpu.wait_dma2 semaphore(%arg24 : memref<!tpu.dma_semaphore, #tpu.memory_space<semaphore_mem>>) src(%dma_wait3A_53 : memref<4x4096xf32, #tpu.memory_space<hbm>>) dst(%arg14 : memref<4x4096xf32, #tpu.memory_space<vmem>>)
    %dma_wait3A_54 = arith.constant 0 : i32
    %dma_wait3A_55 = tpu.memref_slice %arg8[%mul3A_2, %dma_wait3A_54] : memref<128x128xf32, #tpu.memory_space<hbm>> -> memref<4x128xf32, #tpu.memory_space<hbm>>
    %dma_wait3A_56 = arith.constant 0 : i32
    %dma_wait3A_57 = tpu.memref_slice %arg8[%mul3A_2, %dma_wait3A_56] : memref<128x128xf32, #tpu.memory_space<hbm>> -> memref<4x128xf32, #tpu.memory_space<hbm>>
    tpu.wait_dma2 semaphore(%arg24 : memref<!tpu.dma_semaphore, #tpu.memory_space<semaphore_mem>>) src(%dma_wait3A_57 : memref<4x128xf32, #tpu.memory_space<hbm>>) dst(%arg17 : memref<4x128xf32, #tpu.memory_space<vmem>>)
    %dma_wait3A_58 = arith.constant 0 : i32
    %dma_wait3A_59 = tpu.memref_slice %arg9[%mul3A_2, %dma_wait3A_58] : memref<128x128xf32, #tpu.memory_space<hbm>> -> memref<4x128xf32, #tpu.memory_space<hbm>>
    %dma_wait3A_60 = arith.constant 0 : i32
    %dma_wait3A_61 = tpu.memref_slice %arg9[%mul3A_2, %dma_wait3A_60] : memref<128x128xf32, #tpu.memory_space<hbm>> -> memref<4x128xf32, #tpu.memory_space<hbm>>
    tpu.wait_dma2 semaphore(%arg24 : memref<!tpu.dma_semaphore, #tpu.memory_space<semaphore_mem>>) src(%dma_wait3A_61 : memref<4x128xf32, #tpu.memory_space<hbm>>) dst(%arg18 : memref<4x128xf32, #tpu.memory_space<vmem>>)
    %broadcast_in_dim3A = arith.constant 0.000000e+00 : f32
    %broadcast_in_dim3A_62 = vector.broadcast %broadcast_in_dim3A : f32 to vector<16xf32>
    %add3A_63 = arith.constant 0 : i32
    %add3A_64 = arith.addi %mul3A_2, %add3A_63 : i32
    %get3A = arith.constant 0 : i32
    %get3A_65 = arith.index_cast %get3A : i32 to index
    %get3A_66 = arith.constant 0 : index
    %get3A_67 = tpu.vector_load %arg15[%get3A_65, %get3A_66] {strides = array<i32>} : memref<4x32xi32, #tpu.memory_space<vmem>>, vector<16xi32>,
    %get3A_68 = arith.constant 0 : i32
    %get3A_69 = arith.index_cast %get3A_68 : i32 to index
    %get3A_70 = arith.constant 16 : index
    %get3A_71 = tpu.vector_load %arg15[%get3A_69, %get3A_70] {strides = array<i32>} : memref<4x32xi32, #tpu.memory_space<vmem>>, vector<16xi32>,
    %broadcast_in_dim3A_72 = arith.constant 1 : i32
    %broadcast_in_dim3A_73 = vector.broadcast %broadcast_in_dim3A_72 : i32 to vector<16xi32>
    tpu.vector_store_idx %arg11[%get3A_67], %broadcast_in_dim3A_73 : memref<30528xi32, #tpu.memory_space<vmem>>[vector<16xi32>], vector<16xi32>,
    tpu.vector_store_idx %arg11[%get3A_71], %broadcast_in_dim3A_73 : memref<30528xi32, #tpu.memory_space<vmem>>[vector<16xi32>], vector<16xi32>,
    %broadcast_in_dim3A_74 = arith.constant 0.000000e+00 : f32
    %broadcast_in_dim3A_75 = vector.broadcast %broadcast_in_dim3A_74 : f32 to vector<16xf32>
    %get3A_76 = arith.constant 0 : i32
    %get3A_77 = arith.index_cast %get3A_76 : i32 to index
    %get3A_78 = arith.constant 0 : index
    %get3A_79 = tpu.vector_load %arg17[%get3A_77, %get3A_78] {strides = array<i32>} : memref<4x128xf32, #tpu.memory_space<vmem>>, vector<16xf32>,
    %get3A_80 = arith.constant 0 : i32
    %get3A_81 = arith.index_cast %get3A_80 : i32 to index
    %get3A_82 = arith.constant 0 : index
    %get3A_83 = tpu.vector_load %arg18[%get3A_81, %get3A_82] {strides = array<i32>} : memref<4x128xf32, #tpu.memory_space<vmem>>, vector<16xf32>,
    %mul3A_84 = arith.mulf %get3A_79, %get3A_83 : vector<16xf32>
    %add3A_85 = arith.addf %broadcast_in_dim3A_75, %mul3A_84 : vector<16xf32>
    %get3A_86 = arith.constant 0 : i32
    %get3A_87 = arith.index_cast %get3A_86 : i32 to index
    %get3A_88 = arith.constant 16 : index
    %get3A_89 = tpu.vector_load %arg17[%get3A_87, %get3A_88] {strides = array<i32>} : memref<4x128xf32, #tpu.memory_space<vmem>>, vector<16xf32>,
    %get3A_90 = arith.constant 0 : i32
    %get3A_91 = arith.index_cast %get3A_90 : i32 to index
    %get3A_92 = arith.constant 16 : index
    %get3A_93 = tpu.vector_load %arg18[%get3A_91, %get3A_92] {strides = array<i32>} : memref<4x128xf32, #tpu.memory_space<vmem>>, vector<16xf32>,
    %mul3A_94 = arith.mulf %get3A_89, %get3A_93 : vector<16xf32>
    %add3A_95 = arith.addf %add3A_85, %mul3A_94 : vector<16xf32>
    %get3A_96 = arith.constant 0 : i32
    %get3A_97 = arith.index_cast %get3A_96 : i32 to index
    %get3A_98 = arith.constant 32 : index
    %get3A_99 = tpu.vector_load %arg17[%get3A_97, %get3A_98] {strides = array<i32>} : memref<4x128xf32, #tpu.memory_space<vmem>>, vector<16xf32>,
    %get3A_100 = arith.constant 0 : i32
    %get3A_101 = arith.index_cast %get3A_100 : i32 to index
    %get3A_102 = arith.constant 32 : index
    %get3A_103 = tpu.vector_load %arg18[%get3A_101, %get3A_102] {strides = array<i32>} : memref<4x128xf32, #tpu.memory_space<vmem>>, vector<16xf32>,
    %mul3A_104 = arith.mulf %get3A_99, %get3A_103 : vector<16xf32>
    %add3A_105 = arith.addf %add3A_95, %mul3A_104 : vector<16xf32>
    %get3A_106 = arith.constant 0 : i32
    %get3A_107 = arith.index_cast %get3A_106 : i32 to index
    %get3A_108 = arith.constant 48 : index
    %get3A_109 = tpu.vector_load %arg17[%get3A_107, %get3A_108] {strides = array<i32>} : memref<4x128xf32, #tpu.memory_space<vmem>>, vector<16xf32>,
    %get3A_110 = arith.constant 0 : i32
    %get3A_111 = arith.index_cast %get3A_110 : i32 to index
    %get3A_112 = arith.constant 48 : index
    %get3A_113 = tpu.vector_load %arg18[%get3A_111, %get3A_112] {strides = array<i32>} : memref<4x128xf32, #tpu.memory_space<vmem>>, vector<16xf32>,
    %mul3A_114 = arith.mulf %get3A_109, %get3A_113 : vector<16xf32>
    %add3A_115 = arith.addf %add3A_105, %mul3A_114 : vector<16xf32>
    %get3A_116 = arith.constant 0 : i32
    %get3A_117 = arith.index_cast %get3A_116 : i32 to index
    %get3A_118 = arith.constant 64 : index
    %get3A_119 = tpu.vector_load %arg17[%get3A_117, %get3A_118] {strides = array<i32>} : memref<4x128xf32, #tpu.memory_space<vmem>>, vector<16xf32>,
    %get3A_120 = arith.constant 0 : i32
    %get3A_121 = arith.index_cast %get3A_120 : i32 to index
    %get3A_122 = arith.constant 64 : index
    %get3A_123 = tpu.vector_load %arg18[%get3A_121, %get3A_122] {strides = array<i32>} : memref<4x128xf32, #tpu.memory_space<vmem>>, vector<16xf32>,
    %mul3A_124 = arith.mulf %get3A_119, %get3A_123 : vector<16xf32>
    %add3A_125 = arith.addf %add3A_115, %mul3A_124 : vector<16xf32>
    %get3A_126 = arith.constant 0 : i32
    %get3A_127 = arith.index_cast %get3A_126 : i32 to index
    %get3A_128 = arith.constant 80 : index
    %get3A_129 = tpu.vector_load %arg17[%get3A_127, %get3A_128] {strides = array<i32>} : memref<4x128xf32, #tpu.memory_space<vmem>>, vector<16xf32>,
    %get3A_130 = arith.constant 0 : i32
    %get3A_131 = arith.index_cast %get3A_130 : i32 to index
    %get3A_132 = arith.constant 80 : index
    %get3A_133 = tpu.vector_load %arg18[%get3A_131, %get3A_132] {strides = array<i32>} : memref<4x128xf32, #tpu.memory_space<vmem>>, vector<16xf32>,
    %mul3A_134 = arith.mulf %get3A_129, %get3A_133 : vector<16xf32>
    %add3A_135 = arith.addf %add3A_125, %mul3A_134 : vector<16xf32>
    %get3A_136 = arith.constant 0 : i32
    %get3A_137 = arith.index_cast %get3A_136 : i32 to index
    %get3A_138 = arith.constant 96 : index
    %get3A_139 = tpu.vector_load %arg17[%get3A_137, %get3A_138] {strides = array<i32>} : memref<4x128xf32, #tpu.memory_space<vmem>>, vector<16xf32>,
    %get3A_140 = arith.constant 0 : i32
    %get3A_141 = arith.index_cast %get3A_140 : i32 to index
    %get3A_142 = arith.constant 96 : index
    %get3A_143 = tpu.vector_load %arg18[%get3A_141, %get3A_142] {strides = array<i32>} : memref<4x128xf32, #tpu.memory_space<vmem>>, vector<16xf32>,
    %mul3A_144 = arith.mulf %get3A_139, %get3A_143 : vector<16xf32>
    %add3A_145 = arith.addf %add3A_135, %mul3A_144 : vector<16xf32>
    %get3A_146 = arith.constant 0 : i32
    %get3A_147 = arith.index_cast %get3A_146 : i32 to index
    %get3A_148 = arith.constant 112 : index
    %get3A_149 = tpu.vector_load %arg17[%get3A_147, %get3A_148] {strides = array<i32>} : memref<4x128xf32, #tpu.memory_space<vmem>>, vector<16xf32>,
    %get3A_150 = arith.constant 0 : i32
    %get3A_151 = arith.index_cast %get3A_150 : i32 to index
    %get3A_152 = arith.constant 112 : index
    %get3A_153 = tpu.vector_load %arg18[%get3A_151, %get3A_152] {strides = array<i32>} : memref<4x128xf32, #tpu.memory_space<vmem>>, vector<16xf32>,
    %mul3A_154 = arith.mulf %get3A_149, %get3A_153 : vector<16xf32>
    %add3A_155 = arith.addf %add3A_145, %mul3A_154 : vector<16xf32>
    %reduce_sum3A = arith.constant true
    %reduce_sum3A_156 = vector.broadcast %reduce_sum3A : i1 to vector<16xi1>
    %reduce_sum3A_157 = tpu.scan <sum>, %add3A_155 masked %reduce_sum3A_156 : vector<16xf32>, vector<16xi1> -> vector<16xf32>
    %reduce_sum3A_158 = vector.extract %reduce_sum3A_157[15] : f32 from vector<16xf32>
    %scan3A_159 = arith.constant 0 : i32
    %scan3A_160 = arith.constant 0 : i32
    %scan3A_161 = arith.constant 10 : i32
    %scan3A_162 = arith.addi %scan3A_160, %scan3A_161 : i32
    %scan3A_163 = arith.constant 1 : i32
    %scan3A_164 = scf.for %scan3A_753 = %scan3A_160 to %scan3A_162 step %scan3A_163 iter_args(%scan3A_754 = %scan3A_159) -> (i32)  : i32 {
      %mul3A_755 = arith.constant 8 : i32
      %mul3A_756 = arith.muli %scan3A_753, %mul3A_755 : i32
      %add3A_757 = arith.constant 0 : i32
      %add3A_758 = arith.addi %mul3A_756, %add3A_757 : i32
      %mul3A_759 = arith.constant 16 : i32
      %mul3A_760 = arith.muli %add3A_758, %mul3A_759 : i32
      %get3A_761 = arith.constant 0 : i32
      %get3A_762 = arith.index_cast %get3A_761 : i32 to index
      %get3A_763 = arith.index_cast %mul3A_760 : i32 to index
      %get3A_764 = tpu.vector_load %arg12[%get3A_762, %get3A_763] {strides = array<i32>} : memref<4x1280xi32, #tpu.memory_space<vmem>>, vector<16xi32>,
      %gather3A = tpu.vector_load_idx %arg11[%get3A_764] : memref<30528xi32, #tpu.memory_space<vmem>>[vector<16xi32>], vector<16xi32>,
      %eq3A_765 = arith.constant 1 : i32
      %eq3A_766 = vector.broadcast %eq3A_765 : i32 to vector<16xi32>
      %eq3A_767 = arith.cmpi eq, %gather3A, %eq3A_766 : vector<16xi32>
      %mul3A_768 = arith.constant 8 : i32
      %mul3A_769 = arith.muli %scan3A_753, %mul3A_768 : i32
      %add3A_770 = arith.constant 1 : i32
      %add3A_771 = arith.addi %mul3A_769, %add3A_770 : i32
      %mul3A_772 = arith.constant 16 : i32
      %mul3A_773 = arith.muli %add3A_771, %mul3A_772 : i32
      %get3A_774 = arith.constant 0 : i32
      %get3A_775 = arith.index_cast %get3A_774 : i32 to index
      %get3A_776 = arith.index_cast %mul3A_773 : i32 to index
      %get3A_777 = tpu.vector_load %arg12[%get3A_775, %get3A_776] {strides = array<i32>} : memref<4x1280xi32, #tpu.memory_space<vmem>>, vector<16xi32>,
      %gather3A_778 = tpu.vector_load_idx %arg11[%get3A_777] : memref<30528xi32, #tpu.memory_space<vmem>>[vector<16xi32>], vector<16xi32>,
      %eq3A_779 = arith.constant 1 : i32
      %eq3A_780 = vector.broadcast %eq3A_779 : i32 to vector<16xi32>
      %eq3A_781 = arith.cmpi eq, %gather3A_778, %eq3A_780 : vector<16xi32>
      %mul3A_782 = arith.constant 8 : i32
      %mul3A_783 = arith.muli %scan3A_753, %mul3A_782 : i32
      %add3A_784 = arith.constant 2 : i32
      %add3A_785 = arith.addi %mul3A_783, %add3A_784 : i32
      %mul3A_786 = arith.constant 16 : i32
      %mul3A_787 = arith.muli %add3A_785, %mul3A_786 : i32
      %get3A_788 = arith.constant 0 : i32
      %get3A_789 = arith.index_cast %get3A_788 : i32 to index
      %get3A_790 = arith.index_cast %mul3A_787 : i32 to index
      %get3A_791 = tpu.vector_load %arg12[%get3A_789, %get3A_790] {strides = array<i32>} : memref<4x1280xi32, #tpu.memory_space<vmem>>, vector<16xi32>,
      %gather3A_792 = tpu.vector_load_idx %arg11[%get3A_791] : memref<30528xi32, #tpu.memory_space<vmem>>[vector<16xi32>], vector<16xi32>,
      %eq3A_793 = arith.constant 1 : i32
      %eq3A_794 = vector.broadcast %eq3A_793 : i32 to vector<16xi32>
      %eq3A_795 = arith.cmpi eq, %gather3A_792, %eq3A_794 : vector<16xi32>
      %mul3A_796 = arith.constant 8 : i32
      %mul3A_797 = arith.muli %scan3A_753, %mul3A_796 : i32
      %add3A_798 = arith.constant 3 : i32
      %add3A_799 = arith.addi %mul3A_797, %add3A_798 : i32
      %mul3A_800 = arith.constant 16 : i32
      %mul3A_801 = arith.muli %add3A_799, %mul3A_800 : i32
      %get3A_802 = arith.constant 0 : i32
      %get3A_803 = arith.index_cast %get3A_802 : i32 to index
      %get3A_804 = arith.index_cast %mul3A_801 : i32 to index
      %get3A_805 = tpu.vector_load %arg12[%get3A_803, %get3A_804] {strides = array<i32>} : memref<4x1280xi32, #tpu.memory_space<vmem>>, vector<16xi32>,
      %gather3A_806 = tpu.vector_load_idx %arg11[%get3A_805] : memref<30528xi32, #tpu.memory_space<vmem>>[vector<16xi32>], vector<16xi32>,
      %eq3A_807 = arith.constant 1 : i32
      %eq3A_808 = vector.broadcast %eq3A_807 : i32 to vector<16xi32>
      %eq3A_809 = arith.cmpi eq, %gather3A_806, %eq3A_808 : vector<16xi32>
      %mul3A_810 = arith.constant 8 : i32
      %mul3A_811 = arith.muli %scan3A_753, %mul3A_810 : i32
      %add3A_812 = arith.constant 4 : i32
      %add3A_813 = arith.addi %mul3A_811, %add3A_812 : i32
      %mul3A_814 = arith.constant 16 : i32
      %mul3A_815 = arith.muli %add3A_813, %mul3A_814 : i32
      %get3A_816 = arith.constant 0 : i32
      %get3A_817 = arith.index_cast %get3A_816 : i32 to index
      %get3A_818 = arith.index_cast %mul3A_815 : i32 to index
      %get3A_819 = tpu.vector_load %arg12[%get3A_817, %get3A_818] {strides = array<i32>} : memref<4x1280xi32, #tpu.memory_space<vmem>>, vector<16xi32>,
      %gather3A_820 = tpu.vector_load_idx %arg11[%get3A_819] : memref<30528xi32, #tpu.memory_space<vmem>>[vector<16xi32>], vector<16xi32>,
      %eq3A_821 = arith.constant 1 : i32
      %eq3A_822 = vector.broadcast %eq3A_821 : i32 to vector<16xi32>
      %eq3A_823 = arith.cmpi eq, %gather3A_820, %eq3A_822 : vector<16xi32>
      %mul3A_824 = arith.constant 8 : i32
      %mul3A_825 = arith.muli %scan3A_753, %mul3A_824 : i32
      %add3A_826 = arith.constant 5 : i32
      %add3A_827 = arith.addi %mul3A_825, %add3A_826 : i32
      %mul3A_828 = arith.constant 16 : i32
      %mul3A_829 = arith.muli %add3A_827, %mul3A_828 : i32
      %get3A_830 = arith.constant 0 : i32
      %get3A_831 = arith.index_cast %get3A_830 : i32 to index
      %get3A_832 = arith.index_cast %mul3A_829 : i32 to index
      %get3A_833 = tpu.vector_load %arg12[%get3A_831, %get3A_832] {strides = array<i32>} : memref<4x1280xi32, #tpu.memory_space<vmem>>, vector<16xi32>,
      %gather3A_834 = tpu.vector_load_idx %arg11[%get3A_833] : memref<30528xi32, #tpu.memory_space<vmem>>[vector<16xi32>], vector<16xi32>,
      %eq3A_835 = arith.constant 1 : i32
      %eq3A_836 = vector.broadcast %eq3A_835 : i32 to vector<16xi32>
      %eq3A_837 = arith.cmpi eq, %gather3A_834, %eq3A_836 : vector<16xi32>
      %mul3A_838 = arith.constant 8 : i32
      %mul3A_839 = arith.muli %scan3A_753, %mul3A_838 : i32
      %add3A_840 = arith.constant 6 : i32
      %add3A_841 = arith.addi %mul3A_839, %add3A_840 : i32
      %mul3A_842 = arith.constant 16 : i32
      %mul3A_843 = arith.muli %add3A_841, %mul3A_842 : i32
      %get3A_844 = arith.constant 0 : i32
      %get3A_845 = arith.index_cast %get3A_844 : i32 to index
      %get3A_846 = arith.index_cast %mul3A_843 : i32 to index
      %get3A_847 = tpu.vector_load %arg12[%get3A_845, %get3A_846] {strides = array<i32>} : memref<4x1280xi32, #tpu.memory_space<vmem>>, vector<16xi32>,
      %gather3A_848 = tpu.vector_load_idx %arg11[%get3A_847] : memref<30528xi32, #tpu.memory_space<vmem>>[vector<16xi32>], vector<16xi32>,
      %eq3A_849 = arith.constant 1 : i32
      %eq3A_850 = vector.broadcast %eq3A_849 : i32 to vector<16xi32>
      %eq3A_851 = arith.cmpi eq, %gather3A_848, %eq3A_850 : vector<16xi32>
      %mul3A_852 = arith.constant 8 : i32
      %mul3A_853 = arith.muli %scan3A_753, %mul3A_852 : i32
      %add3A_854 = arith.constant 7 : i32
      %add3A_855 = arith.addi %mul3A_853, %add3A_854 : i32
      %mul3A_856 = arith.constant 16 : i32
      %mul3A_857 = arith.muli %add3A_855, %mul3A_856 : i32
      %get3A_858 = arith.constant 0 : i32
      %get3A_859 = arith.index_cast %get3A_858 : i32 to index
      %get3A_860 = arith.index_cast %mul3A_857 : i32 to index
      %get3A_861 = tpu.vector_load %arg12[%get3A_859, %get3A_860] {strides = array<i32>} : memref<4x1280xi32, #tpu.memory_space<vmem>>, vector<16xi32>,
      %gather3A_862 = tpu.vector_load_idx %arg11[%get3A_861] : memref<30528xi32, #tpu.memory_space<vmem>>[vector<16xi32>], vector<16xi32>,
      %eq3A_863 = arith.constant 1 : i32
      %eq3A_864 = vector.broadcast %eq3A_863 : i32 to vector<16xi32>
      %eq3A_865 = arith.cmpi eq, %gather3A_862, %eq3A_864 : vector<16xi32>
      %or3A = arith.ori %eq3A_767, %eq3A_781 : vector<16xi1>
      %or3A_866 = arith.ori %eq3A_795, %eq3A_809 : vector<16xi1>
      %or3A_867 = arith.ori %or3A, %or3A_866 : vector<16xi1>
      %or3A_868 = arith.ori %eq3A_823, %eq3A_837 : vector<16xi1>
      %or3A_869 = arith.ori %eq3A_851, %eq3A_865 : vector<16xi1>
      %or3A_870 = arith.ori %or3A_868, %or3A_869 : vector<16xi1>
      %or3A_871 = arith.ori %or3A_867, %or3A_870 : vector<16xi1>
      %reduce_or3A = arith.constant 1.000000e+00 : f32
      %reduce_or3A_872 = arith.constant 0.000000e+00 : f32
      %reduce_or3A_873 = vector.broadcast %reduce_or3A : f32 to vector<16xf32>
      %reduce_or3A_874 = vector.broadcast %reduce_or3A_872 : f32 to vector<16xf32>
      %reduce_or3A_875 = arith.select %or3A_871, %reduce_or3A_873, %reduce_or3A_874 : vector<16xi1>, vector<16xf32>
      %reduce_or3A_876 = arith.constant true
      %reduce_or3A_877 = vector.broadcast %reduce_or3A_876 : i1 to vector<16xi1>
      %reduce_or3A_878 = tpu.scan <max>, %reduce_or3A_875 masked %reduce_or3A_877 : vector<16xf32>, vector<16xi1> -> vector<16xf32>
      %reduce_or3A_879 = vector.extract %reduce_or3A_878[15] : f32 from vector<16xf32>
      %reduce_or3A_880 = arith.constant 0.000000e+00 : f32
      %reduce_or3A_881 = arith.cmpf ogt, %reduce_or3A_879, %reduce_or3A_880 : f32
      %convert_element_type3A = arith.extui %reduce_or3A_881 : i1 to i32
      %cond3A = arith.constant 0 : i32
      %cond3A_882 = arith.cmpi ne, %convert_element_type3A, %cond3A : i32
      %cond3A_883 = scf.if %cond3A_882 -> (i32) {
        %while3A_884:2 = scf.while (%while3A_892 = %eq3A_767, %while3A_893 = %scan3A_754) : (vector<16xi1>, i32) -> (vector<16xi1>, i32) {
          %reduce_or3A_894 = arith.constant 1.000000e+00 : f32
          %reduce_or3A_895 = arith.constant 0.000000e+00 : f32
          %reduce_or3A_896 = vector.broadcast %reduce_or3A_894 : f32 to vector<16xf32>
          %reduce_or3A_897 = vector.broadcast %reduce_or3A_895 : f32 to vector<16xf32>
          %reduce_or3A_898 = arith.select %while3A_892, %reduce_or3A_896, %reduce_or3A_897 : vector<16xi1>, vector<16xf32>
          %reduce_or3A_899 = arith.constant true
          %reduce_or3A_900 = vector.broadcast %reduce_or3A_899 : i1 to vector<16xi1>
          %reduce_or3A_901 = tpu.scan <max>, %reduce_or3A_898 masked %reduce_or3A_900 : vector<16xf32>, vector<16xi1> -> vector<16xf32>
          %reduce_or3A_902 = vector.extract %reduce_or3A_901[15] : f32 from vector<16xf32>
          %reduce_or3A_903 = arith.constant 0.000000e+00 : f32
          %reduce_or3A_904 = arith.cmpf ogt, %reduce_or3A_902, %reduce_or3A_903 : f32
          scf.condition(%reduce_or3A_904) %while3A_892, %while3A_893 : vector<16xi1>, i32
        } do {
        ^bb0(%while3A_892: vector<16xi1>, %while3A_893: i32):
          %all_reduce_ffs3A = tpu.all_reduce %while3A_892 {dim = 0 : i64, kind = #tpu.reduction_kind<find_first_set>} : vector<16xi1> -> vector<16xi32>
          %reduce_max3A = arith.constant true
          %reduce_max3A_894 = vector.broadcast %reduce_max3A : i1 to vector<16xi1>
          %reduce_max3A_895 = arith.constant -2147483648 : i32
          %reduce_max3A_896 = vector.broadcast %reduce_max3A_895 : i32 to vector<16xi32>
          %reduce_max3A_897 = arith.xori %all_reduce_ffs3A, %reduce_max3A_896 : vector<16xi32>
          %reduce_max3A_898 = tpu.scan <max>, %reduce_max3A_897 masked %reduce_max3A_894 : vector<16xi32>, vector<16xi1> -> vector<16xi32>
          %reduce_max3A_899 = arith.xori %reduce_max3A_898, %reduce_max3A_896 : vector<16xi32>
          %reduce_max3A_900 = vector.extract %reduce_max3A_899[15] : i32 from vector<16xi32>
          %mul3A_901 = arith.constant 8 : i32
          %mul3A_902 = arith.muli %scan3A_753, %mul3A_901 : i32
          %add3A_903 = arith.constant 0 : i32
          %add3A_904 = arith.addi %mul3A_902, %add3A_903 : i32
          %mul3A_905 = arith.constant 16 : i32
          %mul3A_906 = arith.muli %add3A_904, %mul3A_905 : i32
          %add3A_907 = arith.addi %mul3A_906, %reduce_max3A_900 : i32
          %broadcast_in_dim3A_908 = vector.broadcast %while3A_893 : i32 to vector<16xi32>
          %broadcast_in_dim3A_909 = vector.broadcast %add3A_907 : i32 to vector<16xi32>
          %eq3A_910 = arith.constant 0 : i32
          %eq3A_911 = vector.broadcast %eq3A_910 : i32 to vector<16xi32>
          %eq3A_912 = arith.cmpi eq, %iota3A, %eq3A_911 : vector<16xi32>
          tpu.vector_store_idx %arg19[%broadcast_in_dim3A_908], %broadcast_in_dim3A_909 masked %eq3A_912 : memref<1280xi32, #tpu.memory_space<vmem>>[vector<16xi32>], vector<16xi32>, vector<16xi1>
          %ne3A = vector.broadcast %reduce_max3A_900 : i32 to vector<16xi32>
          %ne3A_913 = arith.cmpi ne, %iota3A, %ne3A : vector<16xi32>
          %and3A = arith.andi %while3A_892, %ne3A_913 : vector<16xi1>
          %add3A_914 = arith.constant 1 : i32
          %add3A_915 = arith.addi %while3A_893, %add3A_914 : i32
          scf.yield %and3A, %add3A_915 : vector<16xi1>, i32
        }
        %while3A_885:2 = scf.while (%while3A_892 = %eq3A_781, %while3A_893 = %while3A_884#1) : (vector<16xi1>, i32) -> (vector<16xi1>, i32) {
          %reduce_or3A_894 = arith.constant 1.000000e+00 : f32
          %reduce_or3A_895 = arith.constant 0.000000e+00 : f32
          %reduce_or3A_896 = vector.broadcast %reduce_or3A_894 : f32 to vector<16xf32>
          %reduce_or3A_897 = vector.broadcast %reduce_or3A_895 : f32 to vector<16xf32>
          %reduce_or3A_898 = arith.select %while3A_892, %reduce_or3A_896, %reduce_or3A_897 : vector<16xi1>, vector<16xf32>
          %reduce_or3A_899 = arith.constant true
          %reduce_or3A_900 = vector.broadcast %reduce_or3A_899 : i1 to vector<16xi1>
          %reduce_or3A_901 = tpu.scan <max>, %reduce_or3A_898 masked %reduce_or3A_900 : vector<16xf32>, vector<16xi1> -> vector<16xf32>
          %reduce_or3A_902 = vector.extract %reduce_or3A_901[15] : f32 from vector<16xf32>
          %reduce_or3A_903 = arith.constant 0.000000e+00 : f32
          %reduce_or3A_904 = arith.cmpf ogt, %reduce_or3A_902, %reduce_or3A_903 : f32
          scf.condition(%reduce_or3A_904) %while3A_892, %while3A_893 : vector<16xi1>, i32
        } do {
        ^bb0(%while3A_892: vector<16xi1>, %while3A_893: i32):
          %all_reduce_ffs3A = tpu.all_reduce %while3A_892 {dim = 0 : i64, kind = #tpu.reduction_kind<find_first_set>} : vector<16xi1> -> vector<16xi32>
          %reduce_max3A = arith.constant true
          %reduce_max3A_894 = vector.broadcast %reduce_max3A : i1 to vector<16xi1>
          %reduce_max3A_895 = arith.constant -2147483648 : i32
          %reduce_max3A_896 = vector.broadcast %reduce_max3A_895 : i32 to vector<16xi32>
          %reduce_max3A_897 = arith.xori %all_reduce_ffs3A, %reduce_max3A_896 : vector<16xi32>
          %reduce_max3A_898 = tpu.scan <max>, %reduce_max3A_897 masked %reduce_max3A_894 : vector<16xi32>, vector<16xi1> -> vector<16xi32>
          %reduce_max3A_899 = arith.xori %reduce_max3A_898, %reduce_max3A_896 : vector<16xi32>
          %reduce_max3A_900 = vector.extract %reduce_max3A_899[15] : i32 from vector<16xi32>
          %mul3A_901 = arith.constant 8 : i32
          %mul3A_902 = arith.muli %scan3A_753, %mul3A_901 : i32
          %add3A_903 = arith.constant 1 : i32
          %add3A_904 = arith.addi %mul3A_902, %add3A_903 : i32
          %mul3A_905 = arith.constant 16 : i32
          %mul3A_906 = arith.muli %add3A_904, %mul3A_905 : i32
          %add3A_907 = arith.addi %mul3A_906, %reduce_max3A_900 : i32
          %broadcast_in_dim3A_908 = vector.broadcast %while3A_893 : i32 to vector<16xi32>
          %broadcast_in_dim3A_909 = vector.broadcast %add3A_907 : i32 to vector<16xi32>
          %eq3A_910 = arith.constant 0 : i32
          %eq3A_911 = vector.broadcast %eq3A_910 : i32 to vector<16xi32>
          %eq3A_912 = arith.cmpi eq, %iota3A, %eq3A_911 : vector<16xi32>
          tpu.vector_store_idx %arg19[%broadcast_in_dim3A_908], %broadcast_in_dim3A_909 masked %eq3A_912 : memref<1280xi32, #tpu.memory_space<vmem>>[vector<16xi32>], vector<16xi32>, vector<16xi1>
          %ne3A = vector.broadcast %reduce_max3A_900 : i32 to vector<16xi32>
          %ne3A_913 = arith.cmpi ne, %iota3A, %ne3A : vector<16xi32>
          %and3A = arith.andi %while3A_892, %ne3A_913 : vector<16xi1>
          %add3A_914 = arith.constant 1 : i32
          %add3A_915 = arith.addi %while3A_893, %add3A_914 : i32
          scf.yield %and3A, %add3A_915 : vector<16xi1>, i32
        }
        %while3A_886:2 = scf.while (%while3A_892 = %eq3A_795, %while3A_893 = %while3A_885#1) : (vector<16xi1>, i32) -> (vector<16xi1>, i32) {
          %reduce_or3A_894 = arith.constant 1.000000e+00 : f32
          %reduce_or3A_895 = arith.constant 0.000000e+00 : f32
          %reduce_or3A_896 = vector.broadcast %reduce_or3A_894 : f32 to vector<16xf32>
          %reduce_or3A_897 = vector.broadcast %reduce_or3A_895 : f32 to vector<16xf32>
          %reduce_or3A_898 = arith.select %while3A_892, %reduce_or3A_896, %reduce_or3A_897 : vector<16xi1>, vector<16xf32>
          %reduce_or3A_899 = arith.constant true
          %reduce_or3A_900 = vector.broadcast %reduce_or3A_899 : i1 to vector<16xi1>
          %reduce_or3A_901 = tpu.scan <max>, %reduce_or3A_898 masked %reduce_or3A_900 : vector<16xf32>, vector<16xi1> -> vector<16xf32>
          %reduce_or3A_902 = vector.extract %reduce_or3A_901[15] : f32 from vector<16xf32>
          %reduce_or3A_903 = arith.constant 0.000000e+00 : f32
          %reduce_or3A_904 = arith.cmpf ogt, %reduce_or3A_902, %reduce_or3A_903 : f32
          scf.condition(%reduce_or3A_904) %while3A_892, %while3A_893 : vector<16xi1>, i32
        } do {
        ^bb0(%while3A_892: vector<16xi1>, %while3A_893: i32):
          %all_reduce_ffs3A = tpu.all_reduce %while3A_892 {dim = 0 : i64, kind = #tpu.reduction_kind<find_first_set>} : vector<16xi1> -> vector<16xi32>
          %reduce_max3A = arith.constant true
          %reduce_max3A_894 = vector.broadcast %reduce_max3A : i1 to vector<16xi1>
          %reduce_max3A_895 = arith.constant -2147483648 : i32
          %reduce_max3A_896 = vector.broadcast %reduce_max3A_895 : i32 to vector<16xi32>
          %reduce_max3A_897 = arith.xori %all_reduce_ffs3A, %reduce_max3A_896 : vector<16xi32>
          %reduce_max3A_898 = tpu.scan <max>, %reduce_max3A_897 masked %reduce_max3A_894 : vector<16xi32>, vector<16xi1> -> vector<16xi32>
          %reduce_max3A_899 = arith.xori %reduce_max3A_898, %reduce_max3A_896 : vector<16xi32>
          %reduce_max3A_900 = vector.extract %reduce_max3A_899[15] : i32 from vector<16xi32>
          %mul3A_901 = arith.constant 8 : i32
          %mul3A_902 = arith.muli %scan3A_753, %mul3A_901 : i32
          %add3A_903 = arith.constant 2 : i32
          %add3A_904 = arith.addi %mul3A_902, %add3A_903 : i32
          %mul3A_905 = arith.constant 16 : i32
          %mul3A_906 = arith.muli %add3A_904, %mul3A_905 : i32
          %add3A_907 = arith.addi %mul3A_906, %reduce_max3A_900 : i32
          %broadcast_in_dim3A_908 = vector.broadcast %while3A_893 : i32 to vector<16xi32>
          %broadcast_in_dim3A_909 = vector.broadcast %add3A_907 : i32 to vector<16xi32>
          %eq3A_910 = arith.constant 0 : i32
          %eq3A_911 = vector.broadcast %eq3A_910 : i32 to vector<16xi32>
          %eq3A_912 = arith.cmpi eq, %iota3A, %eq3A_911 : vector<16xi32>
          tpu.vector_store_idx %arg19[%broadcast_in_dim3A_908], %broadcast_in_dim3A_909 masked %eq3A_912 : memref<1280xi32, #tpu.memory_space<vmem>>[vector<16xi32>], vector<16xi32>, vector<16xi1>
          %ne3A = vector.broadcast %reduce_max3A_900 : i32 to vector<16xi32>
          %ne3A_913 = arith.cmpi ne, %iota3A, %ne3A : vector<16xi32>
          %and3A = arith.andi %while3A_892, %ne3A_913 : vector<16xi1>
          %add3A_914 = arith.constant 1 : i32
          %add3A_915 = arith.addi %while3A_893, %add3A_914 : i32
          scf.yield %and3A, %add3A_915 : vector<16xi1>, i32
        }
        %while3A_887:2 = scf.while (%while3A_892 = %eq3A_809, %while3A_893 = %while3A_886#1) : (vector<16xi1>, i32) -> (vector<16xi1>, i32) {
          %reduce_or3A_894 = arith.constant 1.000000e+00 : f32
          %reduce_or3A_895 = arith.constant 0.000000e+00 : f32
          %reduce_or3A_896 = vector.broadcast %reduce_or3A_894 : f32 to vector<16xf32>
          %reduce_or3A_897 = vector.broadcast %reduce_or3A_895 : f32 to vector<16xf32>
          %reduce_or3A_898 = arith.select %while3A_892, %reduce_or3A_896, %reduce_or3A_897 : vector<16xi1>, vector<16xf32>
          %reduce_or3A_899 = arith.constant true
          %reduce_or3A_900 = vector.broadcast %reduce_or3A_899 : i1 to vector<16xi1>
          %reduce_or3A_901 = tpu.scan <max>, %reduce_or3A_898 masked %reduce_or3A_900 : vector<16xf32>, vector<16xi1> -> vector<16xf32>
          %reduce_or3A_902 = vector.extract %reduce_or3A_901[15] : f32 from vector<16xf32>
          %reduce_or3A_903 = arith.constant 0.000000e+00 : f32
          %reduce_or3A_904 = arith.cmpf ogt, %reduce_or3A_902, %reduce_or3A_903 : f32
          scf.condition(%reduce_or3A_904) %while3A_892, %while3A_893 : vector<16xi1>, i32
        } do {
        ^bb0(%while3A_892: vector<16xi1>, %while3A_893: i32):
          %all_reduce_ffs3A = tpu.all_reduce %while3A_892 {dim = 0 : i64, kind = #tpu.reduction_kind<find_first_set>} : vector<16xi1> -> vector<16xi32>
          %reduce_max3A = arith.constant true
          %reduce_max3A_894 = vector.broadcast %reduce_max3A : i1 to vector<16xi1>
          %reduce_max3A_895 = arith.constant -2147483648 : i32
          %reduce_max3A_896 = vector.broadcast %reduce_max3A_895 : i32 to vector<16xi32>
          %reduce_max3A_897 = arith.xori %all_reduce_ffs3A, %reduce_max3A_896 : vector<16xi32>
          %reduce_max3A_898 = tpu.scan <max>, %reduce_max3A_897 masked %reduce_max3A_894 : vector<16xi32>, vector<16xi1> -> vector<16xi32>
          %reduce_max3A_899 = arith.xori %reduce_max3A_898, %reduce_max3A_896 : vector<16xi32>
          %reduce_max3A_900 = vector.extract %reduce_max3A_899[15] : i32 from vector<16xi32>
          %mul3A_901 = arith.constant 8 : i32
          %mul3A_902 = arith.muli %scan3A_753, %mul3A_901 : i32
          %add3A_903 = arith.constant 3 : i32
          %add3A_904 = arith.addi %mul3A_902, %add3A_903 : i32
          %mul3A_905 = arith.constant 16 : i32
          %mul3A_906 = arith.muli %add3A_904, %mul3A_905 : i32
          %add3A_907 = arith.addi %mul3A_906, %reduce_max3A_900 : i32
          %broadcast_in_dim3A_908 = vector.broadcast %while3A_893 : i32 to vector<16xi32>
          %broadcast_in_dim3A_909 = vector.broadcast %add3A_907 : i32 to vector<16xi32>
          %eq3A_910 = arith.constant 0 : i32
          %eq3A_911 = vector.broadcast %eq3A_910 : i32 to vector<16xi32>
          %eq3A_912 = arith.cmpi eq, %iota3A, %eq3A_911 : vector<16xi32>
          tpu.vector_store_idx %arg19[%broadcast_in_dim3A_908], %broadcast_in_dim3A_909 masked %eq3A_912 : memref<1280xi32, #tpu.memory_space<vmem>>[vector<16xi32>], vector<16xi32>, vector<16xi1>
          %ne3A = vector.broadcast %reduce_max3A_900 : i32 to vector<16xi32>
          %ne3A_913 = arith.cmpi ne, %iota3A, %ne3A : vector<16xi32>
          %and3A = arith.andi %while3A_892, %ne3A_913 : vector<16xi1>
          %add3A_914 = arith.constant 1 : i32
          %add3A_915 = arith.addi %while3A_893, %add3A_914 : i32
          scf.yield %and3A, %add3A_915 : vector<16xi1>, i32
        }
        %while3A_888:2 = scf.while (%while3A_892 = %eq3A_823, %while3A_893 = %while3A_887#1) : (vector<16xi1>, i32) -> (vector<16xi1>, i32) {
          %reduce_or3A_894 = arith.constant 1.000000e+00 : f32
          %reduce_or3A_895 = arith.constant 0.000000e+00 : f32
          %reduce_or3A_896 = vector.broadcast %reduce_or3A_894 : f32 to vector<16xf32>
          %reduce_or3A_897 = vector.broadcast %reduce_or3A_895 : f32 to vector<16xf32>
          %reduce_or3A_898 = arith.select %while3A_892, %reduce_or3A_896, %reduce_or3A_897 : vector<16xi1>, vector<16xf32>
          %reduce_or3A_899 = arith.constant true
          %reduce_or3A_900 = vector.broadcast %reduce_or3A_899 : i1 to vector<16xi1>
          %reduce_or3A_901 = tpu.scan <max>, %reduce_or3A_898 masked %reduce_or3A_900 : vector<16xf32>, vector<16xi1> -> vector<16xf32>
          %reduce_or3A_902 = vector.extract %reduce_or3A_901[15] : f32 from vector<16xf32>
          %reduce_or3A_903 = arith.constant 0.000000e+00 : f32
          %reduce_or3A_904 = arith.cmpf ogt, %reduce_or3A_902, %reduce_or3A_903 : f32
          scf.condition(%reduce_or3A_904) %while3A_892, %while3A_893 : vector<16xi1>, i32
        } do {
        ^bb0(%while3A_892: vector<16xi1>, %while3A_893: i32):
          %all_reduce_ffs3A = tpu.all_reduce %while3A_892 {dim = 0 : i64, kind = #tpu.reduction_kind<find_first_set>} : vector<16xi1> -> vector<16xi32>
          %reduce_max3A = arith.constant true
          %reduce_max3A_894 = vector.broadcast %reduce_max3A : i1 to vector<16xi1>
          %reduce_max3A_895 = arith.constant -2147483648 : i32
          %reduce_max3A_896 = vector.broadcast %reduce_max3A_895 : i32 to vector<16xi32>
          %reduce_max3A_897 = arith.xori %all_reduce_ffs3A, %reduce_max3A_896 : vector<16xi32>
          %reduce_max3A_898 = tpu.scan <max>, %reduce_max3A_897 masked %reduce_max3A_894 : vector<16xi32>, vector<16xi1> -> vector<16xi32>
          %reduce_max3A_899 = arith.xori %reduce_max3A_898, %reduce_max3A_896 : vector<16xi32>
          %reduce_max3A_900 = vector.extract %reduce_max3A_899[15] : i32 from vector<16xi32>
          %mul3A_901 = arith.constant 8 : i32
          %mul3A_902 = arith.muli %scan3A_753, %mul3A_901 : i32
          %add3A_903 = arith.constant 4 : i32
          %add3A_904 = arith.addi %mul3A_902, %add3A_903 : i32
          %mul3A_905 = arith.constant 16 : i32
          %mul3A_906 = arith.muli %add3A_904, %mul3A_905 : i32
          %add3A_907 = arith.addi %mul3A_906, %reduce_max3A_900 : i32
          %broadcast_in_dim3A_908 = vector.broadcast %while3A_893 : i32 to vector<16xi32>
          %broadcast_in_dim3A_909 = vector.broadcast %add3A_907 : i32 to vector<16xi32>
          %eq3A_910 = arith.constant 0 : i32
          %eq3A_911 = vector.broadcast %eq3A_910 : i32 to vector<16xi32>
          %eq3A_912 = arith.cmpi eq, %iota3A, %eq3A_911 : vector<16xi32>
          tpu.vector_store_idx %arg19[%broadcast_in_dim3A_908], %broadcast_in_dim3A_909 masked %eq3A_912 : memref<1280xi32, #tpu.memory_space<vmem>>[vector<16xi32>], vector<16xi32>, vector<16xi1>
          %ne3A = vector.broadcast %reduce_max3A_900 : i32 to vector<16xi32>
          %ne3A_913 = arith.cmpi ne, %iota3A, %ne3A : vector<16xi32>
          %and3A = arith.andi %while3A_892, %ne3A_913 : vector<16xi1>
          %add3A_914 = arith.constant 1 : i32
          %add3A_915 = arith.addi %while3A_893, %add3A_914 : i32
          scf.yield %and3A, %add3A_915 : vector<16xi1>, i32
        }
        %while3A_889:2 = scf.while (%while3A_892 = %eq3A_837, %while3A_893 = %while3A_888#1) : (vector<16xi1>, i32) -> (vector<16xi1>, i32) {
          %reduce_or3A_894 = arith.constant 1.000000e+00 : f32
          %reduce_or3A_895 = arith.constant 0.000000e+00 : f32
          %reduce_or3A_896 = vector.broadcast %reduce_or3A_894 : f32 to vector<16xf32>
          %reduce_or3A_897 = vector.broadcast %reduce_or3A_895 : f32 to vector<16xf32>
          %reduce_or3A_898 = arith.select %while3A_892, %reduce_or3A_896, %reduce_or3A_897 : vector<16xi1>, vector<16xf32>
          %reduce_or3A_899 = arith.constant true
          %reduce_or3A_900 = vector.broadcast %reduce_or3A_899 : i1 to vector<16xi1>
          %reduce_or3A_901 = tpu.scan <max>, %reduce_or3A_898 masked %reduce_or3A_900 : vector<16xf32>, vector<16xi1> -> vector<16xf32>
          %reduce_or3A_902 = vector.extract %reduce_or3A_901[15] : f32 from vector<16xf32>
          %reduce_or3A_903 = arith.constant 0.000000e+00 : f32
          %reduce_or3A_904 = arith.cmpf ogt, %reduce_or3A_902, %reduce_or3A_903 : f32
          scf.condition(%reduce_or3A_904) %while3A_892, %while3A_893 : vector<16xi1>, i32
        } do {
        ^bb0(%while3A_892: vector<16xi1>, %while3A_893: i32):
          %all_reduce_ffs3A = tpu.all_reduce %while3A_892 {dim = 0 : i64, kind = #tpu.reduction_kind<find_first_set>} : vector<16xi1> -> vector<16xi32>
          %reduce_max3A = arith.constant true
          %reduce_max3A_894 = vector.broadcast %reduce_max3A : i1 to vector<16xi1>
          %reduce_max3A_895 = arith.constant -2147483648 : i32
          %reduce_max3A_896 = vector.broadcast %reduce_max3A_895 : i32 to vector<16xi32>
          %reduce_max3A_897 = arith.xori %all_reduce_ffs3A, %reduce_max3A_896 : vector<16xi32>
          %reduce_max3A_898 = tpu.scan <max>, %reduce_max3A_897 masked %reduce_max3A_894 : vector<16xi32>, vector<16xi1> -> vector<16xi32>
          %reduce_max3A_899 = arith.xori %reduce_max3A_898, %reduce_max3A_896 : vector<16xi32>
          %reduce_max3A_900 = vector.extract %reduce_max3A_899[15] : i32 from vector<16xi32>
          %mul3A_901 = arith.constant 8 : i32
          %mul3A_902 = arith.muli %scan3A_753, %mul3A_901 : i32
          %add3A_903 = arith.constant 5 : i32
          %add3A_904 = arith.addi %mul3A_902, %add3A_903 : i32
          %mul3A_905 = arith.constant 16 : i32
          %mul3A_906 = arith.muli %add3A_904, %mul3A_905 : i32
          %add3A_907 = arith.addi %mul3A_906, %reduce_max3A_900 : i32
          %broadcast_in_dim3A_908 = vector.broadcast %while3A_893 : i32 to vector<16xi32>
          %broadcast_in_dim3A_909 = vector.broadcast %add3A_907 : i32 to vector<16xi32>
          %eq3A_910 = arith.constant 0 : i32
          %eq3A_911 = vector.broadcast %eq3A_910 : i32 to vector<16xi32>
          %eq3A_912 = arith.cmpi eq, %iota3A, %eq3A_911 : vector<16xi32>
          tpu.vector_store_idx %arg19[%broadcast_in_dim3A_908], %broadcast_in_dim3A_909 masked %eq3A_912 : memref<1280xi32, #tpu.memory_space<vmem>>[vector<16xi32>], vector<16xi32>, vector<16xi1>
          %ne3A = vector.broadcast %reduce_max3A_900 : i32 to vector<16xi32>
          %ne3A_913 = arith.cmpi ne, %iota3A, %ne3A : vector<16xi32>
          %and3A = arith.andi %while3A_892, %ne3A_913 : vector<16xi1>
          %add3A_914 = arith.constant 1 : i32
          %add3A_915 = arith.addi %while3A_893, %add3A_914 : i32
          scf.yield %and3A, %add3A_915 : vector<16xi1>, i32
        }
        %while3A_890:2 = scf.while (%while3A_892 = %eq3A_851, %while3A_893 = %while3A_889#1) : (vector<16xi1>, i32) -> (vector<16xi1>, i32) {
          %reduce_or3A_894 = arith.constant 1.000000e+00 : f32
          %reduce_or3A_895 = arith.constant 0.000000e+00 : f32
          %reduce_or3A_896 = vector.broadcast %reduce_or3A_894 : f32 to vector<16xf32>
          %reduce_or3A_897 = vector.broadcast %reduce_or3A_895 : f32 to vector<16xf32>
          %reduce_or3A_898 = arith.select %while3A_892, %reduce_or3A_896, %reduce_or3A_897 : vector<16xi1>, vector<16xf32>
          %reduce_or3A_899 = arith.constant true
          %reduce_or3A_900 = vector.broadcast %reduce_or3A_899 : i1 to vector<16xi1>
          %reduce_or3A_901 = tpu.scan <max>, %reduce_or3A_898 masked %reduce_or3A_900 : vector<16xf32>, vector<16xi1> -> vector<16xf32>
          %reduce_or3A_902 = vector.extract %reduce_or3A_901[15] : f32 from vector<16xf32>
          %reduce_or3A_903 = arith.constant 0.000000e+00 : f32
          %reduce_or3A_904 = arith.cmpf ogt, %reduce_or3A_902, %reduce_or3A_903 : f32
          scf.condition(%reduce_or3A_904) %while3A_892, %while3A_893 : vector<16xi1>, i32
        } do {
        ^bb0(%while3A_892: vector<16xi1>, %while3A_893: i32):
          %all_reduce_ffs3A = tpu.all_reduce %while3A_892 {dim = 0 : i64, kind = #tpu.reduction_kind<find_first_set>} : vector<16xi1> -> vector<16xi32>
          %reduce_max3A = arith.constant true
          %reduce_max3A_894 = vector.broadcast %reduce_max3A : i1 to vector<16xi1>
          %reduce_max3A_895 = arith.constant -2147483648 : i32
          %reduce_max3A_896 = vector.broadcast %reduce_max3A_895 : i32 to vector<16xi32>
          %reduce_max3A_897 = arith.xori %all_reduce_ffs3A, %reduce_max3A_896 : vector<16xi32>
          %reduce_max3A_898 = tpu.scan <max>, %reduce_max3A_897 masked %reduce_max3A_894 : vector<16xi32>, vector<16xi1> -> vector<16xi32>
          %reduce_max3A_899 = arith.xori %reduce_max3A_898, %reduce_max3A_896 : vector<16xi32>
          %reduce_max3A_900 = vector.extract %reduce_max3A_899[15] : i32 from vector<16xi32>
          %mul3A_901 = arith.constant 8 : i32
          %mul3A_902 = arith.muli %scan3A_753, %mul3A_901 : i32
          %add3A_903 = arith.constant 6 : i32
          %add3A_904 = arith.addi %mul3A_902, %add3A_903 : i32
          %mul3A_905 = arith.constant 16 : i32
          %mul3A_906 = arith.muli %add3A_904, %mul3A_905 : i32
          %add3A_907 = arith.addi %mul3A_906, %reduce_max3A_900 : i32
          %broadcast_in_dim3A_908 = vector.broadcast %while3A_893 : i32 to vector<16xi32>
          %broadcast_in_dim3A_909 = vector.broadcast %add3A_907 : i32 to vector<16xi32>
          %eq3A_910 = arith.constant 0 : i32
          %eq3A_911 = vector.broadcast %eq3A_910 : i32 to vector<16xi32>
          %eq3A_912 = arith.cmpi eq, %iota3A, %eq3A_911 : vector<16xi32>
          tpu.vector_store_idx %arg19[%broadcast_in_dim3A_908], %broadcast_in_dim3A_909 masked %eq3A_912 : memref<1280xi32, #tpu.memory_space<vmem>>[vector<16xi32>], vector<16xi32>, vector<16xi1>
          %ne3A = vector.broadcast %reduce_max3A_900 : i32 to vector<16xi32>
          %ne3A_913 = arith.cmpi ne, %iota3A, %ne3A : vector<16xi32>
          %and3A = arith.andi %while3A_892, %ne3A_913 : vector<16xi1>
          %add3A_914 = arith.constant 1 : i32
          %add3A_915 = arith.addi %while3A_893, %add3A_914 : i32
          scf.yield %and3A, %add3A_915 : vector<16xi1>, i32
        }
        %while3A_891:2 = scf.while (%while3A_892 = %eq3A_865, %while3A_893 = %while3A_890#1) : (vector<16xi1>, i32) -> (vector<16xi1>, i32) {
          %reduce_or3A_894 = arith.constant 1.000000e+00 : f32
          %reduce_or3A_895 = arith.constant 0.000000e+00 : f32
          %reduce_or3A_896 = vector.broadcast %reduce_or3A_894 : f32 to vector<16xf32>
          %reduce_or3A_897 = vector.broadcast %reduce_or3A_895 : f32 to vector<16xf32>
          %reduce_or3A_898 = arith.select %while3A_892, %reduce_or3A_896, %reduce_or3A_897 : vector<16xi1>, vector<16xf32>
          %reduce_or3A_899 = arith.constant true
          %reduce_or3A_900 = vector.broadcast %reduce_or3A_899 : i1 to vector<16xi1>
          %reduce_or3A_901 = tpu.scan <max>, %reduce_or3A_898 masked %reduce_or3A_900 : vector<16xf32>, vector<16xi1> -> vector<16xf32>
          %reduce_or3A_902 = vector.extract %reduce_or3A_901[15] : f32 from vector<16xf32>
          %reduce_or3A_903 = arith.constant 0.000000e+00 : f32
          %reduce_or3A_904 = arith.cmpf ogt, %reduce_or3A_902, %reduce_or3A_903 : f32
          scf.condition(%reduce_or3A_904) %while3A_892, %while3A_893 : vector<16xi1>, i32
        } do {
        ^bb0(%while3A_892: vector<16xi1>, %while3A_893: i32):
          %all_reduce_ffs3A = tpu.all_reduce %while3A_892 {dim = 0 : i64, kind = #tpu.reduction_kind<find_first_set>} : vector<16xi1> -> vector<16xi32>
          %reduce_max3A = arith.constant true
          %reduce_max3A_894 = vector.broadcast %reduce_max3A : i1 to vector<16xi1>
          %reduce_max3A_895 = arith.constant -2147483648 : i32
          %reduce_max3A_896 = vector.broadcast %reduce_max3A_895 : i32 to vector<16xi32>
          %reduce_max3A_897 = arith.xori %all_reduce_ffs3A, %reduce_max3A_896 : vector<16xi32>
          %reduce_max3A_898 = tpu.scan <max>, %reduce_max3A_897 masked %reduce_max3A_894 : vector<16xi32>, vector<16xi1> -> vector<16xi32>
          %reduce_max3A_899 = arith.xori %reduce_max3A_898, %reduce_max3A_896 : vector<16xi32>
          %reduce_max3A_900 = vector.extract %reduce_max3A_899[15] : i32 from vector<16xi32>
          %mul3A_901 = arith.constant 8 : i32
          %mul3A_902 = arith.muli %scan3A_753, %mul3A_901 : i32
          %add3A_903 = arith.constant 7 : i32
          %add3A_904 = arith.addi %mul3A_902, %add3A_903 : i32
          %mul3A_905 = arith.constant 16 : i32
          %mul3A_906 = arith.muli %add3A_904, %mul3A_905 : i32
          %add3A_907 = arith.addi %mul3A_906, %reduce_max3A_900 : i32
          %broadcast_in_dim3A_908 = vector.broadcast %while3A_893 : i32 to vector<16xi32>
          %broadcast_in_dim3A_909 = vector.broadcast %add3A_907 : i32 to vector<16xi32>
          %eq3A_910 = arith.constant 0 : i32
          %eq3A_911 = vector.broadcast %eq3A_910 : i32 to vector<16xi32>
          %eq3A_912 = arith.cmpi eq, %iota3A, %eq3A_911 : vector<16xi32>
          tpu.vector_store_idx %arg19[%broadcast_in_dim3A_908], %broadcast_in_dim3A_909 masked %eq3A_912 : memref<1280xi32, #tpu.memory_space<vmem>>[vector<16xi32>], vector<16xi32>, vector<16xi1>
          %ne3A = vector.broadcast %reduce_max3A_900 : i32 to vector<16xi32>
          %ne3A_913 = arith.cmpi ne, %iota3A, %ne3A : vector<16xi32>
          %and3A = arith.andi %while3A_892, %ne3A_913 : vector<16xi1>
          %add3A_914 = arith.constant 1 : i32
          %add3A_915 = arith.addi %while3A_893, %add3A_914 : i32
          scf.yield %and3A, %add3A_915 : vector<16xi1>, i32
        }
        scf.yield %while3A_891#1 : i32
      } else {
        scf.yield %scan3A_754 : i32
      }
      scf.yield %cond3A_883 : i32
    }
    %scan3A_165 = arith.constant 10 : i32
    %broadcast_in_dim3A_166 = arith.constant -3.000000e+38 : f32
    %broadcast_in_dim3A_167 = vector.broadcast %broadcast_in_dim3A_166 : f32 to vector<16xf32>
    %swap3A = arith.constant 0 : index
    %swap3A_168 = tpu.vector_load %arg21[%swap3A] {strides = array<i32>} : memref<32xf32, #tpu.memory_space<vmem>>, vector<16xf32>,
    tpu.vector_store %arg21[%swap3A], %broadcast_in_dim3A_167 {strides = array<i32>} : memref<32xf32, #tpu.memory_space<vmem>>, vector<16xf32>,
    %broadcast_in_dim3A_169 = arith.constant 0 : i32
    %broadcast_in_dim3A_170 = vector.broadcast %broadcast_in_dim3A_169 : i32 to vector<16xi32>
    %swap3A_171 = arith.constant 0 : index
    %swap3A_172 = tpu.vector_load %arg22[%swap3A_171] {strides = array<i32>} : memref<32xi32, #tpu.memory_space<vmem>>, vector<16xi32>,
    tpu.vector_store %arg22[%swap3A_171], %broadcast_in_dim3A_170 {strides = array<i32>} : memref<32xi32, #tpu.memory_space<vmem>>, vector<16xi32>,
    %broadcast_in_dim3A_173 = arith.constant -3.000000e+38 : f32
    %broadcast_in_dim3A_174 = vector.broadcast %broadcast_in_dim3A_173 : f32 to vector<16xf32>
    %swap3A_175 = arith.constant 16 : index
    %swap3A_176 = tpu.vector_load %arg21[%swap3A_175] {strides = array<i32>} : memref<32xf32, #tpu.memory_space<vmem>>, vector<16xf32>,
    tpu.vector_store %arg21[%swap3A_175], %broadcast_in_dim3A_174 {strides = array<i32>} : memref<32xf32, #tpu.memory_space<vmem>>, vector<16xf32>,
    %broadcast_in_dim3A_177 = arith.constant 0 : i32
    %broadcast_in_dim3A_178 = vector.broadcast %broadcast_in_dim3A_177 : i32 to vector<16xi32>
    %swap3A_179 = arith.constant 16 : index
    %swap3A_180 = tpu.vector_load %arg22[%swap3A_179] {strides = array<i32>} : memref<32xi32, #tpu.memory_space<vmem>>, vector<16xi32>,
    tpu.vector_store %arg22[%swap3A_179], %broadcast_in_dim3A_178 {strides = array<i32>} : memref<32xi32, #tpu.memory_space<vmem>>, vector<16xi32>,
    %while3A = arith.constant 0 : i32
    %while3A_181 = scf.while (%while3A_753 = %while3A) : (i32) -> i32 {
      %lt3A_754 = arith.cmpi slt, %while3A_753, %scan3A_164 : i32
      scf.condition(%lt3A_754) %while3A_753 : i32
    } do {
    ^bb0(%while3A_753: i32):
      %broadcast_in_dim3A_754 = vector.broadcast %while3A_753 : i32 to vector<16xi32>
      %gather3A = tpu.vector_load_idx %arg19[%broadcast_in_dim3A_754] : memref<1280xi32, #tpu.memory_space<vmem>>[vector<16xi32>], vector<16xi32>,
      %and3A = arith.constant 255 : i32
      %and3A_755 = vector.broadcast %and3A : i32 to vector<16xi32>
      %and3A_756 = arith.andi %gather3A, %and3A_755 : vector<16xi32>
      %dma_start3A_757 = arith.constant 0 : i32
      %dma_start3A_758 = arith.constant 0 : i32
      %dma_start3A_759 = tpu.memref_slice %arg5[%add3A_64, %dma_start3A_757, %dma_start3A_758] : memref<128x256x128xf32, #tpu.memory_space<hbm>> -> memref<1x256x128xf32, #tpu.memory_space<hbm>>
      %dma_start3A_760 = tpu.memref_squeeze %dma_start3A_759 : memref<1x256x128xf32, #tpu.memory_space<hbm>> -> memref<256x128xf32, #tpu.memory_space<hbm>>
      %dma_start3A_761 = arith.constant 0 : i32
      %dma_start3A_762 = arith.constant 0 : i32
      %dma_start3A_763 = tpu.memref_slice %dma_start3A_760[%dma_start3A_761, %dma_start3A_762] : memref<256x128xf32, #tpu.memory_space<hbm>> -> memref<256x128xf32, #tpu.memory_space<hbm>>
      tpu.enqueue_indirect_dma source(%dma_start3A_763 : memref<256x128xf32, #tpu.memory_space<hbm>>) target(%arg20 : memref<16x128xf32, #tpu.memory_space<vmem>>) offsets(%and3A_756 : vector<16xi32>) semaphore(%arg24 : memref<!tpu.dma_semaphore, #tpu.memory_space<semaphore_mem>>)
      %broadcast_in_dim3A_764 = arith.constant 0 : i32
      %broadcast_in_dim3A_765 = vector.broadcast %broadcast_in_dim3A_764 : i32 to vector<16xi32>
      %gather3A_766 = tpu.vector_load_idx %arg12[%broadcast_in_dim3A_765, %gather3A] : memref<4x1280xi32, #tpu.memory_space<vmem>>[vector<16xi32>, vector<16xi32>], vector<16xi32>,
      %gather3A_767 = tpu.vector_load_idx %arg13[%broadcast_in_dim3A_765, %gather3A] : memref<4x1280xf32, #tpu.memory_space<vmem>>[vector<16xi32>, vector<16xi32>], vector<16xf32>,
      %dma_wait3A_768 = arith.constant 0 : i32
      %dma_wait3A_769 = arith.constant 0 : i32
      %dma_wait3A_770 = tpu.memref_slice %arg5[%add3A_64, %dma_wait3A_768, %dma_wait3A_769] : memref<128x256x128xf32, #tpu.memory_space<hbm>> -> memref<1x256x128xf32, #tpu.memory_space<hbm>>
      %dma_wait3A_771 = tpu.memref_squeeze %dma_wait3A_770 : memref<1x256x128xf32, #tpu.memory_space<hbm>> -> memref<256x128xf32, #tpu.memory_space<hbm>>
      %dma_wait3A_772 = arith.constant 0 : i32
      %dma_wait3A_773 = arith.constant 0 : i32
      %dma_wait3A_774 = tpu.memref_slice %dma_wait3A_771[%dma_wait3A_772, %dma_wait3A_773] : memref<256x128xf32, #tpu.memory_space<hbm>> -> memref<256x128xf32, #tpu.memory_space<hbm>>
      tpu.wait_indirect_dma semaphore(%arg24 : memref<!tpu.dma_semaphore, #tpu.memory_space<semaphore_mem>>) src(%dma_wait3A_774 : memref<256x128xf32, #tpu.memory_space<hbm>>) dst(%arg20 : memref<16x128xf32, #tpu.memory_space<vmem>>)
      %eq3A_775 = arith.cmpi eq, %get3A_67, %gather3A_766 : vector<16xi32>
      %while3A_776 = scf.while (%while3A_781 = %eq3A_775) : (vector<16xi1>) -> vector<16xi1> {
        %reduce_or3A = arith.constant 1.000000e+00 : f32
        %reduce_or3A_782 = arith.constant 0.000000e+00 : f32
        %reduce_or3A_783 = vector.broadcast %reduce_or3A : f32 to vector<16xf32>
        %reduce_or3A_784 = vector.broadcast %reduce_or3A_782 : f32 to vector<16xf32>
        %reduce_or3A_785 = arith.select %while3A_781, %reduce_or3A_783, %reduce_or3A_784 : vector<16xi1>, vector<16xf32>
        %reduce_or3A_786 = arith.constant true
        %reduce_or3A_787 = vector.broadcast %reduce_or3A_786 : i1 to vector<16xi1>
        %reduce_or3A_788 = tpu.scan <max>, %reduce_or3A_785 masked %reduce_or3A_787 : vector<16xf32>, vector<16xi1> -> vector<16xf32>
        %reduce_or3A_789 = vector.extract %reduce_or3A_788[15] : f32 from vector<16xf32>
        %reduce_or3A_790 = arith.constant 0.000000e+00 : f32
        %reduce_or3A_791 = arith.cmpf ogt, %reduce_or3A_789, %reduce_or3A_790 : f32
        scf.condition(%reduce_or3A_791) %while3A_781 : vector<16xi1>
      } do {
      ^bb0(%while3A_781: vector<16xi1>):
        %all_reduce_ffs3A = tpu.all_reduce %while3A_781 {dim = 0 : i64, kind = #tpu.reduction_kind<find_first_set>} : vector<16xi1> -> vector<16xi32>
        %reduce_max3A = arith.constant true
        %reduce_max3A_782 = vector.broadcast %reduce_max3A : i1 to vector<16xi1>
        %reduce_max3A_783 = arith.constant -2147483648 : i32
        %reduce_max3A_784 = vector.broadcast %reduce_max3A_783 : i32 to vector<16xi32>
        %reduce_max3A_785 = arith.xori %all_reduce_ffs3A, %reduce_max3A_784 : vector<16xi32>
        %reduce_max3A_786 = tpu.scan <max>, %reduce_max3A_785 masked %reduce_max3A_782 : vector<16xi32>, vector<16xi1> -> vector<16xi32>
        %reduce_max3A_787 = arith.xori %reduce_max3A_786, %reduce_max3A_784 : vector<16xi32>
        %reduce_max3A_788 = vector.extract %reduce_max3A_787[15] : i32 from vector<16xi32>
        %add3A_789 = arith.constant 0 : i32
        %add3A_790 = arith.addi %add3A_789, %reduce_max3A_788 : i32
        %mul3A_791 = arith.constant 128 : i32
        %mul3A_792 = arith.muli %add3A_790, %mul3A_791 : i32
        %broadcast_in_dim3A_793 = arith.constant 0.000000e+00 : f32
        %broadcast_in_dim3A_794 = vector.broadcast %broadcast_in_dim3A_793 : f32 to vector<16xf32>
        %add3A_795 = arith.constant 0 : i32
        %add3A_796 = arith.addi %mul3A_792, %add3A_795 : i32
        %get3A_797 = arith.constant 0 : i32
        %get3A_798 = arith.index_cast %get3A_797 : i32 to index
        %get3A_799 = arith.index_cast %add3A_796 : i32 to index
        %get3A_800 = tpu.vector_load %arg14[%get3A_798, %get3A_799] {strides = array<i32>} : memref<4x4096xf32, #tpu.memory_space<vmem>>, vector<16xf32>,
        %get3A_801 = arith.constant 0 : i32
        %get3A_802 = arith.index_cast %get3A_801 : i32 to index
        %get3A_803 = arith.constant 0 : index
        %get3A_804 = tpu.vector_load %arg20[%get3A_802, %get3A_803] {strides = array<i32>} : memref<16x128xf32, #tpu.memory_space<vmem>>, vector<16xf32>,
        %mul3A_805 = arith.mulf %get3A_800, %get3A_804 : vector<16xf32>
        %add3A_806 = arith.addf %broadcast_in_dim3A_794, %mul3A_805 : vector<16xf32>
        %add3A_807 = arith.constant 16 : i32
        %add3A_808 = arith.addi %mul3A_792, %add3A_807 : i32
        %get3A_809 = arith.constant 0 : i32
        %get3A_810 = arith.index_cast %get3A_809 : i32 to index
        %get3A_811 = arith.index_cast %add3A_808 : i32 to index
        %get3A_812 = tpu.vector_load %arg14[%get3A_810, %get3A_811] {strides = array<i32>} : memref<4x4096xf32, #tpu.memory_space<vmem>>, vector<16xf32>,
        %get3A_813 = arith.constant 0 : i32
        %get3A_814 = arith.index_cast %get3A_813 : i32 to index
        %get3A_815 = arith.constant 16 : index
        %get3A_816 = tpu.vector_load %arg20[%get3A_814, %get3A_815] {strides = array<i32>} : memref<16x128xf32, #tpu.memory_space<vmem>>, vector<16xf32>,
        %mul3A_817 = arith.mulf %get3A_812, %get3A_816 : vector<16xf32>
        %add3A_818 = arith.addf %add3A_806, %mul3A_817 : vector<16xf32>
        %add3A_819 = arith.constant 32 : i32
        %add3A_820 = arith.addi %mul3A_792, %add3A_819 : i32
        %get3A_821 = arith.constant 0 : i32
        %get3A_822 = arith.index_cast %get3A_821 : i32 to index
        %get3A_823 = arith.index_cast %add3A_820 : i32 to index
        %get3A_824 = tpu.vector_load %arg14[%get3A_822, %get3A_823] {strides = array<i32>} : memref<4x4096xf32, #tpu.memory_space<vmem>>, vector<16xf32>,
        %get3A_825 = arith.constant 0 : i32
        %get3A_826 = arith.index_cast %get3A_825 : i32 to index
        %get3A_827 = arith.constant 32 : index
        %get3A_828 = tpu.vector_load %arg20[%get3A_826, %get3A_827] {strides = array<i32>} : memref<16x128xf32, #tpu.memory_space<vmem>>, vector<16xf32>,
        %mul3A_829 = arith.mulf %get3A_824, %get3A_828 : vector<16xf32>
        %add3A_830 = arith.addf %add3A_818, %mul3A_829 : vector<16xf32>
        %add3A_831 = arith.constant 48 : i32
        %add3A_832 = arith.addi %mul3A_792, %add3A_831 : i32
        %get3A_833 = arith.constant 0 : i32
        %get3A_834 = arith.index_cast %get3A_833 : i32 to index
        %get3A_835 = arith.index_cast %add3A_832 : i32 to index
        %get3A_836 = tpu.vector_load %arg14[%get3A_834, %get3A_835] {strides = array<i32>} : memref<4x4096xf32, #tpu.memory_space<vmem>>, vector<16xf32>,
        %get3A_837 = arith.constant 0 : i32
        %get3A_838 = arith.index_cast %get3A_837 : i32 to index
        %get3A_839 = arith.constant 48 : index
        %get3A_840 = tpu.vector_load %arg20[%get3A_838, %get3A_839] {strides = array<i32>} : memref<16x128xf32, #tpu.memory_space<vmem>>, vector<16xf32>,
        %mul3A_841 = arith.mulf %get3A_836, %get3A_840 : vector<16xf32>
        %add3A_842 = arith.addf %add3A_830, %mul3A_841 : vector<16xf32>
        %add3A_843 = arith.constant 64 : i32
        %add3A_844 = arith.addi %mul3A_792, %add3A_843 : i32
        %get3A_845 = arith.constant 0 : i32
        %get3A_846 = arith.index_cast %get3A_845 : i32 to index
        %get3A_847 = arith.index_cast %add3A_844 : i32 to index
        %get3A_848 = tpu.vector_load %arg14[%get3A_846, %get3A_847] {strides = array<i32>} : memref<4x4096xf32, #tpu.memory_space<vmem>>, vector<16xf32>,
        %get3A_849 = arith.constant 0 : i32
        %get3A_850 = arith.index_cast %get3A_849 : i32 to index
        %get3A_851 = arith.constant 64 : index
        %get3A_852 = tpu.vector_load %arg20[%get3A_850, %get3A_851] {strides = array<i32>} : memref<16x128xf32, #tpu.memory_space<vmem>>, vector<16xf32>,
        %mul3A_853 = arith.mulf %get3A_848, %get3A_852 : vector<16xf32>
        %add3A_854 = arith.addf %add3A_842, %mul3A_853 : vector<16xf32>
        %add3A_855 = arith.constant 80 : i32
        %add3A_856 = arith.addi %mul3A_792, %add3A_855 : i32
        %get3A_857 = arith.constant 0 : i32
        %get3A_858 = arith.index_cast %get3A_857 : i32 to index
        %get3A_859 = arith.index_cast %add3A_856 : i32 to index
        %get3A_860 = tpu.vector_load %arg14[%get3A_858, %get3A_859] {strides = array<i32>} : memref<4x4096xf32, #tpu.memory_space<vmem>>, vector<16xf32>,
        %get3A_861 = arith.constant 0 : i32
        %get3A_862 = arith.index_cast %get3A_861 : i32 to index
        %get3A_863 = arith.constant 80 : index
        %get3A_864 = tpu.vector_load %arg20[%get3A_862, %get3A_863] {strides = array<i32>} : memref<16x128xf32, #tpu.memory_space<vmem>>, vector<16xf32>,
        %mul3A_865 = arith.mulf %get3A_860, %get3A_864 : vector<16xf32>
        %add3A_866 = arith.addf %add3A_854, %mul3A_865 : vector<16xf32>
        %add3A_867 = arith.constant 96 : i32
        %add3A_868 = arith.addi %mul3A_792, %add3A_867 : i32
        %get3A_869 = arith.constant 0 : i32
        %get3A_870 = arith.index_cast %get3A_869 : i32 to index
        %get3A_871 = arith.index_cast %add3A_868 : i32 to index
        %get3A_872 = tpu.vector_load %arg14[%get3A_870, %get3A_871] {strides = array<i32>} : memref<4x4096xf32, #tpu.memory_space<vmem>>, vector<16xf32>,
        %get3A_873 = arith.constant 0 : i32
        %get3A_874 = arith.index_cast %get3A_873 : i32 to index
        %get3A_875 = arith.constant 96 : index
        %get3A_876 = tpu.vector_load %arg20[%get3A_874, %get3A_875] {strides = array<i32>} : memref<16x128xf32, #tpu.memory_space<vmem>>, vector<16xf32>,
        %mul3A_877 = arith.mulf %get3A_872, %get3A_876 : vector<16xf32>
        %add3A_878 = arith.addf %add3A_866, %mul3A_877 : vector<16xf32>
        %add3A_879 = arith.constant 112 : i32
        %add3A_880 = arith.addi %mul3A_792, %add3A_879 : i32
        %get3A_881 = arith.constant 0 : i32
        %get3A_882 = arith.index_cast %get3A_881 : i32 to index
        %get3A_883 = arith.index_cast %add3A_880 : i32 to index
        %get3A_884 = tpu.vector_load %arg14[%get3A_882, %get3A_883] {strides = array<i32>} : memref<4x4096xf32, #tpu.memory_space<vmem>>, vector<16xf32>,
        %get3A_885 = arith.constant 0 : i32
        %get3A_886 = arith.index_cast %get3A_885 : i32 to index
        %get3A_887 = arith.constant 112 : index
        %get3A_888 = tpu.vector_load %arg20[%get3A_886, %get3A_887] {strides = array<i32>} : memref<16x128xf32, #tpu.memory_space<vmem>>, vector<16xf32>,
        %mul3A_889 = arith.mulf %get3A_884, %get3A_888 : vector<16xf32>
        %add3A_890 = arith.addf %add3A_878, %mul3A_889 : vector<16xf32>
        %reduce_sum3A_891 = arith.constant true
        %reduce_sum3A_892 = vector.broadcast %reduce_sum3A_891 : i1 to vector<16xi1>
        %reduce_sum3A_893 = tpu.scan <sum>, %add3A_890 masked %reduce_sum3A_892 : vector<16xf32>, vector<16xi1> -> vector<16xf32>
        %reduce_sum3A_894 = vector.extract %reduce_sum3A_893[15] : f32 from vector<16xf32>
        %mul3A_895 = vector.broadcast %reduce_sum3A_894 : f32 to vector<16xf32>
        %mul3A_896 = arith.mulf %mul3A_895, %gather3A_767 : vector<16xf32>
        %eq3A_897 = vector.broadcast %reduce_max3A_788 : i32 to vector<16xi32>
        %eq3A_898 = arith.cmpi eq, %iota3A, %eq3A_897 : vector<16xi32>
        %get3A_899 = arith.constant 0 : index
        %get3A_900 = tpu.vector_load %arg21[%get3A_899] {strides = array<i32>} : memref<32xf32, #tpu.memory_space<vmem>>, vector<16xf32>,
        %max3A_901 = arith.maximumf %get3A_900, %mul3A_896 : vector<16xf32>
        %select_n3A_902 = arith.select %eq3A_898, %max3A_901, %get3A_900 : vector<16xi1>, vector<16xf32>
        %swap3A_903 = arith.constant 0 : index
        %swap3A_904 = tpu.vector_load %arg21[%swap3A_903] {strides = array<i32>} : memref<32xf32, #tpu.memory_space<vmem>>, vector<16xf32>,
        tpu.vector_store %arg21[%swap3A_903], %select_n3A_902 {strides = array<i32>} : memref<32xf32, #tpu.memory_space<vmem>>, vector<16xf32>,
        %get3A_905 = arith.constant 0 : index
        %get3A_906 = tpu.vector_load %arg22[%get3A_905] {strides = array<i32>} : memref<32xi32, #tpu.memory_space<vmem>>, vector<16xi32>,
        %add3A_907 = arith.constant 1 : i32
        %add3A_908 = vector.broadcast %add3A_907 : i32 to vector<16xi32>
        %add3A_909 = arith.addi %get3A_906, %add3A_908 : vector<16xi32>
        %select_n3A_910 = arith.select %eq3A_898, %add3A_909, %get3A_906 : vector<16xi1>, vector<16xi32>
        %swap3A_911 = arith.constant 0 : index
        %swap3A_912 = tpu.vector_load %arg22[%swap3A_911] {strides = array<i32>} : memref<32xi32, #tpu.memory_space<vmem>>, vector<16xi32>,
        tpu.vector_store %arg22[%swap3A_911], %select_n3A_910 {strides = array<i32>} : memref<32xi32, #tpu.memory_space<vmem>>, vector<16xi32>,
        %ne3A = vector.broadcast %reduce_max3A_788 : i32 to vector<16xi32>
        %ne3A_913 = arith.cmpi ne, %iota3A, %ne3A : vector<16xi32>
        %and3A_914 = arith.andi %while3A_781, %ne3A_913 : vector<16xi1>
        scf.yield %and3A_914 : vector<16xi1>
      }
      %eq3A_777 = arith.cmpi eq, %get3A_71, %gather3A_766 : vector<16xi32>
      %while3A_778 = scf.while (%while3A_781 = %eq3A_777) : (vector<16xi1>) -> vector<16xi1> {
        %reduce_or3A = arith.constant 1.000000e+00 : f32
        %reduce_or3A_782 = arith.constant 0.000000e+00 : f32
        %reduce_or3A_783 = vector.broadcast %reduce_or3A : f32 to vector<16xf32>
        %reduce_or3A_784 = vector.broadcast %reduce_or3A_782 : f32 to vector<16xf32>
        %reduce_or3A_785 = arith.select %while3A_781, %reduce_or3A_783, %reduce_or3A_784 : vector<16xi1>, vector<16xf32>
        %reduce_or3A_786 = arith.constant true
        %reduce_or3A_787 = vector.broadcast %reduce_or3A_786 : i1 to vector<16xi1>
        %reduce_or3A_788 = tpu.scan <max>, %reduce_or3A_785 masked %reduce_or3A_787 : vector<16xf32>, vector<16xi1> -> vector<16xf32>
        %reduce_or3A_789 = vector.extract %reduce_or3A_788[15] : f32 from vector<16xf32>
        %reduce_or3A_790 = arith.constant 0.000000e+00 : f32
        %reduce_or3A_791 = arith.cmpf ogt, %reduce_or3A_789, %reduce_or3A_790 : f32
        scf.condition(%reduce_or3A_791) %while3A_781 : vector<16xi1>
      } do {
      ^bb0(%while3A_781: vector<16xi1>):
        %all_reduce_ffs3A = tpu.all_reduce %while3A_781 {dim = 0 : i64, kind = #tpu.reduction_kind<find_first_set>} : vector<16xi1> -> vector<16xi32>
        %reduce_max3A = arith.constant true
        %reduce_max3A_782 = vector.broadcast %reduce_max3A : i1 to vector<16xi1>
        %reduce_max3A_783 = arith.constant -2147483648 : i32
        %reduce_max3A_784 = vector.broadcast %reduce_max3A_783 : i32 to vector<16xi32>
        %reduce_max3A_785 = arith.xori %all_reduce_ffs3A, %reduce_max3A_784 : vector<16xi32>
        %reduce_max3A_786 = tpu.scan <max>, %reduce_max3A_785 masked %reduce_max3A_782 : vector<16xi32>, vector<16xi1> -> vector<16xi32>
        %reduce_max3A_787 = arith.xori %reduce_max3A_786, %reduce_max3A_784 : vector<16xi32>
        %reduce_max3A_788 = vector.extract %reduce_max3A_787[15] : i32 from vector<16xi32>
        %add3A_789 = arith.constant 16 : i32
        %add3A_790 = arith.addi %add3A_789, %reduce_max3A_788 : i32
        %mul3A_791 = arith.constant 128 : i32
        %mul3A_792 = arith.muli %add3A_790, %mul3A_791 : i32
        %broadcast_in_dim3A_793 = arith.constant 0.000000e+00 : f32
        %broadcast_in_dim3A_794 = vector.broadcast %broadcast_in_dim3A_793 : f32 to vector<16xf32>
        %add3A_795 = arith.constant 0 : i32
        %add3A_796 = arith.addi %mul3A_792, %add3A_795 : i32
        %get3A_797 = arith.constant 0 : i32
        %get3A_798 = arith.index_cast %get3A_797 : i32 to index
        %get3A_799 = arith.index_cast %add3A_796 : i32 to index
        %get3A_800 = tpu.vector_load %arg14[%get3A_798, %get3A_799] {strides = array<i32>} : memref<4x4096xf32, #tpu.memory_space<vmem>>, vector<16xf32>,
        %get3A_801 = arith.constant 0 : i32
        %get3A_802 = arith.index_cast %get3A_801 : i32 to index
        %get3A_803 = arith.constant 0 : index
        %get3A_804 = tpu.vector_load %arg20[%get3A_802, %get3A_803] {strides = array<i32>} : memref<16x128xf32, #tpu.memory_space<vmem>>, vector<16xf32>,
        %mul3A_805 = arith.mulf %get3A_800, %get3A_804 : vector<16xf32>
        %add3A_806 = arith.addf %broadcast_in_dim3A_794, %mul3A_805 : vector<16xf32>
        %add3A_807 = arith.constant 16 : i32
        %add3A_808 = arith.addi %mul3A_792, %add3A_807 : i32
        %get3A_809 = arith.constant 0 : i32
        %get3A_810 = arith.index_cast %get3A_809 : i32 to index
        %get3A_811 = arith.index_cast %add3A_808 : i32 to index
        %get3A_812 = tpu.vector_load %arg14[%get3A_810, %get3A_811] {strides = array<i32>} : memref<4x4096xf32, #tpu.memory_space<vmem>>, vector<16xf32>,
        %get3A_813 = arith.constant 0 : i32
        %get3A_814 = arith.index_cast %get3A_813 : i32 to index
        %get3A_815 = arith.constant 16 : index
        %get3A_816 = tpu.vector_load %arg20[%get3A_814, %get3A_815] {strides = array<i32>} : memref<16x128xf32, #tpu.memory_space<vmem>>, vector<16xf32>,
        %mul3A_817 = arith.mulf %get3A_812, %get3A_816 : vector<16xf32>
        %add3A_818 = arith.addf %add3A_806, %mul3A_817 : vector<16xf32>
        %add3A_819 = arith.constant 32 : i32
        %add3A_820 = arith.addi %mul3A_792, %add3A_819 : i32
        %get3A_821 = arith.constant 0 : i32
        %get3A_822 = arith.index_cast %get3A_821 : i32 to index
        %get3A_823 = arith.index_cast %add3A_820 : i32 to index
        %get3A_824 = tpu.vector_load %arg14[%get3A_822, %get3A_823] {strides = array<i32>} : memref<4x4096xf32, #tpu.memory_space<vmem>>, vector<16xf32>,
        %get3A_825 = arith.constant 0 : i32
        %get3A_826 = arith.index_cast %get3A_825 : i32 to index
        %get3A_827 = arith.constant 32 : index
        %get3A_828 = tpu.vector_load %arg20[%get3A_826, %get3A_827] {strides = array<i32>} : memref<16x128xf32, #tpu.memory_space<vmem>>, vector<16xf32>,
        %mul3A_829 = arith.mulf %get3A_824, %get3A_828 : vector<16xf32>
        %add3A_830 = arith.addf %add3A_818, %mul3A_829 : vector<16xf32>
        %add3A_831 = arith.constant 48 : i32
        %add3A_832 = arith.addi %mul3A_792, %add3A_831 : i32
        %get3A_833 = arith.constant 0 : i32
        %get3A_834 = arith.index_cast %get3A_833 : i32 to index
        %get3A_835 = arith.index_cast %add3A_832 : i32 to index
        %get3A_836 = tpu.vector_load %arg14[%get3A_834, %get3A_835] {strides = array<i32>} : memref<4x4096xf32, #tpu.memory_space<vmem>>, vector<16xf32>,
        %get3A_837 = arith.constant 0 : i32
        %get3A_838 = arith.index_cast %get3A_837 : i32 to index
        %get3A_839 = arith.constant 48 : index
        %get3A_840 = tpu.vector_load %arg20[%get3A_838, %get3A_839] {strides = array<i32>} : memref<16x128xf32, #tpu.memory_space<vmem>>, vector<16xf32>,
        %mul3A_841 = arith.mulf %get3A_836, %get3A_840 : vector<16xf32>
        %add3A_842 = arith.addf %add3A_830, %mul3A_841 : vector<16xf32>
        %add3A_843 = arith.constant 64 : i32
        %add3A_844 = arith.addi %mul3A_792, %add3A_843 : i32
        %get3A_845 = arith.constant 0 : i32
        %get3A_846 = arith.index_cast %get3A_845 : i32 to index
        %get3A_847 = arith.index_cast %add3A_844 : i32 to index
        %get3A_848 = tpu.vector_load %arg14[%get3A_846, %get3A_847] {strides = array<i32>} : memref<4x4096xf32, #tpu.memory_space<vmem>>, vector<16xf32>,
        %get3A_849 = arith.constant 0 : i32
        %get3A_850 = arith.index_cast %get3A_849 : i32 to index
        %get3A_851 = arith.constant 64 : index
        %get3A_852 = tpu.vector_load %arg20[%get3A_850, %get3A_851] {strides = array<i32>} : memref<16x128xf32, #tpu.memory_space<vmem>>, vector<16xf32>,
        %mul3A_853 = arith.mulf %get3A_848, %get3A_852 : vector<16xf32>
        %add3A_854 = arith.addf %add3A_842, %mul3A_853 : vector<16xf32>
        %add3A_855 = arith.constant 80 : i32
        %add3A_856 = arith.addi %mul3A_792, %add3A_855 : i32
        %get3A_857 = arith.constant 0 : i32
        %get3A_858 = arith.index_cast %get3A_857 : i32 to index
        %get3A_859 = arith.index_cast %add3A_856 : i32 to index
        %get3A_860 = tpu.vector_load %arg14[%get3A_858, %get3A_859] {strides = array<i32>} : memref<4x4096xf32, #tpu.memory_space<vmem>>, vector<16xf32>,
        %get3A_861 = arith.constant 0 : i32
        %get3A_862 = arith.index_cast %get3A_861 : i32 to index
        %get3A_863 = arith.constant 80 : index
        %get3A_864 = tpu.vector_load %arg20[%get3A_862, %get3A_863] {strides = array<i32>} : memref<16x128xf32, #tpu.memory_space<vmem>>, vector<16xf32>,
        %mul3A_865 = arith.mulf %get3A_860, %get3A_864 : vector<16xf32>
        %add3A_866 = arith.addf %add3A_854, %mul3A_865 : vector<16xf32>
        %add3A_867 = arith.constant 96 : i32
        %add3A_868 = arith.addi %mul3A_792, %add3A_867 : i32
        %get3A_869 = arith.constant 0 : i32
        %get3A_870 = arith.index_cast %get3A_869 : i32 to index
        %get3A_871 = arith.index_cast %add3A_868 : i32 to index
        %get3A_872 = tpu.vector_load %arg14[%get3A_870, %get3A_871] {strides = array<i32>} : memref<4x4096xf32, #tpu.memory_space<vmem>>, vector<16xf32>,
        %get3A_873 = arith.constant 0 : i32
        %get3A_874 = arith.index_cast %get3A_873 : i32 to index
        %get3A_875 = arith.constant 96 : index
        %get3A_876 = tpu.vector_load %arg20[%get3A_874, %get3A_875] {strides = array<i32>} : memref<16x128xf32, #tpu.memory_space<vmem>>, vector<16xf32>,
        %mul3A_877 = arith.mulf %get3A_872, %get3A_876 : vector<16xf32>
        %add3A_878 = arith.addf %add3A_866, %mul3A_877 : vector<16xf32>
        %add3A_879 = arith.constant 112 : i32
        %add3A_880 = arith.addi %mul3A_792, %add3A_879 : i32
        %get3A_881 = arith.constant 0 : i32
        %get3A_882 = arith.index_cast %get3A_881 : i32 to index
        %get3A_883 = arith.index_cast %add3A_880 : i32 to index
        %get3A_884 = tpu.vector_load %arg14[%get3A_882, %get3A_883] {strides = array<i32>} : memref<4x4096xf32, #tpu.memory_space<vmem>>, vector<16xf32>,
        %get3A_885 = arith.constant 0 : i32
        %get3A_886 = arith.index_cast %get3A_885 : i32 to index
        %get3A_887 = arith.constant 112 : index
        %get3A_888 = tpu.vector_load %arg20[%get3A_886, %get3A_887] {strides = array<i32>} : memref<16x128xf32, #tpu.memory_space<vmem>>, vector<16xf32>,
        %mul3A_889 = arith.mulf %get3A_884, %get3A_888 : vector<16xf32>
        %add3A_890 = arith.addf %add3A_878, %mul3A_889 : vector<16xf32>
        %reduce_sum3A_891 = arith.constant true
        %reduce_sum3A_892 = vector.broadcast %reduce_sum3A_891 : i1 to vector<16xi1>
        %reduce_sum3A_893 = tpu.scan <sum>, %add3A_890 masked %reduce_sum3A_892 : vector<16xf32>, vector<16xi1> -> vector<16xf32>
        %reduce_sum3A_894 = vector.extract %reduce_sum3A_893[15] : f32 from vector<16xf32>
        %mul3A_895 = vector.broadcast %reduce_sum3A_894 : f32 to vector<16xf32>
        %mul3A_896 = arith.mulf %mul3A_895, %gather3A_767 : vector<16xf32>
        %eq3A_897 = vector.broadcast %reduce_max3A_788 : i32 to vector<16xi32>
        %eq3A_898 = arith.cmpi eq, %iota3A, %eq3A_897 : vector<16xi32>
        %get3A_899 = arith.constant 16 : index
        %get3A_900 = tpu.vector_load %arg21[%get3A_899] {strides = array<i32>} : memref<32xf32, #tpu.memory_space<vmem>>, vector<16xf32>,
        %max3A_901 = arith.maximumf %get3A_900, %mul3A_896 : vector<16xf32>
        %select_n3A_902 = arith.select %eq3A_898, %max3A_901, %get3A_900 : vector<16xi1>, vector<16xf32>
        %swap3A_903 = arith.constant 16 : index
        %swap3A_904 = tpu.vector_load %arg21[%swap3A_903] {strides = array<i32>} : memref<32xf32, #tpu.memory_space<vmem>>, vector<16xf32>,
        tpu.vector_store %arg21[%swap3A_903], %select_n3A_902 {strides = array<i32>} : memref<32xf32, #tpu.memory_space<vmem>>, vector<16xf32>,
        %get3A_905 = arith.constant 16 : index
        %get3A_906 = tpu.vector_load %arg22[%get3A_905] {strides = array<i32>} : memref<32xi32, #tpu.memory_space<vmem>>, vector<16xi32>,
        %add3A_907 = arith.constant 1 : i32
        %add3A_908 = vector.broadcast %add3A_907 : i32 to vector<16xi32>
        %add3A_909 = arith.addi %get3A_906, %add3A_908 : vector<16xi32>
        %select_n3A_910 = arith.select %eq3A_898, %add3A_909, %get3A_906 : vector<16xi1>, vector<16xi32>
        %swap3A_911 = arith.constant 16 : index
        %swap3A_912 = tpu.vector_load %arg22[%swap3A_911] {strides = array<i32>} : memref<32xi32, #tpu.memory_space<vmem>>, vector<16xi32>,
        tpu.vector_store %arg22[%swap3A_911], %select_n3A_910 {strides = array<i32>} : memref<32xi32, #tpu.memory_space<vmem>>, vector<16xi32>,
        %ne3A = vector.broadcast %reduce_max3A_788 : i32 to vector<16xi32>
        %ne3A_913 = arith.cmpi ne, %iota3A, %ne3A : vector<16xi32>
        %and3A_914 = arith.andi %while3A_781, %ne3A_913 : vector<16xi1>
        scf.yield %and3A_914 : vector<16xi1>
      }
      %add3A_779 = arith.constant 1 : i32
      %add3A_780 = arith.addi %while3A_753, %add3A_779 : i32
      scf.yield %add3A_780 : i32
    }
    %get3A_182 = arith.constant 0 : index
    %get3A_183 = tpu.vector_load %arg21[%get3A_182] {strides = array<i32>} : memref<32xf32, #tpu.memory_space<vmem>>, vector<16xf32>,
    %get3A_184 = arith.constant 0 : index
    %get3A_185 = tpu.vector_load %arg22[%get3A_184] {strides = array<i32>} : memref<32xi32, #tpu.memory_space<vmem>>, vector<16xi32>,
    %lt3A = arith.constant 1280 : i32
    %lt3A_186 = vector.broadcast %lt3A : i32 to vector<16xi32>
    %lt3A_187 = arith.cmpi slt, %get3A_185, %lt3A_186 : vector<16xi32>
    %max3A = arith.constant 0.000000e+00 : f32
    %max3A_188 = vector.broadcast %max3A : f32 to vector<16xf32>
    %max3A_189 = arith.maximumf %get3A_183, %max3A_188 : vector<16xf32>
    %select_n3A = arith.select %lt3A_187, %max3A_189, %get3A_183 : vector<16xi1>, vector<16xf32>
    %get3A_190 = arith.constant 0 : i32
    %get3A_191 = arith.index_cast %get3A_190 : i32 to index
    %get3A_192 = arith.constant 0 : index
    %get3A_193 = tpu.vector_load %arg16[%get3A_191, %get3A_192] {strides = array<i32>} : memref<4x32xf32, #tpu.memory_space<vmem>>, vector<16xf32>,
    %mul3A_194 = arith.mulf %get3A_193, %select_n3A : vector<16xf32>
    %reduce_sum3A_195 = arith.constant true
    %reduce_sum3A_196 = vector.broadcast %reduce_sum3A_195 : i1 to vector<16xi1>
    %reduce_sum3A_197 = tpu.scan <sum>, %mul3A_194 masked %reduce_sum3A_196 : vector<16xf32>, vector<16xi1> -> vector<16xf32>
    %reduce_sum3A_198 = vector.extract %reduce_sum3A_197[15] : f32 from vector<16xf32>
    %add3A_199 = arith.constant 0.000000e+00 : f32
    %add3A_200 = arith.addf %add3A_199, %reduce_sum3A_198 : f32
    %get3A_201 = arith.constant 16 : index
    %get3A_202 = tpu.vector_load %arg21[%get3A_201] {strides = array<i32>} : memref<32xf32, #tpu.memory_space<vmem>>, vector<16xf32>,
    %get3A_203 = arith.constant 16 : index
    %get3A_204 = tpu.vector_load %arg22[%get3A_203] {strides = array<i32>} : memref<32xi32, #tpu.memory_space<vmem>>, vector<16xi32>,
    %lt3A_205 = arith.constant 1280 : i32
    %lt3A_206 = vector.broadcast %lt3A_205 : i32 to vector<16xi32>
    %lt3A_207 = arith.cmpi slt, %get3A_204, %lt3A_206 : vector<16xi32>
    %max3A_208 = arith.constant 0.000000e+00 : f32
    %max3A_209 = vector.broadcast %max3A_208 : f32 to vector<16xf32>
    %max3A_210 = arith.maximumf %get3A_202, %max3A_209 : vector<16xf32>
    %select_n3A_211 = arith.select %lt3A_207, %max3A_210, %get3A_202 : vector<16xi1>, vector<16xf32>
    %get3A_212 = arith.constant 0 : i32
    %get3A_213 = arith.index_cast %get3A_212 : i32 to index
    %get3A_214 = arith.constant 16 : index
    %get3A_215 = tpu.vector_load %arg16[%get3A_213, %get3A_214] {strides = array<i32>} : memref<4x32xf32, #tpu.memory_space<vmem>>, vector<16xf32>,
    %mul3A_216 = arith.mulf %get3A_215, %select_n3A_211 : vector<16xf32>
    %reduce_sum3A_217 = arith.constant true
    %reduce_sum3A_218 = vector.broadcast %reduce_sum3A_217 : i1 to vector<16xi1>
    %reduce_sum3A_219 = tpu.scan <sum>, %mul3A_216 masked %reduce_sum3A_218 : vector<16xf32>, vector<16xi1> -> vector<16xf32>
    %reduce_sum3A_220 = vector.extract %reduce_sum3A_219[15] : f32 from vector<16xf32>
    %add3A_221 = arith.addf %add3A_200, %reduce_sum3A_220 : f32
    %eq3A = arith.constant 0 : i32
    %eq3A_222 = vector.broadcast %eq3A : i32 to vector<16xi32>
    %eq3A_223 = arith.cmpi eq, %iota3A, %eq3A_222 : vector<16xi32>
    %add3A_224 = arith.addf %add3A_221, %reduce_sum3A_158 : f32
    %broadcast_in_dim3A_225 = vector.broadcast %add3A_224 : f32 to vector<16xf32>
    %select_n3A_226 = arith.select %eq3A_223, %broadcast_in_dim3A_225, %broadcast_in_dim3A_62 : vector<16xi1>, vector<16xf32>
    %broadcast_in_dim3A_227 = arith.constant 0 : i32
    %broadcast_in_dim3A_228 = vector.broadcast %broadcast_in_dim3A_227 : i32 to vector<16xi32>
    tpu.vector_store_idx %arg11[%get3A_67], %broadcast_in_dim3A_228 : memref<30528xi32, #tpu.memory_space<vmem>>[vector<16xi32>], vector<16xi32>,
    tpu.vector_store_idx %arg11[%get3A_71], %broadcast_in_dim3A_228 : memref<30528xi32, #tpu.memory_space<vmem>>[vector<16xi32>], vector<16xi32>,
    %add3A_229 = arith.constant 1 : i32
    %add3A_230 = arith.addi %mul3A_2, %add3A_229 : i32
    %get3A_231 = arith.constant 1 : i32
    %get3A_232 = arith.index_cast %get3A_231 : i32 to index
    %get3A_233 = arith.constant 0 : index
    %get3A_234 = tpu.vector_load %arg15[%get3A_232, %get3A_233] {strides = array<i32>} : memref<4x32xi32, #tpu.memory_space<vmem>>, vector<16xi32>,
    %get3A_235 = arith.constant 1 : i32
    %get3A_236 = arith.index_cast %get3A_235 : i32 to index
    %get3A_237 = arith.constant 16 : index
    %get3A_238 = tpu.vector_load %arg15[%get3A_236, %get3A_237] {strides = array<i32>} : memref<4x32xi32, #tpu.memory_space<vmem>>, vector<16xi32>,
    %broadcast_in_dim3A_239 = arith.constant 1 : i32
    %broadcast_in_dim3A_240 = vector.broadcast %broadcast_in_dim3A_239 : i32 to vector<16xi32>
    tpu.vector_store_idx %arg11[%get3A_234], %broadcast_in_dim3A_240 : memref<30528xi32, #tpu.memory_space<vmem>>[vector<16xi32>], vector<16xi32>,
    tpu.vector_store_idx %arg11[%get3A_238], %broadcast_in_dim3A_240 : memref<30528xi32, #tpu.memory_space<vmem>>[vector<16xi32>], vector<16xi32>,
    %broadcast_in_dim3A_241 = arith.constant 0.000000e+00 : f32
    %broadcast_in_dim3A_242 = vector.broadcast %broadcast_in_dim3A_241 : f32 to vector<16xf32>
    %get3A_243 = arith.constant 1 : i32
    %get3A_244 = arith.index_cast %get3A_243 : i32 to index
    %get3A_245 = arith.constant 0 : index
    %get3A_246 = tpu.vector_load %arg17[%get3A_244, %get3A_245] {strides = array<i32>} : memref<4x128xf32, #tpu.memory_space<vmem>>, vector<16xf32>,
    %get3A_247 = arith.constant 1 : i32
    %get3A_248 = arith.index_cast %get3A_247 : i32 to index
    %get3A_249 = arith.constant 0 : index
    %get3A_250 = tpu.vector_load %arg18[%get3A_248, %get3A_249] {strides = array<i32>} : memref<4x128xf32, #tpu.memory_space<vmem>>, vector<16xf32>,
    %mul3A_251 = arith.mulf %get3A_246, %get3A_250 : vector<16xf32>
    %add3A_252 = arith.addf %broadcast_in_dim3A_242, %mul3A_251 : vector<16xf32>
    %get3A_253 = arith.constant 1 : i32
    %get3A_254 = arith.index_cast %get3A_253 : i32 to index
    %get3A_255 = arith.constant 16 : index
    %get3A_256 = tpu.vector_load %arg17[%get3A_254, %get3A_255] {strides = array<i32>} : memref<4x128xf32, #tpu.memory_space<vmem>>, vector<16xf32>,
    %get3A_257 = arith.constant 1 : i32
    %get3A_258 = arith.index_cast %get3A_257 : i32 to index
    %get3A_259 = arith.constant 16 : index
    %get3A_260 = tpu.vector_load %arg18[%get3A_258, %get3A_259] {strides = array<i32>} : memref<4x128xf32, #tpu.memory_space<vmem>>, vector<16xf32>,
    %mul3A_261 = arith.mulf %get3A_256, %get3A_260 : vector<16xf32>
    %add3A_262 = arith.addf %add3A_252, %mul3A_261 : vector<16xf32>
    %get3A_263 = arith.constant 1 : i32
    %get3A_264 = arith.index_cast %get3A_263 : i32 to index
    %get3A_265 = arith.constant 32 : index
    %get3A_266 = tpu.vector_load %arg17[%get3A_264, %get3A_265] {strides = array<i32>} : memref<4x128xf32, #tpu.memory_space<vmem>>, vector<16xf32>,
    %get3A_267 = arith.constant 1 : i32
    %get3A_268 = arith.index_cast %get3A_267 : i32 to index
    %get3A_269 = arith.constant 32 : index
    %get3A_270 = tpu.vector_load %arg18[%get3A_268, %get3A_269] {strides = array<i32>} : memref<4x128xf32, #tpu.memory_space<vmem>>, vector<16xf32>,
    %mul3A_271 = arith.mulf %get3A_266, %get3A_270 : vector<16xf32>
    %add3A_272 = arith.addf %add3A_262, %mul3A_271 : vector<16xf32>
    %get3A_273 = arith.constant 1 : i32
    %get3A_274 = arith.index_cast %get3A_273 : i32 to index
    %get3A_275 = arith.constant 48 : index
    %get3A_276 = tpu.vector_load %arg17[%get3A_274, %get3A_275] {strides = array<i32>} : memref<4x128xf32, #tpu.memory_space<vmem>>, vector<16xf32>,
    %get3A_277 = arith.constant 1 : i32
    %get3A_278 = arith.index_cast %get3A_277 : i32 to index
    %get3A_279 = arith.constant 48 : index
    %get3A_280 = tpu.vector_load %arg18[%get3A_278, %get3A_279] {strides = array<i32>} : memref<4x128xf32, #tpu.memory_space<vmem>>, vector<16xf32>,
    %mul3A_281 = arith.mulf %get3A_276, %get3A_280 : vector<16xf32>
    %add3A_282 = arith.addf %add3A_272, %mul3A_281 : vector<16xf32>
    %get3A_283 = arith.constant 1 : i32
    %get3A_284 = arith.index_cast %get3A_283 : i32 to index
    %get3A_285 = arith.constant 64 : index
    %get3A_286 = tpu.vector_load %arg17[%get3A_284, %get3A_285] {strides = array<i32>} : memref<4x128xf32, #tpu.memory_space<vmem>>, vector<16xf32>,
    %get3A_287 = arith.constant 1 : i32
    %get3A_288 = arith.index_cast %get3A_287 : i32 to index
    %get3A_289 = arith.constant 64 : index
    %get3A_290 = tpu.vector_load %arg18[%get3A_288, %get3A_289] {strides = array<i32>} : memref<4x128xf32, #tpu.memory_space<vmem>>, vector<16xf32>,
    %mul3A_291 = arith.mulf %get3A_286, %get3A_290 : vector<16xf32>
    %add3A_292 = arith.addf %add3A_282, %mul3A_291 : vector<16xf32>
    %get3A_293 = arith.constant 1 : i32
    %get3A_294 = arith.index_cast %get3A_293 : i32 to index
    %get3A_295 = arith.constant 80 : index
    %get3A_296 = tpu.vector_load %arg17[%get3A_294, %get3A_295] {strides = array<i32>} : memref<4x128xf32, #tpu.memory_space<vmem>>, vector<16xf32>,
    %get3A_297 = arith.constant 1 : i32
    %get3A_298 = arith.index_cast %get3A_297 : i32 to index
    %get3A_299 = arith.constant 80 : index
    %get3A_300 = tpu.vector_load %arg18[%get3A_298, %get3A_299] {strides = array<i32>} : memref<4x128xf32, #tpu.memory_space<vmem>>, vector<16xf32>,
    %mul3A_301 = arith.mulf %get3A_296, %get3A_300 : vector<16xf32>
    %add3A_302 = arith.addf %add3A_292, %mul3A_301 : vector<16xf32>
    %get3A_303 = arith.constant 1 : i32
    %get3A_304 = arith.index_cast %get3A_303 : i32 to index
    %get3A_305 = arith.constant 96 : index
    %get3A_306 = tpu.vector_load %arg17[%get3A_304, %get3A_305] {strides = array<i32>} : memref<4x128xf32, #tpu.memory_space<vmem>>, vector<16xf32>,
    %get3A_307 = arith.constant 1 : i32
    %get3A_308 = arith.index_cast %get3A_307 : i32 to index
    %get3A_309 = arith.constant 96 : index
    %get3A_310 = tpu.vector_load %arg18[%get3A_308, %get3A_309] {strides = array<i32>} : memref<4x128xf32, #tpu.memory_space<vmem>>, vector<16xf32>,
    %mul3A_311 = arith.mulf %get3A_306, %get3A_310 : vector<16xf32>
    %add3A_312 = arith.addf %add3A_302, %mul3A_311 : vector<16xf32>
    %get3A_313 = arith.constant 1 : i32
    %get3A_314 = arith.index_cast %get3A_313 : i32 to index
    %get3A_315 = arith.constant 112 : index
    %get3A_316 = tpu.vector_load %arg17[%get3A_314, %get3A_315] {strides = array<i32>} : memref<4x128xf32, #tpu.memory_space<vmem>>, vector<16xf32>,
    %get3A_317 = arith.constant 1 : i32
    %get3A_318 = arith.index_cast %get3A_317 : i32 to index
    %get3A_319 = arith.constant 112 : index
    %get3A_320 = tpu.vector_load %arg18[%get3A_318, %get3A_319] {strides = array<i32>} : memref<4x128xf32, #tpu.memory_space<vmem>>, vector<16xf32>,
    %mul3A_321 = arith.mulf %get3A_316, %get3A_320 : vector<16xf32>
    %add3A_322 = arith.addf %add3A_312, %mul3A_321 : vector<16xf32>
    %reduce_sum3A_323 = arith.constant true
    %reduce_sum3A_324 = vector.broadcast %reduce_sum3A_323 : i1 to vector<16xi1>
    %reduce_sum3A_325 = tpu.scan <sum>, %add3A_322 masked %reduce_sum3A_324 : vector<16xf32>, vector<16xi1> -> vector<16xf32>
    %reduce_sum3A_326 = vector.extract %reduce_sum3A_325[15] : f32 from vector<16xf32>
    %scan3A_327 = arith.constant 0 : i32
    %scan3A_328 = arith.constant 0 : i32
    %scan3A_329 = arith.constant 10 : i32
    %scan3A_330 = arith.addi %scan3A_328, %scan3A_329 : i32
    %scan3A_331 = arith.constant 1 : i32
    %scan3A_332 = scf.for %scan3A_753 = %scan3A_328 to %scan3A_330 step %scan3A_331 iter_args(%scan3A_754 = %scan3A_327) -> (i32)  : i32 {
      %mul3A_755 = arith.constant 8 : i32
      %mul3A_756 = arith.muli %scan3A_753, %mul3A_755 : i32
      %add3A_757 = arith.constant 0 : i32
      %add3A_758 = arith.addi %mul3A_756, %add3A_757 : i32
      %mul3A_759 = arith.constant 16 : i32
      %mul3A_760 = arith.muli %add3A_758, %mul3A_759 : i32
      %get3A_761 = arith.constant 1 : i32
      %get3A_762 = arith.index_cast %get3A_761 : i32 to index
      %get3A_763 = arith.index_cast %mul3A_760 : i32 to index
      %get3A_764 = tpu.vector_load %arg12[%get3A_762, %get3A_763] {strides = array<i32>} : memref<4x1280xi32, #tpu.memory_space<vmem>>, vector<16xi32>,
      %gather3A = tpu.vector_load_idx %arg11[%get3A_764] : memref<30528xi32, #tpu.memory_space<vmem>>[vector<16xi32>], vector<16xi32>,
      %eq3A_765 = arith.constant 1 : i32
      %eq3A_766 = vector.broadcast %eq3A_765 : i32 to vector<16xi32>
      %eq3A_767 = arith.cmpi eq, %gather3A, %eq3A_766 : vector<16xi32>
      %mul3A_768 = arith.constant 8 : i32
      %mul3A_769 = arith.muli %scan3A_753, %mul3A_768 : i32
      %add3A_770 = arith.constant 1 : i32
      %add3A_771 = arith.addi %mul3A_769, %add3A_770 : i32
      %mul3A_772 = arith.constant 16 : i32
      %mul3A_773 = arith.muli %add3A_771, %mul3A_772 : i32
      %get3A_774 = arith.constant 1 : i32
      %get3A_775 = arith.index_cast %get3A_774 : i32 to index
      %get3A_776 = arith.index_cast %mul3A_773 : i32 to index
      %get3A_777 = tpu.vector_load %arg12[%get3A_775, %get3A_776] {strides = array<i32>} : memref<4x1280xi32, #tpu.memory_space<vmem>>, vector<16xi32>,
      %gather3A_778 = tpu.vector_load_idx %arg11[%get3A_777] : memref<30528xi32, #tpu.memory_space<vmem>>[vector<16xi32>], vector<16xi32>,
      %eq3A_779 = arith.constant 1 : i32
      %eq3A_780 = vector.broadcast %eq3A_779 : i32 to vector<16xi32>
      %eq3A_781 = arith.cmpi eq, %gather3A_778, %eq3A_780 : vector<16xi32>
      %mul3A_782 = arith.constant 8 : i32
      %mul3A_783 = arith.muli %scan3A_753, %mul3A_782 : i32
      %add3A_784 = arith.constant 2 : i32
      %add3A_785 = arith.addi %mul3A_783, %add3A_784 : i32
      %mul3A_786 = arith.constant 16 : i32
      %mul3A_787 = arith.muli %add3A_785, %mul3A_786 : i32
      %get3A_788 = arith.constant 1 : i32
      %get3A_789 = arith.index_cast %get3A_788 : i32 to index
      %get3A_790 = arith.index_cast %mul3A_787 : i32 to index
      %get3A_791 = tpu.vector_load %arg12[%get3A_789, %get3A_790] {strides = array<i32>} : memref<4x1280xi32, #tpu.memory_space<vmem>>, vector<16xi32>,
      %gather3A_792 = tpu.vector_load_idx %arg11[%get3A_791] : memref<30528xi32, #tpu.memory_space<vmem>>[vector<16xi32>], vector<16xi32>,
      %eq3A_793 = arith.constant 1 : i32
      %eq3A_794 = vector.broadcast %eq3A_793 : i32 to vector<16xi32>
      %eq3A_795 = arith.cmpi eq, %gather3A_792, %eq3A_794 : vector<16xi32>
      %mul3A_796 = arith.constant 8 : i32
      %mul3A_797 = arith.muli %scan3A_753, %mul3A_796 : i32
      %add3A_798 = arith.constant 3 : i32
      %add3A_799 = arith.addi %mul3A_797, %add3A_798 : i32
      %mul3A_800 = arith.constant 16 : i32
      %mul3A_801 = arith.muli %add3A_799, %mul3A_800 : i32
      %get3A_802 = arith.constant 1 : i32
      %get3A_803 = arith.index_cast %get3A_802 : i32 to index
      %get3A_804 = arith.index_cast %mul3A_801 : i32 to index
      %get3A_805 = tpu.vector_load %arg12[%get3A_803, %get3A_804] {strides = array<i32>} : memref<4x1280xi32, #tpu.memory_space<vmem>>, vector<16xi32>,
      %gather3A_806 = tpu.vector_load_idx %arg11[%get3A_805] : memref<30528xi32, #tpu.memory_space<vmem>>[vector<16xi32>], vector<16xi32>,
      %eq3A_807 = arith.constant 1 : i32
      %eq3A_808 = vector.broadcast %eq3A_807 : i32 to vector<16xi32>
      %eq3A_809 = arith.cmpi eq, %gather3A_806, %eq3A_808 : vector<16xi32>
      %mul3A_810 = arith.constant 8 : i32
      %mul3A_811 = arith.muli %scan3A_753, %mul3A_810 : i32
      %add3A_812 = arith.constant 4 : i32
      %add3A_813 = arith.addi %mul3A_811, %add3A_812 : i32
      %mul3A_814 = arith.constant 16 : i32
      %mul3A_815 = arith.muli %add3A_813, %mul3A_814 : i32
      %get3A_816 = arith.constant 1 : i32
      %get3A_817 = arith.index_cast %get3A_816 : i32 to index
      %get3A_818 = arith.index_cast %mul3A_815 : i32 to index
      %get3A_819 = tpu.vector_load %arg12[%get3A_817, %get3A_818] {strides = array<i32>} : memref<4x1280xi32, #tpu.memory_space<vmem>>, vector<16xi32>,
      %gather3A_820 = tpu.vector_load_idx %arg11[%get3A_819] : memref<30528xi32, #tpu.memory_space<vmem>>[vector<16xi32>], vector<16xi32>,
      %eq3A_821 = arith.constant 1 : i32
      %eq3A_822 = vector.broadcast %eq3A_821 : i32 to vector<16xi32>
      %eq3A_823 = arith.cmpi eq, %gather3A_820, %eq3A_822 : vector<16xi32>
      %mul3A_824 = arith.constant 8 : i32
      %mul3A_825 = arith.muli %scan3A_753, %mul3A_824 : i32
      %add3A_826 = arith.constant 5 : i32
      %add3A_827 = arith.addi %mul3A_825, %add3A_826 : i32
      %mul3A_828 = arith.constant 16 : i32
      %mul3A_829 = arith.muli %add3A_827, %mul3A_828 : i32
      %get3A_830 = arith.constant 1 : i32
      %get3A_831 = arith.index_cast %get3A_830 : i32 to index
      %get3A_832 = arith.index_cast %mul3A_829 : i32 to index
      %get3A_833 = tpu.vector_load %arg12[%get3A_831, %get3A_832] {strides = array<i32>} : memref<4x1280xi32, #tpu.memory_space<vmem>>, vector<16xi32>,
      %gather3A_834 = tpu.vector_load_idx %arg11[%get3A_833] : memref<30528xi32, #tpu.memory_space<vmem>>[vector<16xi32>], vector<16xi32>,
      %eq3A_835 = arith.constant 1 : i32
      %eq3A_836 = vector.broadcast %eq3A_835 : i32 to vector<16xi32>
      %eq3A_837 = arith.cmpi eq, %gather3A_834, %eq3A_836 : vector<16xi32>
      %mul3A_838 = arith.constant 8 : i32
      %mul3A_839 = arith.muli %scan3A_753, %mul3A_838 : i32
      %add3A_840 = arith.constant 6 : i32
      %add3A_841 = arith.addi %mul3A_839, %add3A_840 : i32
      %mul3A_842 = arith.constant 16 : i32
      %mul3A_843 = arith.muli %add3A_841, %mul3A_842 : i32
      %get3A_844 = arith.constant 1 : i32
      %get3A_845 = arith.index_cast %get3A_844 : i32 to index
      %get3A_846 = arith.index_cast %mul3A_843 : i32 to index
      %get3A_847 = tpu.vector_load %arg12[%get3A_845, %get3A_846] {strides = array<i32>} : memref<4x1280xi32, #tpu.memory_space<vmem>>, vector<16xi32>,
      %gather3A_848 = tpu.vector_load_idx %arg11[%get3A_847] : memref<30528xi32, #tpu.memory_space<vmem>>[vector<16xi32>], vector<16xi32>,
      %eq3A_849 = arith.constant 1 : i32
      %eq3A_850 = vector.broadcast %eq3A_849 : i32 to vector<16xi32>
      %eq3A_851 = arith.cmpi eq, %gather3A_848, %eq3A_850 : vector<16xi32>
      %mul3A_852 = arith.constant 8 : i32
      %mul3A_853 = arith.muli %scan3A_753, %mul3A_852 : i32
      %add3A_854 = arith.constant 7 : i32
      %add3A_855 = arith.addi %mul3A_853, %add3A_854 : i32
      %mul3A_856 = arith.constant 16 : i32
      %mul3A_857 = arith.muli %add3A_855, %mul3A_856 : i32
      %get3A_858 = arith.constant 1 : i32
      %get3A_859 = arith.index_cast %get3A_858 : i32 to index
      %get3A_860 = arith.index_cast %mul3A_857 : i32 to index
      %get3A_861 = tpu.vector_load %arg12[%get3A_859, %get3A_860] {strides = array<i32>} : memref<4x1280xi32, #tpu.memory_space<vmem>>, vector<16xi32>,
      %gather3A_862 = tpu.vector_load_idx %arg11[%get3A_861] : memref<30528xi32, #tpu.memory_space<vmem>>[vector<16xi32>], vector<16xi32>,
      %eq3A_863 = arith.constant 1 : i32
      %eq3A_864 = vector.broadcast %eq3A_863 : i32 to vector<16xi32>
      %eq3A_865 = arith.cmpi eq, %gather3A_862, %eq3A_864 : vector<16xi32>
      %or3A = arith.ori %eq3A_767, %eq3A_781 : vector<16xi1>
      %or3A_866 = arith.ori %eq3A_795, %eq3A_809 : vector<16xi1>
      %or3A_867 = arith.ori %or3A, %or3A_866 : vector<16xi1>
      %or3A_868 = arith.ori %eq3A_823, %eq3A_837 : vector<16xi1>
      %or3A_869 = arith.ori %eq3A_851, %eq3A_865 : vector<16xi1>
      %or3A_870 = arith.ori %or3A_868, %or3A_869 : vector<16xi1>
      %or3A_871 = arith.ori %or3A_867, %or3A_870 : vector<16xi1>
      %reduce_or3A = arith.constant 1.000000e+00 : f32
      %reduce_or3A_872 = arith.constant 0.000000e+00 : f32
      %reduce_or3A_873 = vector.broadcast %reduce_or3A : f32 to vector<16xf32>
      %reduce_or3A_874 = vector.broadcast %reduce_or3A_872 : f32 to vector<16xf32>
      %reduce_or3A_875 = arith.select %or3A_871, %reduce_or3A_873, %reduce_or3A_874 : vector<16xi1>, vector<16xf32>
      %reduce_or3A_876 = arith.constant true
      %reduce_or3A_877 = vector.broadcast %reduce_or3A_876 : i1 to vector<16xi1>
      %reduce_or3A_878 = tpu.scan <max>, %reduce_or3A_875 masked %reduce_or3A_877 : vector<16xf32>, vector<16xi1> -> vector<16xf32>
      %reduce_or3A_879 = vector.extract %reduce_or3A_878[15] : f32 from vector<16xf32>
      %reduce_or3A_880 = arith.constant 0.000000e+00 : f32
      %reduce_or3A_881 = arith.cmpf ogt, %reduce_or3A_879, %reduce_or3A_880 : f32
      %convert_element_type3A = arith.extui %reduce_or3A_881 : i1 to i32
      %cond3A = arith.constant 0 : i32
      %cond3A_882 = arith.cmpi ne, %convert_element_type3A, %cond3A : i32
      %cond3A_883 = scf.if %cond3A_882 -> (i32) {
        %while3A_884:2 = scf.while (%while3A_892 = %eq3A_767, %while3A_893 = %scan3A_754) : (vector<16xi1>, i32) -> (vector<16xi1>, i32) {
          %reduce_or3A_894 = arith.constant 1.000000e+00 : f32
          %reduce_or3A_895 = arith.constant 0.000000e+00 : f32
          %reduce_or3A_896 = vector.broadcast %reduce_or3A_894 : f32 to vector<16xf32>
          %reduce_or3A_897 = vector.broadcast %reduce_or3A_895 : f32 to vector<16xf32>
          %reduce_or3A_898 = arith.select %while3A_892, %reduce_or3A_896, %reduce_or3A_897 : vector<16xi1>, vector<16xf32>
          %reduce_or3A_899 = arith.constant true
          %reduce_or3A_900 = vector.broadcast %reduce_or3A_899 : i1 to vector<16xi1>
          %reduce_or3A_901 = tpu.scan <max>, %reduce_or3A_898 masked %reduce_or3A_900 : vector<16xf32>, vector<16xi1> -> vector<16xf32>
          %reduce_or3A_902 = vector.extract %reduce_or3A_901[15] : f32 from vector<16xf32>
          %reduce_or3A_903 = arith.constant 0.000000e+00 : f32
          %reduce_or3A_904 = arith.cmpf ogt, %reduce_or3A_902, %reduce_or3A_903 : f32
          scf.condition(%reduce_or3A_904) %while3A_892, %while3A_893 : vector<16xi1>, i32
        } do {
        ^bb0(%while3A_892: vector<16xi1>, %while3A_893: i32):
          %all_reduce_ffs3A = tpu.all_reduce %while3A_892 {dim = 0 : i64, kind = #tpu.reduction_kind<find_first_set>} : vector<16xi1> -> vector<16xi32>
          %reduce_max3A = arith.constant true
          %reduce_max3A_894 = vector.broadcast %reduce_max3A : i1 to vector<16xi1>
          %reduce_max3A_895 = arith.constant -2147483648 : i32
          %reduce_max3A_896 = vector.broadcast %reduce_max3A_895 : i32 to vector<16xi32>
          %reduce_max3A_897 = arith.xori %all_reduce_ffs3A, %reduce_max3A_896 : vector<16xi32>
          %reduce_max3A_898 = tpu.scan <max>, %reduce_max3A_897 masked %reduce_max3A_894 : vector<16xi32>, vector<16xi1> -> vector<16xi32>
          %reduce_max3A_899 = arith.xori %reduce_max3A_898, %reduce_max3A_896 : vector<16xi32>
          %reduce_max3A_900 = vector.extract %reduce_max3A_899[15] : i32 from vector<16xi32>
          %mul3A_901 = arith.constant 8 : i32
          %mul3A_902 = arith.muli %scan3A_753, %mul3A_901 : i32
          %add3A_903 = arith.constant 0 : i32
          %add3A_904 = arith.addi %mul3A_902, %add3A_903 : i32
          %mul3A_905 = arith.constant 16 : i32
          %mul3A_906 = arith.muli %add3A_904, %mul3A_905 : i32
          %add3A_907 = arith.addi %mul3A_906, %reduce_max3A_900 : i32
          %broadcast_in_dim3A_908 = vector.broadcast %while3A_893 : i32 to vector<16xi32>
          %broadcast_in_dim3A_909 = vector.broadcast %add3A_907 : i32 to vector<16xi32>
          %eq3A_910 = arith.constant 0 : i32
          %eq3A_911 = vector.broadcast %eq3A_910 : i32 to vector<16xi32>
          %eq3A_912 = arith.cmpi eq, %iota3A, %eq3A_911 : vector<16xi32>
          tpu.vector_store_idx %arg19[%broadcast_in_dim3A_908], %broadcast_in_dim3A_909 masked %eq3A_912 : memref<1280xi32, #tpu.memory_space<vmem>>[vector<16xi32>], vector<16xi32>, vector<16xi1>
          %ne3A = vector.broadcast %reduce_max3A_900 : i32 to vector<16xi32>
          %ne3A_913 = arith.cmpi ne, %iota3A, %ne3A : vector<16xi32>
          %and3A = arith.andi %while3A_892, %ne3A_913 : vector<16xi1>
          %add3A_914 = arith.constant 1 : i32
          %add3A_915 = arith.addi %while3A_893, %add3A_914 : i32
          scf.yield %and3A, %add3A_915 : vector<16xi1>, i32
        }
        %while3A_885:2 = scf.while (%while3A_892 = %eq3A_781, %while3A_893 = %while3A_884#1) : (vector<16xi1>, i32) -> (vector<16xi1>, i32) {
          %reduce_or3A_894 = arith.constant 1.000000e+00 : f32
          %reduce_or3A_895 = arith.constant 0.000000e+00 : f32
          %reduce_or3A_896 = vector.broadcast %reduce_or3A_894 : f32 to vector<16xf32>
          %reduce_or3A_897 = vector.broadcast %reduce_or3A_895 : f32 to vector<16xf32>
          %reduce_or3A_898 = arith.select %while3A_892, %reduce_or3A_896, %reduce_or3A_897 : vector<16xi1>, vector<16xf32>
          %reduce_or3A_899 = arith.constant true
          %reduce_or3A_900 = vector.broadcast %reduce_or3A_899 : i1 to vector<16xi1>
          %reduce_or3A_901 = tpu.scan <max>, %reduce_or3A_898 masked %reduce_or3A_900 : vector<16xf32>, vector<16xi1> -> vector<16xf32>
          %reduce_or3A_902 = vector.extract %reduce_or3A_901[15] : f32 from vector<16xf32>
          %reduce_or3A_903 = arith.constant 0.000000e+00 : f32
          %reduce_or3A_904 = arith.cmpf ogt, %reduce_or3A_902, %reduce_or3A_903 : f32
          scf.condition(%reduce_or3A_904) %while3A_892, %while3A_893 : vector<16xi1>, i32
        } do {
        ^bb0(%while3A_892: vector<16xi1>, %while3A_893: i32):
          %all_reduce_ffs3A = tpu.all_reduce %while3A_892 {dim = 0 : i64, kind = #tpu.reduction_kind<find_first_set>} : vector<16xi1> -> vector<16xi32>
          %reduce_max3A = arith.constant true
          %reduce_max3A_894 = vector.broadcast %reduce_max3A : i1 to vector<16xi1>
          %reduce_max3A_895 = arith.constant -2147483648 : i32
          %reduce_max3A_896 = vector.broadcast %reduce_max3A_895 : i32 to vector<16xi32>
          %reduce_max3A_897 = arith.xori %all_reduce_ffs3A, %reduce_max3A_896 : vector<16xi32>
          %reduce_max3A_898 = tpu.scan <max>, %reduce_max3A_897 masked %reduce_max3A_894 : vector<16xi32>, vector<16xi1> -> vector<16xi32>
          %reduce_max3A_899 = arith.xori %reduce_max3A_898, %reduce_max3A_896 : vector<16xi32>
          %reduce_max3A_900 = vector.extract %reduce_max3A_899[15] : i32 from vector<16xi32>
          %mul3A_901 = arith.constant 8 : i32
          %mul3A_902 = arith.muli %scan3A_753, %mul3A_901 : i32
          %add3A_903 = arith.constant 1 : i32
          %add3A_904 = arith.addi %mul3A_902, %add3A_903 : i32
          %mul3A_905 = arith.constant 16 : i32
          %mul3A_906 = arith.muli %add3A_904, %mul3A_905 : i32
          %add3A_907 = arith.addi %mul3A_906, %reduce_max3A_900 : i32
          %broadcast_in_dim3A_908 = vector.broadcast %while3A_893 : i32 to vector<16xi32>
          %broadcast_in_dim3A_909 = vector.broadcast %add3A_907 : i32 to vector<16xi32>
          %eq3A_910 = arith.constant 0 : i32
          %eq3A_911 = vector.broadcast %eq3A_910 : i32 to vector<16xi32>
          %eq3A_912 = arith.cmpi eq, %iota3A, %eq3A_911 : vector<16xi32>
          tpu.vector_store_idx %arg19[%broadcast_in_dim3A_908], %broadcast_in_dim3A_909 masked %eq3A_912 : memref<1280xi32, #tpu.memory_space<vmem>>[vector<16xi32>], vector<16xi32>, vector<16xi1>
          %ne3A = vector.broadcast %reduce_max3A_900 : i32 to vector<16xi32>
          %ne3A_913 = arith.cmpi ne, %iota3A, %ne3A : vector<16xi32>
          %and3A = arith.andi %while3A_892, %ne3A_913 : vector<16xi1>
          %add3A_914 = arith.constant 1 : i32
          %add3A_915 = arith.addi %while3A_893, %add3A_914 : i32
          scf.yield %and3A, %add3A_915 : vector<16xi1>, i32
        }
        %while3A_886:2 = scf.while (%while3A_892 = %eq3A_795, %while3A_893 = %while3A_885#1) : (vector<16xi1>, i32) -> (vector<16xi1>, i32) {
          %reduce_or3A_894 = arith.constant 1.000000e+00 : f32
          %reduce_or3A_895 = arith.constant 0.000000e+00 : f32
          %reduce_or3A_896 = vector.broadcast %reduce_or3A_894 : f32 to vector<16xf32>
          %reduce_or3A_897 = vector.broadcast %reduce_or3A_895 : f32 to vector<16xf32>
          %reduce_or3A_898 = arith.select %while3A_892, %reduce_or3A_896, %reduce_or3A_897 : vector<16xi1>, vector<16xf32>
          %reduce_or3A_899 = arith.constant true
          %reduce_or3A_900 = vector.broadcast %reduce_or3A_899 : i1 to vector<16xi1>
          %reduce_or3A_901 = tpu.scan <max>, %reduce_or3A_898 masked %reduce_or3A_900 : vector<16xf32>, vector<16xi1> -> vector<16xf32>
          %reduce_or3A_902 = vector.extract %reduce_or3A_901[15] : f32 from vector<16xf32>
          %reduce_or3A_903 = arith.constant 0.000000e+00 : f32
          %reduce_or3A_904 = arith.cmpf ogt, %reduce_or3A_902, %reduce_or3A_903 : f32
          scf.condition(%reduce_or3A_904) %while3A_892, %while3A_893 : vector<16xi1>, i32
        } do {
        ^bb0(%while3A_892: vector<16xi1>, %while3A_893: i32):
          %all_reduce_ffs3A = tpu.all_reduce %while3A_892 {dim = 0 : i64, kind = #tpu.reduction_kind<find_first_set>} : vector<16xi1> -> vector<16xi32>
          %reduce_max3A = arith.constant true
          %reduce_max3A_894 = vector.broadcast %reduce_max3A : i1 to vector<16xi1>
          %reduce_max3A_895 = arith.constant -2147483648 : i32
          %reduce_max3A_896 = vector.broadcast %reduce_max3A_895 : i32 to vector<16xi32>
          %reduce_max3A_897 = arith.xori %all_reduce_ffs3A, %reduce_max3A_896 : vector<16xi32>
          %reduce_max3A_898 = tpu.scan <max>, %reduce_max3A_897 masked %reduce_max3A_894 : vector<16xi32>, vector<16xi1> -> vector<16xi32>
          %reduce_max3A_899 = arith.xori %reduce_max3A_898, %reduce_max3A_896 : vector<16xi32>
          %reduce_max3A_900 = vector.extract %reduce_max3A_899[15] : i32 from vector<16xi32>
          %mul3A_901 = arith.constant 8 : i32
          %mul3A_902 = arith.muli %scan3A_753, %mul3A_901 : i32
          %add3A_903 = arith.constant 2 : i32
          %add3A_904 = arith.addi %mul3A_902, %add3A_903 : i32
          %mul3A_905 = arith.constant 16 : i32
          %mul3A_906 = arith.muli %add3A_904, %mul3A_905 : i32
          %add3A_907 = arith.addi %mul3A_906, %reduce_max3A_900 : i32
          %broadcast_in_dim3A_908 = vector.broadcast %while3A_893 : i32 to vector<16xi32>
          %broadcast_in_dim3A_909 = vector.broadcast %add3A_907 : i32 to vector<16xi32>
          %eq3A_910 = arith.constant 0 : i32
          %eq3A_911 = vector.broadcast %eq3A_910 : i32 to vector<16xi32>
          %eq3A_912 = arith.cmpi eq, %iota3A, %eq3A_911 : vector<16xi32>
          tpu.vector_store_idx %arg19[%broadcast_in_dim3A_908], %broadcast_in_dim3A_909 masked %eq3A_912 : memref<1280xi32, #tpu.memory_space<vmem>>[vector<16xi32>], vector<16xi32>, vector<16xi1>
          %ne3A = vector.broadcast %reduce_max3A_900 : i32 to vector<16xi32>
          %ne3A_913 = arith.cmpi ne, %iota3A, %ne3A : vector<16xi32>
          %and3A = arith.andi %while3A_892, %ne3A_913 : vector<16xi1>
          %add3A_914 = arith.constant 1 : i32
          %add3A_915 = arith.addi %while3A_893, %add3A_914 : i32
          scf.yield %and3A, %add3A_915 : vector<16xi1>, i32
        }
        %while3A_887:2 = scf.while (%while3A_892 = %eq3A_809, %while3A_893 = %while3A_886#1) : (vector<16xi1>, i32) -> (vector<16xi1>, i32) {
          %reduce_or3A_894 = arith.constant 1.000000e+00 : f32
          %reduce_or3A_895 = arith.constant 0.000000e+00 : f32
          %reduce_or3A_896 = vector.broadcast %reduce_or3A_894 : f32 to vector<16xf32>
          %reduce_or3A_897 = vector.broadcast %reduce_or3A_895 : f32 to vector<16xf32>
          %reduce_or3A_898 = arith.select %while3A_892, %reduce_or3A_896, %reduce_or3A_897 : vector<16xi1>, vector<16xf32>
          %reduce_or3A_899 = arith.constant true
          %reduce_or3A_900 = vector.broadcast %reduce_or3A_899 : i1 to vector<16xi1>
          %reduce_or3A_901 = tpu.scan <max>, %reduce_or3A_898 masked %reduce_or3A_900 : vector<16xf32>, vector<16xi1> -> vector<16xf32>
          %reduce_or3A_902 = vector.extract %reduce_or3A_901[15] : f32 from vector<16xf32>
          %reduce_or3A_903 = arith.constant 0.000000e+00 : f32
          %reduce_or3A_904 = arith.cmpf ogt, %reduce_or3A_902, %reduce_or3A_903 : f32
          scf.condition(%reduce_or3A_904) %while3A_892, %while3A_893 : vector<16xi1>, i32
        } do {
        ^bb0(%while3A_892: vector<16xi1>, %while3A_893: i32):
          %all_reduce_ffs3A = tpu.all_reduce %while3A_892 {dim = 0 : i64, kind = #tpu.reduction_kind<find_first_set>} : vector<16xi1> -> vector<16xi32>
          %reduce_max3A = arith.constant true
          %reduce_max3A_894 = vector.broadcast %reduce_max3A : i1 to vector<16xi1>
          %reduce_max3A_895 = arith.constant -2147483648 : i32
          %reduce_max3A_896 = vector.broadcast %reduce_max3A_895 : i32 to vector<16xi32>
          %reduce_max3A_897 = arith.xori %all_reduce_ffs3A, %reduce_max3A_896 : vector<16xi32>
          %reduce_max3A_898 = tpu.scan <max>, %reduce_max3A_897 masked %reduce_max3A_894 : vector<16xi32>, vector<16xi1> -> vector<16xi32>
          %reduce_max3A_899 = arith.xori %reduce_max3A_898, %reduce_max3A_896 : vector<16xi32>
          %reduce_max3A_900 = vector.extract %reduce_max3A_899[15] : i32 from vector<16xi32>
          %mul3A_901 = arith.constant 8 : i32
          %mul3A_902 = arith.muli %scan3A_753, %mul3A_901 : i32
          %add3A_903 = arith.constant 3 : i32
          %add3A_904 = arith.addi %mul3A_902, %add3A_903 : i32
          %mul3A_905 = arith.constant 16 : i32
          %mul3A_906 = arith.muli %add3A_904, %mul3A_905 : i32
          %add3A_907 = arith.addi %mul3A_906, %reduce_max3A_900 : i32
          %broadcast_in_dim3A_908 = vector.broadcast %while3A_893 : i32 to vector<16xi32>
          %broadcast_in_dim3A_909 = vector.broadcast %add3A_907 : i32 to vector<16xi32>
          %eq3A_910 = arith.constant 0 : i32
          %eq3A_911 = vector.broadcast %eq3A_910 : i32 to vector<16xi32>
          %eq3A_912 = arith.cmpi eq, %iota3A, %eq3A_911 : vector<16xi32>
          tpu.vector_store_idx %arg19[%broadcast_in_dim3A_908], %broadcast_in_dim3A_909 masked %eq3A_912 : memref<1280xi32, #tpu.memory_space<vmem>>[vector<16xi32>], vector<16xi32>, vector<16xi1>
          %ne3A = vector.broadcast %reduce_max3A_900 : i32 to vector<16xi32>
          %ne3A_913 = arith.cmpi ne, %iota3A, %ne3A : vector<16xi32>
          %and3A = arith.andi %while3A_892, %ne3A_913 : vector<16xi1>
          %add3A_914 = arith.constant 1 : i32
          %add3A_915 = arith.addi %while3A_893, %add3A_914 : i32
          scf.yield %and3A, %add3A_915 : vector<16xi1>, i32
        }
        %while3A_888:2 = scf.while (%while3A_892 = %eq3A_823, %while3A_893 = %while3A_887#1) : (vector<16xi1>, i32) -> (vector<16xi1>, i32) {
          %reduce_or3A_894 = arith.constant 1.000000e+00 : f32
          %reduce_or3A_895 = arith.constant 0.000000e+00 : f32
          %reduce_or3A_896 = vector.broadcast %reduce_or3A_894 : f32 to vector<16xf32>
          %reduce_or3A_897 = vector.broadcast %reduce_or3A_895 : f32 to vector<16xf32>
          %reduce_or3A_898 = arith.select %while3A_892, %reduce_or3A_896, %reduce_or3A_897 : vector<16xi1>, vector<16xf32>
          %reduce_or3A_899 = arith.constant true
          %reduce_or3A_900 = vector.broadcast %reduce_or3A_899 : i1 to vector<16xi1>
          %reduce_or3A_901 = tpu.scan <max>, %reduce_or3A_898 masked %reduce_or3A_900 : vector<16xf32>, vector<16xi1> -> vector<16xf32>
          %reduce_or3A_902 = vector.extract %reduce_or3A_901[15] : f32 from vector<16xf32>
          %reduce_or3A_903 = arith.constant 0.000000e+00 : f32
          %reduce_or3A_904 = arith.cmpf ogt, %reduce_or3A_902, %reduce_or3A_903 : f32
          scf.condition(%reduce_or3A_904) %while3A_892, %while3A_893 : vector<16xi1>, i32
        } do {
        ^bb0(%while3A_892: vector<16xi1>, %while3A_893: i32):
          %all_reduce_ffs3A = tpu.all_reduce %while3A_892 {dim = 0 : i64, kind = #tpu.reduction_kind<find_first_set>} : vector<16xi1> -> vector<16xi32>
          %reduce_max3A = arith.constant true
          %reduce_max3A_894 = vector.broadcast %reduce_max3A : i1 to vector<16xi1>
          %reduce_max3A_895 = arith.constant -2147483648 : i32
          %reduce_max3A_896 = vector.broadcast %reduce_max3A_895 : i32 to vector<16xi32>
          %reduce_max3A_897 = arith.xori %all_reduce_ffs3A, %reduce_max3A_896 : vector<16xi32>
          %reduce_max3A_898 = tpu.scan <max>, %reduce_max3A_897 masked %reduce_max3A_894 : vector<16xi32>, vector<16xi1> -> vector<16xi32>
          %reduce_max3A_899 = arith.xori %reduce_max3A_898, %reduce_max3A_896 : vector<16xi32>
          %reduce_max3A_900 = vector.extract %reduce_max3A_899[15] : i32 from vector<16xi32>
          %mul3A_901 = arith.constant 8 : i32
          %mul3A_902 = arith.muli %scan3A_753, %mul3A_901 : i32
          %add3A_903 = arith.constant 4 : i32
          %add3A_904 = arith.addi %mul3A_902, %add3A_903 : i32
          %mul3A_905 = arith.constant 16 : i32
          %mul3A_906 = arith.muli %add3A_904, %mul3A_905 : i32
          %add3A_907 = arith.addi %mul3A_906, %reduce_max3A_900 : i32
          %broadcast_in_dim3A_908 = vector.broadcast %while3A_893 : i32 to vector<16xi32>
          %broadcast_in_dim3A_909 = vector.broadcast %add3A_907 : i32 to vector<16xi32>
          %eq3A_910 = arith.constant 0 : i32
          %eq3A_911 = vector.broadcast %eq3A_910 : i32 to vector<16xi32>
          %eq3A_912 = arith.cmpi eq, %iota3A, %eq3A_911 : vector<16xi32>
          tpu.vector_store_idx %arg19[%broadcast_in_dim3A_908], %broadcast_in_dim3A_909 masked %eq3A_912 : memref<1280xi32, #tpu.memory_space<vmem>>[vector<16xi32>], vector<16xi32>, vector<16xi1>
          %ne3A = vector.broadcast %reduce_max3A_900 : i32 to vector<16xi32>
          %ne3A_913 = arith.cmpi ne, %iota3A, %ne3A : vector<16xi32>
          %and3A = arith.andi %while3A_892, %ne3A_913 : vector<16xi1>
          %add3A_914 = arith.constant 1 : i32
          %add3A_915 = arith.addi %while3A_893, %add3A_914 : i32
          scf.yield %and3A, %add3A_915 : vector<16xi1>, i32
        }
        %while3A_889:2 = scf.while (%while3A_892 = %eq3A_837, %while3A_893 = %while3A_888#1) : (vector<16xi1>, i32) -> (vector<16xi1>, i32) {
          %reduce_or3A_894 = arith.constant 1.000000e+00 : f32
          %reduce_or3A_895 = arith.constant 0.000000e+00 : f32
          %reduce_or3A_896 = vector.broadcast %reduce_or3A_894 : f32 to vector<16xf32>
          %reduce_or3A_897 = vector.broadcast %reduce_or3A_895 : f32 to vector<16xf32>
          %reduce_or3A_898 = arith.select %while3A_892, %reduce_or3A_896, %reduce_or3A_897 : vector<16xi1>, vector<16xf32>
          %reduce_or3A_899 = arith.constant true
          %reduce_or3A_900 = vector.broadcast %reduce_or3A_899 : i1 to vector<16xi1>
          %reduce_or3A_901 = tpu.scan <max>, %reduce_or3A_898 masked %reduce_or3A_900 : vector<16xf32>, vector<16xi1> -> vector<16xf32>
          %reduce_or3A_902 = vector.extract %reduce_or3A_901[15] : f32 from vector<16xf32>
          %reduce_or3A_903 = arith.constant 0.000000e+00 : f32
          %reduce_or3A_904 = arith.cmpf ogt, %reduce_or3A_902, %reduce_or3A_903 : f32
          scf.condition(%reduce_or3A_904) %while3A_892, %while3A_893 : vector<16xi1>, i32
        } do {
        ^bb0(%while3A_892: vector<16xi1>, %while3A_893: i32):
          %all_reduce_ffs3A = tpu.all_reduce %while3A_892 {dim = 0 : i64, kind = #tpu.reduction_kind<find_first_set>} : vector<16xi1> -> vector<16xi32>
          %reduce_max3A = arith.constant true
          %reduce_max3A_894 = vector.broadcast %reduce_max3A : i1 to vector<16xi1>
          %reduce_max3A_895 = arith.constant -2147483648 : i32
          %reduce_max3A_896 = vector.broadcast %reduce_max3A_895 : i32 to vector<16xi32>
          %reduce_max3A_897 = arith.xori %all_reduce_ffs3A, %reduce_max3A_896 : vector<16xi32>
          %reduce_max3A_898 = tpu.scan <max>, %reduce_max3A_897 masked %reduce_max3A_894 : vector<16xi32>, vector<16xi1> -> vector<16xi32>
          %reduce_max3A_899 = arith.xori %reduce_max3A_898, %reduce_max3A_896 : vector<16xi32>
          %reduce_max3A_900 = vector.extract %reduce_max3A_899[15] : i32 from vector<16xi32>
          %mul3A_901 = arith.constant 8 : i32
          %mul3A_902 = arith.muli %scan3A_753, %mul3A_901 : i32
          %add3A_903 = arith.constant 5 : i32
          %add3A_904 = arith.addi %mul3A_902, %add3A_903 : i32
          %mul3A_905 = arith.constant 16 : i32
          %mul3A_906 = arith.muli %add3A_904, %mul3A_905 : i32
          %add3A_907 = arith.addi %mul3A_906, %reduce_max3A_900 : i32
          %broadcast_in_dim3A_908 = vector.broadcast %while3A_893 : i32 to vector<16xi32>
          %broadcast_in_dim3A_909 = vector.broadcast %add3A_907 : i32 to vector<16xi32>
          %eq3A_910 = arith.constant 0 : i32
          %eq3A_911 = vector.broadcast %eq3A_910 : i32 to vector<16xi32>
          %eq3A_912 = arith.cmpi eq, %iota3A, %eq3A_911 : vector<16xi32>
          tpu.vector_store_idx %arg19[%broadcast_in_dim3A_908], %broadcast_in_dim3A_909 masked %eq3A_912 : memref<1280xi32, #tpu.memory_space<vmem>>[vector<16xi32>], vector<16xi32>, vector<16xi1>
          %ne3A = vector.broadcast %reduce_max3A_900 : i32 to vector<16xi32>
          %ne3A_913 = arith.cmpi ne, %iota3A, %ne3A : vector<16xi32>
          %and3A = arith.andi %while3A_892, %ne3A_913 : vector<16xi1>
          %add3A_914 = arith.constant 1 : i32
          %add3A_915 = arith.addi %while3A_893, %add3A_914 : i32
          scf.yield %and3A, %add3A_915 : vector<16xi1>, i32
        }
        %while3A_890:2 = scf.while (%while3A_892 = %eq3A_851, %while3A_893 = %while3A_889#1) : (vector<16xi1>, i32) -> (vector<16xi1>, i32) {
          %reduce_or3A_894 = arith.constant 1.000000e+00 : f32
          %reduce_or3A_895 = arith.constant 0.000000e+00 : f32
          %reduce_or3A_896 = vector.broadcast %reduce_or3A_894 : f32 to vector<16xf32>
          %reduce_or3A_897 = vector.broadcast %reduce_or3A_895 : f32 to vector<16xf32>
          %reduce_or3A_898 = arith.select %while3A_892, %reduce_or3A_896, %reduce_or3A_897 : vector<16xi1>, vector<16xf32>
          %reduce_or3A_899 = arith.constant true
          %reduce_or3A_900 = vector.broadcast %reduce_or3A_899 : i1 to vector<16xi1>
          %reduce_or3A_901 = tpu.scan <max>, %reduce_or3A_898 masked %reduce_or3A_900 : vector<16xf32>, vector<16xi1> -> vector<16xf32>
          %reduce_or3A_902 = vector.extract %reduce_or3A_901[15] : f32 from vector<16xf32>
          %reduce_or3A_903 = arith.constant 0.000000e+00 : f32
          %reduce_or3A_904 = arith.cmpf ogt, %reduce_or3A_902, %reduce_or3A_903 : f32
          scf.condition(%reduce_or3A_904) %while3A_892, %while3A_893 : vector<16xi1>, i32
        } do {
        ^bb0(%while3A_892: vector<16xi1>, %while3A_893: i32):
          %all_reduce_ffs3A = tpu.all_reduce %while3A_892 {dim = 0 : i64, kind = #tpu.reduction_kind<find_first_set>} : vector<16xi1> -> vector<16xi32>
          %reduce_max3A = arith.constant true
          %reduce_max3A_894 = vector.broadcast %reduce_max3A : i1 to vector<16xi1>
          %reduce_max3A_895 = arith.constant -2147483648 : i32
          %reduce_max3A_896 = vector.broadcast %reduce_max3A_895 : i32 to vector<16xi32>
          %reduce_max3A_897 = arith.xori %all_reduce_ffs3A, %reduce_max3A_896 : vector<16xi32>
          %reduce_max3A_898 = tpu.scan <max>, %reduce_max3A_897 masked %reduce_max3A_894 : vector<16xi32>, vector<16xi1> -> vector<16xi32>
          %reduce_max3A_899 = arith.xori %reduce_max3A_898, %reduce_max3A_896 : vector<16xi32>
          %reduce_max3A_900 = vector.extract %reduce_max3A_899[15] : i32 from vector<16xi32>
          %mul3A_901 = arith.constant 8 : i32
          %mul3A_902 = arith.muli %scan3A_753, %mul3A_901 : i32
          %add3A_903 = arith.constant 6 : i32
          %add3A_904 = arith.addi %mul3A_902, %add3A_903 : i32
          %mul3A_905 = arith.constant 16 : i32
          %mul3A_906 = arith.muli %add3A_904, %mul3A_905 : i32
          %add3A_907 = arith.addi %mul3A_906, %reduce_max3A_900 : i32
          %broadcast_in_dim3A_908 = vector.broadcast %while3A_893 : i32 to vector<16xi32>
          %broadcast_in_dim3A_909 = vector.broadcast %add3A_907 : i32 to vector<16xi32>
          %eq3A_910 = arith.constant 0 : i32
          %eq3A_911 = vector.broadcast %eq3A_910 : i32 to vector<16xi32>
          %eq3A_912 = arith.cmpi eq, %iota3A, %eq3A_911 : vector<16xi32>
          tpu.vector_store_idx %arg19[%broadcast_in_dim3A_908], %broadcast_in_dim3A_909 masked %eq3A_912 : memref<1280xi32, #tpu.memory_space<vmem>>[vector<16xi32>], vector<16xi32>, vector<16xi1>
          %ne3A = vector.broadcast %reduce_max3A_900 : i32 to vector<16xi32>
          %ne3A_913 = arith.cmpi ne, %iota3A, %ne3A : vector<16xi32>
          %and3A = arith.andi %while3A_892, %ne3A_913 : vector<16xi1>
          %add3A_914 = arith.constant 1 : i32
          %add3A_915 = arith.addi %while3A_893, %add3A_914 : i32
          scf.yield %and3A, %add3A_915 : vector<16xi1>, i32
        }
        %while3A_891:2 = scf.while (%while3A_892 = %eq3A_865, %while3A_893 = %while3A_890#1) : (vector<16xi1>, i32) -> (vector<16xi1>, i32) {
          %reduce_or3A_894 = arith.constant 1.000000e+00 : f32
          %reduce_or3A_895 = arith.constant 0.000000e+00 : f32
          %reduce_or3A_896 = vector.broadcast %reduce_or3A_894 : f32 to vector<16xf32>
          %reduce_or3A_897 = vector.broadcast %reduce_or3A_895 : f32 to vector<16xf32>
          %reduce_or3A_898 = arith.select %while3A_892, %reduce_or3A_896, %reduce_or3A_897 : vector<16xi1>, vector<16xf32>
          %reduce_or3A_899 = arith.constant true
          %reduce_or3A_900 = vector.broadcast %reduce_or3A_899 : i1 to vector<16xi1>
          %reduce_or3A_901 = tpu.scan <max>, %reduce_or3A_898 masked %reduce_or3A_900 : vector<16xf32>, vector<16xi1> -> vector<16xf32>
          %reduce_or3A_902 = vector.extract %reduce_or3A_901[15] : f32 from vector<16xf32>
          %reduce_or3A_903 = arith.constant 0.000000e+00 : f32
          %reduce_or3A_904 = arith.cmpf ogt, %reduce_or3A_902, %reduce_or3A_903 : f32
          scf.condition(%reduce_or3A_904) %while3A_892, %while3A_893 : vector<16xi1>, i32
        } do {
        ^bb0(%while3A_892: vector<16xi1>, %while3A_893: i32):
          %all_reduce_ffs3A = tpu.all_reduce %while3A_892 {dim = 0 : i64, kind = #tpu.reduction_kind<find_first_set>} : vector<16xi1> -> vector<16xi32>
          %reduce_max3A = arith.constant true
          %reduce_max3A_894 = vector.broadcast %reduce_max3A : i1 to vector<16xi1>
          %reduce_max3A_895 = arith.constant -2147483648 : i32
          %reduce_max3A_896 = vector.broadcast %reduce_max3A_895 : i32 to vector<16xi32>
          %reduce_max3A_897 = arith.xori %all_reduce_ffs3A, %reduce_max3A_896 : vector<16xi32>
          %reduce_max3A_898 = tpu.scan <max>, %reduce_max3A_897 masked %reduce_max3A_894 : vector<16xi32>, vector<16xi1> -> vector<16xi32>
          %reduce_max3A_899 = arith.xori %reduce_max3A_898, %reduce_max3A_896 : vector<16xi32>
          %reduce_max3A_900 = vector.extract %reduce_max3A_899[15] : i32 from vector<16xi32>
          %mul3A_901 = arith.constant 8 : i32
          %mul3A_902 = arith.muli %scan3A_753, %mul3A_901 : i32
          %add3A_903 = arith.constant 7 : i32
          %add3A_904 = arith.addi %mul3A_902, %add3A_903 : i32
          %mul3A_905 = arith.constant 16 : i32
          %mul3A_906 = arith.muli %add3A_904, %mul3A_905 : i32
          %add3A_907 = arith.addi %mul3A_906, %reduce_max3A_900 : i32
          %broadcast_in_dim3A_908 = vector.broadcast %while3A_893 : i32 to vector<16xi32>
          %broadcast_in_dim3A_909 = vector.broadcast %add3A_907 : i32 to vector<16xi32>
          %eq3A_910 = arith.constant 0 : i32
          %eq3A_911 = vector.broadcast %eq3A_910 : i32 to vector<16xi32>
          %eq3A_912 = arith.cmpi eq, %iota3A, %eq3A_911 : vector<16xi32>
          tpu.vector_store_idx %arg19[%broadcast_in_dim3A_908], %broadcast_in_dim3A_909 masked %eq3A_912 : memref<1280xi32, #tpu.memory_space<vmem>>[vector<16xi32>], vector<16xi32>, vector<16xi1>
          %ne3A = vector.broadcast %reduce_max3A_900 : i32 to vector<16xi32>
          %ne3A_913 = arith.cmpi ne, %iota3A, %ne3A : vector<16xi32>
          %and3A = arith.andi %while3A_892, %ne3A_913 : vector<16xi1>
          %add3A_914 = arith.constant 1 : i32
          %add3A_915 = arith.addi %while3A_893, %add3A_914 : i32
          scf.yield %and3A, %add3A_915 : vector<16xi1>, i32
        }
        scf.yield %while3A_891#1 : i32
      } else {
        scf.yield %scan3A_754 : i32
      }
      scf.yield %cond3A_883 : i32
    }
    %scan3A_333 = arith.constant 10 : i32
    %broadcast_in_dim3A_334 = arith.constant -3.000000e+38 : f32
    %broadcast_in_dim3A_335 = vector.broadcast %broadcast_in_dim3A_334 : f32 to vector<16xf32>
    %swap3A_336 = arith.constant 0 : index
    %swap3A_337 = tpu.vector_load %arg21[%swap3A_336] {strides = array<i32>} : memref<32xf32, #tpu.memory_space<vmem>>, vector<16xf32>,
    tpu.vector_store %arg21[%swap3A_336], %broadcast_in_dim3A_335 {strides = array<i32>} : memref<32xf32, #tpu.memory_space<vmem>>, vector<16xf32>,
    %broadcast_in_dim3A_338 = arith.constant 0 : i32
    %broadcast_in_dim3A_339 = vector.broadcast %broadcast_in_dim3A_338 : i32 to vector<16xi32>
    %swap3A_340 = arith.constant 0 : index
    %swap3A_341 = tpu.vector_load %arg22[%swap3A_340] {strides = array<i32>} : memref<32xi32, #tpu.memory_space<vmem>>, vector<16xi32>,
    tpu.vector_store %arg22[%swap3A_340], %broadcast_in_dim3A_339 {strides = array<i32>} : memref<32xi32, #tpu.memory_space<vmem>>, vector<16xi32>,
    %broadcast_in_dim3A_342 = arith.constant -3.000000e+38 : f32
    %broadcast_in_dim3A_343 = vector.broadcast %broadcast_in_dim3A_342 : f32 to vector<16xf32>
    %swap3A_344 = arith.constant 16 : index
    %swap3A_345 = tpu.vector_load %arg21[%swap3A_344] {strides = array<i32>} : memref<32xf32, #tpu.memory_space<vmem>>, vector<16xf32>,
    tpu.vector_store %arg21[%swap3A_344], %broadcast_in_dim3A_343 {strides = array<i32>} : memref<32xf32, #tpu.memory_space<vmem>>, vector<16xf32>,
    %broadcast_in_dim3A_346 = arith.constant 0 : i32
    %broadcast_in_dim3A_347 = vector.broadcast %broadcast_in_dim3A_346 : i32 to vector<16xi32>
    %swap3A_348 = arith.constant 16 : index
    %swap3A_349 = tpu.vector_load %arg22[%swap3A_348] {strides = array<i32>} : memref<32xi32, #tpu.memory_space<vmem>>, vector<16xi32>,
    tpu.vector_store %arg22[%swap3A_348], %broadcast_in_dim3A_347 {strides = array<i32>} : memref<32xi32, #tpu.memory_space<vmem>>, vector<16xi32>,
    %while3A_350 = arith.constant 0 : i32
    %while3A_351 = scf.while (%while3A_753 = %while3A_350) : (i32) -> i32 {
      %lt3A_754 = arith.cmpi slt, %while3A_753, %scan3A_332 : i32
      scf.condition(%lt3A_754) %while3A_753 : i32
    } do {
    ^bb0(%while3A_753: i32):
      %broadcast_in_dim3A_754 = vector.broadcast %while3A_753 : i32 to vector<16xi32>
      %gather3A = tpu.vector_load_idx %arg19[%broadcast_in_dim3A_754] : memref<1280xi32, #tpu.memory_space<vmem>>[vector<16xi32>], vector<16xi32>,
      %and3A = arith.constant 255 : i32
      %and3A_755 = vector.broadcast %and3A : i32 to vector<16xi32>
      %and3A_756 = arith.andi %gather3A, %and3A_755 : vector<16xi32>
      %dma_start3A_757 = arith.constant 0 : i32
      %dma_start3A_758 = arith.constant 0 : i32
      %dma_start3A_759 = tpu.memref_slice %arg5[%add3A_230, %dma_start3A_757, %dma_start3A_758] : memref<128x256x128xf32, #tpu.memory_space<hbm>> -> memref<1x256x128xf32, #tpu.memory_space<hbm>>
      %dma_start3A_760 = tpu.memref_squeeze %dma_start3A_759 : memref<1x256x128xf32, #tpu.memory_space<hbm>> -> memref<256x128xf32, #tpu.memory_space<hbm>>
      %dma_start3A_761 = arith.constant 0 : i32
      %dma_start3A_762 = arith.constant 0 : i32
      %dma_start3A_763 = tpu.memref_slice %dma_start3A_760[%dma_start3A_761, %dma_start3A_762] : memref<256x128xf32, #tpu.memory_space<hbm>> -> memref<256x128xf32, #tpu.memory_space<hbm>>
      tpu.enqueue_indirect_dma source(%dma_start3A_763 : memref<256x128xf32, #tpu.memory_space<hbm>>) target(%arg20 : memref<16x128xf32, #tpu.memory_space<vmem>>) offsets(%and3A_756 : vector<16xi32>) semaphore(%arg24 : memref<!tpu.dma_semaphore, #tpu.memory_space<semaphore_mem>>)
      %broadcast_in_dim3A_764 = arith.constant 1 : i32
      %broadcast_in_dim3A_765 = vector.broadcast %broadcast_in_dim3A_764 : i32 to vector<16xi32>
      %gather3A_766 = tpu.vector_load_idx %arg12[%broadcast_in_dim3A_765, %gather3A] : memref<4x1280xi32, #tpu.memory_space<vmem>>[vector<16xi32>, vector<16xi32>], vector<16xi32>,
      %gather3A_767 = tpu.vector_load_idx %arg13[%broadcast_in_dim3A_765, %gather3A] : memref<4x1280xf32, #tpu.memory_space<vmem>>[vector<16xi32>, vector<16xi32>], vector<16xf32>,
      %dma_wait3A_768 = arith.constant 0 : i32
      %dma_wait3A_769 = arith.constant 0 : i32
      %dma_wait3A_770 = tpu.memref_slice %arg5[%add3A_230, %dma_wait3A_768, %dma_wait3A_769] : memref<128x256x128xf32, #tpu.memory_space<hbm>> -> memref<1x256x128xf32, #tpu.memory_space<hbm>>
      %dma_wait3A_771 = tpu.memref_squeeze %dma_wait3A_770 : memref<1x256x128xf32, #tpu.memory_space<hbm>> -> memref<256x128xf32, #tpu.memory_space<hbm>>
      %dma_wait3A_772 = arith.constant 0 : i32
      %dma_wait3A_773 = arith.constant 0 : i32
      %dma_wait3A_774 = tpu.memref_slice %dma_wait3A_771[%dma_wait3A_772, %dma_wait3A_773] : memref<256x128xf32, #tpu.memory_space<hbm>> -> memref<256x128xf32, #tpu.memory_space<hbm>>
      tpu.wait_indirect_dma semaphore(%arg24 : memref<!tpu.dma_semaphore, #tpu.memory_space<semaphore_mem>>) src(%dma_wait3A_774 : memref<256x128xf32, #tpu.memory_space<hbm>>) dst(%arg20 : memref<16x128xf32, #tpu.memory_space<vmem>>)
      %eq3A_775 = arith.cmpi eq, %get3A_234, %gather3A_766 : vector<16xi32>
      %while3A_776 = scf.while (%while3A_781 = %eq3A_775) : (vector<16xi1>) -> vector<16xi1> {
        %reduce_or3A = arith.constant 1.000000e+00 : f32
        %reduce_or3A_782 = arith.constant 0.000000e+00 : f32
        %reduce_or3A_783 = vector.broadcast %reduce_or3A : f32 to vector<16xf32>
        %reduce_or3A_784 = vector.broadcast %reduce_or3A_782 : f32 to vector<16xf32>
        %reduce_or3A_785 = arith.select %while3A_781, %reduce_or3A_783, %reduce_or3A_784 : vector<16xi1>, vector<16xf32>
        %reduce_or3A_786 = arith.constant true
        %reduce_or3A_787 = vector.broadcast %reduce_or3A_786 : i1 to vector<16xi1>
        %reduce_or3A_788 = tpu.scan <max>, %reduce_or3A_785 masked %reduce_or3A_787 : vector<16xf32>, vector<16xi1> -> vector<16xf32>
        %reduce_or3A_789 = vector.extract %reduce_or3A_788[15] : f32 from vector<16xf32>
        %reduce_or3A_790 = arith.constant 0.000000e+00 : f32
        %reduce_or3A_791 = arith.cmpf ogt, %reduce_or3A_789, %reduce_or3A_790 : f32
        scf.condition(%reduce_or3A_791) %while3A_781 : vector<16xi1>
      } do {
      ^bb0(%while3A_781: vector<16xi1>):
        %all_reduce_ffs3A = tpu.all_reduce %while3A_781 {dim = 0 : i64, kind = #tpu.reduction_kind<find_first_set>} : vector<16xi1> -> vector<16xi32>
        %reduce_max3A = arith.constant true
        %reduce_max3A_782 = vector.broadcast %reduce_max3A : i1 to vector<16xi1>
        %reduce_max3A_783 = arith.constant -2147483648 : i32
        %reduce_max3A_784 = vector.broadcast %reduce_max3A_783 : i32 to vector<16xi32>
        %reduce_max3A_785 = arith.xori %all_reduce_ffs3A, %reduce_max3A_784 : vector<16xi32>
        %reduce_max3A_786 = tpu.scan <max>, %reduce_max3A_785 masked %reduce_max3A_782 : vector<16xi32>, vector<16xi1> -> vector<16xi32>
        %reduce_max3A_787 = arith.xori %reduce_max3A_786, %reduce_max3A_784 : vector<16xi32>
        %reduce_max3A_788 = vector.extract %reduce_max3A_787[15] : i32 from vector<16xi32>
        %add3A_789 = arith.constant 0 : i32
        %add3A_790 = arith.addi %add3A_789, %reduce_max3A_788 : i32
        %mul3A_791 = arith.constant 128 : i32
        %mul3A_792 = arith.muli %add3A_790, %mul3A_791 : i32
        %broadcast_in_dim3A_793 = arith.constant 0.000000e+00 : f32
        %broadcast_in_dim3A_794 = vector.broadcast %broadcast_in_dim3A_793 : f32 to vector<16xf32>
        %add3A_795 = arith.constant 0 : i32
        %add3A_796 = arith.addi %mul3A_792, %add3A_795 : i32
        %get3A_797 = arith.constant 1 : i32
        %get3A_798 = arith.index_cast %get3A_797 : i32 to index
        %get3A_799 = arith.index_cast %add3A_796 : i32 to index
        %get3A_800 = tpu.vector_load %arg14[%get3A_798, %get3A_799] {strides = array<i32>} : memref<4x4096xf32, #tpu.memory_space<vmem>>, vector<16xf32>,
        %get3A_801 = arith.constant 0 : i32
        %get3A_802 = arith.index_cast %get3A_801 : i32 to index
        %get3A_803 = arith.constant 0 : index
        %get3A_804 = tpu.vector_load %arg20[%get3A_802, %get3A_803] {strides = array<i32>} : memref<16x128xf32, #tpu.memory_space<vmem>>, vector<16xf32>,
        %mul3A_805 = arith.mulf %get3A_800, %get3A_804 : vector<16xf32>
        %add3A_806 = arith.addf %broadcast_in_dim3A_794, %mul3A_805 : vector<16xf32>
        %add3A_807 = arith.constant 16 : i32
        %add3A_808 = arith.addi %mul3A_792, %add3A_807 : i32
        %get3A_809 = arith.constant 1 : i32
        %get3A_810 = arith.index_cast %get3A_809 : i32 to index
        %get3A_811 = arith.index_cast %add3A_808 : i32 to index
        %get3A_812 = tpu.vector_load %arg14[%get3A_810, %get3A_811] {strides = array<i32>} : memref<4x4096xf32, #tpu.memory_space<vmem>>, vector<16xf32>,
        %get3A_813 = arith.constant 0 : i32
        %get3A_814 = arith.index_cast %get3A_813 : i32 to index
        %get3A_815 = arith.constant 16 : index
        %get3A_816 = tpu.vector_load %arg20[%get3A_814, %get3A_815] {strides = array<i32>} : memref<16x128xf32, #tpu.memory_space<vmem>>, vector<16xf32>,
        %mul3A_817 = arith.mulf %get3A_812, %get3A_816 : vector<16xf32>
        %add3A_818 = arith.addf %add3A_806, %mul3A_817 : vector<16xf32>
        %add3A_819 = arith.constant 32 : i32
        %add3A_820 = arith.addi %mul3A_792, %add3A_819 : i32
        %get3A_821 = arith.constant 1 : i32
        %get3A_822 = arith.index_cast %get3A_821 : i32 to index
        %get3A_823 = arith.index_cast %add3A_820 : i32 to index
        %get3A_824 = tpu.vector_load %arg14[%get3A_822, %get3A_823] {strides = array<i32>} : memref<4x4096xf32, #tpu.memory_space<vmem>>, vector<16xf32>,
        %get3A_825 = arith.constant 0 : i32
        %get3A_826 = arith.index_cast %get3A_825 : i32 to index
        %get3A_827 = arith.constant 32 : index
        %get3A_828 = tpu.vector_load %arg20[%get3A_826, %get3A_827] {strides = array<i32>} : memref<16x128xf32, #tpu.memory_space<vmem>>, vector<16xf32>,
        %mul3A_829 = arith.mulf %get3A_824, %get3A_828 : vector<16xf32>
        %add3A_830 = arith.addf %add3A_818, %mul3A_829 : vector<16xf32>
        %add3A_831 = arith.constant 48 : i32
        %add3A_832 = arith.addi %mul3A_792, %add3A_831 : i32
        %get3A_833 = arith.constant 1 : i32
        %get3A_834 = arith.index_cast %get3A_833 : i32 to index
        %get3A_835 = arith.index_cast %add3A_832 : i32 to index
        %get3A_836 = tpu.vector_load %arg14[%get3A_834, %get3A_835] {strides = array<i32>} : memref<4x4096xf32, #tpu.memory_space<vmem>>, vector<16xf32>,
        %get3A_837 = arith.constant 0 : i32
        %get3A_838 = arith.index_cast %get3A_837 : i32 to index
        %get3A_839 = arith.constant 48 : index
        %get3A_840 = tpu.vector_load %arg20[%get3A_838, %get3A_839] {strides = array<i32>} : memref<16x128xf32, #tpu.memory_space<vmem>>, vector<16xf32>,
        %mul3A_841 = arith.mulf %get3A_836, %get3A_840 : vector<16xf32>
        %add3A_842 = arith.addf %add3A_830, %mul3A_841 : vector<16xf32>
        %add3A_843 = arith.constant 64 : i32
        %add3A_844 = arith.addi %mul3A_792, %add3A_843 : i32
        %get3A_845 = arith.constant 1 : i32
        %get3A_846 = arith.index_cast %get3A_845 : i32 to index
        %get3A_847 = arith.index_cast %add3A_844 : i32 to index
        %get3A_848 = tpu.vector_load %arg14[%get3A_846, %get3A_847] {strides = array<i32>} : memref<4x4096xf32, #tpu.memory_space<vmem>>, vector<16xf32>,
        %get3A_849 = arith.constant 0 : i32
        %get3A_850 = arith.index_cast %get3A_849 : i32 to index
        %get3A_851 = arith.constant 64 : index
        %get3A_852 = tpu.vector_load %arg20[%get3A_850, %get3A_851] {strides = array<i32>} : memref<16x128xf32, #tpu.memory_space<vmem>>, vector<16xf32>,
        %mul3A_853 = arith.mulf %get3A_848, %get3A_852 : vector<16xf32>
        %add3A_854 = arith.addf %add3A_842, %mul3A_853 : vector<16xf32>
        %add3A_855 = arith.constant 80 : i32
        %add3A_856 = arith.addi %mul3A_792, %add3A_855 : i32
        %get3A_857 = arith.constant 1 : i32
        %get3A_858 = arith.index_cast %get3A_857 : i32 to index
        %get3A_859 = arith.index_cast %add3A_856 : i32 to index
        %get3A_860 = tpu.vector_load %arg14[%get3A_858, %get3A_859] {strides = array<i32>} : memref<4x4096xf32, #tpu.memory_space<vmem>>, vector<16xf32>,
        %get3A_861 = arith.constant 0 : i32
        %get3A_862 = arith.index_cast %get3A_861 : i32 to index
        %get3A_863 = arith.constant 80 : index
        %get3A_864 = tpu.vector_load %arg20[%get3A_862, %get3A_863] {strides = array<i32>} : memref<16x128xf32, #tpu.memory_space<vmem>>, vector<16xf32>,
        %mul3A_865 = arith.mulf %get3A_860, %get3A_864 : vector<16xf32>
        %add3A_866 = arith.addf %add3A_854, %mul3A_865 : vector<16xf32>
        %add3A_867 = arith.constant 96 : i32
        %add3A_868 = arith.addi %mul3A_792, %add3A_867 : i32
        %get3A_869 = arith.constant 1 : i32
        %get3A_870 = arith.index_cast %get3A_869 : i32 to index
        %get3A_871 = arith.index_cast %add3A_868 : i32 to index
        %get3A_872 = tpu.vector_load %arg14[%get3A_870, %get3A_871] {strides = array<i32>} : memref<4x4096xf32, #tpu.memory_space<vmem>>, vector<16xf32>,
        %get3A_873 = arith.constant 0 : i32
        %get3A_874 = arith.index_cast %get3A_873 : i32 to index
        %get3A_875 = arith.constant 96 : index
        %get3A_876 = tpu.vector_load %arg20[%get3A_874, %get3A_875] {strides = array<i32>} : memref<16x128xf32, #tpu.memory_space<vmem>>, vector<16xf32>,
        %mul3A_877 = arith.mulf %get3A_872, %get3A_876 : vector<16xf32>
        %add3A_878 = arith.addf %add3A_866, %mul3A_877 : vector<16xf32>
        %add3A_879 = arith.constant 112 : i32
        %add3A_880 = arith.addi %mul3A_792, %add3A_879 : i32
        %get3A_881 = arith.constant 1 : i32
        %get3A_882 = arith.index_cast %get3A_881 : i32 to index
        %get3A_883 = arith.index_cast %add3A_880 : i32 to index
        %get3A_884 = tpu.vector_load %arg14[%get3A_882, %get3A_883] {strides = array<i32>} : memref<4x4096xf32, #tpu.memory_space<vmem>>, vector<16xf32>,
        %get3A_885 = arith.constant 0 : i32
        %get3A_886 = arith.index_cast %get3A_885 : i32 to index
        %get3A_887 = arith.constant 112 : index
        %get3A_888 = tpu.vector_load %arg20[%get3A_886, %get3A_887] {strides = array<i32>} : memref<16x128xf32, #tpu.memory_space<vmem>>, vector<16xf32>,
        %mul3A_889 = arith.mulf %get3A_884, %get3A_888 : vector<16xf32>
        %add3A_890 = arith.addf %add3A_878, %mul3A_889 : vector<16xf32>
        %reduce_sum3A_891 = arith.constant true
        %reduce_sum3A_892 = vector.broadcast %reduce_sum3A_891 : i1 to vector<16xi1>
        %reduce_sum3A_893 = tpu.scan <sum>, %add3A_890 masked %reduce_sum3A_892 : vector<16xf32>, vector<16xi1> -> vector<16xf32>
        %reduce_sum3A_894 = vector.extract %reduce_sum3A_893[15] : f32 from vector<16xf32>
        %mul3A_895 = vector.broadcast %reduce_sum3A_894 : f32 to vector<16xf32>
        %mul3A_896 = arith.mulf %mul3A_895, %gather3A_767 : vector<16xf32>
        %eq3A_897 = vector.broadcast %reduce_max3A_788 : i32 to vector<16xi32>
        %eq3A_898 = arith.cmpi eq, %iota3A, %eq3A_897 : vector<16xi32>
        %get3A_899 = arith.constant 0 : index
        %get3A_900 = tpu.vector_load %arg21[%get3A_899] {strides = array<i32>} : memref<32xf32, #tpu.memory_space<vmem>>, vector<16xf32>,
        %max3A_901 = arith.maximumf %get3A_900, %mul3A_896 : vector<16xf32>
        %select_n3A_902 = arith.select %eq3A_898, %max3A_901, %get3A_900 : vector<16xi1>, vector<16xf32>
        %swap3A_903 = arith.constant 0 : index
        %swap3A_904 = tpu.vector_load %arg21[%swap3A_903] {strides = array<i32>} : memref<32xf32, #tpu.memory_space<vmem>>, vector<16xf32>,
        tpu.vector_store %arg21[%swap3A_903], %select_n3A_902 {strides = array<i32>} : memref<32xf32, #tpu.memory_space<vmem>>, vector<16xf32>,
        %get3A_905 = arith.constant 0 : index
        %get3A_906 = tpu.vector_load %arg22[%get3A_905] {strides = array<i32>} : memref<32xi32, #tpu.memory_space<vmem>>, vector<16xi32>,
        %add3A_907 = arith.constant 1 : i32
        %add3A_908 = vector.broadcast %add3A_907 : i32 to vector<16xi32>
        %add3A_909 = arith.addi %get3A_906, %add3A_908 : vector<16xi32>
        %select_n3A_910 = arith.select %eq3A_898, %add3A_909, %get3A_906 : vector<16xi1>, vector<16xi32>
        %swap3A_911 = arith.constant 0 : index
        %swap3A_912 = tpu.vector_load %arg22[%swap3A_911] {strides = array<i32>} : memref<32xi32, #tpu.memory_space<vmem>>, vector<16xi32>,
        tpu.vector_store %arg22[%swap3A_911], %select_n3A_910 {strides = array<i32>} : memref<32xi32, #tpu.memory_space<vmem>>, vector<16xi32>,
        %ne3A = vector.broadcast %reduce_max3A_788 : i32 to vector<16xi32>
        %ne3A_913 = arith.cmpi ne, %iota3A, %ne3A : vector<16xi32>
        %and3A_914 = arith.andi %while3A_781, %ne3A_913 : vector<16xi1>
        scf.yield %and3A_914 : vector<16xi1>
      }
      %eq3A_777 = arith.cmpi eq, %get3A_238, %gather3A_766 : vector<16xi32>
      %while3A_778 = scf.while (%while3A_781 = %eq3A_777) : (vector<16xi1>) -> vector<16xi1> {
        %reduce_or3A = arith.constant 1.000000e+00 : f32
        %reduce_or3A_782 = arith.constant 0.000000e+00 : f32
        %reduce_or3A_783 = vector.broadcast %reduce_or3A : f32 to vector<16xf32>
        %reduce_or3A_784 = vector.broadcast %reduce_or3A_782 : f32 to vector<16xf32>
        %reduce_or3A_785 = arith.select %while3A_781, %reduce_or3A_783, %reduce_or3A_784 : vector<16xi1>, vector<16xf32>
        %reduce_or3A_786 = arith.constant true
        %reduce_or3A_787 = vector.broadcast %reduce_or3A_786 : i1 to vector<16xi1>
        %reduce_or3A_788 = tpu.scan <max>, %reduce_or3A_785 masked %reduce_or3A_787 : vector<16xf32>, vector<16xi1> -> vector<16xf32>
        %reduce_or3A_789 = vector.extract %reduce_or3A_788[15] : f32 from vector<16xf32>
        %reduce_or3A_790 = arith.constant 0.000000e+00 : f32
        %reduce_or3A_791 = arith.cmpf ogt, %reduce_or3A_789, %reduce_or3A_790 : f32
        scf.condition(%reduce_or3A_791) %while3A_781 : vector<16xi1>
      } do {
      ^bb0(%while3A_781: vector<16xi1>):
        %all_reduce_ffs3A = tpu.all_reduce %while3A_781 {dim = 0 : i64, kind = #tpu.reduction_kind<find_first_set>} : vector<16xi1> -> vector<16xi32>
        %reduce_max3A = arith.constant true
        %reduce_max3A_782 = vector.broadcast %reduce_max3A : i1 to vector<16xi1>
        %reduce_max3A_783 = arith.constant -2147483648 : i32
        %reduce_max3A_784 = vector.broadcast %reduce_max3A_783 : i32 to vector<16xi32>
        %reduce_max3A_785 = arith.xori %all_reduce_ffs3A, %reduce_max3A_784 : vector<16xi32>
        %reduce_max3A_786 = tpu.scan <max>, %reduce_max3A_785 masked %reduce_max3A_782 : vector<16xi32>, vector<16xi1> -> vector<16xi32>
        %reduce_max3A_787 = arith.xori %reduce_max3A_786, %reduce_max3A_784 : vector<16xi32>
        %reduce_max3A_788 = vector.extract %reduce_max3A_787[15] : i32 from vector<16xi32>
        %add3A_789 = arith.constant 16 : i32
        %add3A_790 = arith.addi %add3A_789, %reduce_max3A_788 : i32
        %mul3A_791 = arith.constant 128 : i32
        %mul3A_792 = arith.muli %add3A_790, %mul3A_791 : i32
        %broadcast_in_dim3A_793 = arith.constant 0.000000e+00 : f32
        %broadcast_in_dim3A_794 = vector.broadcast %broadcast_in_dim3A_793 : f32 to vector<16xf32>
        %add3A_795 = arith.constant 0 : i32
        %add3A_796 = arith.addi %mul3A_792, %add3A_795 : i32
        %get3A_797 = arith.constant 1 : i32
        %get3A_798 = arith.index_cast %get3A_797 : i32 to index
        %get3A_799 = arith.index_cast %add3A_796 : i32 to index
        %get3A_800 = tpu.vector_load %arg14[%get3A_798, %get3A_799] {strides = array<i32>} : memref<4x4096xf32, #tpu.memory_space<vmem>>, vector<16xf32>,
        %get3A_801 = arith.constant 0 : i32
        %get3A_802 = arith.index_cast %get3A_801 : i32 to index
        %get3A_803 = arith.constant 0 : index
        %get3A_804 = tpu.vector_load %arg20[%get3A_802, %get3A_803] {strides = array<i32>} : memref<16x128xf32, #tpu.memory_space<vmem>>, vector<16xf32>,
        %mul3A_805 = arith.mulf %get3A_800, %get3A_804 : vector<16xf32>
        %add3A_806 = arith.addf %broadcast_in_dim3A_794, %mul3A_805 : vector<16xf32>
        %add3A_807 = arith.constant 16 : i32
        %add3A_808 = arith.addi %mul3A_792, %add3A_807 : i32
        %get3A_809 = arith.constant 1 : i32
        %get3A_810 = arith.index_cast %get3A_809 : i32 to index
        %get3A_811 = arith.index_cast %add3A_808 : i32 to index
        %get3A_812 = tpu.vector_load %arg14[%get3A_810, %get3A_811] {strides = array<i32>} : memref<4x4096xf32, #tpu.memory_space<vmem>>, vector<16xf32>,
        %get3A_813 = arith.constant 0 : i32
        %get3A_814 = arith.index_cast %get3A_813 : i32 to index
        %get3A_815 = arith.constant 16 : index
        %get3A_816 = tpu.vector_load %arg20[%get3A_814, %get3A_815] {strides = array<i32>} : memref<16x128xf32, #tpu.memory_space<vmem>>, vector<16xf32>,
        %mul3A_817 = arith.mulf %get3A_812, %get3A_816 : vector<16xf32>
        %add3A_818 = arith.addf %add3A_806, %mul3A_817 : vector<16xf32>
        %add3A_819 = arith.constant 32 : i32
        %add3A_820 = arith.addi %mul3A_792, %add3A_819 : i32
        %get3A_821 = arith.constant 1 : i32
        %get3A_822 = arith.index_cast %get3A_821 : i32 to index
        %get3A_823 = arith.index_cast %add3A_820 : i32 to index
        %get3A_824 = tpu.vector_load %arg14[%get3A_822, %get3A_823] {strides = array<i32>} : memref<4x4096xf32, #tpu.memory_space<vmem>>, vector<16xf32>,
        %get3A_825 = arith.constant 0 : i32
        %get3A_826 = arith.index_cast %get3A_825 : i32 to index
        %get3A_827 = arith.constant 32 : index
        %get3A_828 = tpu.vector_load %arg20[%get3A_826, %get3A_827] {strides = array<i32>} : memref<16x128xf32, #tpu.memory_space<vmem>>, vector<16xf32>,
        %mul3A_829 = arith.mulf %get3A_824, %get3A_828 : vector<16xf32>
        %add3A_830 = arith.addf %add3A_818, %mul3A_829 : vector<16xf32>
        %add3A_831 = arith.constant 48 : i32
        %add3A_832 = arith.addi %mul3A_792, %add3A_831 : i32
        %get3A_833 = arith.constant 1 : i32
        %get3A_834 = arith.index_cast %get3A_833 : i32 to index
        %get3A_835 = arith.index_cast %add3A_832 : i32 to index
        %get3A_836 = tpu.vector_load %arg14[%get3A_834, %get3A_835] {strides = array<i32>} : memref<4x4096xf32, #tpu.memory_space<vmem>>, vector<16xf32>,
        %get3A_837 = arith.constant 0 : i32
        %get3A_838 = arith.index_cast %get3A_837 : i32 to index
        %get3A_839 = arith.constant 48 : index
        %get3A_840 = tpu.vector_load %arg20[%get3A_838, %get3A_839] {strides = array<i32>} : memref<16x128xf32, #tpu.memory_space<vmem>>, vector<16xf32>,
        %mul3A_841 = arith.mulf %get3A_836, %get3A_840 : vector<16xf32>
        %add3A_842 = arith.addf %add3A_830, %mul3A_841 : vector<16xf32>
        %add3A_843 = arith.constant 64 : i32
        %add3A_844 = arith.addi %mul3A_792, %add3A_843 : i32
        %get3A_845 = arith.constant 1 : i32
        %get3A_846 = arith.index_cast %get3A_845 : i32 to index
        %get3A_847 = arith.index_cast %add3A_844 : i32 to index
        %get3A_848 = tpu.vector_load %arg14[%get3A_846, %get3A_847] {strides = array<i32>} : memref<4x4096xf32, #tpu.memory_space<vmem>>, vector<16xf32>,
        %get3A_849 = arith.constant 0 : i32
        %get3A_850 = arith.index_cast %get3A_849 : i32 to index
        %get3A_851 = arith.constant 64 : index
        %get3A_852 = tpu.vector_load %arg20[%get3A_850, %get3A_851] {strides = array<i32>} : memref<16x128xf32, #tpu.memory_space<vmem>>, vector<16xf32>,
        %mul3A_853 = arith.mulf %get3A_848, %get3A_852 : vector<16xf32>
        %add3A_854 = arith.addf %add3A_842, %mul3A_853 : vector<16xf32>
        %add3A_855 = arith.constant 80 : i32
        %add3A_856 = arith.addi %mul3A_792, %add3A_855 : i32
        %get3A_857 = arith.constant 1 : i32
        %get3A_858 = arith.index_cast %get3A_857 : i32 to index
        %get3A_859 = arith.index_cast %add3A_856 : i32 to index
        %get3A_860 = tpu.vector_load %arg14[%get3A_858, %get3A_859] {strides = array<i32>} : memref<4x4096xf32, #tpu.memory_space<vmem>>, vector<16xf32>,
        %get3A_861 = arith.constant 0 : i32
        %get3A_862 = arith.index_cast %get3A_861 : i32 to index
        %get3A_863 = arith.constant 80 : index
        %get3A_864 = tpu.vector_load %arg20[%get3A_862, %get3A_863] {strides = array<i32>} : memref<16x128xf32, #tpu.memory_space<vmem>>, vector<16xf32>,
        %mul3A_865 = arith.mulf %get3A_860, %get3A_864 : vector<16xf32>
        %add3A_866 = arith.addf %add3A_854, %mul3A_865 : vector<16xf32>
        %add3A_867 = arith.constant 96 : i32
        %add3A_868 = arith.addi %mul3A_792, %add3A_867 : i32
        %get3A_869 = arith.constant 1 : i32
        %get3A_870 = arith.index_cast %get3A_869 : i32 to index
        %get3A_871 = arith.index_cast %add3A_868 : i32 to index
        %get3A_872 = tpu.vector_load %arg14[%get3A_870, %get3A_871] {strides = array<i32>} : memref<4x4096xf32, #tpu.memory_space<vmem>>, vector<16xf32>,
        %get3A_873 = arith.constant 0 : i32
        %get3A_874 = arith.index_cast %get3A_873 : i32 to index
        %get3A_875 = arith.constant 96 : index
        %get3A_876 = tpu.vector_load %arg20[%get3A_874, %get3A_875] {strides = array<i32>} : memref<16x128xf32, #tpu.memory_space<vmem>>, vector<16xf32>,
        %mul3A_877 = arith.mulf %get3A_872, %get3A_876 : vector<16xf32>
        %add3A_878 = arith.addf %add3A_866, %mul3A_877 : vector<16xf32>
        %add3A_879 = arith.constant 112 : i32
        %add3A_880 = arith.addi %mul3A_792, %add3A_879 : i32
        %get3A_881 = arith.constant 1 : i32
        %get3A_882 = arith.index_cast %get3A_881 : i32 to index
        %get3A_883 = arith.index_cast %add3A_880 : i32 to index
        %get3A_884 = tpu.vector_load %arg14[%get3A_882, %get3A_883] {strides = array<i32>} : memref<4x4096xf32, #tpu.memory_space<vmem>>, vector<16xf32>,
        %get3A_885 = arith.constant 0 : i32
        %get3A_886 = arith.index_cast %get3A_885 : i32 to index
        %get3A_887 = arith.constant 112 : index
        %get3A_888 = tpu.vector_load %arg20[%get3A_886, %get3A_887] {strides = array<i32>} : memref<16x128xf32, #tpu.memory_space<vmem>>, vector<16xf32>,
        %mul3A_889 = arith.mulf %get3A_884, %get3A_888 : vector<16xf32>
        %add3A_890 = arith.addf %add3A_878, %mul3A_889 : vector<16xf32>
        %reduce_sum3A_891 = arith.constant true
        %reduce_sum3A_892 = vector.broadcast %reduce_sum3A_891 : i1 to vector<16xi1>
        %reduce_sum3A_893 = tpu.scan <sum>, %add3A_890 masked %reduce_sum3A_892 : vector<16xf32>, vector<16xi1> -> vector<16xf32>
        %reduce_sum3A_894 = vector.extract %reduce_sum3A_893[15] : f32 from vector<16xf32>
        %mul3A_895 = vector.broadcast %reduce_sum3A_894 : f32 to vector<16xf32>
        %mul3A_896 = arith.mulf %mul3A_895, %gather3A_767 : vector<16xf32>
        %eq3A_897 = vector.broadcast %reduce_max3A_788 : i32 to vector<16xi32>
        %eq3A_898 = arith.cmpi eq, %iota3A, %eq3A_897 : vector<16xi32>
        %get3A_899 = arith.constant 16 : index
        %get3A_900 = tpu.vector_load %arg21[%get3A_899] {strides = array<i32>} : memref<32xf32, #tpu.memory_space<vmem>>, vector<16xf32>,
        %max3A_901 = arith.maximumf %get3A_900, %mul3A_896 : vector<16xf32>
        %select_n3A_902 = arith.select %eq3A_898, %max3A_901, %get3A_900 : vector<16xi1>, vector<16xf32>
        %swap3A_903 = arith.constant 16 : index
        %swap3A_904 = tpu.vector_load %arg21[%swap3A_903] {strides = array<i32>} : memref<32xf32, #tpu.memory_space<vmem>>, vector<16xf32>,
        tpu.vector_store %arg21[%swap3A_903], %select_n3A_902 {strides = array<i32>} : memref<32xf32, #tpu.memory_space<vmem>>, vector<16xf32>,
        %get3A_905 = arith.constant 16 : index
        %get3A_906 = tpu.vector_load %arg22[%get3A_905] {strides = array<i32>} : memref<32xi32, #tpu.memory_space<vmem>>, vector<16xi32>,
        %add3A_907 = arith.constant 1 : i32
        %add3A_908 = vector.broadcast %add3A_907 : i32 to vector<16xi32>
        %add3A_909 = arith.addi %get3A_906, %add3A_908 : vector<16xi32>
        %select_n3A_910 = arith.select %eq3A_898, %add3A_909, %get3A_906 : vector<16xi1>, vector<16xi32>
        %swap3A_911 = arith.constant 16 : index
        %swap3A_912 = tpu.vector_load %arg22[%swap3A_911] {strides = array<i32>} : memref<32xi32, #tpu.memory_space<vmem>>, vector<16xi32>,
        tpu.vector_store %arg22[%swap3A_911], %select_n3A_910 {strides = array<i32>} : memref<32xi32, #tpu.memory_space<vmem>>, vector<16xi32>,
        %ne3A = vector.broadcast %reduce_max3A_788 : i32 to vector<16xi32>
        %ne3A_913 = arith.cmpi ne, %iota3A, %ne3A : vector<16xi32>
        %and3A_914 = arith.andi %while3A_781, %ne3A_913 : vector<16xi1>
        scf.yield %and3A_914 : vector<16xi1>
      }
      %add3A_779 = arith.constant 1 : i32
      %add3A_780 = arith.addi %while3A_753, %add3A_779 : i32
      scf.yield %add3A_780 : i32
    }
    %get3A_352 = arith.constant 0 : index
    %get3A_353 = tpu.vector_load %arg21[%get3A_352] {strides = array<i32>} : memref<32xf32, #tpu.memory_space<vmem>>, vector<16xf32>,
    %get3A_354 = arith.constant 0 : index
    %get3A_355 = tpu.vector_load %arg22[%get3A_354] {strides = array<i32>} : memref<32xi32, #tpu.memory_space<vmem>>, vector<16xi32>,
    %lt3A_356 = arith.constant 1280 : i32
    %lt3A_357 = vector.broadcast %lt3A_356 : i32 to vector<16xi32>
    %lt3A_358 = arith.cmpi slt, %get3A_355, %lt3A_357 : vector<16xi32>
    %max3A_359 = arith.constant 0.000000e+00 : f32
    %max3A_360 = vector.broadcast %max3A_359 : f32 to vector<16xf32>
    %max3A_361 = arith.maximumf %get3A_353, %max3A_360 : vector<16xf32>
    %select_n3A_362 = arith.select %lt3A_358, %max3A_361, %get3A_353 : vector<16xi1>, vector<16xf32>
    %get3A_363 = arith.constant 1 : i32
    %get3A_364 = arith.index_cast %get3A_363 : i32 to index
    %get3A_365 = arith.constant 0 : index
    %get3A_366 = tpu.vector_load %arg16[%get3A_364, %get3A_365] {strides = array<i32>} : memref<4x32xf32, #tpu.memory_space<vmem>>, vector<16xf32>,
    %mul3A_367 = arith.mulf %get3A_366, %select_n3A_362 : vector<16xf32>
    %reduce_sum3A_368 = arith.constant true
    %reduce_sum3A_369 = vector.broadcast %reduce_sum3A_368 : i1 to vector<16xi1>
    %reduce_sum3A_370 = tpu.scan <sum>, %mul3A_367 masked %reduce_sum3A_369 : vector<16xf32>, vector<16xi1> -> vector<16xf32>
    %reduce_sum3A_371 = vector.extract %reduce_sum3A_370[15] : f32 from vector<16xf32>
    %add3A_372 = arith.constant 0.000000e+00 : f32
    %add3A_373 = arith.addf %add3A_372, %reduce_sum3A_371 : f32
    %get3A_374 = arith.constant 16 : index
    %get3A_375 = tpu.vector_load %arg21[%get3A_374] {strides = array<i32>} : memref<32xf32, #tpu.memory_space<vmem>>, vector<16xf32>,
    %get3A_376 = arith.constant 16 : index
    %get3A_377 = tpu.vector_load %arg22[%get3A_376] {strides = array<i32>} : memref<32xi32, #tpu.memory_space<vmem>>, vector<16xi32>,
    %lt3A_378 = arith.constant 1280 : i32
    %lt3A_379 = vector.broadcast %lt3A_378 : i32 to vector<16xi32>
    %lt3A_380 = arith.cmpi slt, %get3A_377, %lt3A_379 : vector<16xi32>
    %max3A_381 = arith.constant 0.000000e+00 : f32
    %max3A_382 = vector.broadcast %max3A_381 : f32 to vector<16xf32>
    %max3A_383 = arith.maximumf %get3A_375, %max3A_382 : vector<16xf32>
    %select_n3A_384 = arith.select %lt3A_380, %max3A_383, %get3A_375 : vector<16xi1>, vector<16xf32>
    %get3A_385 = arith.constant 1 : i32
    %get3A_386 = arith.index_cast %get3A_385 : i32 to index
    %get3A_387 = arith.constant 16 : index
    %get3A_388 = tpu.vector_load %arg16[%get3A_386, %get3A_387] {strides = array<i32>} : memref<4x32xf32, #tpu.memory_space<vmem>>, vector<16xf32>,
    %mul3A_389 = arith.mulf %get3A_388, %select_n3A_384 : vector<16xf32>
    %reduce_sum3A_390 = arith.constant true
    %reduce_sum3A_391 = vector.broadcast %reduce_sum3A_390 : i1 to vector<16xi1>
    %reduce_sum3A_392 = tpu.scan <sum>, %mul3A_389 masked %reduce_sum3A_391 : vector<16xf32>, vector<16xi1> -> vector<16xf32>
    %reduce_sum3A_393 = vector.extract %reduce_sum3A_392[15] : f32 from vector<16xf32>
    %add3A_394 = arith.addf %add3A_373, %reduce_sum3A_393 : f32
    %eq3A_395 = arith.constant 1 : i32
    %eq3A_396 = vector.broadcast %eq3A_395 : i32 to vector<16xi32>
    %eq3A_397 = arith.cmpi eq, %iota3A, %eq3A_396 : vector<16xi32>
    %add3A_398 = arith.addf %add3A_394, %reduce_sum3A_326 : f32
    %broadcast_in_dim3A_399 = vector.broadcast %add3A_398 : f32 to vector<16xf32>
    %select_n3A_400 = arith.select %eq3A_397, %broadcast_in_dim3A_399, %select_n3A_226 : vector<16xi1>, vector<16xf32>
    %broadcast_in_dim3A_401 = arith.constant 0 : i32
    %broadcast_in_dim3A_402 = vector.broadcast %broadcast_in_dim3A_401 : i32 to vector<16xi32>
    tpu.vector_store_idx %arg11[%get3A_234], %broadcast_in_dim3A_402 : memref<30528xi32, #tpu.memory_space<vmem>>[vector<16xi32>], vector<16xi32>,
    tpu.vector_store_idx %arg11[%get3A_238], %broadcast_in_dim3A_402 : memref<30528xi32, #tpu.memory_space<vmem>>[vector<16xi32>], vector<16xi32>,
    %add3A_403 = arith.constant 2 : i32
    %add3A_404 = arith.addi %mul3A_2, %add3A_403 : i32
    %get3A_405 = arith.constant 2 : i32
    %get3A_406 = arith.index_cast %get3A_405 : i32 to index
    %get3A_407 = arith.constant 0 : index
    %get3A_408 = tpu.vector_load %arg15[%get3A_406, %get3A_407] {strides = array<i32>} : memref<4x32xi32, #tpu.memory_space<vmem>>, vector<16xi32>,
    %get3A_409 = arith.constant 2 : i32
    %get3A_410 = arith.index_cast %get3A_409 : i32 to index
    %get3A_411 = arith.constant 16 : index
    %get3A_412 = tpu.vector_load %arg15[%get3A_410, %get3A_411] {strides = array<i32>} : memref<4x32xi32, #tpu.memory_space<vmem>>, vector<16xi32>,
    %broadcast_in_dim3A_413 = arith.constant 1 : i32
    %broadcast_in_dim3A_414 = vector.broadcast %broadcast_in_dim3A_413 : i32 to vector<16xi32>
    tpu.vector_store_idx %arg11[%get3A_408], %broadcast_in_dim3A_414 : memref<30528xi32, #tpu.memory_space<vmem>>[vector<16xi32>], vector<16xi32>,
    tpu.vector_store_idx %arg11[%get3A_412], %broadcast_in_dim3A_414 : memref<30528xi32, #tpu.memory_space<vmem>>[vector<16xi32>], vector<16xi32>,
    %broadcast_in_dim3A_415 = arith.constant 0.000000e+00 : f32
    %broadcast_in_dim3A_416 = vector.broadcast %broadcast_in_dim3A_415 : f32 to vector<16xf32>
    %get3A_417 = arith.constant 2 : i32
    %get3A_418 = arith.index_cast %get3A_417 : i32 to index
    %get3A_419 = arith.constant 0 : index
    %get3A_420 = tpu.vector_load %arg17[%get3A_418, %get3A_419] {strides = array<i32>} : memref<4x128xf32, #tpu.memory_space<vmem>>, vector<16xf32>,
    %get3A_421 = arith.constant 2 : i32
    %get3A_422 = arith.index_cast %get3A_421 : i32 to index
    %get3A_423 = arith.constant 0 : index
    %get3A_424 = tpu.vector_load %arg18[%get3A_422, %get3A_423] {strides = array<i32>} : memref<4x128xf32, #tpu.memory_space<vmem>>, vector<16xf32>,
    %mul3A_425 = arith.mulf %get3A_420, %get3A_424 : vector<16xf32>
    %add3A_426 = arith.addf %broadcast_in_dim3A_416, %mul3A_425 : vector<16xf32>
    %get3A_427 = arith.constant 2 : i32
    %get3A_428 = arith.index_cast %get3A_427 : i32 to index
    %get3A_429 = arith.constant 16 : index
    %get3A_430 = tpu.vector_load %arg17[%get3A_428, %get3A_429] {strides = array<i32>} : memref<4x128xf32, #tpu.memory_space<vmem>>, vector<16xf32>,
    %get3A_431 = arith.constant 2 : i32
    %get3A_432 = arith.index_cast %get3A_431 : i32 to index
    %get3A_433 = arith.constant 16 : index
    %get3A_434 = tpu.vector_load %arg18[%get3A_432, %get3A_433] {strides = array<i32>} : memref<4x128xf32, #tpu.memory_space<vmem>>, vector<16xf32>,
    %mul3A_435 = arith.mulf %get3A_430, %get3A_434 : vector<16xf32>
    %add3A_436 = arith.addf %add3A_426, %mul3A_435 : vector<16xf32>
    %get3A_437 = arith.constant 2 : i32
    %get3A_438 = arith.index_cast %get3A_437 : i32 to index
    %get3A_439 = arith.constant 32 : index
    %get3A_440 = tpu.vector_load %arg17[%get3A_438, %get3A_439] {strides = array<i32>} : memref<4x128xf32, #tpu.memory_space<vmem>>, vector<16xf32>,
    %get3A_441 = arith.constant 2 : i32
    %get3A_442 = arith.index_cast %get3A_441 : i32 to index
    %get3A_443 = arith.constant 32 : index
    %get3A_444 = tpu.vector_load %arg18[%get3A_442, %get3A_443] {strides = array<i32>} : memref<4x128xf32, #tpu.memory_space<vmem>>, vector<16xf32>,
    %mul3A_445 = arith.mulf %get3A_440, %get3A_444 : vector<16xf32>
    %add3A_446 = arith.addf %add3A_436, %mul3A_445 : vector<16xf32>
    %get3A_447 = arith.constant 2 : i32
    %get3A_448 = arith.index_cast %get3A_447 : i32 to index
    %get3A_449 = arith.constant 48 : index
    %get3A_450 = tpu.vector_load %arg17[%get3A_448, %get3A_449] {strides = array<i32>} : memref<4x128xf32, #tpu.memory_space<vmem>>, vector<16xf32>,
    %get3A_451 = arith.constant 2 : i32
    %get3A_452 = arith.index_cast %get3A_451 : i32 to index
    %get3A_453 = arith.constant 48 : index
    %get3A_454 = tpu.vector_load %arg18[%get3A_452, %get3A_453] {strides = array<i32>} : memref<4x128xf32, #tpu.memory_space<vmem>>, vector<16xf32>,
    %mul3A_455 = arith.mulf %get3A_450, %get3A_454 : vector<16xf32>
    %add3A_456 = arith.addf %add3A_446, %mul3A_455 : vector<16xf32>
    %get3A_457 = arith.constant 2 : i32
    %get3A_458 = arith.index_cast %get3A_457 : i32 to index
    %get3A_459 = arith.constant 64 : index
    %get3A_460 = tpu.vector_load %arg17[%get3A_458, %get3A_459] {strides = array<i32>} : memref<4x128xf32, #tpu.memory_space<vmem>>, vector<16xf32>,
    %get3A_461 = arith.constant 2 : i32
    %get3A_462 = arith.index_cast %get3A_461 : i32 to index
    %get3A_463 = arith.constant 64 : index
    %get3A_464 = tpu.vector_load %arg18[%get3A_462, %get3A_463] {strides = array<i32>} : memref<4x128xf32, #tpu.memory_space<vmem>>, vector<16xf32>,
    %mul3A_465 = arith.mulf %get3A_460, %get3A_464 : vector<16xf32>
    %add3A_466 = arith.addf %add3A_456, %mul3A_465 : vector<16xf32>
    %get3A_467 = arith.constant 2 : i32
    %get3A_468 = arith.index_cast %get3A_467 : i32 to index
    %get3A_469 = arith.constant 80 : index
    %get3A_470 = tpu.vector_load %arg17[%get3A_468, %get3A_469] {strides = array<i32>} : memref<4x128xf32, #tpu.memory_space<vmem>>, vector<16xf32>,
    %get3A_471 = arith.constant 2 : i32
    %get3A_472 = arith.index_cast %get3A_471 : i32 to index
    %get3A_473 = arith.constant 80 : index
    %get3A_474 = tpu.vector_load %arg18[%get3A_472, %get3A_473] {strides = array<i32>} : memref<4x128xf32, #tpu.memory_space<vmem>>, vector<16xf32>,
    %mul3A_475 = arith.mulf %get3A_470, %get3A_474 : vector<16xf32>
    %add3A_476 = arith.addf %add3A_466, %mul3A_475 : vector<16xf32>
    %get3A_477 = arith.constant 2 : i32
    %get3A_478 = arith.index_cast %get3A_477 : i32 to index
    %get3A_479 = arith.constant 96 : index
    %get3A_480 = tpu.vector_load %arg17[%get3A_478, %get3A_479] {strides = array<i32>} : memref<4x128xf32, #tpu.memory_space<vmem>>, vector<16xf32>,
    %get3A_481 = arith.constant 2 : i32
    %get3A_482 = arith.index_cast %get3A_481 : i32 to index
    %get3A_483 = arith.constant 96 : index
    %get3A_484 = tpu.vector_load %arg18[%get3A_482, %get3A_483] {strides = array<i32>} : memref<4x128xf32, #tpu.memory_space<vmem>>, vector<16xf32>,
    %mul3A_485 = arith.mulf %get3A_480, %get3A_484 : vector<16xf32>
    %add3A_486 = arith.addf %add3A_476, %mul3A_485 : vector<16xf32>
    %get3A_487 = arith.constant 2 : i32
    %get3A_488 = arith.index_cast %get3A_487 : i32 to index
    %get3A_489 = arith.constant 112 : index
    %get3A_490 = tpu.vector_load %arg17[%get3A_488, %get3A_489] {strides = array<i32>} : memref<4x128xf32, #tpu.memory_space<vmem>>, vector<16xf32>,
    %get3A_491 = arith.constant 2 : i32
    %get3A_492 = arith.index_cast %get3A_491 : i32 to index
    %get3A_493 = arith.constant 112 : index
    %get3A_494 = tpu.vector_load %arg18[%get3A_492, %get3A_493] {strides = array<i32>} : memref<4x128xf32, #tpu.memory_space<vmem>>, vector<16xf32>,
    %mul3A_495 = arith.mulf %get3A_490, %get3A_494 : vector<16xf32>
    %add3A_496 = arith.addf %add3A_486, %mul3A_495 : vector<16xf32>
    %reduce_sum3A_497 = arith.constant true
    %reduce_sum3A_498 = vector.broadcast %reduce_sum3A_497 : i1 to vector<16xi1>
    %reduce_sum3A_499 = tpu.scan <sum>, %add3A_496 masked %reduce_sum3A_498 : vector<16xf32>, vector<16xi1> -> vector<16xf32>
    %reduce_sum3A_500 = vector.extract %reduce_sum3A_499[15] : f32 from vector<16xf32>
    %scan3A_501 = arith.constant 0 : i32
    %scan3A_502 = arith.constant 0 : i32
    %scan3A_503 = arith.constant 10 : i32
    %scan3A_504 = arith.addi %scan3A_502, %scan3A_503 : i32
    %scan3A_505 = arith.constant 1 : i32
    %scan3A_506 = scf.for %scan3A_753 = %scan3A_502 to %scan3A_504 step %scan3A_505 iter_args(%scan3A_754 = %scan3A_501) -> (i32)  : i32 {
      %mul3A_755 = arith.constant 8 : i32
      %mul3A_756 = arith.muli %scan3A_753, %mul3A_755 : i32
      %add3A_757 = arith.constant 0 : i32
      %add3A_758 = arith.addi %mul3A_756, %add3A_757 : i32
      %mul3A_759 = arith.constant 16 : i32
      %mul3A_760 = arith.muli %add3A_758, %mul3A_759 : i32
      %get3A_761 = arith.constant 2 : i32
      %get3A_762 = arith.index_cast %get3A_761 : i32 to index
      %get3A_763 = arith.index_cast %mul3A_760 : i32 to index
      %get3A_764 = tpu.vector_load %arg12[%get3A_762, %get3A_763] {strides = array<i32>} : memref<4x1280xi32, #tpu.memory_space<vmem>>, vector<16xi32>,
      %gather3A = tpu.vector_load_idx %arg11[%get3A_764] : memref<30528xi32, #tpu.memory_space<vmem>>[vector<16xi32>], vector<16xi32>,
      %eq3A_765 = arith.constant 1 : i32
      %eq3A_766 = vector.broadcast %eq3A_765 : i32 to vector<16xi32>
      %eq3A_767 = arith.cmpi eq, %gather3A, %eq3A_766 : vector<16xi32>
      %mul3A_768 = arith.constant 8 : i32
      %mul3A_769 = arith.muli %scan3A_753, %mul3A_768 : i32
      %add3A_770 = arith.constant 1 : i32
      %add3A_771 = arith.addi %mul3A_769, %add3A_770 : i32
      %mul3A_772 = arith.constant 16 : i32
      %mul3A_773 = arith.muli %add3A_771, %mul3A_772 : i32
      %get3A_774 = arith.constant 2 : i32
      %get3A_775 = arith.index_cast %get3A_774 : i32 to index
      %get3A_776 = arith.index_cast %mul3A_773 : i32 to index
      %get3A_777 = tpu.vector_load %arg12[%get3A_775, %get3A_776] {strides = array<i32>} : memref<4x1280xi32, #tpu.memory_space<vmem>>, vector<16xi32>,
      %gather3A_778 = tpu.vector_load_idx %arg11[%get3A_777] : memref<30528xi32, #tpu.memory_space<vmem>>[vector<16xi32>], vector<16xi32>,
      %eq3A_779 = arith.constant 1 : i32
      %eq3A_780 = vector.broadcast %eq3A_779 : i32 to vector<16xi32>
      %eq3A_781 = arith.cmpi eq, %gather3A_778, %eq3A_780 : vector<16xi32>
      %mul3A_782 = arith.constant 8 : i32
      %mul3A_783 = arith.muli %scan3A_753, %mul3A_782 : i32
      %add3A_784 = arith.constant 2 : i32
      %add3A_785 = arith.addi %mul3A_783, %add3A_784 : i32
      %mul3A_786 = arith.constant 16 : i32
      %mul3A_787 = arith.muli %add3A_785, %mul3A_786 : i32
      %get3A_788 = arith.constant 2 : i32
      %get3A_789 = arith.index_cast %get3A_788 : i32 to index
      %get3A_790 = arith.index_cast %mul3A_787 : i32 to index
      %get3A_791 = tpu.vector_load %arg12[%get3A_789, %get3A_790] {strides = array<i32>} : memref<4x1280xi32, #tpu.memory_space<vmem>>, vector<16xi32>,
      %gather3A_792 = tpu.vector_load_idx %arg11[%get3A_791] : memref<30528xi32, #tpu.memory_space<vmem>>[vector<16xi32>], vector<16xi32>,
      %eq3A_793 = arith.constant 1 : i32
      %eq3A_794 = vector.broadcast %eq3A_793 : i32 to vector<16xi32>
      %eq3A_795 = arith.cmpi eq, %gather3A_792, %eq3A_794 : vector<16xi32>
      %mul3A_796 = arith.constant 8 : i32
      %mul3A_797 = arith.muli %scan3A_753, %mul3A_796 : i32
      %add3A_798 = arith.constant 3 : i32
      %add3A_799 = arith.addi %mul3A_797, %add3A_798 : i32
      %mul3A_800 = arith.constant 16 : i32
      %mul3A_801 = arith.muli %add3A_799, %mul3A_800 : i32
      %get3A_802 = arith.constant 2 : i32
      %get3A_803 = arith.index_cast %get3A_802 : i32 to index
      %get3A_804 = arith.index_cast %mul3A_801 : i32 to index
      %get3A_805 = tpu.vector_load %arg12[%get3A_803, %get3A_804] {strides = array<i32>} : memref<4x1280xi32, #tpu.memory_space<vmem>>, vector<16xi32>,
      %gather3A_806 = tpu.vector_load_idx %arg11[%get3A_805] : memref<30528xi32, #tpu.memory_space<vmem>>[vector<16xi32>], vector<16xi32>,
      %eq3A_807 = arith.constant 1 : i32
      %eq3A_808 = vector.broadcast %eq3A_807 : i32 to vector<16xi32>
      %eq3A_809 = arith.cmpi eq, %gather3A_806, %eq3A_808 : vector<16xi32>
      %mul3A_810 = arith.constant 8 : i32
      %mul3A_811 = arith.muli %scan3A_753, %mul3A_810 : i32
      %add3A_812 = arith.constant 4 : i32
      %add3A_813 = arith.addi %mul3A_811, %add3A_812 : i32
      %mul3A_814 = arith.constant 16 : i32
      %mul3A_815 = arith.muli %add3A_813, %mul3A_814 : i32
      %get3A_816 = arith.constant 2 : i32
      %get3A_817 = arith.index_cast %get3A_816 : i32 to index
      %get3A_818 = arith.index_cast %mul3A_815 : i32 to index
      %get3A_819 = tpu.vector_load %arg12[%get3A_817, %get3A_818] {strides = array<i32>} : memref<4x1280xi32, #tpu.memory_space<vmem>>, vector<16xi32>,
      %gather3A_820 = tpu.vector_load_idx %arg11[%get3A_819] : memref<30528xi32, #tpu.memory_space<vmem>>[vector<16xi32>], vector<16xi32>,
      %eq3A_821 = arith.constant 1 : i32
      %eq3A_822 = vector.broadcast %eq3A_821 : i32 to vector<16xi32>
      %eq3A_823 = arith.cmpi eq, %gather3A_820, %eq3A_822 : vector<16xi32>
      %mul3A_824 = arith.constant 8 : i32
      %mul3A_825 = arith.muli %scan3A_753, %mul3A_824 : i32
      %add3A_826 = arith.constant 5 : i32
      %add3A_827 = arith.addi %mul3A_825, %add3A_826 : i32
      %mul3A_828 = arith.constant 16 : i32
      %mul3A_829 = arith.muli %add3A_827, %mul3A_828 : i32
      %get3A_830 = arith.constant 2 : i32
      %get3A_831 = arith.index_cast %get3A_830 : i32 to index
      %get3A_832 = arith.index_cast %mul3A_829 : i32 to index
      %get3A_833 = tpu.vector_load %arg12[%get3A_831, %get3A_832] {strides = array<i32>} : memref<4x1280xi32, #tpu.memory_space<vmem>>, vector<16xi32>,
      %gather3A_834 = tpu.vector_load_idx %arg11[%get3A_833] : memref<30528xi32, #tpu.memory_space<vmem>>[vector<16xi32>], vector<16xi32>,
      %eq3A_835 = arith.constant 1 : i32
      %eq3A_836 = vector.broadcast %eq3A_835 : i32 to vector<16xi32>
      %eq3A_837 = arith.cmpi eq, %gather3A_834, %eq3A_836 : vector<16xi32>
      %mul3A_838 = arith.constant 8 : i32
      %mul3A_839 = arith.muli %scan3A_753, %mul3A_838 : i32
      %add3A_840 = arith.constant 6 : i32
      %add3A_841 = arith.addi %mul3A_839, %add3A_840 : i32
      %mul3A_842 = arith.constant 16 : i32
      %mul3A_843 = arith.muli %add3A_841, %mul3A_842 : i32
      %get3A_844 = arith.constant 2 : i32
      %get3A_845 = arith.index_cast %get3A_844 : i32 to index
      %get3A_846 = arith.index_cast %mul3A_843 : i32 to index
      %get3A_847 = tpu.vector_load %arg12[%get3A_845, %get3A_846] {strides = array<i32>} : memref<4x1280xi32, #tpu.memory_space<vmem>>, vector<16xi32>,
      %gather3A_848 = tpu.vector_load_idx %arg11[%get3A_847] : memref<30528xi32, #tpu.memory_space<vmem>>[vector<16xi32>], vector<16xi32>,
      %eq3A_849 = arith.constant 1 : i32
      %eq3A_850 = vector.broadcast %eq3A_849 : i32 to vector<16xi32>
      %eq3A_851 = arith.cmpi eq, %gather3A_848, %eq3A_850 : vector<16xi32>
      %mul3A_852 = arith.constant 8 : i32
      %mul3A_853 = arith.muli %scan3A_753, %mul3A_852 : i32
      %add3A_854 = arith.constant 7 : i32
      %add3A_855 = arith.addi %mul3A_853, %add3A_854 : i32
      %mul3A_856 = arith.constant 16 : i32
      %mul3A_857 = arith.muli %add3A_855, %mul3A_856 : i32
      %get3A_858 = arith.constant 2 : i32
      %get3A_859 = arith.index_cast %get3A_858 : i32 to index
      %get3A_860 = arith.index_cast %mul3A_857 : i32 to index
      %get3A_861 = tpu.vector_load %arg12[%get3A_859, %get3A_860] {strides = array<i32>} : memref<4x1280xi32, #tpu.memory_space<vmem>>, vector<16xi32>,
      %gather3A_862 = tpu.vector_load_idx %arg11[%get3A_861] : memref<30528xi32, #tpu.memory_space<vmem>>[vector<16xi32>], vector<16xi32>,
      %eq3A_863 = arith.constant 1 : i32
      %eq3A_864 = vector.broadcast %eq3A_863 : i32 to vector<16xi32>
      %eq3A_865 = arith.cmpi eq, %gather3A_862, %eq3A_864 : vector<16xi32>
      %or3A = arith.ori %eq3A_767, %eq3A_781 : vector<16xi1>
      %or3A_866 = arith.ori %eq3A_795, %eq3A_809 : vector<16xi1>
      %or3A_867 = arith.ori %or3A, %or3A_866 : vector<16xi1>
      %or3A_868 = arith.ori %eq3A_823, %eq3A_837 : vector<16xi1>
      %or3A_869 = arith.ori %eq3A_851, %eq3A_865 : vector<16xi1>
      %or3A_870 = arith.ori %or3A_868, %or3A_869 : vector<16xi1>
      %or3A_871 = arith.ori %or3A_867, %or3A_870 : vector<16xi1>
      %reduce_or3A = arith.constant 1.000000e+00 : f32
      %reduce_or3A_872 = arith.constant 0.000000e+00 : f32
      %reduce_or3A_873 = vector.broadcast %reduce_or3A : f32 to vector<16xf32>
      %reduce_or3A_874 = vector.broadcast %reduce_or3A_872 : f32 to vector<16xf32>
      %reduce_or3A_875 = arith.select %or3A_871, %reduce_or3A_873, %reduce_or3A_874 : vector<16xi1>, vector<16xf32>
      %reduce_or3A_876 = arith.constant true
      %reduce_or3A_877 = vector.broadcast %reduce_or3A_876 : i1 to vector<16xi1>
      %reduce_or3A_878 = tpu.scan <max>, %reduce_or3A_875 masked %reduce_or3A_877 : vector<16xf32>, vector<16xi1> -> vector<16xf32>
      %reduce_or3A_879 = vector.extract %reduce_or3A_878[15] : f32 from vector<16xf32>
      %reduce_or3A_880 = arith.constant 0.000000e+00 : f32
      %reduce_or3A_881 = arith.cmpf ogt, %reduce_or3A_879, %reduce_or3A_880 : f32
      %convert_element_type3A = arith.extui %reduce_or3A_881 : i1 to i32
      %cond3A = arith.constant 0 : i32
      %cond3A_882 = arith.cmpi ne, %convert_element_type3A, %cond3A : i32
      %cond3A_883 = scf.if %cond3A_882 -> (i32) {
        %while3A_884:2 = scf.while (%while3A_892 = %eq3A_767, %while3A_893 = %scan3A_754) : (vector<16xi1>, i32) -> (vector<16xi1>, i32) {
          %reduce_or3A_894 = arith.constant 1.000000e+00 : f32
          %reduce_or3A_895 = arith.constant 0.000000e+00 : f32
          %reduce_or3A_896 = vector.broadcast %reduce_or3A_894 : f32 to vector<16xf32>
          %reduce_or3A_897 = vector.broadcast %reduce_or3A_895 : f32 to vector<16xf32>
          %reduce_or3A_898 = arith.select %while3A_892, %reduce_or3A_896, %reduce_or3A_897 : vector<16xi1>, vector<16xf32>
          %reduce_or3A_899 = arith.constant true
          %reduce_or3A_900 = vector.broadcast %reduce_or3A_899 : i1 to vector<16xi1>
          %reduce_or3A_901 = tpu.scan <max>, %reduce_or3A_898 masked %reduce_or3A_900 : vector<16xf32>, vector<16xi1> -> vector<16xf32>
          %reduce_or3A_902 = vector.extract %reduce_or3A_901[15] : f32 from vector<16xf32>
          %reduce_or3A_903 = arith.constant 0.000000e+00 : f32
          %reduce_or3A_904 = arith.cmpf ogt, %reduce_or3A_902, %reduce_or3A_903 : f32
          scf.condition(%reduce_or3A_904) %while3A_892, %while3A_893 : vector<16xi1>, i32
        } do {
        ^bb0(%while3A_892: vector<16xi1>, %while3A_893: i32):
          %all_reduce_ffs3A = tpu.all_reduce %while3A_892 {dim = 0 : i64, kind = #tpu.reduction_kind<find_first_set>} : vector<16xi1> -> vector<16xi32>
          %reduce_max3A = arith.constant true
          %reduce_max3A_894 = vector.broadcast %reduce_max3A : i1 to vector<16xi1>
          %reduce_max3A_895 = arith.constant -2147483648 : i32
          %reduce_max3A_896 = vector.broadcast %reduce_max3A_895 : i32 to vector<16xi32>
          %reduce_max3A_897 = arith.xori %all_reduce_ffs3A, %reduce_max3A_896 : vector<16xi32>
          %reduce_max3A_898 = tpu.scan <max>, %reduce_max3A_897 masked %reduce_max3A_894 : vector<16xi32>, vector<16xi1> -> vector<16xi32>
          %reduce_max3A_899 = arith.xori %reduce_max3A_898, %reduce_max3A_896 : vector<16xi32>
          %reduce_max3A_900 = vector.extract %reduce_max3A_899[15] : i32 from vector<16xi32>
          %mul3A_901 = arith.constant 8 : i32
          %mul3A_902 = arith.muli %scan3A_753, %mul3A_901 : i32
          %add3A_903 = arith.constant 0 : i32
          %add3A_904 = arith.addi %mul3A_902, %add3A_903 : i32
          %mul3A_905 = arith.constant 16 : i32
          %mul3A_906 = arith.muli %add3A_904, %mul3A_905 : i32
          %add3A_907 = arith.addi %mul3A_906, %reduce_max3A_900 : i32
          %broadcast_in_dim3A_908 = vector.broadcast %while3A_893 : i32 to vector<16xi32>
          %broadcast_in_dim3A_909 = vector.broadcast %add3A_907 : i32 to vector<16xi32>
          %eq3A_910 = arith.constant 0 : i32
          %eq3A_911 = vector.broadcast %eq3A_910 : i32 to vector<16xi32>
          %eq3A_912 = arith.cmpi eq, %iota3A, %eq3A_911 : vector<16xi32>
          tpu.vector_store_idx %arg19[%broadcast_in_dim3A_908], %broadcast_in_dim3A_909 masked %eq3A_912 : memref<1280xi32, #tpu.memory_space<vmem>>[vector<16xi32>], vector<16xi32>, vector<16xi1>
          %ne3A = vector.broadcast %reduce_max3A_900 : i32 to vector<16xi32>
          %ne3A_913 = arith.cmpi ne, %iota3A, %ne3A : vector<16xi32>
          %and3A = arith.andi %while3A_892, %ne3A_913 : vector<16xi1>
          %add3A_914 = arith.constant 1 : i32
          %add3A_915 = arith.addi %while3A_893, %add3A_914 : i32
          scf.yield %and3A, %add3A_915 : vector<16xi1>, i32
        }
        %while3A_885:2 = scf.while (%while3A_892 = %eq3A_781, %while3A_893 = %while3A_884#1) : (vector<16xi1>, i32) -> (vector<16xi1>, i32) {
          %reduce_or3A_894 = arith.constant 1.000000e+00 : f32
          %reduce_or3A_895 = arith.constant 0.000000e+00 : f32
          %reduce_or3A_896 = vector.broadcast %reduce_or3A_894 : f32 to vector<16xf32>
          %reduce_or3A_897 = vector.broadcast %reduce_or3A_895 : f32 to vector<16xf32>
          %reduce_or3A_898 = arith.select %while3A_892, %reduce_or3A_896, %reduce_or3A_897 : vector<16xi1>, vector<16xf32>
          %reduce_or3A_899 = arith.constant true
          %reduce_or3A_900 = vector.broadcast %reduce_or3A_899 : i1 to vector<16xi1>
          %reduce_or3A_901 = tpu.scan <max>, %reduce_or3A_898 masked %reduce_or3A_900 : vector<16xf32>, vector<16xi1> -> vector<16xf32>
          %reduce_or3A_902 = vector.extract %reduce_or3A_901[15] : f32 from vector<16xf32>
          %reduce_or3A_903 = arith.constant 0.000000e+00 : f32
          %reduce_or3A_904 = arith.cmpf ogt, %reduce_or3A_902, %reduce_or3A_903 : f32
          scf.condition(%reduce_or3A_904) %while3A_892, %while3A_893 : vector<16xi1>, i32
        } do {
        ^bb0(%while3A_892: vector<16xi1>, %while3A_893: i32):
          %all_reduce_ffs3A = tpu.all_reduce %while3A_892 {dim = 0 : i64, kind = #tpu.reduction_kind<find_first_set>} : vector<16xi1> -> vector<16xi32>
          %reduce_max3A = arith.constant true
          %reduce_max3A_894 = vector.broadcast %reduce_max3A : i1 to vector<16xi1>
          %reduce_max3A_895 = arith.constant -2147483648 : i32
          %reduce_max3A_896 = vector.broadcast %reduce_max3A_895 : i32 to vector<16xi32>
          %reduce_max3A_897 = arith.xori %all_reduce_ffs3A, %reduce_max3A_896 : vector<16xi32>
          %reduce_max3A_898 = tpu.scan <max>, %reduce_max3A_897 masked %reduce_max3A_894 : vector<16xi32>, vector<16xi1> -> vector<16xi32>
          %reduce_max3A_899 = arith.xori %reduce_max3A_898, %reduce_max3A_896 : vector<16xi32>
          %reduce_max3A_900 = vector.extract %reduce_max3A_899[15] : i32 from vector<16xi32>
          %mul3A_901 = arith.constant 8 : i32
          %mul3A_902 = arith.muli %scan3A_753, %mul3A_901 : i32
          %add3A_903 = arith.constant 1 : i32
          %add3A_904 = arith.addi %mul3A_902, %add3A_903 : i32
          %mul3A_905 = arith.constant 16 : i32
          %mul3A_906 = arith.muli %add3A_904, %mul3A_905 : i32
          %add3A_907 = arith.addi %mul3A_906, %reduce_max3A_900 : i32
          %broadcast_in_dim3A_908 = vector.broadcast %while3A_893 : i32 to vector<16xi32>
          %broadcast_in_dim3A_909 = vector.broadcast %add3A_907 : i32 to vector<16xi32>
          %eq3A_910 = arith.constant 0 : i32
          %eq3A_911 = vector.broadcast %eq3A_910 : i32 to vector<16xi32>
          %eq3A_912 = arith.cmpi eq, %iota3A, %eq3A_911 : vector<16xi32>
          tpu.vector_store_idx %arg19[%broadcast_in_dim3A_908], %broadcast_in_dim3A_909 masked %eq3A_912 : memref<1280xi32, #tpu.memory_space<vmem>>[vector<16xi32>], vector<16xi32>, vector<16xi1>
          %ne3A = vector.broadcast %reduce_max3A_900 : i32 to vector<16xi32>
          %ne3A_913 = arith.cmpi ne, %iota3A, %ne3A : vector<16xi32>
          %and3A = arith.andi %while3A_892, %ne3A_913 : vector<16xi1>
          %add3A_914 = arith.constant 1 : i32
          %add3A_915 = arith.addi %while3A_893, %add3A_914 : i32
          scf.yield %and3A, %add3A_915 : vector<16xi1>, i32
        }
        %while3A_886:2 = scf.while (%while3A_892 = %eq3A_795, %while3A_893 = %while3A_885#1) : (vector<16xi1>, i32) -> (vector<16xi1>, i32) {
          %reduce_or3A_894 = arith.constant 1.000000e+00 : f32
          %reduce_or3A_895 = arith.constant 0.000000e+00 : f32
          %reduce_or3A_896 = vector.broadcast %reduce_or3A_894 : f32 to vector<16xf32>
          %reduce_or3A_897 = vector.broadcast %reduce_or3A_895 : f32 to vector<16xf32>
          %reduce_or3A_898 = arith.select %while3A_892, %reduce_or3A_896, %reduce_or3A_897 : vector<16xi1>, vector<16xf32>
          %reduce_or3A_899 = arith.constant true
          %reduce_or3A_900 = vector.broadcast %reduce_or3A_899 : i1 to vector<16xi1>
          %reduce_or3A_901 = tpu.scan <max>, %reduce_or3A_898 masked %reduce_or3A_900 : vector<16xf32>, vector<16xi1> -> vector<16xf32>
          %reduce_or3A_902 = vector.extract %reduce_or3A_901[15] : f32 from vector<16xf32>
          %reduce_or3A_903 = arith.constant 0.000000e+00 : f32
          %reduce_or3A_904 = arith.cmpf ogt, %reduce_or3A_902, %reduce_or3A_903 : f32
          scf.condition(%reduce_or3A_904) %while3A_892, %while3A_893 : vector<16xi1>, i32
        } do {
        ^bb0(%while3A_892: vector<16xi1>, %while3A_893: i32):
          %all_reduce_ffs3A = tpu.all_reduce %while3A_892 {dim = 0 : i64, kind = #tpu.reduction_kind<find_first_set>} : vector<16xi1> -> vector<16xi32>
          %reduce_max3A = arith.constant true
          %reduce_max3A_894 = vector.broadcast %reduce_max3A : i1 to vector<16xi1>
          %reduce_max3A_895 = arith.constant -2147483648 : i32
          %reduce_max3A_896 = vector.broadcast %reduce_max3A_895 : i32 to vector<16xi32>
          %reduce_max3A_897 = arith.xori %all_reduce_ffs3A, %reduce_max3A_896 : vector<16xi32>
          %reduce_max3A_898 = tpu.scan <max>, %reduce_max3A_897 masked %reduce_max3A_894 : vector<16xi32>, vector<16xi1> -> vector<16xi32>
          %reduce_max3A_899 = arith.xori %reduce_max3A_898, %reduce_max3A_896 : vector<16xi32>
          %reduce_max3A_900 = vector.extract %reduce_max3A_899[15] : i32 from vector<16xi32>
          %mul3A_901 = arith.constant 8 : i32
          %mul3A_902 = arith.muli %scan3A_753, %mul3A_901 : i32
          %add3A_903 = arith.constant 2 : i32
          %add3A_904 = arith.addi %mul3A_902, %add3A_903 : i32
          %mul3A_905 = arith.constant 16 : i32
          %mul3A_906 = arith.muli %add3A_904, %mul3A_905 : i32
          %add3A_907 = arith.addi %mul3A_906, %reduce_max3A_900 : i32
          %broadcast_in_dim3A_908 = vector.broadcast %while3A_893 : i32 to vector<16xi32>
          %broadcast_in_dim3A_909 = vector.broadcast %add3A_907 : i32 to vector<16xi32>
          %eq3A_910 = arith.constant 0 : i32
          %eq3A_911 = vector.broadcast %eq3A_910 : i32 to vector<16xi32>
          %eq3A_912 = arith.cmpi eq, %iota3A, %eq3A_911 : vector<16xi32>
          tpu.vector_store_idx %arg19[%broadcast_in_dim3A_908], %broadcast_in_dim3A_909 masked %eq3A_912 : memref<1280xi32, #tpu.memory_space<vmem>>[vector<16xi32>], vector<16xi32>, vector<16xi1>
          %ne3A = vector.broadcast %reduce_max3A_900 : i32 to vector<16xi32>
          %ne3A_913 = arith.cmpi ne, %iota3A, %ne3A : vector<16xi32>
          %and3A = arith.andi %while3A_892, %ne3A_913 : vector<16xi1>
          %add3A_914 = arith.constant 1 : i32
          %add3A_915 = arith.addi %while3A_893, %add3A_914 : i32
          scf.yield %and3A, %add3A_915 : vector<16xi1>, i32
        }
        %while3A_887:2 = scf.while (%while3A_892 = %eq3A_809, %while3A_893 = %while3A_886#1) : (vector<16xi1>, i32) -> (vector<16xi1>, i32) {
          %reduce_or3A_894 = arith.constant 1.000000e+00 : f32
          %reduce_or3A_895 = arith.constant 0.000000e+00 : f32
          %reduce_or3A_896 = vector.broadcast %reduce_or3A_894 : f32 to vector<16xf32>
          %reduce_or3A_897 = vector.broadcast %reduce_or3A_895 : f32 to vector<16xf32>
          %reduce_or3A_898 = arith.select %while3A_892, %reduce_or3A_896, %reduce_or3A_897 : vector<16xi1>, vector<16xf32>
          %reduce_or3A_899 = arith.constant true
          %reduce_or3A_900 = vector.broadcast %reduce_or3A_899 : i1 to vector<16xi1>
          %reduce_or3A_901 = tpu.scan <max>, %reduce_or3A_898 masked %reduce_or3A_900 : vector<16xf32>, vector<16xi1> -> vector<16xf32>
          %reduce_or3A_902 = vector.extract %reduce_or3A_901[15] : f32 from vector<16xf32>
          %reduce_or3A_903 = arith.constant 0.000000e+00 : f32
          %reduce_or3A_904 = arith.cmpf ogt, %reduce_or3A_902, %reduce_or3A_903 : f32
          scf.condition(%reduce_or3A_904) %while3A_892, %while3A_893 : vector<16xi1>, i32
        } do {
        ^bb0(%while3A_892: vector<16xi1>, %while3A_893: i32):
          %all_reduce_ffs3A = tpu.all_reduce %while3A_892 {dim = 0 : i64, kind = #tpu.reduction_kind<find_first_set>} : vector<16xi1> -> vector<16xi32>
          %reduce_max3A = arith.constant true
          %reduce_max3A_894 = vector.broadcast %reduce_max3A : i1 to vector<16xi1>
          %reduce_max3A_895 = arith.constant -2147483648 : i32
          %reduce_max3A_896 = vector.broadcast %reduce_max3A_895 : i32 to vector<16xi32>
          %reduce_max3A_897 = arith.xori %all_reduce_ffs3A, %reduce_max3A_896 : vector<16xi32>
          %reduce_max3A_898 = tpu.scan <max>, %reduce_max3A_897 masked %reduce_max3A_894 : vector<16xi32>, vector<16xi1> -> vector<16xi32>
          %reduce_max3A_899 = arith.xori %reduce_max3A_898, %reduce_max3A_896 : vector<16xi32>
          %reduce_max3A_900 = vector.extract %reduce_max3A_899[15] : i32 from vector<16xi32>
          %mul3A_901 = arith.constant 8 : i32
          %mul3A_902 = arith.muli %scan3A_753, %mul3A_901 : i32
          %add3A_903 = arith.constant 3 : i32
          %add3A_904 = arith.addi %mul3A_902, %add3A_903 : i32
          %mul3A_905 = arith.constant 16 : i32
          %mul3A_906 = arith.muli %add3A_904, %mul3A_905 : i32
          %add3A_907 = arith.addi %mul3A_906, %reduce_max3A_900 : i32
          %broadcast_in_dim3A_908 = vector.broadcast %while3A_893 : i32 to vector<16xi32>
          %broadcast_in_dim3A_909 = vector.broadcast %add3A_907 : i32 to vector<16xi32>
          %eq3A_910 = arith.constant 0 : i32
          %eq3A_911 = vector.broadcast %eq3A_910 : i32 to vector<16xi32>
          %eq3A_912 = arith.cmpi eq, %iota3A, %eq3A_911 : vector<16xi32>
          tpu.vector_store_idx %arg19[%broadcast_in_dim3A_908], %broadcast_in_dim3A_909 masked %eq3A_912 : memref<1280xi32, #tpu.memory_space<vmem>>[vector<16xi32>], vector<16xi32>, vector<16xi1>
          %ne3A = vector.broadcast %reduce_max3A_900 : i32 to vector<16xi32>
          %ne3A_913 = arith.cmpi ne, %iota3A, %ne3A : vector<16xi32>
          %and3A = arith.andi %while3A_892, %ne3A_913 : vector<16xi1>
          %add3A_914 = arith.constant 1 : i32
          %add3A_915 = arith.addi %while3A_893, %add3A_914 : i32
          scf.yield %and3A, %add3A_915 : vector<16xi1>, i32
        }
        %while3A_888:2 = scf.while (%while3A_892 = %eq3A_823, %while3A_893 = %while3A_887#1) : (vector<16xi1>, i32) -> (vector<16xi1>, i32) {
          %reduce_or3A_894 = arith.constant 1.000000e+00 : f32
          %reduce_or3A_895 = arith.constant 0.000000e+00 : f32
          %reduce_or3A_896 = vector.broadcast %reduce_or3A_894 : f32 to vector<16xf32>
          %reduce_or3A_897 = vector.broadcast %reduce_or3A_895 : f32 to vector<16xf32>
          %reduce_or3A_898 = arith.select %while3A_892, %reduce_or3A_896, %reduce_or3A_897 : vector<16xi1>, vector<16xf32>
          %reduce_or3A_899 = arith.constant true
          %reduce_or3A_900 = vector.broadcast %reduce_or3A_899 : i1 to vector<16xi1>
          %reduce_or3A_901 = tpu.scan <max>, %reduce_or3A_898 masked %reduce_or3A_900 : vector<16xf32>, vector<16xi1> -> vector<16xf32>
          %reduce_or3A_902 = vector.extract %reduce_or3A_901[15] : f32 from vector<16xf32>
          %reduce_or3A_903 = arith.constant 0.000000e+00 : f32
          %reduce_or3A_904 = arith.cmpf ogt, %reduce_or3A_902, %reduce_or3A_903 : f32
          scf.condition(%reduce_or3A_904) %while3A_892, %while3A_893 : vector<16xi1>, i32
        } do {
        ^bb0(%while3A_892: vector<16xi1>, %while3A_893: i32):
          %all_reduce_ffs3A = tpu.all_reduce %while3A_892 {dim = 0 : i64, kind = #tpu.reduction_kind<find_first_set>} : vector<16xi1> -> vector<16xi32>
          %reduce_max3A = arith.constant true
          %reduce_max3A_894 = vector.broadcast %reduce_max3A : i1 to vector<16xi1>
          %reduce_max3A_895 = arith.constant -2147483648 : i32
          %reduce_max3A_896 = vector.broadcast %reduce_max3A_895 : i32 to vector<16xi32>
          %reduce_max3A_897 = arith.xori %all_reduce_ffs3A, %reduce_max3A_896 : vector<16xi32>
          %reduce_max3A_898 = tpu.scan <max>, %reduce_max3A_897 masked %reduce_max3A_894 : vector<16xi32>, vector<16xi1> -> vector<16xi32>
          %reduce_max3A_899 = arith.xori %reduce_max3A_898, %reduce_max3A_896 : vector<16xi32>
          %reduce_max3A_900 = vector.extract %reduce_max3A_899[15] : i32 from vector<16xi32>
          %mul3A_901 = arith.constant 8 : i32
          %mul3A_902 = arith.muli %scan3A_753, %mul3A_901 : i32
          %add3A_903 = arith.constant 4 : i32
          %add3A_904 = arith.addi %mul3A_902, %add3A_903 : i32
          %mul3A_905 = arith.constant 16 : i32
          %mul3A_906 = arith.muli %add3A_904, %mul3A_905 : i32
          %add3A_907 = arith.addi %mul3A_906, %reduce_max3A_900 : i32
          %broadcast_in_dim3A_908 = vector.broadcast %while3A_893 : i32 to vector<16xi32>
          %broadcast_in_dim3A_909 = vector.broadcast %add3A_907 : i32 to vector<16xi32>
          %eq3A_910 = arith.constant 0 : i32
          %eq3A_911 = vector.broadcast %eq3A_910 : i32 to vector<16xi32>
          %eq3A_912 = arith.cmpi eq, %iota3A, %eq3A_911 : vector<16xi32>
          tpu.vector_store_idx %arg19[%broadcast_in_dim3A_908], %broadcast_in_dim3A_909 masked %eq3A_912 : memref<1280xi32, #tpu.memory_space<vmem>>[vector<16xi32>], vector<16xi32>, vector<16xi1>
          %ne3A = vector.broadcast %reduce_max3A_900 : i32 to vector<16xi32>
          %ne3A_913 = arith.cmpi ne, %iota3A, %ne3A : vector<16xi32>
          %and3A = arith.andi %while3A_892, %ne3A_913 : vector<16xi1>
          %add3A_914 = arith.constant 1 : i32
          %add3A_915 = arith.addi %while3A_893, %add3A_914 : i32
          scf.yield %and3A, %add3A_915 : vector<16xi1>, i32
        }
        %while3A_889:2 = scf.while (%while3A_892 = %eq3A_837, %while3A_893 = %while3A_888#1) : (vector<16xi1>, i32) -> (vector<16xi1>, i32) {
          %reduce_or3A_894 = arith.constant 1.000000e+00 : f32
          %reduce_or3A_895 = arith.constant 0.000000e+00 : f32
          %reduce_or3A_896 = vector.broadcast %reduce_or3A_894 : f32 to vector<16xf32>
          %reduce_or3A_897 = vector.broadcast %reduce_or3A_895 : f32 to vector<16xf32>
          %reduce_or3A_898 = arith.select %while3A_892, %reduce_or3A_896, %reduce_or3A_897 : vector<16xi1>, vector<16xf32>
          %reduce_or3A_899 = arith.constant true
          %reduce_or3A_900 = vector.broadcast %reduce_or3A_899 : i1 to vector<16xi1>
          %reduce_or3A_901 = tpu.scan <max>, %reduce_or3A_898 masked %reduce_or3A_900 : vector<16xf32>, vector<16xi1> -> vector<16xf32>
          %reduce_or3A_902 = vector.extract %reduce_or3A_901[15] : f32 from vector<16xf32>
          %reduce_or3A_903 = arith.constant 0.000000e+00 : f32
          %reduce_or3A_904 = arith.cmpf ogt, %reduce_or3A_902, %reduce_or3A_903 : f32
          scf.condition(%reduce_or3A_904) %while3A_892, %while3A_893 : vector<16xi1>, i32
        } do {
        ^bb0(%while3A_892: vector<16xi1>, %while3A_893: i32):
          %all_reduce_ffs3A = tpu.all_reduce %while3A_892 {dim = 0 : i64, kind = #tpu.reduction_kind<find_first_set>} : vector<16xi1> -> vector<16xi32>
          %reduce_max3A = arith.constant true
          %reduce_max3A_894 = vector.broadcast %reduce_max3A : i1 to vector<16xi1>
          %reduce_max3A_895 = arith.constant -2147483648 : i32
          %reduce_max3A_896 = vector.broadcast %reduce_max3A_895 : i32 to vector<16xi32>
          %reduce_max3A_897 = arith.xori %all_reduce_ffs3A, %reduce_max3A_896 : vector<16xi32>
          %reduce_max3A_898 = tpu.scan <max>, %reduce_max3A_897 masked %reduce_max3A_894 : vector<16xi32>, vector<16xi1> -> vector<16xi32>
          %reduce_max3A_899 = arith.xori %reduce_max3A_898, %reduce_max3A_896 : vector<16xi32>
          %reduce_max3A_900 = vector.extract %reduce_max3A_899[15] : i32 from vector<16xi32>
          %mul3A_901 = arith.constant 8 : i32
          %mul3A_902 = arith.muli %scan3A_753, %mul3A_901 : i32
          %add3A_903 = arith.constant 5 : i32
          %add3A_904 = arith.addi %mul3A_902, %add3A_903 : i32
          %mul3A_905 = arith.constant 16 : i32
          %mul3A_906 = arith.muli %add3A_904, %mul3A_905 : i32
          %add3A_907 = arith.addi %mul3A_906, %reduce_max3A_900 : i32
          %broadcast_in_dim3A_908 = vector.broadcast %while3A_893 : i32 to vector<16xi32>
          %broadcast_in_dim3A_909 = vector.broadcast %add3A_907 : i32 to vector<16xi32>
          %eq3A_910 = arith.constant 0 : i32
          %eq3A_911 = vector.broadcast %eq3A_910 : i32 to vector<16xi32>
          %eq3A_912 = arith.cmpi eq, %iota3A, %eq3A_911 : vector<16xi32>
          tpu.vector_store_idx %arg19[%broadcast_in_dim3A_908], %broadcast_in_dim3A_909 masked %eq3A_912 : memref<1280xi32, #tpu.memory_space<vmem>>[vector<16xi32>], vector<16xi32>, vector<16xi1>
          %ne3A = vector.broadcast %reduce_max3A_900 : i32 to vector<16xi32>
          %ne3A_913 = arith.cmpi ne, %iota3A, %ne3A : vector<16xi32>
          %and3A = arith.andi %while3A_892, %ne3A_913 : vector<16xi1>
          %add3A_914 = arith.constant 1 : i32
          %add3A_915 = arith.addi %while3A_893, %add3A_914 : i32
          scf.yield %and3A, %add3A_915 : vector<16xi1>, i32
        }
        %while3A_890:2 = scf.while (%while3A_892 = %eq3A_851, %while3A_893 = %while3A_889#1) : (vector<16xi1>, i32) -> (vector<16xi1>, i32) {
          %reduce_or3A_894 = arith.constant 1.000000e+00 : f32
          %reduce_or3A_895 = arith.constant 0.000000e+00 : f32
          %reduce_or3A_896 = vector.broadcast %reduce_or3A_894 : f32 to vector<16xf32>
          %reduce_or3A_897 = vector.broadcast %reduce_or3A_895 : f32 to vector<16xf32>
          %reduce_or3A_898 = arith.select %while3A_892, %reduce_or3A_896, %reduce_or3A_897 : vector<16xi1>, vector<16xf32>
          %reduce_or3A_899 = arith.constant true
          %reduce_or3A_900 = vector.broadcast %reduce_or3A_899 : i1 to vector<16xi1>
          %reduce_or3A_901 = tpu.scan <max>, %reduce_or3A_898 masked %reduce_or3A_900 : vector<16xf32>, vector<16xi1> -> vector<16xf32>
          %reduce_or3A_902 = vector.extract %reduce_or3A_901[15] : f32 from vector<16xf32>
          %reduce_or3A_903 = arith.constant 0.000000e+00 : f32
          %reduce_or3A_904 = arith.cmpf ogt, %reduce_or3A_902, %reduce_or3A_903 : f32
          scf.condition(%reduce_or3A_904) %while3A_892, %while3A_893 : vector<16xi1>, i32
        } do {
        ^bb0(%while3A_892: vector<16xi1>, %while3A_893: i32):
          %all_reduce_ffs3A = tpu.all_reduce %while3A_892 {dim = 0 : i64, kind = #tpu.reduction_kind<find_first_set>} : vector<16xi1> -> vector<16xi32>
          %reduce_max3A = arith.constant true
          %reduce_max3A_894 = vector.broadcast %reduce_max3A : i1 to vector<16xi1>
          %reduce_max3A_895 = arith.constant -2147483648 : i32
          %reduce_max3A_896 = vector.broadcast %reduce_max3A_895 : i32 to vector<16xi32>
          %reduce_max3A_897 = arith.xori %all_reduce_ffs3A, %reduce_max3A_896 : vector<16xi32>
          %reduce_max3A_898 = tpu.scan <max>, %reduce_max3A_897 masked %reduce_max3A_894 : vector<16xi32>, vector<16xi1> -> vector<16xi32>
          %reduce_max3A_899 = arith.xori %reduce_max3A_898, %reduce_max3A_896 : vector<16xi32>
          %reduce_max3A_900 = vector.extract %reduce_max3A_899[15] : i32 from vector<16xi32>
          %mul3A_901 = arith.constant 8 : i32
          %mul3A_902 = arith.muli %scan3A_753, %mul3A_901 : i32
          %add3A_903 = arith.constant 6 : i32
          %add3A_904 = arith.addi %mul3A_902, %add3A_903 : i32
          %mul3A_905 = arith.constant 16 : i32
          %mul3A_906 = arith.muli %add3A_904, %mul3A_905 : i32
          %add3A_907 = arith.addi %mul3A_906, %reduce_max3A_900 : i32
          %broadcast_in_dim3A_908 = vector.broadcast %while3A_893 : i32 to vector<16xi32>
          %broadcast_in_dim3A_909 = vector.broadcast %add3A_907 : i32 to vector<16xi32>
          %eq3A_910 = arith.constant 0 : i32
          %eq3A_911 = vector.broadcast %eq3A_910 : i32 to vector<16xi32>
          %eq3A_912 = arith.cmpi eq, %iota3A, %eq3A_911 : vector<16xi32>
          tpu.vector_store_idx %arg19[%broadcast_in_dim3A_908], %broadcast_in_dim3A_909 masked %eq3A_912 : memref<1280xi32, #tpu.memory_space<vmem>>[vector<16xi32>], vector<16xi32>, vector<16xi1>
          %ne3A = vector.broadcast %reduce_max3A_900 : i32 to vector<16xi32>
          %ne3A_913 = arith.cmpi ne, %iota3A, %ne3A : vector<16xi32>
          %and3A = arith.andi %while3A_892, %ne3A_913 : vector<16xi1>
          %add3A_914 = arith.constant 1 : i32
          %add3A_915 = arith.addi %while3A_893, %add3A_914 : i32
          scf.yield %and3A, %add3A_915 : vector<16xi1>, i32
        }
        %while3A_891:2 = scf.while (%while3A_892 = %eq3A_865, %while3A_893 = %while3A_890#1) : (vector<16xi1>, i32) -> (vector<16xi1>, i32) {
          %reduce_or3A_894 = arith.constant 1.000000e+00 : f32
          %reduce_or3A_895 = arith.constant 0.000000e+00 : f32
          %reduce_or3A_896 = vector.broadcast %reduce_or3A_894 : f32 to vector<16xf32>
          %reduce_or3A_897 = vector.broadcast %reduce_or3A_895 : f32 to vector<16xf32>
          %reduce_or3A_898 = arith.select %while3A_892, %reduce_or3A_896, %reduce_or3A_897 : vector<16xi1>, vector<16xf32>
          %reduce_or3A_899 = arith.constant true
          %reduce_or3A_900 = vector.broadcast %reduce_or3A_899 : i1 to vector<16xi1>
          %reduce_or3A_901 = tpu.scan <max>, %reduce_or3A_898 masked %reduce_or3A_900 : vector<16xf32>, vector<16xi1> -> vector<16xf32>
          %reduce_or3A_902 = vector.extract %reduce_or3A_901[15] : f32 from vector<16xf32>
          %reduce_or3A_903 = arith.constant 0.000000e+00 : f32
          %reduce_or3A_904 = arith.cmpf ogt, %reduce_or3A_902, %reduce_or3A_903 : f32
          scf.condition(%reduce_or3A_904) %while3A_892, %while3A_893 : vector<16xi1>, i32
        } do {
        ^bb0(%while3A_892: vector<16xi1>, %while3A_893: i32):
          %all_reduce_ffs3A = tpu.all_reduce %while3A_892 {dim = 0 : i64, kind = #tpu.reduction_kind<find_first_set>} : vector<16xi1> -> vector<16xi32>
          %reduce_max3A = arith.constant true
          %reduce_max3A_894 = vector.broadcast %reduce_max3A : i1 to vector<16xi1>
          %reduce_max3A_895 = arith.constant -2147483648 : i32
          %reduce_max3A_896 = vector.broadcast %reduce_max3A_895 : i32 to vector<16xi32>
          %reduce_max3A_897 = arith.xori %all_reduce_ffs3A, %reduce_max3A_896 : vector<16xi32>
          %reduce_max3A_898 = tpu.scan <max>, %reduce_max3A_897 masked %reduce_max3A_894 : vector<16xi32>, vector<16xi1> -> vector<16xi32>
          %reduce_max3A_899 = arith.xori %reduce_max3A_898, %reduce_max3A_896 : vector<16xi32>
          %reduce_max3A_900 = vector.extract %reduce_max3A_899[15] : i32 from vector<16xi32>
          %mul3A_901 = arith.constant 8 : i32
          %mul3A_902 = arith.muli %scan3A_753, %mul3A_901 : i32
          %add3A_903 = arith.constant 7 : i32
          %add3A_904 = arith.addi %mul3A_902, %add3A_903 : i32
          %mul3A_905 = arith.constant 16 : i32
          %mul3A_906 = arith.muli %add3A_904, %mul3A_905 : i32
          %add3A_907 = arith.addi %mul3A_906, %reduce_max3A_900 : i32
          %broadcast_in_dim3A_908 = vector.broadcast %while3A_893 : i32 to vector<16xi32>
          %broadcast_in_dim3A_909 = vector.broadcast %add3A_907 : i32 to vector<16xi32>
          %eq3A_910 = arith.constant 0 : i32
          %eq3A_911 = vector.broadcast %eq3A_910 : i32 to vector<16xi32>
          %eq3A_912 = arith.cmpi eq, %iota3A, %eq3A_911 : vector<16xi32>
          tpu.vector_store_idx %arg19[%broadcast_in_dim3A_908], %broadcast_in_dim3A_909 masked %eq3A_912 : memref<1280xi32, #tpu.memory_space<vmem>>[vector<16xi32>], vector<16xi32>, vector<16xi1>
          %ne3A = vector.broadcast %reduce_max3A_900 : i32 to vector<16xi32>
          %ne3A_913 = arith.cmpi ne, %iota3A, %ne3A : vector<16xi32>
          %and3A = arith.andi %while3A_892, %ne3A_913 : vector<16xi1>
          %add3A_914 = arith.constant 1 : i32
          %add3A_915 = arith.addi %while3A_893, %add3A_914 : i32
          scf.yield %and3A, %add3A_915 : vector<16xi1>, i32
        }
        scf.yield %while3A_891#1 : i32
      } else {
        scf.yield %scan3A_754 : i32
      }
      scf.yield %cond3A_883 : i32
    }
    %scan3A_507 = arith.constant 10 : i32
    %broadcast_in_dim3A_508 = arith.constant -3.000000e+38 : f32
    %broadcast_in_dim3A_509 = vector.broadcast %broadcast_in_dim3A_508 : f32 to vector<16xf32>
    %swap3A_510 = arith.constant 0 : index
    %swap3A_511 = tpu.vector_load %arg21[%swap3A_510] {strides = array<i32>} : memref<32xf32, #tpu.memory_space<vmem>>, vector<16xf32>,
    tpu.vector_store %arg21[%swap3A_510], %broadcast_in_dim3A_509 {strides = array<i32>} : memref<32xf32, #tpu.memory_space<vmem>>, vector<16xf32>,
    %broadcast_in_dim3A_512 = arith.constant 0 : i32
    %broadcast_in_dim3A_513 = vector.broadcast %broadcast_in_dim3A_512 : i32 to vector<16xi32>
    %swap3A_514 = arith.constant 0 : index
    %swap3A_515 = tpu.vector_load %arg22[%swap3A_514] {strides = array<i32>} : memref<32xi32, #tpu.memory_space<vmem>>, vector<16xi32>,
    tpu.vector_store %arg22[%swap3A_514], %broadcast_in_dim3A_513 {strides = array<i32>} : memref<32xi32, #tpu.memory_space<vmem>>, vector<16xi32>,
    %broadcast_in_dim3A_516 = arith.constant -3.000000e+38 : f32
    %broadcast_in_dim3A_517 = vector.broadcast %broadcast_in_dim3A_516 : f32 to vector<16xf32>
    %swap3A_518 = arith.constant 16 : index
    %swap3A_519 = tpu.vector_load %arg21[%swap3A_518] {strides = array<i32>} : memref<32xf32, #tpu.memory_space<vmem>>, vector<16xf32>,
    tpu.vector_store %arg21[%swap3A_518], %broadcast_in_dim3A_517 {strides = array<i32>} : memref<32xf32, #tpu.memory_space<vmem>>, vector<16xf32>,
    %broadcast_in_dim3A_520 = arith.constant 0 : i32
    %broadcast_in_dim3A_521 = vector.broadcast %broadcast_in_dim3A_520 : i32 to vector<16xi32>
    %swap3A_522 = arith.constant 16 : index
    %swap3A_523 = tpu.vector_load %arg22[%swap3A_522] {strides = array<i32>} : memref<32xi32, #tpu.memory_space<vmem>>, vector<16xi32>,
    tpu.vector_store %arg22[%swap3A_522], %broadcast_in_dim3A_521 {strides = array<i32>} : memref<32xi32, #tpu.memory_space<vmem>>, vector<16xi32>,
    %while3A_524 = arith.constant 0 : i32
    %while3A_525 = scf.while (%while3A_753 = %while3A_524) : (i32) -> i32 {
      %lt3A_754 = arith.cmpi slt, %while3A_753, %scan3A_506 : i32
      scf.condition(%lt3A_754) %while3A_753 : i32
    } do {
    ^bb0(%while3A_753: i32):
      %broadcast_in_dim3A_754 = vector.broadcast %while3A_753 : i32 to vector<16xi32>
      %gather3A = tpu.vector_load_idx %arg19[%broadcast_in_dim3A_754] : memref<1280xi32, #tpu.memory_space<vmem>>[vector<16xi32>], vector<16xi32>,
      %and3A = arith.constant 255 : i32
      %and3A_755 = vector.broadcast %and3A : i32 to vector<16xi32>
      %and3A_756 = arith.andi %gather3A, %and3A_755 : vector<16xi32>
      %dma_start3A_757 = arith.constant 0 : i32
      %dma_start3A_758 = arith.constant 0 : i32
      %dma_start3A_759 = tpu.memref_slice %arg5[%add3A_404, %dma_start3A_757, %dma_start3A_758] : memref<128x256x128xf32, #tpu.memory_space<hbm>> -> memref<1x256x128xf32, #tpu.memory_space<hbm>>
      %dma_start3A_760 = tpu.memref_squeeze %dma_start3A_759 : memref<1x256x128xf32, #tpu.memory_space<hbm>> -> memref<256x128xf32, #tpu.memory_space<hbm>>
      %dma_start3A_761 = arith.constant 0 : i32
      %dma_start3A_762 = arith.constant 0 : i32
      %dma_start3A_763 = tpu.memref_slice %dma_start3A_760[%dma_start3A_761, %dma_start3A_762] : memref<256x128xf32, #tpu.memory_space<hbm>> -> memref<256x128xf32, #tpu.memory_space<hbm>>
      tpu.enqueue_indirect_dma source(%dma_start3A_763 : memref<256x128xf32, #tpu.memory_space<hbm>>) target(%arg20 : memref<16x128xf32, #tpu.memory_space<vmem>>) offsets(%and3A_756 : vector<16xi32>) semaphore(%arg24 : memref<!tpu.dma_semaphore, #tpu.memory_space<semaphore_mem>>)
      %broadcast_in_dim3A_764 = arith.constant 2 : i32
      %broadcast_in_dim3A_765 = vector.broadcast %broadcast_in_dim3A_764 : i32 to vector<16xi32>
      %gather3A_766 = tpu.vector_load_idx %arg12[%broadcast_in_dim3A_765, %gather3A] : memref<4x1280xi32, #tpu.memory_space<vmem>>[vector<16xi32>, vector<16xi32>], vector<16xi32>,
      %gather3A_767 = tpu.vector_load_idx %arg13[%broadcast_in_dim3A_765, %gather3A] : memref<4x1280xf32, #tpu.memory_space<vmem>>[vector<16xi32>, vector<16xi32>], vector<16xf32>,
      %dma_wait3A_768 = arith.constant 0 : i32
      %dma_wait3A_769 = arith.constant 0 : i32
      %dma_wait3A_770 = tpu.memref_slice %arg5[%add3A_404, %dma_wait3A_768, %dma_wait3A_769] : memref<128x256x128xf32, #tpu.memory_space<hbm>> -> memref<1x256x128xf32, #tpu.memory_space<hbm>>
      %dma_wait3A_771 = tpu.memref_squeeze %dma_wait3A_770 : memref<1x256x128xf32, #tpu.memory_space<hbm>> -> memref<256x128xf32, #tpu.memory_space<hbm>>
      %dma_wait3A_772 = arith.constant 0 : i32
      %dma_wait3A_773 = arith.constant 0 : i32
      %dma_wait3A_774 = tpu.memref_slice %dma_wait3A_771[%dma_wait3A_772, %dma_wait3A_773] : memref<256x128xf32, #tpu.memory_space<hbm>> -> memref<256x128xf32, #tpu.memory_space<hbm>>
      tpu.wait_indirect_dma semaphore(%arg24 : memref<!tpu.dma_semaphore, #tpu.memory_space<semaphore_mem>>) src(%dma_wait3A_774 : memref<256x128xf32, #tpu.memory_space<hbm>>) dst(%arg20 : memref<16x128xf32, #tpu.memory_space<vmem>>)
      %eq3A_775 = arith.cmpi eq, %get3A_408, %gather3A_766 : vector<16xi32>
      %while3A_776 = scf.while (%while3A_781 = %eq3A_775) : (vector<16xi1>) -> vector<16xi1> {
        %reduce_or3A = arith.constant 1.000000e+00 : f32
        %reduce_or3A_782 = arith.constant 0.000000e+00 : f32
        %reduce_or3A_783 = vector.broadcast %reduce_or3A : f32 to vector<16xf32>
        %reduce_or3A_784 = vector.broadcast %reduce_or3A_782 : f32 to vector<16xf32>
        %reduce_or3A_785 = arith.select %while3A_781, %reduce_or3A_783, %reduce_or3A_784 : vector<16xi1>, vector<16xf32>
        %reduce_or3A_786 = arith.constant true
        %reduce_or3A_787 = vector.broadcast %reduce_or3A_786 : i1 to vector<16xi1>
        %reduce_or3A_788 = tpu.scan <max>, %reduce_or3A_785 masked %reduce_or3A_787 : vector<16xf32>, vector<16xi1> -> vector<16xf32>
        %reduce_or3A_789 = vector.extract %reduce_or3A_788[15] : f32 from vector<16xf32>
        %reduce_or3A_790 = arith.constant 0.000000e+00 : f32
        %reduce_or3A_791 = arith.cmpf ogt, %reduce_or3A_789, %reduce_or3A_790 : f32
        scf.condition(%reduce_or3A_791) %while3A_781 : vector<16xi1>
      } do {
      ^bb0(%while3A_781: vector<16xi1>):
        %all_reduce_ffs3A = tpu.all_reduce %while3A_781 {dim = 0 : i64, kind = #tpu.reduction_kind<find_first_set>} : vector<16xi1> -> vector<16xi32>
        %reduce_max3A = arith.constant true
        %reduce_max3A_782 = vector.broadcast %reduce_max3A : i1 to vector<16xi1>
        %reduce_max3A_783 = arith.constant -2147483648 : i32
        %reduce_max3A_784 = vector.broadcast %reduce_max3A_783 : i32 to vector<16xi32>
        %reduce_max3A_785 = arith.xori %all_reduce_ffs3A, %reduce_max3A_784 : vector<16xi32>
        %reduce_max3A_786 = tpu.scan <max>, %reduce_max3A_785 masked %reduce_max3A_782 : vector<16xi32>, vector<16xi1> -> vector<16xi32>
        %reduce_max3A_787 = arith.xori %reduce_max3A_786, %reduce_max3A_784 : vector<16xi32>
        %reduce_max3A_788 = vector.extract %reduce_max3A_787[15] : i32 from vector<16xi32>
        %add3A_789 = arith.constant 0 : i32
        %add3A_790 = arith.addi %add3A_789, %reduce_max3A_788 : i32
        %mul3A_791 = arith.constant 128 : i32
        %mul3A_792 = arith.muli %add3A_790, %mul3A_791 : i32
        %broadcast_in_dim3A_793 = arith.constant 0.000000e+00 : f32
        %broadcast_in_dim3A_794 = vector.broadcast %broadcast_in_dim3A_793 : f32 to vector<16xf32>
        %add3A_795 = arith.constant 0 : i32
        %add3A_796 = arith.addi %mul3A_792, %add3A_795 : i32
        %get3A_797 = arith.constant 2 : i32
        %get3A_798 = arith.index_cast %get3A_797 : i32 to index
        %get3A_799 = arith.index_cast %add3A_796 : i32 to index
        %get3A_800 = tpu.vector_load %arg14[%get3A_798, %get3A_799] {strides = array<i32>} : memref<4x4096xf32, #tpu.memory_space<vmem>>, vector<16xf32>,
        %get3A_801 = arith.constant 0 : i32
        %get3A_802 = arith.index_cast %get3A_801 : i32 to index
        %get3A_803 = arith.constant 0 : index
        %get3A_804 = tpu.vector_load %arg20[%get3A_802, %get3A_803] {strides = array<i32>} : memref<16x128xf32, #tpu.memory_space<vmem>>, vector<16xf32>,
        %mul3A_805 = arith.mulf %get3A_800, %get3A_804 : vector<16xf32>
        %add3A_806 = arith.addf %broadcast_in_dim3A_794, %mul3A_805 : vector<16xf32>
        %add3A_807 = arith.constant 16 : i32
        %add3A_808 = arith.addi %mul3A_792, %add3A_807 : i32
        %get3A_809 = arith.constant 2 : i32
        %get3A_810 = arith.index_cast %get3A_809 : i32 to index
        %get3A_811 = arith.index_cast %add3A_808 : i32 to index
        %get3A_812 = tpu.vector_load %arg14[%get3A_810, %get3A_811] {strides = array<i32>} : memref<4x4096xf32, #tpu.memory_space<vmem>>, vector<16xf32>,
        %get3A_813 = arith.constant 0 : i32
        %get3A_814 = arith.index_cast %get3A_813 : i32 to index
        %get3A_815 = arith.constant 16 : index
        %get3A_816 = tpu.vector_load %arg20[%get3A_814, %get3A_815] {strides = array<i32>} : memref<16x128xf32, #tpu.memory_space<vmem>>, vector<16xf32>,
        %mul3A_817 = arith.mulf %get3A_812, %get3A_816 : vector<16xf32>
        %add3A_818 = arith.addf %add3A_806, %mul3A_817 : vector<16xf32>
        %add3A_819 = arith.constant 32 : i32
        %add3A_820 = arith.addi %mul3A_792, %add3A_819 : i32
        %get3A_821 = arith.constant 2 : i32
        %get3A_822 = arith.index_cast %get3A_821 : i32 to index
        %get3A_823 = arith.index_cast %add3A_820 : i32 to index
        %get3A_824 = tpu.vector_load %arg14[%get3A_822, %get3A_823] {strides = array<i32>} : memref<4x4096xf32, #tpu.memory_space<vmem>>, vector<16xf32>,
        %get3A_825 = arith.constant 0 : i32
        %get3A_826 = arith.index_cast %get3A_825 : i32 to index
        %get3A_827 = arith.constant 32 : index
        %get3A_828 = tpu.vector_load %arg20[%get3A_826, %get3A_827] {strides = array<i32>} : memref<16x128xf32, #tpu.memory_space<vmem>>, vector<16xf32>,
        %mul3A_829 = arith.mulf %get3A_824, %get3A_828 : vector<16xf32>
        %add3A_830 = arith.addf %add3A_818, %mul3A_829 : vector<16xf32>
        %add3A_831 = arith.constant 48 : i32
        %add3A_832 = arith.addi %mul3A_792, %add3A_831 : i32
        %get3A_833 = arith.constant 2 : i32
        %get3A_834 = arith.index_cast %get3A_833 : i32 to index
        %get3A_835 = arith.index_cast %add3A_832 : i32 to index
        %get3A_836 = tpu.vector_load %arg14[%get3A_834, %get3A_835] {strides = array<i32>} : memref<4x4096xf32, #tpu.memory_space<vmem>>, vector<16xf32>,
        %get3A_837 = arith.constant 0 : i32
        %get3A_838 = arith.index_cast %get3A_837 : i32 to index
        %get3A_839 = arith.constant 48 : index
        %get3A_840 = tpu.vector_load %arg20[%get3A_838, %get3A_839] {strides = array<i32>} : memref<16x128xf32, #tpu.memory_space<vmem>>, vector<16xf32>,
        %mul3A_841 = arith.mulf %get3A_836, %get3A_840 : vector<16xf32>
        %add3A_842 = arith.addf %add3A_830, %mul3A_841 : vector<16xf32>
        %add3A_843 = arith.constant 64 : i32
        %add3A_844 = arith.addi %mul3A_792, %add3A_843 : i32
        %get3A_845 = arith.constant 2 : i32
        %get3A_846 = arith.index_cast %get3A_845 : i32 to index
        %get3A_847 = arith.index_cast %add3A_844 : i32 to index
        %get3A_848 = tpu.vector_load %arg14[%get3A_846, %get3A_847] {strides = array<i32>} : memref<4x4096xf32, #tpu.memory_space<vmem>>, vector<16xf32>,
        %get3A_849 = arith.constant 0 : i32
        %get3A_850 = arith.index_cast %get3A_849 : i32 to index
        %get3A_851 = arith.constant 64 : index
        %get3A_852 = tpu.vector_load %arg20[%get3A_850, %get3A_851] {strides = array<i32>} : memref<16x128xf32, #tpu.memory_space<vmem>>, vector<16xf32>,
        %mul3A_853 = arith.mulf %get3A_848, %get3A_852 : vector<16xf32>
        %add3A_854 = arith.addf %add3A_842, %mul3A_853 : vector<16xf32>
        %add3A_855 = arith.constant 80 : i32
        %add3A_856 = arith.addi %mul3A_792, %add3A_855 : i32
        %get3A_857 = arith.constant 2 : i32
        %get3A_858 = arith.index_cast %get3A_857 : i32 to index
        %get3A_859 = arith.index_cast %add3A_856 : i32 to index
        %get3A_860 = tpu.vector_load %arg14[%get3A_858, %get3A_859] {strides = array<i32>} : memref<4x4096xf32, #tpu.memory_space<vmem>>, vector<16xf32>,
        %get3A_861 = arith.constant 0 : i32
        %get3A_862 = arith.index_cast %get3A_861 : i32 to index
        %get3A_863 = arith.constant 80 : index
        %get3A_864 = tpu.vector_load %arg20[%get3A_862, %get3A_863] {strides = array<i32>} : memref<16x128xf32, #tpu.memory_space<vmem>>, vector<16xf32>,
        %mul3A_865 = arith.mulf %get3A_860, %get3A_864 : vector<16xf32>
        %add3A_866 = arith.addf %add3A_854, %mul3A_865 : vector<16xf32>
        %add3A_867 = arith.constant 96 : i32
        %add3A_868 = arith.addi %mul3A_792, %add3A_867 : i32
        %get3A_869 = arith.constant 2 : i32
        %get3A_870 = arith.index_cast %get3A_869 : i32 to index
        %get3A_871 = arith.index_cast %add3A_868 : i32 to index
        %get3A_872 = tpu.vector_load %arg14[%get3A_870, %get3A_871] {strides = array<i32>} : memref<4x4096xf32, #tpu.memory_space<vmem>>, vector<16xf32>,
        %get3A_873 = arith.constant 0 : i32
        %get3A_874 = arith.index_cast %get3A_873 : i32 to index
        %get3A_875 = arith.constant 96 : index
        %get3A_876 = tpu.vector_load %arg20[%get3A_874, %get3A_875] {strides = array<i32>} : memref<16x128xf32, #tpu.memory_space<vmem>>, vector<16xf32>,
        %mul3A_877 = arith.mulf %get3A_872, %get3A_876 : vector<16xf32>
        %add3A_878 = arith.addf %add3A_866, %mul3A_877 : vector<16xf32>
        %add3A_879 = arith.constant 112 : i32
        %add3A_880 = arith.addi %mul3A_792, %add3A_879 : i32
        %get3A_881 = arith.constant 2 : i32
        %get3A_882 = arith.index_cast %get3A_881 : i32 to index
        %get3A_883 = arith.index_cast %add3A_880 : i32 to index
        %get3A_884 = tpu.vector_load %arg14[%get3A_882, %get3A_883] {strides = array<i32>} : memref<4x4096xf32, #tpu.memory_space<vmem>>, vector<16xf32>,
        %get3A_885 = arith.constant 0 : i32
        %get3A_886 = arith.index_cast %get3A_885 : i32 to index
        %get3A_887 = arith.constant 112 : index
        %get3A_888 = tpu.vector_load %arg20[%get3A_886, %get3A_887] {strides = array<i32>} : memref<16x128xf32, #tpu.memory_space<vmem>>, vector<16xf32>,
        %mul3A_889 = arith.mulf %get3A_884, %get3A_888 : vector<16xf32>
        %add3A_890 = arith.addf %add3A_878, %mul3A_889 : vector<16xf32>
        %reduce_sum3A_891 = arith.constant true
        %reduce_sum3A_892 = vector.broadcast %reduce_sum3A_891 : i1 to vector<16xi1>
        %reduce_sum3A_893 = tpu.scan <sum>, %add3A_890 masked %reduce_sum3A_892 : vector<16xf32>, vector<16xi1> -> vector<16xf32>
        %reduce_sum3A_894 = vector.extract %reduce_sum3A_893[15] : f32 from vector<16xf32>
        %mul3A_895 = vector.broadcast %reduce_sum3A_894 : f32 to vector<16xf32>
        %mul3A_896 = arith.mulf %mul3A_895, %gather3A_767 : vector<16xf32>
        %eq3A_897 = vector.broadcast %reduce_max3A_788 : i32 to vector<16xi32>
        %eq3A_898 = arith.cmpi eq, %iota3A, %eq3A_897 : vector<16xi32>
        %get3A_899 = arith.constant 0 : index
        %get3A_900 = tpu.vector_load %arg21[%get3A_899] {strides = array<i32>} : memref<32xf32, #tpu.memory_space<vmem>>, vector<16xf32>,
        %max3A_901 = arith.maximumf %get3A_900, %mul3A_896 : vector<16xf32>
        %select_n3A_902 = arith.select %eq3A_898, %max3A_901, %get3A_900 : vector<16xi1>, vector<16xf32>
        %swap3A_903 = arith.constant 0 : index
        %swap3A_904 = tpu.vector_load %arg21[%swap3A_903] {strides = array<i32>} : memref<32xf32, #tpu.memory_space<vmem>>, vector<16xf32>,
        tpu.vector_store %arg21[%swap3A_903], %select_n3A_902 {strides = array<i32>} : memref<32xf32, #tpu.memory_space<vmem>>, vector<16xf32>,
        %get3A_905 = arith.constant 0 : index
        %get3A_906 = tpu.vector_load %arg22[%get3A_905] {strides = array<i32>} : memref<32xi32, #tpu.memory_space<vmem>>, vector<16xi32>,
        %add3A_907 = arith.constant 1 : i32
        %add3A_908 = vector.broadcast %add3A_907 : i32 to vector<16xi32>
        %add3A_909 = arith.addi %get3A_906, %add3A_908 : vector<16xi32>
        %select_n3A_910 = arith.select %eq3A_898, %add3A_909, %get3A_906 : vector<16xi1>, vector<16xi32>
        %swap3A_911 = arith.constant 0 : index
        %swap3A_912 = tpu.vector_load %arg22[%swap3A_911] {strides = array<i32>} : memref<32xi32, #tpu.memory_space<vmem>>, vector<16xi32>,
        tpu.vector_store %arg22[%swap3A_911], %select_n3A_910 {strides = array<i32>} : memref<32xi32, #tpu.memory_space<vmem>>, vector<16xi32>,
        %ne3A = vector.broadcast %reduce_max3A_788 : i32 to vector<16xi32>
        %ne3A_913 = arith.cmpi ne, %iota3A, %ne3A : vector<16xi32>
        %and3A_914 = arith.andi %while3A_781, %ne3A_913 : vector<16xi1>
        scf.yield %and3A_914 : vector<16xi1>
      }
      %eq3A_777 = arith.cmpi eq, %get3A_412, %gather3A_766 : vector<16xi32>
      %while3A_778 = scf.while (%while3A_781 = %eq3A_777) : (vector<16xi1>) -> vector<16xi1> {
        %reduce_or3A = arith.constant 1.000000e+00 : f32
        %reduce_or3A_782 = arith.constant 0.000000e+00 : f32
        %reduce_or3A_783 = vector.broadcast %reduce_or3A : f32 to vector<16xf32>
        %reduce_or3A_784 = vector.broadcast %reduce_or3A_782 : f32 to vector<16xf32>
        %reduce_or3A_785 = arith.select %while3A_781, %reduce_or3A_783, %reduce_or3A_784 : vector<16xi1>, vector<16xf32>
        %reduce_or3A_786 = arith.constant true
        %reduce_or3A_787 = vector.broadcast %reduce_or3A_786 : i1 to vector<16xi1>
        %reduce_or3A_788 = tpu.scan <max>, %reduce_or3A_785 masked %reduce_or3A_787 : vector<16xf32>, vector<16xi1> -> vector<16xf32>
        %reduce_or3A_789 = vector.extract %reduce_or3A_788[15] : f32 from vector<16xf32>
        %reduce_or3A_790 = arith.constant 0.000000e+00 : f32
        %reduce_or3A_791 = arith.cmpf ogt, %reduce_or3A_789, %reduce_or3A_790 : f32
        scf.condition(%reduce_or3A_791) %while3A_781 : vector<16xi1>
      } do {
      ^bb0(%while3A_781: vector<16xi1>):
        %all_reduce_ffs3A = tpu.all_reduce %while3A_781 {dim = 0 : i64, kind = #tpu.reduction_kind<find_first_set>} : vector<16xi1> -> vector<16xi32>
        %reduce_max3A = arith.constant true
        %reduce_max3A_782 = vector.broadcast %reduce_max3A : i1 to vector<16xi1>
        %reduce_max3A_783 = arith.constant -2147483648 : i32
        %reduce_max3A_784 = vector.broadcast %reduce_max3A_783 : i32 to vector<16xi32>
        %reduce_max3A_785 = arith.xori %all_reduce_ffs3A, %reduce_max3A_784 : vector<16xi32>
        %reduce_max3A_786 = tpu.scan <max>, %reduce_max3A_785 masked %reduce_max3A_782 : vector<16xi32>, vector<16xi1> -> vector<16xi32>
        %reduce_max3A_787 = arith.xori %reduce_max3A_786, %reduce_max3A_784 : vector<16xi32>
        %reduce_max3A_788 = vector.extract %reduce_max3A_787[15] : i32 from vector<16xi32>
        %add3A_789 = arith.constant 16 : i32
        %add3A_790 = arith.addi %add3A_789, %reduce_max3A_788 : i32
        %mul3A_791 = arith.constant 128 : i32
        %mul3A_792 = arith.muli %add3A_790, %mul3A_791 : i32
        %broadcast_in_dim3A_793 = arith.constant 0.000000e+00 : f32
        %broadcast_in_dim3A_794 = vector.broadcast %broadcast_in_dim3A_793 : f32 to vector<16xf32>
        %add3A_795 = arith.constant 0 : i32
        %add3A_796 = arith.addi %mul3A_792, %add3A_795 : i32
        %get3A_797 = arith.constant 2 : i32
        %get3A_798 = arith.index_cast %get3A_797 : i32 to index
        %get3A_799 = arith.index_cast %add3A_796 : i32 to index
        %get3A_800 = tpu.vector_load %arg14[%get3A_798, %get3A_799] {strides = array<i32>} : memref<4x4096xf32, #tpu.memory_space<vmem>>, vector<16xf32>,
        %get3A_801 = arith.constant 0 : i32
        %get3A_802 = arith.index_cast %get3A_801 : i32 to index
        %get3A_803 = arith.constant 0 : index
        %get3A_804 = tpu.vector_load %arg20[%get3A_802, %get3A_803] {strides = array<i32>} : memref<16x128xf32, #tpu.memory_space<vmem>>, vector<16xf32>,
        %mul3A_805 = arith.mulf %get3A_800, %get3A_804 : vector<16xf32>
        %add3A_806 = arith.addf %broadcast_in_dim3A_794, %mul3A_805 : vector<16xf32>
        %add3A_807 = arith.constant 16 : i32
        %add3A_808 = arith.addi %mul3A_792, %add3A_807 : i32
        %get3A_809 = arith.constant 2 : i32
        %get3A_810 = arith.index_cast %get3A_809 : i32 to index
        %get3A_811 = arith.index_cast %add3A_808 : i32 to index
        %get3A_812 = tpu.vector_load %arg14[%get3A_810, %get3A_811] {strides = array<i32>} : memref<4x4096xf32, #tpu.memory_space<vmem>>, vector<16xf32>,
        %get3A_813 = arith.constant 0 : i32
        %get3A_814 = arith.index_cast %get3A_813 : i32 to index
        %get3A_815 = arith.constant 16 : index
        %get3A_816 = tpu.vector_load %arg20[%get3A_814, %get3A_815] {strides = array<i32>} : memref<16x128xf32, #tpu.memory_space<vmem>>, vector<16xf32>,
        %mul3A_817 = arith.mulf %get3A_812, %get3A_816 : vector<16xf32>
        %add3A_818 = arith.addf %add3A_806, %mul3A_817 : vector<16xf32>
        %add3A_819 = arith.constant 32 : i32
        %add3A_820 = arith.addi %mul3A_792, %add3A_819 : i32
        %get3A_821 = arith.constant 2 : i32
        %get3A_822 = arith.index_cast %get3A_821 : i32 to index
        %get3A_823 = arith.index_cast %add3A_820 : i32 to index
        %get3A_824 = tpu.vector_load %arg14[%get3A_822, %get3A_823] {strides = array<i32>} : memref<4x4096xf32, #tpu.memory_space<vmem>>, vector<16xf32>,
        %get3A_825 = arith.constant 0 : i32
        %get3A_826 = arith.index_cast %get3A_825 : i32 to index
        %get3A_827 = arith.constant 32 : index
        %get3A_828 = tpu.vector_load %arg20[%get3A_826, %get3A_827] {strides = array<i32>} : memref<16x128xf32, #tpu.memory_space<vmem>>, vector<16xf32>,
        %mul3A_829 = arith.mulf %get3A_824, %get3A_828 : vector<16xf32>
        %add3A_830 = arith.addf %add3A_818, %mul3A_829 : vector<16xf32>
        %add3A_831 = arith.constant 48 : i32
        %add3A_832 = arith.addi %mul3A_792, %add3A_831 : i32
        %get3A_833 = arith.constant 2 : i32
        %get3A_834 = arith.index_cast %get3A_833 : i32 to index
        %get3A_835 = arith.index_cast %add3A_832 : i32 to index
        %get3A_836 = tpu.vector_load %arg14[%get3A_834, %get3A_835] {strides = array<i32>} : memref<4x4096xf32, #tpu.memory_space<vmem>>, vector<16xf32>,
        %get3A_837 = arith.constant 0 : i32
        %get3A_838 = arith.index_cast %get3A_837 : i32 to index
        %get3A_839 = arith.constant 48 : index
        %get3A_840 = tpu.vector_load %arg20[%get3A_838, %get3A_839] {strides = array<i32>} : memref<16x128xf32, #tpu.memory_space<vmem>>, vector<16xf32>,
        %mul3A_841 = arith.mulf %get3A_836, %get3A_840 : vector<16xf32>
        %add3A_842 = arith.addf %add3A_830, %mul3A_841 : vector<16xf32>
        %add3A_843 = arith.constant 64 : i32
        %add3A_844 = arith.addi %mul3A_792, %add3A_843 : i32
        %get3A_845 = arith.constant 2 : i32
        %get3A_846 = arith.index_cast %get3A_845 : i32 to index
        %get3A_847 = arith.index_cast %add3A_844 : i32 to index
        %get3A_848 = tpu.vector_load %arg14[%get3A_846, %get3A_847] {strides = array<i32>} : memref<4x4096xf32, #tpu.memory_space<vmem>>, vector<16xf32>,
        %get3A_849 = arith.constant 0 : i32
        %get3A_850 = arith.index_cast %get3A_849 : i32 to index
        %get3A_851 = arith.constant 64 : index
        %get3A_852 = tpu.vector_load %arg20[%get3A_850, %get3A_851] {strides = array<i32>} : memref<16x128xf32, #tpu.memory_space<vmem>>, vector<16xf32>,
        %mul3A_853 = arith.mulf %get3A_848, %get3A_852 : vector<16xf32>
        %add3A_854 = arith.addf %add3A_842, %mul3A_853 : vector<16xf32>
        %add3A_855 = arith.constant 80 : i32
        %add3A_856 = arith.addi %mul3A_792, %add3A_855 : i32
        %get3A_857 = arith.constant 2 : i32
        %get3A_858 = arith.index_cast %get3A_857 : i32 to index
        %get3A_859 = arith.index_cast %add3A_856 : i32 to index
        %get3A_860 = tpu.vector_load %arg14[%get3A_858, %get3A_859] {strides = array<i32>} : memref<4x4096xf32, #tpu.memory_space<vmem>>, vector<16xf32>,
        %get3A_861 = arith.constant 0 : i32
        %get3A_862 = arith.index_cast %get3A_861 : i32 to index
        %get3A_863 = arith.constant 80 : index
        %get3A_864 = tpu.vector_load %arg20[%get3A_862, %get3A_863] {strides = array<i32>} : memref<16x128xf32, #tpu.memory_space<vmem>>, vector<16xf32>,
        %mul3A_865 = arith.mulf %get3A_860, %get3A_864 : vector<16xf32>
        %add3A_866 = arith.addf %add3A_854, %mul3A_865 : vector<16xf32>
        %add3A_867 = arith.constant 96 : i32
        %add3A_868 = arith.addi %mul3A_792, %add3A_867 : i32
        %get3A_869 = arith.constant 2 : i32
        %get3A_870 = arith.index_cast %get3A_869 : i32 to index
        %get3A_871 = arith.index_cast %add3A_868 : i32 to index
        %get3A_872 = tpu.vector_load %arg14[%get3A_870, %get3A_871] {strides = array<i32>} : memref<4x4096xf32, #tpu.memory_space<vmem>>, vector<16xf32>,
        %get3A_873 = arith.constant 0 : i32
        %get3A_874 = arith.index_cast %get3A_873 : i32 to index
        %get3A_875 = arith.constant 96 : index
        %get3A_876 = tpu.vector_load %arg20[%get3A_874, %get3A_875] {strides = array<i32>} : memref<16x128xf32, #tpu.memory_space<vmem>>, vector<16xf32>,
        %mul3A_877 = arith.mulf %get3A_872, %get3A_876 : vector<16xf32>
        %add3A_878 = arith.addf %add3A_866, %mul3A_877 : vector<16xf32>
        %add3A_879 = arith.constant 112 : i32
        %add3A_880 = arith.addi %mul3A_792, %add3A_879 : i32
        %get3A_881 = arith.constant 2 : i32
        %get3A_882 = arith.index_cast %get3A_881 : i32 to index
        %get3A_883 = arith.index_cast %add3A_880 : i32 to index
        %get3A_884 = tpu.vector_load %arg14[%get3A_882, %get3A_883] {strides = array<i32>} : memref<4x4096xf32, #tpu.memory_space<vmem>>, vector<16xf32>,
        %get3A_885 = arith.constant 0 : i32
        %get3A_886 = arith.index_cast %get3A_885 : i32 to index
        %get3A_887 = arith.constant 112 : index
        %get3A_888 = tpu.vector_load %arg20[%get3A_886, %get3A_887] {strides = array<i32>} : memref<16x128xf32, #tpu.memory_space<vmem>>, vector<16xf32>,
        %mul3A_889 = arith.mulf %get3A_884, %get3A_888 : vector<16xf32>
        %add3A_890 = arith.addf %add3A_878, %mul3A_889 : vector<16xf32>
        %reduce_sum3A_891 = arith.constant true
        %reduce_sum3A_892 = vector.broadcast %reduce_sum3A_891 : i1 to vector<16xi1>
        %reduce_sum3A_893 = tpu.scan <sum>, %add3A_890 masked %reduce_sum3A_892 : vector<16xf32>, vector<16xi1> -> vector<16xf32>
        %reduce_sum3A_894 = vector.extract %reduce_sum3A_893[15] : f32 from vector<16xf32>
        %mul3A_895 = vector.broadcast %reduce_sum3A_894 : f32 to vector<16xf32>
        %mul3A_896 = arith.mulf %mul3A_895, %gather3A_767 : vector<16xf32>
        %eq3A_897 = vector.broadcast %reduce_max3A_788 : i32 to vector<16xi32>
        %eq3A_898 = arith.cmpi eq, %iota3A, %eq3A_897 : vector<16xi32>
        %get3A_899 = arith.constant 16 : index
        %get3A_900 = tpu.vector_load %arg21[%get3A_899] {strides = array<i32>} : memref<32xf32, #tpu.memory_space<vmem>>, vector<16xf32>,
        %max3A_901 = arith.maximumf %get3A_900, %mul3A_896 : vector<16xf32>
        %select_n3A_902 = arith.select %eq3A_898, %max3A_901, %get3A_900 : vector<16xi1>, vector<16xf32>
        %swap3A_903 = arith.constant 16 : index
        %swap3A_904 = tpu.vector_load %arg21[%swap3A_903] {strides = array<i32>} : memref<32xf32, #tpu.memory_space<vmem>>, vector<16xf32>,
        tpu.vector_store %arg21[%swap3A_903], %select_n3A_902 {strides = array<i32>} : memref<32xf32, #tpu.memory_space<vmem>>, vector<16xf32>,
        %get3A_905 = arith.constant 16 : index
        %get3A_906 = tpu.vector_load %arg22[%get3A_905] {strides = array<i32>} : memref<32xi32, #tpu.memory_space<vmem>>, vector<16xi32>,
        %add3A_907 = arith.constant 1 : i32
        %add3A_908 = vector.broadcast %add3A_907 : i32 to vector<16xi32>
        %add3A_909 = arith.addi %get3A_906, %add3A_908 : vector<16xi32>
        %select_n3A_910 = arith.select %eq3A_898, %add3A_909, %get3A_906 : vector<16xi1>, vector<16xi32>
        %swap3A_911 = arith.constant 16 : index
        %swap3A_912 = tpu.vector_load %arg22[%swap3A_911] {strides = array<i32>} : memref<32xi32, #tpu.memory_space<vmem>>, vector<16xi32>,
        tpu.vector_store %arg22[%swap3A_911], %select_n3A_910 {strides = array<i32>} : memref<32xi32, #tpu.memory_space<vmem>>, vector<16xi32>,
        %ne3A = vector.broadcast %reduce_max3A_788 : i32 to vector<16xi32>
        %ne3A_913 = arith.cmpi ne, %iota3A, %ne3A : vector<16xi32>
        %and3A_914 = arith.andi %while3A_781, %ne3A_913 : vector<16xi1>
        scf.yield %and3A_914 : vector<16xi1>
      }
      %add3A_779 = arith.constant 1 : i32
      %add3A_780 = arith.addi %while3A_753, %add3A_779 : i32
      scf.yield %add3A_780 : i32
    }
    %get3A_526 = arith.constant 0 : index
    %get3A_527 = tpu.vector_load %arg21[%get3A_526] {strides = array<i32>} : memref<32xf32, #tpu.memory_space<vmem>>, vector<16xf32>,
    %get3A_528 = arith.constant 0 : index
    %get3A_529 = tpu.vector_load %arg22[%get3A_528] {strides = array<i32>} : memref<32xi32, #tpu.memory_space<vmem>>, vector<16xi32>,
    %lt3A_530 = arith.constant 1280 : i32
    %lt3A_531 = vector.broadcast %lt3A_530 : i32 to vector<16xi32>
    %lt3A_532 = arith.cmpi slt, %get3A_529, %lt3A_531 : vector<16xi32>
    %max3A_533 = arith.constant 0.000000e+00 : f32
    %max3A_534 = vector.broadcast %max3A_533 : f32 to vector<16xf32>
    %max3A_535 = arith.maximumf %get3A_527, %max3A_534 : vector<16xf32>
    %select_n3A_536 = arith.select %lt3A_532, %max3A_535, %get3A_527 : vector<16xi1>, vector<16xf32>
    %get3A_537 = arith.constant 2 : i32
    %get3A_538 = arith.index_cast %get3A_537 : i32 to index
    %get3A_539 = arith.constant 0 : index
    %get3A_540 = tpu.vector_load %arg16[%get3A_538, %get3A_539] {strides = array<i32>} : memref<4x32xf32, #tpu.memory_space<vmem>>, vector<16xf32>,
    %mul3A_541 = arith.mulf %get3A_540, %select_n3A_536 : vector<16xf32>
    %reduce_sum3A_542 = arith.constant true
    %reduce_sum3A_543 = vector.broadcast %reduce_sum3A_542 : i1 to vector<16xi1>
    %reduce_sum3A_544 = tpu.scan <sum>, %mul3A_541 masked %reduce_sum3A_543 : vector<16xf32>, vector<16xi1> -> vector<16xf32>
    %reduce_sum3A_545 = vector.extract %reduce_sum3A_544[15] : f32 from vector<16xf32>
    %add3A_546 = arith.constant 0.000000e+00 : f32
    %add3A_547 = arith.addf %add3A_546, %reduce_sum3A_545 : f32
    %get3A_548 = arith.constant 16 : index
    %get3A_549 = tpu.vector_load %arg21[%get3A_548] {strides = array<i32>} : memref<32xf32, #tpu.memory_space<vmem>>, vector<16xf32>,
    %get3A_550 = arith.constant 16 : index
    %get3A_551 = tpu.vector_load %arg22[%get3A_550] {strides = array<i32>} : memref<32xi32, #tpu.memory_space<vmem>>, vector<16xi32>,
    %lt3A_552 = arith.constant 1280 : i32
    %lt3A_553 = vector.broadcast %lt3A_552 : i32 to vector<16xi32>
    %lt3A_554 = arith.cmpi slt, %get3A_551, %lt3A_553 : vector<16xi32>
    %max3A_555 = arith.constant 0.000000e+00 : f32
    %max3A_556 = vector.broadcast %max3A_555 : f32 to vector<16xf32>
    %max3A_557 = arith.maximumf %get3A_549, %max3A_556 : vector<16xf32>
    %select_n3A_558 = arith.select %lt3A_554, %max3A_557, %get3A_549 : vector<16xi1>, vector<16xf32>
    %get3A_559 = arith.constant 2 : i32
    %get3A_560 = arith.index_cast %get3A_559 : i32 to index
    %get3A_561 = arith.constant 16 : index
    %get3A_562 = tpu.vector_load %arg16[%get3A_560, %get3A_561] {strides = array<i32>} : memref<4x32xf32, #tpu.memory_space<vmem>>, vector<16xf32>,
    %mul3A_563 = arith.mulf %get3A_562, %select_n3A_558 : vector<16xf32>
    %reduce_sum3A_564 = arith.constant true
    %reduce_sum3A_565 = vector.broadcast %reduce_sum3A_564 : i1 to vector<16xi1>
    %reduce_sum3A_566 = tpu.scan <sum>, %mul3A_563 masked %reduce_sum3A_565 : vector<16xf32>, vector<16xi1> -> vector<16xf32>
    %reduce_sum3A_567 = vector.extract %reduce_sum3A_566[15] : f32 from vector<16xf32>
    %add3A_568 = arith.addf %add3A_547, %reduce_sum3A_567 : f32
    %eq3A_569 = arith.constant 2 : i32
    %eq3A_570 = vector.broadcast %eq3A_569 : i32 to vector<16xi32>
    %eq3A_571 = arith.cmpi eq, %iota3A, %eq3A_570 : vector<16xi32>
    %add3A_572 = arith.addf %add3A_568, %reduce_sum3A_500 : f32
    %broadcast_in_dim3A_573 = vector.broadcast %add3A_572 : f32 to vector<16xf32>
    %select_n3A_574 = arith.select %eq3A_571, %broadcast_in_dim3A_573, %select_n3A_400 : vector<16xi1>, vector<16xf32>
    %broadcast_in_dim3A_575 = arith.constant 0 : i32
    %broadcast_in_dim3A_576 = vector.broadcast %broadcast_in_dim3A_575 : i32 to vector<16xi32>
    tpu.vector_store_idx %arg11[%get3A_408], %broadcast_in_dim3A_576 : memref<30528xi32, #tpu.memory_space<vmem>>[vector<16xi32>], vector<16xi32>,
    tpu.vector_store_idx %arg11[%get3A_412], %broadcast_in_dim3A_576 : memref<30528xi32, #tpu.memory_space<vmem>>[vector<16xi32>], vector<16xi32>,
    %add3A_577 = arith.constant 3 : i32
    %add3A_578 = arith.addi %mul3A_2, %add3A_577 : i32
    %get3A_579 = arith.constant 3 : i32
    %get3A_580 = arith.index_cast %get3A_579 : i32 to index
    %get3A_581 = arith.constant 0 : index
    %get3A_582 = tpu.vector_load %arg15[%get3A_580, %get3A_581] {strides = array<i32>} : memref<4x32xi32, #tpu.memory_space<vmem>>, vector<16xi32>,
    %get3A_583 = arith.constant 3 : i32
    %get3A_584 = arith.index_cast %get3A_583 : i32 to index
    %get3A_585 = arith.constant 16 : index
    %get3A_586 = tpu.vector_load %arg15[%get3A_584, %get3A_585] {strides = array<i32>} : memref<4x32xi32, #tpu.memory_space<vmem>>, vector<16xi32>,
    %broadcast_in_dim3A_587 = arith.constant 1 : i32
    %broadcast_in_dim3A_588 = vector.broadcast %broadcast_in_dim3A_587 : i32 to vector<16xi32>
    tpu.vector_store_idx %arg11[%get3A_582], %broadcast_in_dim3A_588 : memref<30528xi32, #tpu.memory_space<vmem>>[vector<16xi32>], vector<16xi32>,
    tpu.vector_store_idx %arg11[%get3A_586], %broadcast_in_dim3A_588 : memref<30528xi32, #tpu.memory_space<vmem>>[vector<16xi32>], vector<16xi32>,
    %broadcast_in_dim3A_589 = arith.constant 0.000000e+00 : f32
    %broadcast_in_dim3A_590 = vector.broadcast %broadcast_in_dim3A_589 : f32 to vector<16xf32>
    %get3A_591 = arith.constant 3 : i32
    %get3A_592 = arith.index_cast %get3A_591 : i32 to index
    %get3A_593 = arith.constant 0 : index
    %get3A_594 = tpu.vector_load %arg17[%get3A_592, %get3A_593] {strides = array<i32>} : memref<4x128xf32, #tpu.memory_space<vmem>>, vector<16xf32>,
    %get3A_595 = arith.constant 3 : i32
    %get3A_596 = arith.index_cast %get3A_595 : i32 to index
    %get3A_597 = arith.constant 0 : index
    %get3A_598 = tpu.vector_load %arg18[%get3A_596, %get3A_597] {strides = array<i32>} : memref<4x128xf32, #tpu.memory_space<vmem>>, vector<16xf32>,
    %mul3A_599 = arith.mulf %get3A_594, %get3A_598 : vector<16xf32>
    %add3A_600 = arith.addf %broadcast_in_dim3A_590, %mul3A_599 : vector<16xf32>
    %get3A_601 = arith.constant 3 : i32
    %get3A_602 = arith.index_cast %get3A_601 : i32 to index
    %get3A_603 = arith.constant 16 : index
    %get3A_604 = tpu.vector_load %arg17[%get3A_602, %get3A_603] {strides = array<i32>} : memref<4x128xf32, #tpu.memory_space<vmem>>, vector<16xf32>,
    %get3A_605 = arith.constant 3 : i32
    %get3A_606 = arith.index_cast %get3A_605 : i32 to index
    %get3A_607 = arith.constant 16 : index
    %get3A_608 = tpu.vector_load %arg18[%get3A_606, %get3A_607] {strides = array<i32>} : memref<4x128xf32, #tpu.memory_space<vmem>>, vector<16xf32>,
    %mul3A_609 = arith.mulf %get3A_604, %get3A_608 : vector<16xf32>
    %add3A_610 = arith.addf %add3A_600, %mul3A_609 : vector<16xf32>
    %get3A_611 = arith.constant 3 : i32
    %get3A_612 = arith.index_cast %get3A_611 : i32 to index
    %get3A_613 = arith.constant 32 : index
    %get3A_614 = tpu.vector_load %arg17[%get3A_612, %get3A_613] {strides = array<i32>} : memref<4x128xf32, #tpu.memory_space<vmem>>, vector<16xf32>,
    %get3A_615 = arith.constant 3 : i32
    %get3A_616 = arith.index_cast %get3A_615 : i32 to index
    %get3A_617 = arith.constant 32 : index
    %get3A_618 = tpu.vector_load %arg18[%get3A_616, %get3A_617] {strides = array<i32>} : memref<4x128xf32, #tpu.memory_space<vmem>>, vector<16xf32>,
    %mul3A_619 = arith.mulf %get3A_614, %get3A_618 : vector<16xf32>
    %add3A_620 = arith.addf %add3A_610, %mul3A_619 : vector<16xf32>
    %get3A_621 = arith.constant 3 : i32
    %get3A_622 = arith.index_cast %get3A_621 : i32 to index
    %get3A_623 = arith.constant 48 : index
    %get3A_624 = tpu.vector_load %arg17[%get3A_622, %get3A_623] {strides = array<i32>} : memref<4x128xf32, #tpu.memory_space<vmem>>, vector<16xf32>,
    %get3A_625 = arith.constant 3 : i32
    %get3A_626 = arith.index_cast %get3A_625 : i32 to index
    %get3A_627 = arith.constant 48 : index
    %get3A_628 = tpu.vector_load %arg18[%get3A_626, %get3A_627] {strides = array<i32>} : memref<4x128xf32, #tpu.memory_space<vmem>>, vector<16xf32>,
    %mul3A_629 = arith.mulf %get3A_624, %get3A_628 : vector<16xf32>
    %add3A_630 = arith.addf %add3A_620, %mul3A_629 : vector<16xf32>
    %get3A_631 = arith.constant 3 : i32
    %get3A_632 = arith.index_cast %get3A_631 : i32 to index
    %get3A_633 = arith.constant 64 : index
    %get3A_634 = tpu.vector_load %arg17[%get3A_632, %get3A_633] {strides = array<i32>} : memref<4x128xf32, #tpu.memory_space<vmem>>, vector<16xf32>,
    %get3A_635 = arith.constant 3 : i32
    %get3A_636 = arith.index_cast %get3A_635 : i32 to index
    %get3A_637 = arith.constant 64 : index
    %get3A_638 = tpu.vector_load %arg18[%get3A_636, %get3A_637] {strides = array<i32>} : memref<4x128xf32, #tpu.memory_space<vmem>>, vector<16xf32>,
    %mul3A_639 = arith.mulf %get3A_634, %get3A_638 : vector<16xf32>
    %add3A_640 = arith.addf %add3A_630, %mul3A_639 : vector<16xf32>
    %get3A_641 = arith.constant 3 : i32
    %get3A_642 = arith.index_cast %get3A_641 : i32 to index
    %get3A_643 = arith.constant 80 : index
    %get3A_644 = tpu.vector_load %arg17[%get3A_642, %get3A_643] {strides = array<i32>} : memref<4x128xf32, #tpu.memory_space<vmem>>, vector<16xf32>,
    %get3A_645 = arith.constant 3 : i32
    %get3A_646 = arith.index_cast %get3A_645 : i32 to index
    %get3A_647 = arith.constant 80 : index
    %get3A_648 = tpu.vector_load %arg18[%get3A_646, %get3A_647] {strides = array<i32>} : memref<4x128xf32, #tpu.memory_space<vmem>>, vector<16xf32>,
    %mul3A_649 = arith.mulf %get3A_644, %get3A_648 : vector<16xf32>
    %add3A_650 = arith.addf %add3A_640, %mul3A_649 : vector<16xf32>
    %get3A_651 = arith.constant 3 : i32
    %get3A_652 = arith.index_cast %get3A_651 : i32 to index
    %get3A_653 = arith.constant 96 : index
    %get3A_654 = tpu.vector_load %arg17[%get3A_652, %get3A_653] {strides = array<i32>} : memref<4x128xf32, #tpu.memory_space<vmem>>, vector<16xf32>,
    %get3A_655 = arith.constant 3 : i32
    %get3A_656 = arith.index_cast %get3A_655 : i32 to index
    %get3A_657 = arith.constant 96 : index
    %get3A_658 = tpu.vector_load %arg18[%get3A_656, %get3A_657] {strides = array<i32>} : memref<4x128xf32, #tpu.memory_space<vmem>>, vector<16xf32>,
    %mul3A_659 = arith.mulf %get3A_654, %get3A_658 : vector<16xf32>
    %add3A_660 = arith.addf %add3A_650, %mul3A_659 : vector<16xf32>
    %get3A_661 = arith.constant 3 : i32
    %get3A_662 = arith.index_cast %get3A_661 : i32 to index
    %get3A_663 = arith.constant 112 : index
    %get3A_664 = tpu.vector_load %arg17[%get3A_662, %get3A_663] {strides = array<i32>} : memref<4x128xf32, #tpu.memory_space<vmem>>, vector<16xf32>,
    %get3A_665 = arith.constant 3 : i32
    %get3A_666 = arith.index_cast %get3A_665 : i32 to index
    %get3A_667 = arith.constant 112 : index
    %get3A_668 = tpu.vector_load %arg18[%get3A_666, %get3A_667] {strides = array<i32>} : memref<4x128xf32, #tpu.memory_space<vmem>>, vector<16xf32>,
    %mul3A_669 = arith.mulf %get3A_664, %get3A_668 : vector<16xf32>
    %add3A_670 = arith.addf %add3A_660, %mul3A_669 : vector<16xf32>
    %reduce_sum3A_671 = arith.constant true
    %reduce_sum3A_672 = vector.broadcast %reduce_sum3A_671 : i1 to vector<16xi1>
    %reduce_sum3A_673 = tpu.scan <sum>, %add3A_670 masked %reduce_sum3A_672 : vector<16xf32>, vector<16xi1> -> vector<16xf32>
    %reduce_sum3A_674 = vector.extract %reduce_sum3A_673[15] : f32 from vector<16xf32>
    %scan3A_675 = arith.constant 0 : i32
    %scan3A_676 = arith.constant 0 : i32
    %scan3A_677 = arith.constant 10 : i32
    %scan3A_678 = arith.addi %scan3A_676, %scan3A_677 : i32
    %scan3A_679 = arith.constant 1 : i32
    %scan3A_680 = scf.for %scan3A_753 = %scan3A_676 to %scan3A_678 step %scan3A_679 iter_args(%scan3A_754 = %scan3A_675) -> (i32)  : i32 {
      %mul3A_755 = arith.constant 8 : i32
      %mul3A_756 = arith.muli %scan3A_753, %mul3A_755 : i32
      %add3A_757 = arith.constant 0 : i32
      %add3A_758 = arith.addi %mul3A_756, %add3A_757 : i32
      %mul3A_759 = arith.constant 16 : i32
      %mul3A_760 = arith.muli %add3A_758, %mul3A_759 : i32
      %get3A_761 = arith.constant 3 : i32
      %get3A_762 = arith.index_cast %get3A_761 : i32 to index
      %get3A_763 = arith.index_cast %mul3A_760 : i32 to index
      %get3A_764 = tpu.vector_load %arg12[%get3A_762, %get3A_763] {strides = array<i32>} : memref<4x1280xi32, #tpu.memory_space<vmem>>, vector<16xi32>,
      %gather3A = tpu.vector_load_idx %arg11[%get3A_764] : memref<30528xi32, #tpu.memory_space<vmem>>[vector<16xi32>], vector<16xi32>,
      %eq3A_765 = arith.constant 1 : i32
      %eq3A_766 = vector.broadcast %eq3A_765 : i32 to vector<16xi32>
      %eq3A_767 = arith.cmpi eq, %gather3A, %eq3A_766 : vector<16xi32>
      %mul3A_768 = arith.constant 8 : i32
      %mul3A_769 = arith.muli %scan3A_753, %mul3A_768 : i32
      %add3A_770 = arith.constant 1 : i32
      %add3A_771 = arith.addi %mul3A_769, %add3A_770 : i32
      %mul3A_772 = arith.constant 16 : i32
      %mul3A_773 = arith.muli %add3A_771, %mul3A_772 : i32
      %get3A_774 = arith.constant 3 : i32
      %get3A_775 = arith.index_cast %get3A_774 : i32 to index
      %get3A_776 = arith.index_cast %mul3A_773 : i32 to index
      %get3A_777 = tpu.vector_load %arg12[%get3A_775, %get3A_776] {strides = array<i32>} : memref<4x1280xi32, #tpu.memory_space<vmem>>, vector<16xi32>,
      %gather3A_778 = tpu.vector_load_idx %arg11[%get3A_777] : memref<30528xi32, #tpu.memory_space<vmem>>[vector<16xi32>], vector<16xi32>,
      %eq3A_779 = arith.constant 1 : i32
      %eq3A_780 = vector.broadcast %eq3A_779 : i32 to vector<16xi32>
      %eq3A_781 = arith.cmpi eq, %gather3A_778, %eq3A_780 : vector<16xi32>
      %mul3A_782 = arith.constant 8 : i32
      %mul3A_783 = arith.muli %scan3A_753, %mul3A_782 : i32
      %add3A_784 = arith.constant 2 : i32
      %add3A_785 = arith.addi %mul3A_783, %add3A_784 : i32
      %mul3A_786 = arith.constant 16 : i32
      %mul3A_787 = arith.muli %add3A_785, %mul3A_786 : i32
      %get3A_788 = arith.constant 3 : i32
      %get3A_789 = arith.index_cast %get3A_788 : i32 to index
      %get3A_790 = arith.index_cast %mul3A_787 : i32 to index
      %get3A_791 = tpu.vector_load %arg12[%get3A_789, %get3A_790] {strides = array<i32>} : memref<4x1280xi32, #tpu.memory_space<vmem>>, vector<16xi32>,
      %gather3A_792 = tpu.vector_load_idx %arg11[%get3A_791] : memref<30528xi32, #tpu.memory_space<vmem>>[vector<16xi32>], vector<16xi32>,
      %eq3A_793 = arith.constant 1 : i32
      %eq3A_794 = vector.broadcast %eq3A_793 : i32 to vector<16xi32>
      %eq3A_795 = arith.cmpi eq, %gather3A_792, %eq3A_794 : vector<16xi32>
      %mul3A_796 = arith.constant 8 : i32
      %mul3A_797 = arith.muli %scan3A_753, %mul3A_796 : i32
      %add3A_798 = arith.constant 3 : i32
      %add3A_799 = arith.addi %mul3A_797, %add3A_798 : i32
      %mul3A_800 = arith.constant 16 : i32
      %mul3A_801 = arith.muli %add3A_799, %mul3A_800 : i32
      %get3A_802 = arith.constant 3 : i32
      %get3A_803 = arith.index_cast %get3A_802 : i32 to index
      %get3A_804 = arith.index_cast %mul3A_801 : i32 to index
      %get3A_805 = tpu.vector_load %arg12[%get3A_803, %get3A_804] {strides = array<i32>} : memref<4x1280xi32, #tpu.memory_space<vmem>>, vector<16xi32>,
      %gather3A_806 = tpu.vector_load_idx %arg11[%get3A_805] : memref<30528xi32, #tpu.memory_space<vmem>>[vector<16xi32>], vector<16xi32>,
      %eq3A_807 = arith.constant 1 : i32
      %eq3A_808 = vector.broadcast %eq3A_807 : i32 to vector<16xi32>
      %eq3A_809 = arith.cmpi eq, %gather3A_806, %eq3A_808 : vector<16xi32>
      %mul3A_810 = arith.constant 8 : i32
      %mul3A_811 = arith.muli %scan3A_753, %mul3A_810 : i32
      %add3A_812 = arith.constant 4 : i32
      %add3A_813 = arith.addi %mul3A_811, %add3A_812 : i32
      %mul3A_814 = arith.constant 16 : i32
      %mul3A_815 = arith.muli %add3A_813, %mul3A_814 : i32
      %get3A_816 = arith.constant 3 : i32
      %get3A_817 = arith.index_cast %get3A_816 : i32 to index
      %get3A_818 = arith.index_cast %mul3A_815 : i32 to index
      %get3A_819 = tpu.vector_load %arg12[%get3A_817, %get3A_818] {strides = array<i32>} : memref<4x1280xi32, #tpu.memory_space<vmem>>, vector<16xi32>,
      %gather3A_820 = tpu.vector_load_idx %arg11[%get3A_819] : memref<30528xi32, #tpu.memory_space<vmem>>[vector<16xi32>], vector<16xi32>,
      %eq3A_821 = arith.constant 1 : i32
      %eq3A_822 = vector.broadcast %eq3A_821 : i32 to vector<16xi32>
      %eq3A_823 = arith.cmpi eq, %gather3A_820, %eq3A_822 : vector<16xi32>
      %mul3A_824 = arith.constant 8 : i32
      %mul3A_825 = arith.muli %scan3A_753, %mul3A_824 : i32
      %add3A_826 = arith.constant 5 : i32
      %add3A_827 = arith.addi %mul3A_825, %add3A_826 : i32
      %mul3A_828 = arith.constant 16 : i32
      %mul3A_829 = arith.muli %add3A_827, %mul3A_828 : i32
      %get3A_830 = arith.constant 3 : i32
      %get3A_831 = arith.index_cast %get3A_830 : i32 to index
      %get3A_832 = arith.index_cast %mul3A_829 : i32 to index
      %get3A_833 = tpu.vector_load %arg12[%get3A_831, %get3A_832] {strides = array<i32>} : memref<4x1280xi32, #tpu.memory_space<vmem>>, vector<16xi32>,
      %gather3A_834 = tpu.vector_load_idx %arg11[%get3A_833] : memref<30528xi32, #tpu.memory_space<vmem>>[vector<16xi32>], vector<16xi32>,
      %eq3A_835 = arith.constant 1 : i32
      %eq3A_836 = vector.broadcast %eq3A_835 : i32 to vector<16xi32>
      %eq3A_837 = arith.cmpi eq, %gather3A_834, %eq3A_836 : vector<16xi32>
      %mul3A_838 = arith.constant 8 : i32
      %mul3A_839 = arith.muli %scan3A_753, %mul3A_838 : i32
      %add3A_840 = arith.constant 6 : i32
      %add3A_841 = arith.addi %mul3A_839, %add3A_840 : i32
      %mul3A_842 = arith.constant 16 : i32
      %mul3A_843 = arith.muli %add3A_841, %mul3A_842 : i32
      %get3A_844 = arith.constant 3 : i32
      %get3A_845 = arith.index_cast %get3A_844 : i32 to index
      %get3A_846 = arith.index_cast %mul3A_843 : i32 to index
      %get3A_847 = tpu.vector_load %arg12[%get3A_845, %get3A_846] {strides = array<i32>} : memref<4x1280xi32, #tpu.memory_space<vmem>>, vector<16xi32>,
      %gather3A_848 = tpu.vector_load_idx %arg11[%get3A_847] : memref<30528xi32, #tpu.memory_space<vmem>>[vector<16xi32>], vector<16xi32>,
      %eq3A_849 = arith.constant 1 : i32
      %eq3A_850 = vector.broadcast %eq3A_849 : i32 to vector<16xi32>
      %eq3A_851 = arith.cmpi eq, %gather3A_848, %eq3A_850 : vector<16xi32>
      %mul3A_852 = arith.constant 8 : i32
      %mul3A_853 = arith.muli %scan3A_753, %mul3A_852 : i32
      %add3A_854 = arith.constant 7 : i32
      %add3A_855 = arith.addi %mul3A_853, %add3A_854 : i32
      %mul3A_856 = arith.constant 16 : i32
      %mul3A_857 = arith.muli %add3A_855, %mul3A_856 : i32
      %get3A_858 = arith.constant 3 : i32
      %get3A_859 = arith.index_cast %get3A_858 : i32 to index
      %get3A_860 = arith.index_cast %mul3A_857 : i32 to index
      %get3A_861 = tpu.vector_load %arg12[%get3A_859, %get3A_860] {strides = array<i32>} : memref<4x1280xi32, #tpu.memory_space<vmem>>, vector<16xi32>,
      %gather3A_862 = tpu.vector_load_idx %arg11[%get3A_861] : memref<30528xi32, #tpu.memory_space<vmem>>[vector<16xi32>], vector<16xi32>,
      %eq3A_863 = arith.constant 1 : i32
      %eq3A_864 = vector.broadcast %eq3A_863 : i32 to vector<16xi32>
      %eq3A_865 = arith.cmpi eq, %gather3A_862, %eq3A_864 : vector<16xi32>
      %or3A = arith.ori %eq3A_767, %eq3A_781 : vector<16xi1>
      %or3A_866 = arith.ori %eq3A_795, %eq3A_809 : vector<16xi1>
      %or3A_867 = arith.ori %or3A, %or3A_866 : vector<16xi1>
      %or3A_868 = arith.ori %eq3A_823, %eq3A_837 : vector<16xi1>
      %or3A_869 = arith.ori %eq3A_851, %eq3A_865 : vector<16xi1>
      %or3A_870 = arith.ori %or3A_868, %or3A_869 : vector<16xi1>
      %or3A_871 = arith.ori %or3A_867, %or3A_870 : vector<16xi1>
      %reduce_or3A = arith.constant 1.000000e+00 : f32
      %reduce_or3A_872 = arith.constant 0.000000e+00 : f32
      %reduce_or3A_873 = vector.broadcast %reduce_or3A : f32 to vector<16xf32>
      %reduce_or3A_874 = vector.broadcast %reduce_or3A_872 : f32 to vector<16xf32>
      %reduce_or3A_875 = arith.select %or3A_871, %reduce_or3A_873, %reduce_or3A_874 : vector<16xi1>, vector<16xf32>
      %reduce_or3A_876 = arith.constant true
      %reduce_or3A_877 = vector.broadcast %reduce_or3A_876 : i1 to vector<16xi1>
      %reduce_or3A_878 = tpu.scan <max>, %reduce_or3A_875 masked %reduce_or3A_877 : vector<16xf32>, vector<16xi1> -> vector<16xf32>
      %reduce_or3A_879 = vector.extract %reduce_or3A_878[15] : f32 from vector<16xf32>
      %reduce_or3A_880 = arith.constant 0.000000e+00 : f32
      %reduce_or3A_881 = arith.cmpf ogt, %reduce_or3A_879, %reduce_or3A_880 : f32
      %convert_element_type3A = arith.extui %reduce_or3A_881 : i1 to i32
      %cond3A = arith.constant 0 : i32
      %cond3A_882 = arith.cmpi ne, %convert_element_type3A, %cond3A : i32
      %cond3A_883 = scf.if %cond3A_882 -> (i32) {
        %while3A_884:2 = scf.while (%while3A_892 = %eq3A_767, %while3A_893 = %scan3A_754) : (vector<16xi1>, i32) -> (vector<16xi1>, i32) {
          %reduce_or3A_894 = arith.constant 1.000000e+00 : f32
          %reduce_or3A_895 = arith.constant 0.000000e+00 : f32
          %reduce_or3A_896 = vector.broadcast %reduce_or3A_894 : f32 to vector<16xf32>
          %reduce_or3A_897 = vector.broadcast %reduce_or3A_895 : f32 to vector<16xf32>
          %reduce_or3A_898 = arith.select %while3A_892, %reduce_or3A_896, %reduce_or3A_897 : vector<16xi1>, vector<16xf32>
          %reduce_or3A_899 = arith.constant true
          %reduce_or3A_900 = vector.broadcast %reduce_or3A_899 : i1 to vector<16xi1>
          %reduce_or3A_901 = tpu.scan <max>, %reduce_or3A_898 masked %reduce_or3A_900 : vector<16xf32>, vector<16xi1> -> vector<16xf32>
          %reduce_or3A_902 = vector.extract %reduce_or3A_901[15] : f32 from vector<16xf32>
          %reduce_or3A_903 = arith.constant 0.000000e+00 : f32
          %reduce_or3A_904 = arith.cmpf ogt, %reduce_or3A_902, %reduce_or3A_903 : f32
          scf.condition(%reduce_or3A_904) %while3A_892, %while3A_893 : vector<16xi1>, i32
        } do {
        ^bb0(%while3A_892: vector<16xi1>, %while3A_893: i32):
          %all_reduce_ffs3A = tpu.all_reduce %while3A_892 {dim = 0 : i64, kind = #tpu.reduction_kind<find_first_set>} : vector<16xi1> -> vector<16xi32>
          %reduce_max3A = arith.constant true
          %reduce_max3A_894 = vector.broadcast %reduce_max3A : i1 to vector<16xi1>
          %reduce_max3A_895 = arith.constant -2147483648 : i32
          %reduce_max3A_896 = vector.broadcast %reduce_max3A_895 : i32 to vector<16xi32>
          %reduce_max3A_897 = arith.xori %all_reduce_ffs3A, %reduce_max3A_896 : vector<16xi32>
          %reduce_max3A_898 = tpu.scan <max>, %reduce_max3A_897 masked %reduce_max3A_894 : vector<16xi32>, vector<16xi1> -> vector<16xi32>
          %reduce_max3A_899 = arith.xori %reduce_max3A_898, %reduce_max3A_896 : vector<16xi32>
          %reduce_max3A_900 = vector.extract %reduce_max3A_899[15] : i32 from vector<16xi32>
          %mul3A_901 = arith.constant 8 : i32
          %mul3A_902 = arith.muli %scan3A_753, %mul3A_901 : i32
          %add3A_903 = arith.constant 0 : i32
          %add3A_904 = arith.addi %mul3A_902, %add3A_903 : i32
          %mul3A_905 = arith.constant 16 : i32
          %mul3A_906 = arith.muli %add3A_904, %mul3A_905 : i32
          %add3A_907 = arith.addi %mul3A_906, %reduce_max3A_900 : i32
          %broadcast_in_dim3A_908 = vector.broadcast %while3A_893 : i32 to vector<16xi32>
          %broadcast_in_dim3A_909 = vector.broadcast %add3A_907 : i32 to vector<16xi32>
          %eq3A_910 = arith.constant 0 : i32
          %eq3A_911 = vector.broadcast %eq3A_910 : i32 to vector<16xi32>
          %eq3A_912 = arith.cmpi eq, %iota3A, %eq3A_911 : vector<16xi32>
          tpu.vector_store_idx %arg19[%broadcast_in_dim3A_908], %broadcast_in_dim3A_909 masked %eq3A_912 : memref<1280xi32, #tpu.memory_space<vmem>>[vector<16xi32>], vector<16xi32>, vector<16xi1>
          %ne3A = vector.broadcast %reduce_max3A_900 : i32 to vector<16xi32>
          %ne3A_913 = arith.cmpi ne, %iota3A, %ne3A : vector<16xi32>
          %and3A = arith.andi %while3A_892, %ne3A_913 : vector<16xi1>
          %add3A_914 = arith.constant 1 : i32
          %add3A_915 = arith.addi %while3A_893, %add3A_914 : i32
          scf.yield %and3A, %add3A_915 : vector<16xi1>, i32
        }
        %while3A_885:2 = scf.while (%while3A_892 = %eq3A_781, %while3A_893 = %while3A_884#1) : (vector<16xi1>, i32) -> (vector<16xi1>, i32) {
          %reduce_or3A_894 = arith.constant 1.000000e+00 : f32
          %reduce_or3A_895 = arith.constant 0.000000e+00 : f32
          %reduce_or3A_896 = vector.broadcast %reduce_or3A_894 : f32 to vector<16xf32>
          %reduce_or3A_897 = vector.broadcast %reduce_or3A_895 : f32 to vector<16xf32>
          %reduce_or3A_898 = arith.select %while3A_892, %reduce_or3A_896, %reduce_or3A_897 : vector<16xi1>, vector<16xf32>
          %reduce_or3A_899 = arith.constant true
          %reduce_or3A_900 = vector.broadcast %reduce_or3A_899 : i1 to vector<16xi1>
          %reduce_or3A_901 = tpu.scan <max>, %reduce_or3A_898 masked %reduce_or3A_900 : vector<16xf32>, vector<16xi1> -> vector<16xf32>
          %reduce_or3A_902 = vector.extract %reduce_or3A_901[15] : f32 from vector<16xf32>
          %reduce_or3A_903 = arith.constant 0.000000e+00 : f32
          %reduce_or3A_904 = arith.cmpf ogt, %reduce_or3A_902, %reduce_or3A_903 : f32
          scf.condition(%reduce_or3A_904) %while3A_892, %while3A_893 : vector<16xi1>, i32
        } do {
        ^bb0(%while3A_892: vector<16xi1>, %while3A_893: i32):
          %all_reduce_ffs3A = tpu.all_reduce %while3A_892 {dim = 0 : i64, kind = #tpu.reduction_kind<find_first_set>} : vector<16xi1> -> vector<16xi32>
          %reduce_max3A = arith.constant true
          %reduce_max3A_894 = vector.broadcast %reduce_max3A : i1 to vector<16xi1>
          %reduce_max3A_895 = arith.constant -2147483648 : i32
          %reduce_max3A_896 = vector.broadcast %reduce_max3A_895 : i32 to vector<16xi32>
          %reduce_max3A_897 = arith.xori %all_reduce_ffs3A, %reduce_max3A_896 : vector<16xi32>
          %reduce_max3A_898 = tpu.scan <max>, %reduce_max3A_897 masked %reduce_max3A_894 : vector<16xi32>, vector<16xi1> -> vector<16xi32>
          %reduce_max3A_899 = arith.xori %reduce_max3A_898, %reduce_max3A_896 : vector<16xi32>
          %reduce_max3A_900 = vector.extract %reduce_max3A_899[15] : i32 from vector<16xi32>
          %mul3A_901 = arith.constant 8 : i32
          %mul3A_902 = arith.muli %scan3A_753, %mul3A_901 : i32
          %add3A_903 = arith.constant 1 : i32
          %add3A_904 = arith.addi %mul3A_902, %add3A_903 : i32
          %mul3A_905 = arith.constant 16 : i32
          %mul3A_906 = arith.muli %add3A_904, %mul3A_905 : i32
          %add3A_907 = arith.addi %mul3A_906, %reduce_max3A_900 : i32
          %broadcast_in_dim3A_908 = vector.broadcast %while3A_893 : i32 to vector<16xi32>
          %broadcast_in_dim3A_909 = vector.broadcast %add3A_907 : i32 to vector<16xi32>
          %eq3A_910 = arith.constant 0 : i32
          %eq3A_911 = vector.broadcast %eq3A_910 : i32 to vector<16xi32>
          %eq3A_912 = arith.cmpi eq, %iota3A, %eq3A_911 : vector<16xi32>
          tpu.vector_store_idx %arg19[%broadcast_in_dim3A_908], %broadcast_in_dim3A_909 masked %eq3A_912 : memref<1280xi32, #tpu.memory_space<vmem>>[vector<16xi32>], vector<16xi32>, vector<16xi1>
          %ne3A = vector.broadcast %reduce_max3A_900 : i32 to vector<16xi32>
          %ne3A_913 = arith.cmpi ne, %iota3A, %ne3A : vector<16xi32>
          %and3A = arith.andi %while3A_892, %ne3A_913 : vector<16xi1>
          %add3A_914 = arith.constant 1 : i32
          %add3A_915 = arith.addi %while3A_893, %add3A_914 : i32
          scf.yield %and3A, %add3A_915 : vector<16xi1>, i32
        }
        %while3A_886:2 = scf.while (%while3A_892 = %eq3A_795, %while3A_893 = %while3A_885#1) : (vector<16xi1>, i32) -> (vector<16xi1>, i32) {
          %reduce_or3A_894 = arith.constant 1.000000e+00 : f32
          %reduce_or3A_895 = arith.constant 0.000000e+00 : f32
          %reduce_or3A_896 = vector.broadcast %reduce_or3A_894 : f32 to vector<16xf32>
          %reduce_or3A_897 = vector.broadcast %reduce_or3A_895 : f32 to vector<16xf32>
          %reduce_or3A_898 = arith.select %while3A_892, %reduce_or3A_896, %reduce_or3A_897 : vector<16xi1>, vector<16xf32>
          %reduce_or3A_899 = arith.constant true
          %reduce_or3A_900 = vector.broadcast %reduce_or3A_899 : i1 to vector<16xi1>
          %reduce_or3A_901 = tpu.scan <max>, %reduce_or3A_898 masked %reduce_or3A_900 : vector<16xf32>, vector<16xi1> -> vector<16xf32>
          %reduce_or3A_902 = vector.extract %reduce_or3A_901[15] : f32 from vector<16xf32>
          %reduce_or3A_903 = arith.constant 0.000000e+00 : f32
          %reduce_or3A_904 = arith.cmpf ogt, %reduce_or3A_902, %reduce_or3A_903 : f32
          scf.condition(%reduce_or3A_904) %while3A_892, %while3A_893 : vector<16xi1>, i32
        } do {
        ^bb0(%while3A_892: vector<16xi1>, %while3A_893: i32):
          %all_reduce_ffs3A = tpu.all_reduce %while3A_892 {dim = 0 : i64, kind = #tpu.reduction_kind<find_first_set>} : vector<16xi1> -> vector<16xi32>
          %reduce_max3A = arith.constant true
          %reduce_max3A_894 = vector.broadcast %reduce_max3A : i1 to vector<16xi1>
          %reduce_max3A_895 = arith.constant -2147483648 : i32
          %reduce_max3A_896 = vector.broadcast %reduce_max3A_895 : i32 to vector<16xi32>
          %reduce_max3A_897 = arith.xori %all_reduce_ffs3A, %reduce_max3A_896 : vector<16xi32>
          %reduce_max3A_898 = tpu.scan <max>, %reduce_max3A_897 masked %reduce_max3A_894 : vector<16xi32>, vector<16xi1> -> vector<16xi32>
          %reduce_max3A_899 = arith.xori %reduce_max3A_898, %reduce_max3A_896 : vector<16xi32>
          %reduce_max3A_900 = vector.extract %reduce_max3A_899[15] : i32 from vector<16xi32>
          %mul3A_901 = arith.constant 8 : i32
          %mul3A_902 = arith.muli %scan3A_753, %mul3A_901 : i32
          %add3A_903 = arith.constant 2 : i32
          %add3A_904 = arith.addi %mul3A_902, %add3A_903 : i32
          %mul3A_905 = arith.constant 16 : i32
          %mul3A_906 = arith.muli %add3A_904, %mul3A_905 : i32
          %add3A_907 = arith.addi %mul3A_906, %reduce_max3A_900 : i32
          %broadcast_in_dim3A_908 = vector.broadcast %while3A_893 : i32 to vector<16xi32>
          %broadcast_in_dim3A_909 = vector.broadcast %add3A_907 : i32 to vector<16xi32>
          %eq3A_910 = arith.constant 0 : i32
          %eq3A_911 = vector.broadcast %eq3A_910 : i32 to vector<16xi32>
          %eq3A_912 = arith.cmpi eq, %iota3A, %eq3A_911 : vector<16xi32>
          tpu.vector_store_idx %arg19[%broadcast_in_dim3A_908], %broadcast_in_dim3A_909 masked %eq3A_912 : memref<1280xi32, #tpu.memory_space<vmem>>[vector<16xi32>], vector<16xi32>, vector<16xi1>
          %ne3A = vector.broadcast %reduce_max3A_900 : i32 to vector<16xi32>
          %ne3A_913 = arith.cmpi ne, %iota3A, %ne3A : vector<16xi32>
          %and3A = arith.andi %while3A_892, %ne3A_913 : vector<16xi1>
          %add3A_914 = arith.constant 1 : i32
          %add3A_915 = arith.addi %while3A_893, %add3A_914 : i32
          scf.yield %and3A, %add3A_915 : vector<16xi1>, i32
        }
        %while3A_887:2 = scf.while (%while3A_892 = %eq3A_809, %while3A_893 = %while3A_886#1) : (vector<16xi1>, i32) -> (vector<16xi1>, i32) {
          %reduce_or3A_894 = arith.constant 1.000000e+00 : f32
          %reduce_or3A_895 = arith.constant 0.000000e+00 : f32
          %reduce_or3A_896 = vector.broadcast %reduce_or3A_894 : f32 to vector<16xf32>
          %reduce_or3A_897 = vector.broadcast %reduce_or3A_895 : f32 to vector<16xf32>
          %reduce_or3A_898 = arith.select %while3A_892, %reduce_or3A_896, %reduce_or3A_897 : vector<16xi1>, vector<16xf32>
          %reduce_or3A_899 = arith.constant true
          %reduce_or3A_900 = vector.broadcast %reduce_or3A_899 : i1 to vector<16xi1>
          %reduce_or3A_901 = tpu.scan <max>, %reduce_or3A_898 masked %reduce_or3A_900 : vector<16xf32>, vector<16xi1> -> vector<16xf32>
          %reduce_or3A_902 = vector.extract %reduce_or3A_901[15] : f32 from vector<16xf32>
          %reduce_or3A_903 = arith.constant 0.000000e+00 : f32
          %reduce_or3A_904 = arith.cmpf ogt, %reduce_or3A_902, %reduce_or3A_903 : f32
          scf.condition(%reduce_or3A_904) %while3A_892, %while3A_893 : vector<16xi1>, i32
        } do {
        ^bb0(%while3A_892: vector<16xi1>, %while3A_893: i32):
          %all_reduce_ffs3A = tpu.all_reduce %while3A_892 {dim = 0 : i64, kind = #tpu.reduction_kind<find_first_set>} : vector<16xi1> -> vector<16xi32>
          %reduce_max3A = arith.constant true
          %reduce_max3A_894 = vector.broadcast %reduce_max3A : i1 to vector<16xi1>
          %reduce_max3A_895 = arith.constant -2147483648 : i32
          %reduce_max3A_896 = vector.broadcast %reduce_max3A_895 : i32 to vector<16xi32>
          %reduce_max3A_897 = arith.xori %all_reduce_ffs3A, %reduce_max3A_896 : vector<16xi32>
          %reduce_max3A_898 = tpu.scan <max>, %reduce_max3A_897 masked %reduce_max3A_894 : vector<16xi32>, vector<16xi1> -> vector<16xi32>
          %reduce_max3A_899 = arith.xori %reduce_max3A_898, %reduce_max3A_896 : vector<16xi32>
          %reduce_max3A_900 = vector.extract %reduce_max3A_899[15] : i32 from vector<16xi32>
          %mul3A_901 = arith.constant 8 : i32
          %mul3A_902 = arith.muli %scan3A_753, %mul3A_901 : i32
          %add3A_903 = arith.constant 3 : i32
          %add3A_904 = arith.addi %mul3A_902, %add3A_903 : i32
          %mul3A_905 = arith.constant 16 : i32
          %mul3A_906 = arith.muli %add3A_904, %mul3A_905 : i32
          %add3A_907 = arith.addi %mul3A_906, %reduce_max3A_900 : i32
          %broadcast_in_dim3A_908 = vector.broadcast %while3A_893 : i32 to vector<16xi32>
          %broadcast_in_dim3A_909 = vector.broadcast %add3A_907 : i32 to vector<16xi32>
          %eq3A_910 = arith.constant 0 : i32
          %eq3A_911 = vector.broadcast %eq3A_910 : i32 to vector<16xi32>
          %eq3A_912 = arith.cmpi eq, %iota3A, %eq3A_911 : vector<16xi32>
          tpu.vector_store_idx %arg19[%broadcast_in_dim3A_908], %broadcast_in_dim3A_909 masked %eq3A_912 : memref<1280xi32, #tpu.memory_space<vmem>>[vector<16xi32>], vector<16xi32>, vector<16xi1>
          %ne3A = vector.broadcast %reduce_max3A_900 : i32 to vector<16xi32>
          %ne3A_913 = arith.cmpi ne, %iota3A, %ne3A : vector<16xi32>
          %and3A = arith.andi %while3A_892, %ne3A_913 : vector<16xi1>
          %add3A_914 = arith.constant 1 : i32
          %add3A_915 = arith.addi %while3A_893, %add3A_914 : i32
          scf.yield %and3A, %add3A_915 : vector<16xi1>, i32
        }
        %while3A_888:2 = scf.while (%while3A_892 = %eq3A_823, %while3A_893 = %while3A_887#1) : (vector<16xi1>, i32) -> (vector<16xi1>, i32) {
          %reduce_or3A_894 = arith.constant 1.000000e+00 : f32
          %reduce_or3A_895 = arith.constant 0.000000e+00 : f32
          %reduce_or3A_896 = vector.broadcast %reduce_or3A_894 : f32 to vector<16xf32>
          %reduce_or3A_897 = vector.broadcast %reduce_or3A_895 : f32 to vector<16xf32>
          %reduce_or3A_898 = arith.select %while3A_892, %reduce_or3A_896, %reduce_or3A_897 : vector<16xi1>, vector<16xf32>
          %reduce_or3A_899 = arith.constant true
          %reduce_or3A_900 = vector.broadcast %reduce_or3A_899 : i1 to vector<16xi1>
          %reduce_or3A_901 = tpu.scan <max>, %reduce_or3A_898 masked %reduce_or3A_900 : vector<16xf32>, vector<16xi1> -> vector<16xf32>
          %reduce_or3A_902 = vector.extract %reduce_or3A_901[15] : f32 from vector<16xf32>
          %reduce_or3A_903 = arith.constant 0.000000e+00 : f32
          %reduce_or3A_904 = arith.cmpf ogt, %reduce_or3A_902, %reduce_or3A_903 : f32
          scf.condition(%reduce_or3A_904) %while3A_892, %while3A_893 : vector<16xi1>, i32
        } do {
        ^bb0(%while3A_892: vector<16xi1>, %while3A_893: i32):
          %all_reduce_ffs3A = tpu.all_reduce %while3A_892 {dim = 0 : i64, kind = #tpu.reduction_kind<find_first_set>} : vector<16xi1> -> vector<16xi32>
          %reduce_max3A = arith.constant true
          %reduce_max3A_894 = vector.broadcast %reduce_max3A : i1 to vector<16xi1>
          %reduce_max3A_895 = arith.constant -2147483648 : i32
          %reduce_max3A_896 = vector.broadcast %reduce_max3A_895 : i32 to vector<16xi32>
          %reduce_max3A_897 = arith.xori %all_reduce_ffs3A, %reduce_max3A_896 : vector<16xi32>
          %reduce_max3A_898 = tpu.scan <max>, %reduce_max3A_897 masked %reduce_max3A_894 : vector<16xi32>, vector<16xi1> -> vector<16xi32>
          %reduce_max3A_899 = arith.xori %reduce_max3A_898, %reduce_max3A_896 : vector<16xi32>
          %reduce_max3A_900 = vector.extract %reduce_max3A_899[15] : i32 from vector<16xi32>
          %mul3A_901 = arith.constant 8 : i32
          %mul3A_902 = arith.muli %scan3A_753, %mul3A_901 : i32
          %add3A_903 = arith.constant 4 : i32
          %add3A_904 = arith.addi %mul3A_902, %add3A_903 : i32
          %mul3A_905 = arith.constant 16 : i32
          %mul3A_906 = arith.muli %add3A_904, %mul3A_905 : i32
          %add3A_907 = arith.addi %mul3A_906, %reduce_max3A_900 : i32
          %broadcast_in_dim3A_908 = vector.broadcast %while3A_893 : i32 to vector<16xi32>
          %broadcast_in_dim3A_909 = vector.broadcast %add3A_907 : i32 to vector<16xi32>
          %eq3A_910 = arith.constant 0 : i32
          %eq3A_911 = vector.broadcast %eq3A_910 : i32 to vector<16xi32>
          %eq3A_912 = arith.cmpi eq, %iota3A, %eq3A_911 : vector<16xi32>
          tpu.vector_store_idx %arg19[%broadcast_in_dim3A_908], %broadcast_in_dim3A_909 masked %eq3A_912 : memref<1280xi32, #tpu.memory_space<vmem>>[vector<16xi32>], vector<16xi32>, vector<16xi1>
          %ne3A = vector.broadcast %reduce_max3A_900 : i32 to vector<16xi32>
          %ne3A_913 = arith.cmpi ne, %iota3A, %ne3A : vector<16xi32>
          %and3A = arith.andi %while3A_892, %ne3A_913 : vector<16xi1>
          %add3A_914 = arith.constant 1 : i32
          %add3A_915 = arith.addi %while3A_893, %add3A_914 : i32
          scf.yield %and3A, %add3A_915 : vector<16xi1>, i32
        }
        %while3A_889:2 = scf.while (%while3A_892 = %eq3A_837, %while3A_893 = %while3A_888#1) : (vector<16xi1>, i32) -> (vector<16xi1>, i32) {
          %reduce_or3A_894 = arith.constant 1.000000e+00 : f32
          %reduce_or3A_895 = arith.constant 0.000000e+00 : f32
          %reduce_or3A_896 = vector.broadcast %reduce_or3A_894 : f32 to vector<16xf32>
          %reduce_or3A_897 = vector.broadcast %reduce_or3A_895 : f32 to vector<16xf32>
          %reduce_or3A_898 = arith.select %while3A_892, %reduce_or3A_896, %reduce_or3A_897 : vector<16xi1>, vector<16xf32>
          %reduce_or3A_899 = arith.constant true
          %reduce_or3A_900 = vector.broadcast %reduce_or3A_899 : i1 to vector<16xi1>
          %reduce_or3A_901 = tpu.scan <max>, %reduce_or3A_898 masked %reduce_or3A_900 : vector<16xf32>, vector<16xi1> -> vector<16xf32>
          %reduce_or3A_902 = vector.extract %reduce_or3A_901[15] : f32 from vector<16xf32>
          %reduce_or3A_903 = arith.constant 0.000000e+00 : f32
          %reduce_or3A_904 = arith.cmpf ogt, %reduce_or3A_902, %reduce_or3A_903 : f32
          scf.condition(%reduce_or3A_904) %while3A_892, %while3A_893 : vector<16xi1>, i32
        } do {
        ^bb0(%while3A_892: vector<16xi1>, %while3A_893: i32):
          %all_reduce_ffs3A = tpu.all_reduce %while3A_892 {dim = 0 : i64, kind = #tpu.reduction_kind<find_first_set>} : vector<16xi1> -> vector<16xi32>
          %reduce_max3A = arith.constant true
          %reduce_max3A_894 = vector.broadcast %reduce_max3A : i1 to vector<16xi1>
          %reduce_max3A_895 = arith.constant -2147483648 : i32
          %reduce_max3A_896 = vector.broadcast %reduce_max3A_895 : i32 to vector<16xi32>
          %reduce_max3A_897 = arith.xori %all_reduce_ffs3A, %reduce_max3A_896 : vector<16xi32>
          %reduce_max3A_898 = tpu.scan <max>, %reduce_max3A_897 masked %reduce_max3A_894 : vector<16xi32>, vector<16xi1> -> vector<16xi32>
          %reduce_max3A_899 = arith.xori %reduce_max3A_898, %reduce_max3A_896 : vector<16xi32>
          %reduce_max3A_900 = vector.extract %reduce_max3A_899[15] : i32 from vector<16xi32>
          %mul3A_901 = arith.constant 8 : i32
          %mul3A_902 = arith.muli %scan3A_753, %mul3A_901 : i32
          %add3A_903 = arith.constant 5 : i32
          %add3A_904 = arith.addi %mul3A_902, %add3A_903 : i32
          %mul3A_905 = arith.constant 16 : i32
          %mul3A_906 = arith.muli %add3A_904, %mul3A_905 : i32
          %add3A_907 = arith.addi %mul3A_906, %reduce_max3A_900 : i32
          %broadcast_in_dim3A_908 = vector.broadcast %while3A_893 : i32 to vector<16xi32>
          %broadcast_in_dim3A_909 = vector.broadcast %add3A_907 : i32 to vector<16xi32>
          %eq3A_910 = arith.constant 0 : i32
          %eq3A_911 = vector.broadcast %eq3A_910 : i32 to vector<16xi32>
          %eq3A_912 = arith.cmpi eq, %iota3A, %eq3A_911 : vector<16xi32>
          tpu.vector_store_idx %arg19[%broadcast_in_dim3A_908], %broadcast_in_dim3A_909 masked %eq3A_912 : memref<1280xi32, #tpu.memory_space<vmem>>[vector<16xi32>], vector<16xi32>, vector<16xi1>
          %ne3A = vector.broadcast %reduce_max3A_900 : i32 to vector<16xi32>
          %ne3A_913 = arith.cmpi ne, %iota3A, %ne3A : vector<16xi32>
          %and3A = arith.andi %while3A_892, %ne3A_913 : vector<16xi1>
          %add3A_914 = arith.constant 1 : i32
          %add3A_915 = arith.addi %while3A_893, %add3A_914 : i32
          scf.yield %and3A, %add3A_915 : vector<16xi1>, i32
        }
        %while3A_890:2 = scf.while (%while3A_892 = %eq3A_851, %while3A_893 = %while3A_889#1) : (vector<16xi1>, i32) -> (vector<16xi1>, i32) {
          %reduce_or3A_894 = arith.constant 1.000000e+00 : f32
          %reduce_or3A_895 = arith.constant 0.000000e+00 : f32
          %reduce_or3A_896 = vector.broadcast %reduce_or3A_894 : f32 to vector<16xf32>
          %reduce_or3A_897 = vector.broadcast %reduce_or3A_895 : f32 to vector<16xf32>
          %reduce_or3A_898 = arith.select %while3A_892, %reduce_or3A_896, %reduce_or3A_897 : vector<16xi1>, vector<16xf32>
          %reduce_or3A_899 = arith.constant true
          %reduce_or3A_900 = vector.broadcast %reduce_or3A_899 : i1 to vector<16xi1>
          %reduce_or3A_901 = tpu.scan <max>, %reduce_or3A_898 masked %reduce_or3A_900 : vector<16xf32>, vector<16xi1> -> vector<16xf32>
          %reduce_or3A_902 = vector.extract %reduce_or3A_901[15] : f32 from vector<16xf32>
          %reduce_or3A_903 = arith.constant 0.000000e+00 : f32
          %reduce_or3A_904 = arith.cmpf ogt, %reduce_or3A_902, %reduce_or3A_903 : f32
          scf.condition(%reduce_or3A_904) %while3A_892, %while3A_893 : vector<16xi1>, i32
        } do {
        ^bb0(%while3A_892: vector<16xi1>, %while3A_893: i32):
          %all_reduce_ffs3A = tpu.all_reduce %while3A_892 {dim = 0 : i64, kind = #tpu.reduction_kind<find_first_set>} : vector<16xi1> -> vector<16xi32>
          %reduce_max3A = arith.constant true
          %reduce_max3A_894 = vector.broadcast %reduce_max3A : i1 to vector<16xi1>
          %reduce_max3A_895 = arith.constant -2147483648 : i32
          %reduce_max3A_896 = vector.broadcast %reduce_max3A_895 : i32 to vector<16xi32>
          %reduce_max3A_897 = arith.xori %all_reduce_ffs3A, %reduce_max3A_896 : vector<16xi32>
          %reduce_max3A_898 = tpu.scan <max>, %reduce_max3A_897 masked %reduce_max3A_894 : vector<16xi32>, vector<16xi1> -> vector<16xi32>
          %reduce_max3A_899 = arith.xori %reduce_max3A_898, %reduce_max3A_896 : vector<16xi32>
          %reduce_max3A_900 = vector.extract %reduce_max3A_899[15] : i32 from vector<16xi32>
          %mul3A_901 = arith.constant 8 : i32
          %mul3A_902 = arith.muli %scan3A_753, %mul3A_901 : i32
          %add3A_903 = arith.constant 6 : i32
          %add3A_904 = arith.addi %mul3A_902, %add3A_903 : i32
          %mul3A_905 = arith.constant 16 : i32
          %mul3A_906 = arith.muli %add3A_904, %mul3A_905 : i32
          %add3A_907 = arith.addi %mul3A_906, %reduce_max3A_900 : i32
          %broadcast_in_dim3A_908 = vector.broadcast %while3A_893 : i32 to vector<16xi32>
          %broadcast_in_dim3A_909 = vector.broadcast %add3A_907 : i32 to vector<16xi32>
          %eq3A_910 = arith.constant 0 : i32
          %eq3A_911 = vector.broadcast %eq3A_910 : i32 to vector<16xi32>
          %eq3A_912 = arith.cmpi eq, %iota3A, %eq3A_911 : vector<16xi32>
          tpu.vector_store_idx %arg19[%broadcast_in_dim3A_908], %broadcast_in_dim3A_909 masked %eq3A_912 : memref<1280xi32, #tpu.memory_space<vmem>>[vector<16xi32>], vector<16xi32>, vector<16xi1>
          %ne3A = vector.broadcast %reduce_max3A_900 : i32 to vector<16xi32>
          %ne3A_913 = arith.cmpi ne, %iota3A, %ne3A : vector<16xi32>
          %and3A = arith.andi %while3A_892, %ne3A_913 : vector<16xi1>
          %add3A_914 = arith.constant 1 : i32
          %add3A_915 = arith.addi %while3A_893, %add3A_914 : i32
          scf.yield %and3A, %add3A_915 : vector<16xi1>, i32
        }
        %while3A_891:2 = scf.while (%while3A_892 = %eq3A_865, %while3A_893 = %while3A_890#1) : (vector<16xi1>, i32) -> (vector<16xi1>, i32) {
          %reduce_or3A_894 = arith.constant 1.000000e+00 : f32
          %reduce_or3A_895 = arith.constant 0.000000e+00 : f32
          %reduce_or3A_896 = vector.broadcast %reduce_or3A_894 : f32 to vector<16xf32>
          %reduce_or3A_897 = vector.broadcast %reduce_or3A_895 : f32 to vector<16xf32>
          %reduce_or3A_898 = arith.select %while3A_892, %reduce_or3A_896, %reduce_or3A_897 : vector<16xi1>, vector<16xf32>
          %reduce_or3A_899 = arith.constant true
          %reduce_or3A_900 = vector.broadcast %reduce_or3A_899 : i1 to vector<16xi1>
          %reduce_or3A_901 = tpu.scan <max>, %reduce_or3A_898 masked %reduce_or3A_900 : vector<16xf32>, vector<16xi1> -> vector<16xf32>
          %reduce_or3A_902 = vector.extract %reduce_or3A_901[15] : f32 from vector<16xf32>
          %reduce_or3A_903 = arith.constant 0.000000e+00 : f32
          %reduce_or3A_904 = arith.cmpf ogt, %reduce_or3A_902, %reduce_or3A_903 : f32
          scf.condition(%reduce_or3A_904) %while3A_892, %while3A_893 : vector<16xi1>, i32
        } do {
        ^bb0(%while3A_892: vector<16xi1>, %while3A_893: i32):
          %all_reduce_ffs3A = tpu.all_reduce %while3A_892 {dim = 0 : i64, kind = #tpu.reduction_kind<find_first_set>} : vector<16xi1> -> vector<16xi32>
          %reduce_max3A = arith.constant true
          %reduce_max3A_894 = vector.broadcast %reduce_max3A : i1 to vector<16xi1>
          %reduce_max3A_895 = arith.constant -2147483648 : i32
          %reduce_max3A_896 = vector.broadcast %reduce_max3A_895 : i32 to vector<16xi32>
          %reduce_max3A_897 = arith.xori %all_reduce_ffs3A, %reduce_max3A_896 : vector<16xi32>
          %reduce_max3A_898 = tpu.scan <max>, %reduce_max3A_897 masked %reduce_max3A_894 : vector<16xi32>, vector<16xi1> -> vector<16xi32>
          %reduce_max3A_899 = arith.xori %reduce_max3A_898, %reduce_max3A_896 : vector<16xi32>
          %reduce_max3A_900 = vector.extract %reduce_max3A_899[15] : i32 from vector<16xi32>
          %mul3A_901 = arith.constant 8 : i32
          %mul3A_902 = arith.muli %scan3A_753, %mul3A_901 : i32
          %add3A_903 = arith.constant 7 : i32
          %add3A_904 = arith.addi %mul3A_902, %add3A_903 : i32
          %mul3A_905 = arith.constant 16 : i32
          %mul3A_906 = arith.muli %add3A_904, %mul3A_905 : i32
          %add3A_907 = arith.addi %mul3A_906, %reduce_max3A_900 : i32
          %broadcast_in_dim3A_908 = vector.broadcast %while3A_893 : i32 to vector<16xi32>
          %broadcast_in_dim3A_909 = vector.broadcast %add3A_907 : i32 to vector<16xi32>
          %eq3A_910 = arith.constant 0 : i32
          %eq3A_911 = vector.broadcast %eq3A_910 : i32 to vector<16xi32>
          %eq3A_912 = arith.cmpi eq, %iota3A, %eq3A_911 : vector<16xi32>
          tpu.vector_store_idx %arg19[%broadcast_in_dim3A_908], %broadcast_in_dim3A_909 masked %eq3A_912 : memref<1280xi32, #tpu.memory_space<vmem>>[vector<16xi32>], vector<16xi32>, vector<16xi1>
          %ne3A = vector.broadcast %reduce_max3A_900 : i32 to vector<16xi32>
          %ne3A_913 = arith.cmpi ne, %iota3A, %ne3A : vector<16xi32>
          %and3A = arith.andi %while3A_892, %ne3A_913 : vector<16xi1>
          %add3A_914 = arith.constant 1 : i32
          %add3A_915 = arith.addi %while3A_893, %add3A_914 : i32
          scf.yield %and3A, %add3A_915 : vector<16xi1>, i32
        }
        scf.yield %while3A_891#1 : i32
      } else {
        scf.yield %scan3A_754 : i32
      }
      scf.yield %cond3A_883 : i32
    }
    %scan3A_681 = arith.constant 10 : i32
    %broadcast_in_dim3A_682 = arith.constant -3.000000e+38 : f32
    %broadcast_in_dim3A_683 = vector.broadcast %broadcast_in_dim3A_682 : f32 to vector<16xf32>
    %swap3A_684 = arith.constant 0 : index
    %swap3A_685 = tpu.vector_load %arg21[%swap3A_684] {strides = array<i32>} : memref<32xf32, #tpu.memory_space<vmem>>, vector<16xf32>,
    tpu.vector_store %arg21[%swap3A_684], %broadcast_in_dim3A_683 {strides = array<i32>} : memref<32xf32, #tpu.memory_space<vmem>>, vector<16xf32>,
    %broadcast_in_dim3A_686 = arith.constant 0 : i32
    %broadcast_in_dim3A_687 = vector.broadcast %broadcast_in_dim3A_686 : i32 to vector<16xi32>
    %swap3A_688 = arith.constant 0 : index
    %swap3A_689 = tpu.vector_load %arg22[%swap3A_688] {strides = array<i32>} : memref<32xi32, #tpu.memory_space<vmem>>, vector<16xi32>,
    tpu.vector_store %arg22[%swap3A_688], %broadcast_in_dim3A_687 {strides = array<i32>} : memref<32xi32, #tpu.memory_space<vmem>>, vector<16xi32>,
    %broadcast_in_dim3A_690 = arith.constant -3.000000e+38 : f32
    %broadcast_in_dim3A_691 = vector.broadcast %broadcast_in_dim3A_690 : f32 to vector<16xf32>
    %swap3A_692 = arith.constant 16 : index
    %swap3A_693 = tpu.vector_load %arg21[%swap3A_692] {strides = array<i32>} : memref<32xf32, #tpu.memory_space<vmem>>, vector<16xf32>,
    tpu.vector_store %arg21[%swap3A_692], %broadcast_in_dim3A_691 {strides = array<i32>} : memref<32xf32, #tpu.memory_space<vmem>>, vector<16xf32>,
    %broadcast_in_dim3A_694 = arith.constant 0 : i32
    %broadcast_in_dim3A_695 = vector.broadcast %broadcast_in_dim3A_694 : i32 to vector<16xi32>
    %swap3A_696 = arith.constant 16 : index
    %swap3A_697 = tpu.vector_load %arg22[%swap3A_696] {strides = array<i32>} : memref<32xi32, #tpu.memory_space<vmem>>, vector<16xi32>,
    tpu.vector_store %arg22[%swap3A_696], %broadcast_in_dim3A_695 {strides = array<i32>} : memref<32xi32, #tpu.memory_space<vmem>>, vector<16xi32>,
    %while3A_698 = arith.constant 0 : i32
    %while3A_699 = scf.while (%while3A_753 = %while3A_698) : (i32) -> i32 {
      %lt3A_754 = arith.cmpi slt, %while3A_753, %scan3A_680 : i32
      scf.condition(%lt3A_754) %while3A_753 : i32
    } do {
    ^bb0(%while3A_753: i32):
      %broadcast_in_dim3A_754 = vector.broadcast %while3A_753 : i32 to vector<16xi32>
      %gather3A = tpu.vector_load_idx %arg19[%broadcast_in_dim3A_754] : memref<1280xi32, #tpu.memory_space<vmem>>[vector<16xi32>], vector<16xi32>,
      %and3A = arith.constant 255 : i32
      %and3A_755 = vector.broadcast %and3A : i32 to vector<16xi32>
      %and3A_756 = arith.andi %gather3A, %and3A_755 : vector<16xi32>
      %dma_start3A_757 = arith.constant 0 : i32
      %dma_start3A_758 = arith.constant 0 : i32
      %dma_start3A_759 = tpu.memref_slice %arg5[%add3A_578, %dma_start3A_757, %dma_start3A_758] : memref<128x256x128xf32, #tpu.memory_space<hbm>> -> memref<1x256x128xf32, #tpu.memory_space<hbm>>
      %dma_start3A_760 = tpu.memref_squeeze %dma_start3A_759 : memref<1x256x128xf32, #tpu.memory_space<hbm>> -> memref<256x128xf32, #tpu.memory_space<hbm>>
      %dma_start3A_761 = arith.constant 0 : i32
      %dma_start3A_762 = arith.constant 0 : i32
      %dma_start3A_763 = tpu.memref_slice %dma_start3A_760[%dma_start3A_761, %dma_start3A_762] : memref<256x128xf32, #tpu.memory_space<hbm>> -> memref<256x128xf32, #tpu.memory_space<hbm>>
      tpu.enqueue_indirect_dma source(%dma_start3A_763 : memref<256x128xf32, #tpu.memory_space<hbm>>) target(%arg20 : memref<16x128xf32, #tpu.memory_space<vmem>>) offsets(%and3A_756 : vector<16xi32>) semaphore(%arg24 : memref<!tpu.dma_semaphore, #tpu.memory_space<semaphore_mem>>)
      %broadcast_in_dim3A_764 = arith.constant 3 : i32
      %broadcast_in_dim3A_765 = vector.broadcast %broadcast_in_dim3A_764 : i32 to vector<16xi32>
      %gather3A_766 = tpu.vector_load_idx %arg12[%broadcast_in_dim3A_765, %gather3A] : memref<4x1280xi32, #tpu.memory_space<vmem>>[vector<16xi32>, vector<16xi32>], vector<16xi32>,
      %gather3A_767 = tpu.vector_load_idx %arg13[%broadcast_in_dim3A_765, %gather3A] : memref<4x1280xf32, #tpu.memory_space<vmem>>[vector<16xi32>, vector<16xi32>], vector<16xf32>,
      %dma_wait3A_768 = arith.constant 0 : i32
      %dma_wait3A_769 = arith.constant 0 : i32
      %dma_wait3A_770 = tpu.memref_slice %arg5[%add3A_578, %dma_wait3A_768, %dma_wait3A_769] : memref<128x256x128xf32, #tpu.memory_space<hbm>> -> memref<1x256x128xf32, #tpu.memory_space<hbm>>
      %dma_wait3A_771 = tpu.memref_squeeze %dma_wait3A_770 : memref<1x256x128xf32, #tpu.memory_space<hbm>> -> memref<256x128xf32, #tpu.memory_space<hbm>>
      %dma_wait3A_772 = arith.constant 0 : i32
      %dma_wait3A_773 = arith.constant 0 : i32
      %dma_wait3A_774 = tpu.memref_slice %dma_wait3A_771[%dma_wait3A_772, %dma_wait3A_773] : memref<256x128xf32, #tpu.memory_space<hbm>> -> memref<256x128xf32, #tpu.memory_space<hbm>>
      tpu.wait_indirect_dma semaphore(%arg24 : memref<!tpu.dma_semaphore, #tpu.memory_space<semaphore_mem>>) src(%dma_wait3A_774 : memref<256x128xf32, #tpu.memory_space<hbm>>) dst(%arg20 : memref<16x128xf32, #tpu.memory_space<vmem>>)
      %eq3A_775 = arith.cmpi eq, %get3A_582, %gather3A_766 : vector<16xi32>
      %while3A_776 = scf.while (%while3A_781 = %eq3A_775) : (vector<16xi1>) -> vector<16xi1> {
        %reduce_or3A = arith.constant 1.000000e+00 : f32
        %reduce_or3A_782 = arith.constant 0.000000e+00 : f32
        %reduce_or3A_783 = vector.broadcast %reduce_or3A : f32 to vector<16xf32>
        %reduce_or3A_784 = vector.broadcast %reduce_or3A_782 : f32 to vector<16xf32>
        %reduce_or3A_785 = arith.select %while3A_781, %reduce_or3A_783, %reduce_or3A_784 : vector<16xi1>, vector<16xf32>
        %reduce_or3A_786 = arith.constant true
        %reduce_or3A_787 = vector.broadcast %reduce_or3A_786 : i1 to vector<16xi1>
        %reduce_or3A_788 = tpu.scan <max>, %reduce_or3A_785 masked %reduce_or3A_787 : vector<16xf32>, vector<16xi1> -> vector<16xf32>
        %reduce_or3A_789 = vector.extract %reduce_or3A_788[15] : f32 from vector<16xf32>
        %reduce_or3A_790 = arith.constant 0.000000e+00 : f32
        %reduce_or3A_791 = arith.cmpf ogt, %reduce_or3A_789, %reduce_or3A_790 : f32
        scf.condition(%reduce_or3A_791) %while3A_781 : vector<16xi1>
      } do {
      ^bb0(%while3A_781: vector<16xi1>):
        %all_reduce_ffs3A = tpu.all_reduce %while3A_781 {dim = 0 : i64, kind = #tpu.reduction_kind<find_first_set>} : vector<16xi1> -> vector<16xi32>
        %reduce_max3A = arith.constant true
        %reduce_max3A_782 = vector.broadcast %reduce_max3A : i1 to vector<16xi1>
        %reduce_max3A_783 = arith.constant -2147483648 : i32
        %reduce_max3A_784 = vector.broadcast %reduce_max3A_783 : i32 to vector<16xi32>
        %reduce_max3A_785 = arith.xori %all_reduce_ffs3A, %reduce_max3A_784 : vector<16xi32>
        %reduce_max3A_786 = tpu.scan <max>, %reduce_max3A_785 masked %reduce_max3A_782 : vector<16xi32>, vector<16xi1> -> vector<16xi32>
        %reduce_max3A_787 = arith.xori %reduce_max3A_786, %reduce_max3A_784 : vector<16xi32>
        %reduce_max3A_788 = vector.extract %reduce_max3A_787[15] : i32 from vector<16xi32>
        %add3A_789 = arith.constant 0 : i32
        %add3A_790 = arith.addi %add3A_789, %reduce_max3A_788 : i32
        %mul3A_791 = arith.constant 128 : i32
        %mul3A_792 = arith.muli %add3A_790, %mul3A_791 : i32
        %broadcast_in_dim3A_793 = arith.constant 0.000000e+00 : f32
        %broadcast_in_dim3A_794 = vector.broadcast %broadcast_in_dim3A_793 : f32 to vector<16xf32>
        %add3A_795 = arith.constant 0 : i32
        %add3A_796 = arith.addi %mul3A_792, %add3A_795 : i32
        %get3A_797 = arith.constant 3 : i32
        %get3A_798 = arith.index_cast %get3A_797 : i32 to index
        %get3A_799 = arith.index_cast %add3A_796 : i32 to index
        %get3A_800 = tpu.vector_load %arg14[%get3A_798, %get3A_799] {strides = array<i32>} : memref<4x4096xf32, #tpu.memory_space<vmem>>, vector<16xf32>,
        %get3A_801 = arith.constant 0 : i32
        %get3A_802 = arith.index_cast %get3A_801 : i32 to index
        %get3A_803 = arith.constant 0 : index
        %get3A_804 = tpu.vector_load %arg20[%get3A_802, %get3A_803] {strides = array<i32>} : memref<16x128xf32, #tpu.memory_space<vmem>>, vector<16xf32>,
        %mul3A_805 = arith.mulf %get3A_800, %get3A_804 : vector<16xf32>
        %add3A_806 = arith.addf %broadcast_in_dim3A_794, %mul3A_805 : vector<16xf32>
        %add3A_807 = arith.constant 16 : i32
        %add3A_808 = arith.addi %mul3A_792, %add3A_807 : i32
        %get3A_809 = arith.constant 3 : i32
        %get3A_810 = arith.index_cast %get3A_809 : i32 to index
        %get3A_811 = arith.index_cast %add3A_808 : i32 to index
        %get3A_812 = tpu.vector_load %arg14[%get3A_810, %get3A_811] {strides = array<i32>} : memref<4x4096xf32, #tpu.memory_space<vmem>>, vector<16xf32>,
        %get3A_813 = arith.constant 0 : i32
        %get3A_814 = arith.index_cast %get3A_813 : i32 to index
        %get3A_815 = arith.constant 16 : index
        %get3A_816 = tpu.vector_load %arg20[%get3A_814, %get3A_815] {strides = array<i32>} : memref<16x128xf32, #tpu.memory_space<vmem>>, vector<16xf32>,
        %mul3A_817 = arith.mulf %get3A_812, %get3A_816 : vector<16xf32>
        %add3A_818 = arith.addf %add3A_806, %mul3A_817 : vector<16xf32>
        %add3A_819 = arith.constant 32 : i32
        %add3A_820 = arith.addi %mul3A_792, %add3A_819 : i32
        %get3A_821 = arith.constant 3 : i32
        %get3A_822 = arith.index_cast %get3A_821 : i32 to index
        %get3A_823 = arith.index_cast %add3A_820 : i32 to index
        %get3A_824 = tpu.vector_load %arg14[%get3A_822, %get3A_823] {strides = array<i32>} : memref<4x4096xf32, #tpu.memory_space<vmem>>, vector<16xf32>,
        %get3A_825 = arith.constant 0 : i32
        %get3A_826 = arith.index_cast %get3A_825 : i32 to index
        %get3A_827 = arith.constant 32 : index
        %get3A_828 = tpu.vector_load %arg20[%get3A_826, %get3A_827] {strides = array<i32>} : memref<16x128xf32, #tpu.memory_space<vmem>>, vector<16xf32>,
        %mul3A_829 = arith.mulf %get3A_824, %get3A_828 : vector<16xf32>
        %add3A_830 = arith.addf %add3A_818, %mul3A_829 : vector<16xf32>
        %add3A_831 = arith.constant 48 : i32
        %add3A_832 = arith.addi %mul3A_792, %add3A_831 : i32
        %get3A_833 = arith.constant 3 : i32
        %get3A_834 = arith.index_cast %get3A_833 : i32 to index
        %get3A_835 = arith.index_cast %add3A_832 : i32 to index
        %get3A_836 = tpu.vector_load %arg14[%get3A_834, %get3A_835] {strides = array<i32>} : memref<4x4096xf32, #tpu.memory_space<vmem>>, vector<16xf32>,
        %get3A_837 = arith.constant 0 : i32
        %get3A_838 = arith.index_cast %get3A_837 : i32 to index
        %get3A_839 = arith.constant 48 : index
        %get3A_840 = tpu.vector_load %arg20[%get3A_838, %get3A_839] {strides = array<i32>} : memref<16x128xf32, #tpu.memory_space<vmem>>, vector<16xf32>,
        %mul3A_841 = arith.mulf %get3A_836, %get3A_840 : vector<16xf32>
        %add3A_842 = arith.addf %add3A_830, %mul3A_841 : vector<16xf32>
        %add3A_843 = arith.constant 64 : i32
        %add3A_844 = arith.addi %mul3A_792, %add3A_843 : i32
        %get3A_845 = arith.constant 3 : i32
        %get3A_846 = arith.index_cast %get3A_845 : i32 to index
        %get3A_847 = arith.index_cast %add3A_844 : i32 to index
        %get3A_848 = tpu.vector_load %arg14[%get3A_846, %get3A_847] {strides = array<i32>} : memref<4x4096xf32, #tpu.memory_space<vmem>>, vector<16xf32>,
        %get3A_849 = arith.constant 0 : i32
        %get3A_850 = arith.index_cast %get3A_849 : i32 to index
        %get3A_851 = arith.constant 64 : index
        %get3A_852 = tpu.vector_load %arg20[%get3A_850, %get3A_851] {strides = array<i32>} : memref<16x128xf32, #tpu.memory_space<vmem>>, vector<16xf32>,
        %mul3A_853 = arith.mulf %get3A_848, %get3A_852 : vector<16xf32>
        %add3A_854 = arith.addf %add3A_842, %mul3A_853 : vector<16xf32>
        %add3A_855 = arith.constant 80 : i32
        %add3A_856 = arith.addi %mul3A_792, %add3A_855 : i32
        %get3A_857 = arith.constant 3 : i32
        %get3A_858 = arith.index_cast %get3A_857 : i32 to index
        %get3A_859 = arith.index_cast %add3A_856 : i32 to index
        %get3A_860 = tpu.vector_load %arg14[%get3A_858, %get3A_859] {strides = array<i32>} : memref<4x4096xf32, #tpu.memory_space<vmem>>, vector<16xf32>,
        %get3A_861 = arith.constant 0 : i32
        %get3A_862 = arith.index_cast %get3A_861 : i32 to index
        %get3A_863 = arith.constant 80 : index
        %get3A_864 = tpu.vector_load %arg20[%get3A_862, %get3A_863] {strides = array<i32>} : memref<16x128xf32, #tpu.memory_space<vmem>>, vector<16xf32>,
        %mul3A_865 = arith.mulf %get3A_860, %get3A_864 : vector<16xf32>
        %add3A_866 = arith.addf %add3A_854, %mul3A_865 : vector<16xf32>
        %add3A_867 = arith.constant 96 : i32
        %add3A_868 = arith.addi %mul3A_792, %add3A_867 : i32
        %get3A_869 = arith.constant 3 : i32
        %get3A_870 = arith.index_cast %get3A_869 : i32 to index
        %get3A_871 = arith.index_cast %add3A_868 : i32 to index
        %get3A_872 = tpu.vector_load %arg14[%get3A_870, %get3A_871] {strides = array<i32>} : memref<4x4096xf32, #tpu.memory_space<vmem>>, vector<16xf32>,
        %get3A_873 = arith.constant 0 : i32
        %get3A_874 = arith.index_cast %get3A_873 : i32 to index
        %get3A_875 = arith.constant 96 : index
        %get3A_876 = tpu.vector_load %arg20[%get3A_874, %get3A_875] {strides = array<i32>} : memref<16x128xf32, #tpu.memory_space<vmem>>, vector<16xf32>,
        %mul3A_877 = arith.mulf %get3A_872, %get3A_876 : vector<16xf32>
        %add3A_878 = arith.addf %add3A_866, %mul3A_877 : vector<16xf32>
        %add3A_879 = arith.constant 112 : i32
        %add3A_880 = arith.addi %mul3A_792, %add3A_879 : i32
        %get3A_881 = arith.constant 3 : i32
        %get3A_882 = arith.index_cast %get3A_881 : i32 to index
        %get3A_883 = arith.index_cast %add3A_880 : i32 to index
        %get3A_884 = tpu.vector_load %arg14[%get3A_882, %get3A_883] {strides = array<i32>} : memref<4x4096xf32, #tpu.memory_space<vmem>>, vector<16xf32>,
        %get3A_885 = arith.constant 0 : i32
        %get3A_886 = arith.index_cast %get3A_885 : i32 to index
        %get3A_887 = arith.constant 112 : index
        %get3A_888 = tpu.vector_load %arg20[%get3A_886, %get3A_887] {strides = array<i32>} : memref<16x128xf32, #tpu.memory_space<vmem>>, vector<16xf32>,
        %mul3A_889 = arith.mulf %get3A_884, %get3A_888 : vector<16xf32>
        %add3A_890 = arith.addf %add3A_878, %mul3A_889 : vector<16xf32>
        %reduce_sum3A_891 = arith.constant true
        %reduce_sum3A_892 = vector.broadcast %reduce_sum3A_891 : i1 to vector<16xi1>
        %reduce_sum3A_893 = tpu.scan <sum>, %add3A_890 masked %reduce_sum3A_892 : vector<16xf32>, vector<16xi1> -> vector<16xf32>
        %reduce_sum3A_894 = vector.extract %reduce_sum3A_893[15] : f32 from vector<16xf32>
        %mul3A_895 = vector.broadcast %reduce_sum3A_894 : f32 to vector<16xf32>
        %mul3A_896 = arith.mulf %mul3A_895, %gather3A_767 : vector<16xf32>
        %eq3A_897 = vector.broadcast %reduce_max3A_788 : i32 to vector<16xi32>
        %eq3A_898 = arith.cmpi eq, %iota3A, %eq3A_897 : vector<16xi32>
        %get3A_899 = arith.constant 0 : index
        %get3A_900 = tpu.vector_load %arg21[%get3A_899] {strides = array<i32>} : memref<32xf32, #tpu.memory_space<vmem>>, vector<16xf32>,
        %max3A_901 = arith.maximumf %get3A_900, %mul3A_896 : vector<16xf32>
        %select_n3A_902 = arith.select %eq3A_898, %max3A_901, %get3A_900 : vector<16xi1>, vector<16xf32>
        %swap3A_903 = arith.constant 0 : index
        %swap3A_904 = tpu.vector_load %arg21[%swap3A_903] {strides = array<i32>} : memref<32xf32, #tpu.memory_space<vmem>>, vector<16xf32>,
        tpu.vector_store %arg21[%swap3A_903], %select_n3A_902 {strides = array<i32>} : memref<32xf32, #tpu.memory_space<vmem>>, vector<16xf32>,
        %get3A_905 = arith.constant 0 : index
        %get3A_906 = tpu.vector_load %arg22[%get3A_905] {strides = array<i32>} : memref<32xi32, #tpu.memory_space<vmem>>, vector<16xi32>,
        %add3A_907 = arith.constant 1 : i32
        %add3A_908 = vector.broadcast %add3A_907 : i32 to vector<16xi32>
        %add3A_909 = arith.addi %get3A_906, %add3A_908 : vector<16xi32>
        %select_n3A_910 = arith.select %eq3A_898, %add3A_909, %get3A_906 : vector<16xi1>, vector<16xi32>
        %swap3A_911 = arith.constant 0 : index
        %swap3A_912 = tpu.vector_load %arg22[%swap3A_911] {strides = array<i32>} : memref<32xi32, #tpu.memory_space<vmem>>, vector<16xi32>,
        tpu.vector_store %arg22[%swap3A_911], %select_n3A_910 {strides = array<i32>} : memref<32xi32, #tpu.memory_space<vmem>>, vector<16xi32>,
        %ne3A = vector.broadcast %reduce_max3A_788 : i32 to vector<16xi32>
        %ne3A_913 = arith.cmpi ne, %iota3A, %ne3A : vector<16xi32>
        %and3A_914 = arith.andi %while3A_781, %ne3A_913 : vector<16xi1>
        scf.yield %and3A_914 : vector<16xi1>
      }
      %eq3A_777 = arith.cmpi eq, %get3A_586, %gather3A_766 : vector<16xi32>
      %while3A_778 = scf.while (%while3A_781 = %eq3A_777) : (vector<16xi1>) -> vector<16xi1> {
        %reduce_or3A = arith.constant 1.000000e+00 : f32
        %reduce_or3A_782 = arith.constant 0.000000e+00 : f32
        %reduce_or3A_783 = vector.broadcast %reduce_or3A : f32 to vector<16xf32>
        %reduce_or3A_784 = vector.broadcast %reduce_or3A_782 : f32 to vector<16xf32>
        %reduce_or3A_785 = arith.select %while3A_781, %reduce_or3A_783, %reduce_or3A_784 : vector<16xi1>, vector<16xf32>
        %reduce_or3A_786 = arith.constant true
        %reduce_or3A_787 = vector.broadcast %reduce_or3A_786 : i1 to vector<16xi1>
        %reduce_or3A_788 = tpu.scan <max>, %reduce_or3A_785 masked %reduce_or3A_787 : vector<16xf32>, vector<16xi1> -> vector<16xf32>
        %reduce_or3A_789 = vector.extract %reduce_or3A_788[15] : f32 from vector<16xf32>
        %reduce_or3A_790 = arith.constant 0.000000e+00 : f32
        %reduce_or3A_791 = arith.cmpf ogt, %reduce_or3A_789, %reduce_or3A_790 : f32
        scf.condition(%reduce_or3A_791) %while3A_781 : vector<16xi1>
      } do {
      ^bb0(%while3A_781: vector<16xi1>):
        %all_reduce_ffs3A = tpu.all_reduce %while3A_781 {dim = 0 : i64, kind = #tpu.reduction_kind<find_first_set>} : vector<16xi1> -> vector<16xi32>
        %reduce_max3A = arith.constant true
        %reduce_max3A_782 = vector.broadcast %reduce_max3A : i1 to vector<16xi1>
        %reduce_max3A_783 = arith.constant -2147483648 : i32
        %reduce_max3A_784 = vector.broadcast %reduce_max3A_783 : i32 to vector<16xi32>
        %reduce_max3A_785 = arith.xori %all_reduce_ffs3A, %reduce_max3A_784 : vector<16xi32>
        %reduce_max3A_786 = tpu.scan <max>, %reduce_max3A_785 masked %reduce_max3A_782 : vector<16xi32>, vector<16xi1> -> vector<16xi32>
        %reduce_max3A_787 = arith.xori %reduce_max3A_786, %reduce_max3A_784 : vector<16xi32>
        %reduce_max3A_788 = vector.extract %reduce_max3A_787[15] : i32 from vector<16xi32>
        %add3A_789 = arith.constant 16 : i32
        %add3A_790 = arith.addi %add3A_789, %reduce_max3A_788 : i32
        %mul3A_791 = arith.constant 128 : i32
        %mul3A_792 = arith.muli %add3A_790, %mul3A_791 : i32
        %broadcast_in_dim3A_793 = arith.constant 0.000000e+00 : f32
        %broadcast_in_dim3A_794 = vector.broadcast %broadcast_in_dim3A_793 : f32 to vector<16xf32>
        %add3A_795 = arith.constant 0 : i32
        %add3A_796 = arith.addi %mul3A_792, %add3A_795 : i32
        %get3A_797 = arith.constant 3 : i32
        %get3A_798 = arith.index_cast %get3A_797 : i32 to index
        %get3A_799 = arith.index_cast %add3A_796 : i32 to index
        %get3A_800 = tpu.vector_load %arg14[%get3A_798, %get3A_799] {strides = array<i32>} : memref<4x4096xf32, #tpu.memory_space<vmem>>, vector<16xf32>,
        %get3A_801 = arith.constant 0 : i32
        %get3A_802 = arith.index_cast %get3A_801 : i32 to index
        %get3A_803 = arith.constant 0 : index
        %get3A_804 = tpu.vector_load %arg20[%get3A_802, %get3A_803] {strides = array<i32>} : memref<16x128xf32, #tpu.memory_space<vmem>>, vector<16xf32>,
        %mul3A_805 = arith.mulf %get3A_800, %get3A_804 : vector<16xf32>
        %add3A_806 = arith.addf %broadcast_in_dim3A_794, %mul3A_805 : vector<16xf32>
        %add3A_807 = arith.constant 16 : i32
        %add3A_808 = arith.addi %mul3A_792, %add3A_807 : i32
        %get3A_809 = arith.constant 3 : i32
        %get3A_810 = arith.index_cast %get3A_809 : i32 to index
        %get3A_811 = arith.index_cast %add3A_808 : i32 to index
        %get3A_812 = tpu.vector_load %arg14[%get3A_810, %get3A_811] {strides = array<i32>} : memref<4x4096xf32, #tpu.memory_space<vmem>>, vector<16xf32>,
        %get3A_813 = arith.constant 0 : i32
        %get3A_814 = arith.index_cast %get3A_813 : i32 to index
        %get3A_815 = arith.constant 16 : index
        %get3A_816 = tpu.vector_load %arg20[%get3A_814, %get3A_815] {strides = array<i32>} : memref<16x128xf32, #tpu.memory_space<vmem>>, vector<16xf32>,
        %mul3A_817 = arith.mulf %get3A_812, %get3A_816 : vector<16xf32>
        %add3A_818 = arith.addf %add3A_806, %mul3A_817 : vector<16xf32>
        %add3A_819 = arith.constant 32 : i32
        %add3A_820 = arith.addi %mul3A_792, %add3A_819 : i32
        %get3A_821 = arith.constant 3 : i32
        %get3A_822 = arith.index_cast %get3A_821 : i32 to index
        %get3A_823 = arith.index_cast %add3A_820 : i32 to index
        %get3A_824 = tpu.vector_load %arg14[%get3A_822, %get3A_823] {strides = array<i32>} : memref<4x4096xf32, #tpu.memory_space<vmem>>, vector<16xf32>,
        %get3A_825 = arith.constant 0 : i32
        %get3A_826 = arith.index_cast %get3A_825 : i32 to index
        %get3A_827 = arith.constant 32 : index
        %get3A_828 = tpu.vector_load %arg20[%get3A_826, %get3A_827] {strides = array<i32>} : memref<16x128xf32, #tpu.memory_space<vmem>>, vector<16xf32>,
        %mul3A_829 = arith.mulf %get3A_824, %get3A_828 : vector<16xf32>
        %add3A_830 = arith.addf %add3A_818, %mul3A_829 : vector<16xf32>
        %add3A_831 = arith.constant 48 : i32
        %add3A_832 = arith.addi %mul3A_792, %add3A_831 : i32
        %get3A_833 = arith.constant 3 : i32
        %get3A_834 = arith.index_cast %get3A_833 : i32 to index
        %get3A_835 = arith.index_cast %add3A_832 : i32 to index
        %get3A_836 = tpu.vector_load %arg14[%get3A_834, %get3A_835] {strides = array<i32>} : memref<4x4096xf32, #tpu.memory_space<vmem>>, vector<16xf32>,
        %get3A_837 = arith.constant 0 : i32
        %get3A_838 = arith.index_cast %get3A_837 : i32 to index
        %get3A_839 = arith.constant 48 : index
        %get3A_840 = tpu.vector_load %arg20[%get3A_838, %get3A_839] {strides = array<i32>} : memref<16x128xf32, #tpu.memory_space<vmem>>, vector<16xf32>,
        %mul3A_841 = arith.mulf %get3A_836, %get3A_840 : vector<16xf32>
        %add3A_842 = arith.addf %add3A_830, %mul3A_841 : vector<16xf32>
        %add3A_843 = arith.constant 64 : i32
        %add3A_844 = arith.addi %mul3A_792, %add3A_843 : i32
        %get3A_845 = arith.constant 3 : i32
        %get3A_846 = arith.index_cast %get3A_845 : i32 to index
        %get3A_847 = arith.index_cast %add3A_844 : i32 to index
        %get3A_848 = tpu.vector_load %arg14[%get3A_846, %get3A_847] {strides = array<i32>} : memref<4x4096xf32, #tpu.memory_space<vmem>>, vector<16xf32>,
        %get3A_849 = arith.constant 0 : i32
        %get3A_850 = arith.index_cast %get3A_849 : i32 to index
        %get3A_851 = arith.constant 64 : index
        %get3A_852 = tpu.vector_load %arg20[%get3A_850, %get3A_851] {strides = array<i32>} : memref<16x128xf32, #tpu.memory_space<vmem>>, vector<16xf32>,
        %mul3A_853 = arith.mulf %get3A_848, %get3A_852 : vector<16xf32>
        %add3A_854 = arith.addf %add3A_842, %mul3A_853 : vector<16xf32>
        %add3A_855 = arith.constant 80 : i32
        %add3A_856 = arith.addi %mul3A_792, %add3A_855 : i32
        %get3A_857 = arith.constant 3 : i32
        %get3A_858 = arith.index_cast %get3A_857 : i32 to index
        %get3A_859 = arith.index_cast %add3A_856 : i32 to index
        %get3A_860 = tpu.vector_load %arg14[%get3A_858, %get3A_859] {strides = array<i32>} : memref<4x4096xf32, #tpu.memory_space<vmem>>, vector<16xf32>,
        %get3A_861 = arith.constant 0 : i32
        %get3A_862 = arith.index_cast %get3A_861 : i32 to index
        %get3A_863 = arith.constant 80 : index
        %get3A_864 = tpu.vector_load %arg20[%get3A_862, %get3A_863] {strides = array<i32>} : memref<16x128xf32, #tpu.memory_space<vmem>>, vector<16xf32>,
        %mul3A_865 = arith.mulf %get3A_860, %get3A_864 : vector<16xf32>
        %add3A_866 = arith.addf %add3A_854, %mul3A_865 : vector<16xf32>
        %add3A_867 = arith.constant 96 : i32
        %add3A_868 = arith.addi %mul3A_792, %add3A_867 : i32
        %get3A_869 = arith.constant 3 : i32
        %get3A_870 = arith.index_cast %get3A_869 : i32 to index
        %get3A_871 = arith.index_cast %add3A_868 : i32 to index
        %get3A_872 = tpu.vector_load %arg14[%get3A_870, %get3A_871] {strides = array<i32>} : memref<4x4096xf32, #tpu.memory_space<vmem>>, vector<16xf32>,
        %get3A_873 = arith.constant 0 : i32
        %get3A_874 = arith.index_cast %get3A_873 : i32 to index
        %get3A_875 = arith.constant 96 : index
        %get3A_876 = tpu.vector_load %arg20[%get3A_874, %get3A_875] {strides = array<i32>} : memref<16x128xf32, #tpu.memory_space<vmem>>, vector<16xf32>,
        %mul3A_877 = arith.mulf %get3A_872, %get3A_876 : vector<16xf32>
        %add3A_878 = arith.addf %add3A_866, %mul3A_877 : vector<16xf32>
        %add3A_879 = arith.constant 112 : i32
        %add3A_880 = arith.addi %mul3A_792, %add3A_879 : i32
        %get3A_881 = arith.constant 3 : i32
        %get3A_882 = arith.index_cast %get3A_881 : i32 to index
        %get3A_883 = arith.index_cast %add3A_880 : i32 to index
        %get3A_884 = tpu.vector_load %arg14[%get3A_882, %get3A_883] {strides = array<i32>} : memref<4x4096xf32, #tpu.memory_space<vmem>>, vector<16xf32>,
        %get3A_885 = arith.constant 0 : i32
        %get3A_886 = arith.index_cast %get3A_885 : i32 to index
        %get3A_887 = arith.constant 112 : index
        %get3A_888 = tpu.vector_load %arg20[%get3A_886, %get3A_887] {strides = array<i32>} : memref<16x128xf32, #tpu.memory_space<vmem>>, vector<16xf32>,
        %mul3A_889 = arith.mulf %get3A_884, %get3A_888 : vector<16xf32>
        %add3A_890 = arith.addf %add3A_878, %mul3A_889 : vector<16xf32>
        %reduce_sum3A_891 = arith.constant true
        %reduce_sum3A_892 = vector.broadcast %reduce_sum3A_891 : i1 to vector<16xi1>
        %reduce_sum3A_893 = tpu.scan <sum>, %add3A_890 masked %reduce_sum3A_892 : vector<16xf32>, vector<16xi1> -> vector<16xf32>
        %reduce_sum3A_894 = vector.extract %reduce_sum3A_893[15] : f32 from vector<16xf32>
        %mul3A_895 = vector.broadcast %reduce_sum3A_894 : f32 to vector<16xf32>
        %mul3A_896 = arith.mulf %mul3A_895, %gather3A_767 : vector<16xf32>
        %eq3A_897 = vector.broadcast %reduce_max3A_788 : i32 to vector<16xi32>
        %eq3A_898 = arith.cmpi eq, %iota3A, %eq3A_897 : vector<16xi32>
        %get3A_899 = arith.constant 16 : index
        %get3A_900 = tpu.vector_load %arg21[%get3A_899] {strides = array<i32>} : memref<32xf32, #tpu.memory_space<vmem>>, vector<16xf32>,
        %max3A_901 = arith.maximumf %get3A_900, %mul3A_896 : vector<16xf32>
        %select_n3A_902 = arith.select %eq3A_898, %max3A_901, %get3A_900 : vector<16xi1>, vector<16xf32>
        %swap3A_903 = arith.constant 16 : index
        %swap3A_904 = tpu.vector_load %arg21[%swap3A_903] {strides = array<i32>} : memref<32xf32, #tpu.memory_space<vmem>>, vector<16xf32>,
        tpu.vector_store %arg21[%swap3A_903], %select_n3A_902 {strides = array<i32>} : memref<32xf32, #tpu.memory_space<vmem>>, vector<16xf32>,
        %get3A_905 = arith.constant 16 : index
        %get3A_906 = tpu.vector_load %arg22[%get3A_905] {strides = array<i32>} : memref<32xi32, #tpu.memory_space<vmem>>, vector<16xi32>,
        %add3A_907 = arith.constant 1 : i32
        %add3A_908 = vector.broadcast %add3A_907 : i32 to vector<16xi32>
        %add3A_909 = arith.addi %get3A_906, %add3A_908 : vector<16xi32>
        %select_n3A_910 = arith.select %eq3A_898, %add3A_909, %get3A_906 : vector<16xi1>, vector<16xi32>
        %swap3A_911 = arith.constant 16 : index
        %swap3A_912 = tpu.vector_load %arg22[%swap3A_911] {strides = array<i32>} : memref<32xi32, #tpu.memory_space<vmem>>, vector<16xi32>,
        tpu.vector_store %arg22[%swap3A_911], %select_n3A_910 {strides = array<i32>} : memref<32xi32, #tpu.memory_space<vmem>>, vector<16xi32>,
        %ne3A = vector.broadcast %reduce_max3A_788 : i32 to vector<16xi32>
        %ne3A_913 = arith.cmpi ne, %iota3A, %ne3A : vector<16xi32>
        %and3A_914 = arith.andi %while3A_781, %ne3A_913 : vector<16xi1>
        scf.yield %and3A_914 : vector<16xi1>
      }
      %add3A_779 = arith.constant 1 : i32
      %add3A_780 = arith.addi %while3A_753, %add3A_779 : i32
      scf.yield %add3A_780 : i32
    }
    %get3A_700 = arith.constant 0 : index
    %get3A_701 = tpu.vector_load %arg21[%get3A_700] {strides = array<i32>} : memref<32xf32, #tpu.memory_space<vmem>>, vector<16xf32>,
    %get3A_702 = arith.constant 0 : index
    %get3A_703 = tpu.vector_load %arg22[%get3A_702] {strides = array<i32>} : memref<32xi32, #tpu.memory_space<vmem>>, vector<16xi32>,
    %lt3A_704 = arith.constant 1280 : i32
    %lt3A_705 = vector.broadcast %lt3A_704 : i32 to vector<16xi32>
    %lt3A_706 = arith.cmpi slt, %get3A_703, %lt3A_705 : vector<16xi32>
    %max3A_707 = arith.constant 0.000000e+00 : f32
    %max3A_708 = vector.broadcast %max3A_707 : f32 to vector<16xf32>
    %max3A_709 = arith.maximumf %get3A_701, %max3A_708 : vector<16xf32>
    %select_n3A_710 = arith.select %lt3A_706, %max3A_709, %get3A_701 : vector<16xi1>, vector<16xf32>
    %get3A_711 = arith.constant 3 : i32
    %get3A_712 = arith.index_cast %get3A_711 : i32 to index
    %get3A_713 = arith.constant 0 : index
    %get3A_714 = tpu.vector_load %arg16[%get3A_712, %get3A_713] {strides = array<i32>} : memref<4x32xf32, #tpu.memory_space<vmem>>, vector<16xf32>,
    %mul3A_715 = arith.mulf %get3A_714, %select_n3A_710 : vector<16xf32>
    %reduce_sum3A_716 = arith.constant true
    %reduce_sum3A_717 = vector.broadcast %reduce_sum3A_716 : i1 to vector<16xi1>
    %reduce_sum3A_718 = tpu.scan <sum>, %mul3A_715 masked %reduce_sum3A_717 : vector<16xf32>, vector<16xi1> -> vector<16xf32>
    %reduce_sum3A_719 = vector.extract %reduce_sum3A_718[15] : f32 from vector<16xf32>
    %add3A_720 = arith.constant 0.000000e+00 : f32
    %add3A_721 = arith.addf %add3A_720, %reduce_sum3A_719 : f32
    %get3A_722 = arith.constant 16 : index
    %get3A_723 = tpu.vector_load %arg21[%get3A_722] {strides = array<i32>} : memref<32xf32, #tpu.memory_space<vmem>>, vector<16xf32>,
    %get3A_724 = arith.constant 16 : index
    %get3A_725 = tpu.vector_load %arg22[%get3A_724] {strides = array<i32>} : memref<32xi32, #tpu.memory_space<vmem>>, vector<16xi32>,
    %lt3A_726 = arith.constant 1280 : i32
    %lt3A_727 = vector.broadcast %lt3A_726 : i32 to vector<16xi32>
    %lt3A_728 = arith.cmpi slt, %get3A_725, %lt3A_727 : vector<16xi32>
    %max3A_729 = arith.constant 0.000000e+00 : f32
    %max3A_730 = vector.broadcast %max3A_729 : f32 to vector<16xf32>
    %max3A_731 = arith.maximumf %get3A_723, %max3A_730 : vector<16xf32>
    %select_n3A_732 = arith.select %lt3A_728, %max3A_731, %get3A_723 : vector<16xi1>, vector<16xf32>
    %get3A_733 = arith.constant 3 : i32
    %get3A_734 = arith.index_cast %get3A_733 : i32 to index
    %get3A_735 = arith.constant 16 : index
    %get3A_736 = tpu.vector_load %arg16[%get3A_734, %get3A_735] {strides = array<i32>} : memref<4x32xf32, #tpu.memory_space<vmem>>, vector<16xf32>,
    %mul3A_737 = arith.mulf %get3A_736, %select_n3A_732 : vector<16xf32>
    %reduce_sum3A_738 = arith.constant true
    %reduce_sum3A_739 = vector.broadcast %reduce_sum3A_738 : i1 to vector<16xi1>
    %reduce_sum3A_740 = tpu.scan <sum>, %mul3A_737 masked %reduce_sum3A_739 : vector<16xf32>, vector<16xi1> -> vector<16xf32>
    %reduce_sum3A_741 = vector.extract %reduce_sum3A_740[15] : f32 from vector<16xf32>
    %add3A_742 = arith.addf %add3A_721, %reduce_sum3A_741 : f32
    %eq3A_743 = arith.constant 3 : i32
    %eq3A_744 = vector.broadcast %eq3A_743 : i32 to vector<16xi32>
    %eq3A_745 = arith.cmpi eq, %iota3A, %eq3A_744 : vector<16xi32>
    %add3A_746 = arith.addf %add3A_742, %reduce_sum3A_674 : f32
    %broadcast_in_dim3A_747 = vector.broadcast %add3A_746 : f32 to vector<16xf32>
    %select_n3A_748 = arith.select %eq3A_745, %broadcast_in_dim3A_747, %select_n3A_574 : vector<16xi1>, vector<16xf32>
    %broadcast_in_dim3A_749 = arith.constant 0 : i32
    %broadcast_in_dim3A_750 = vector.broadcast %broadcast_in_dim3A_749 : i32 to vector<16xi32>
    tpu.vector_store_idx %arg11[%get3A_582], %broadcast_in_dim3A_750 : memref<30528xi32, #tpu.memory_space<vmem>>[vector<16xi32>], vector<16xi32>,
    tpu.vector_store_idx %arg11[%get3A_586], %broadcast_in_dim3A_750 : memref<30528xi32, #tpu.memory_space<vmem>>[vector<16xi32>], vector<16xi32>,
    %swap3A_751 = arith.constant 0 : index
    %swap3A_752 = tpu.vector_load %arg23[%swap3A_751] {strides = array<i32>} : memref<16xf32, #tpu.memory_space<vmem>>, vector<16xf32>,
    tpu.vector_store %arg23[%swap3A_751], %select_n3A_748 {strides = array<i32>} : memref<16xf32, #tpu.memory_space<vmem>>, vector<16xf32>,
    "tpu.region"() ({
      %run_scoped3A = tpu.sem_alloc : memref<!tpu.dma_semaphore, #tpu.memory_space<semaphore_mem>>
      %dma_start3A_753 = arith.constant 0 : i32
      %dma_start3A_754 = tpu.memref_slice %arg10[%add3A, %dma_start3A_753] : memref<32x16xf32, #tpu.memory_space<hbm>> -> memref<1x16xf32, #tpu.memory_space<hbm>>
      %dma_start3A_755 = tpu.memref_squeeze %dma_start3A_754 : memref<1x16xf32, #tpu.memory_space<hbm>> -> memref<16xf32, #tpu.memory_space<hbm>>
      %dma_start3A_756 = arith.constant 0 : i32
      %dma_start3A_757 = tpu.memref_slice %arg10[%add3A, %dma_start3A_756] : memref<32x16xf32, #tpu.memory_space<hbm>> -> memref<1x16xf32, #tpu.memory_space<hbm>>
      %dma_start3A_758 = tpu.memref_squeeze %dma_start3A_757 : memref<1x16xf32, #tpu.memory_space<hbm>> -> memref<16xf32, #tpu.memory_space<hbm>>
      tpu.enqueue_dma source(%arg23 : memref<16xf32, #tpu.memory_space<vmem>>) target(%dma_start3A_758 : memref<16xf32, #tpu.memory_space<hbm>>) target_semaphore(%run_scoped3A : memref<!tpu.dma_semaphore, #tpu.memory_space<semaphore_mem>>)
      %dma_wait3A_759 = arith.constant 0 : i32
      %dma_wait3A_760 = tpu.memref_slice %arg10[%add3A, %dma_wait3A_759] : memref<32x16xf32, #tpu.memory_space<hbm>> -> memref<1x16xf32, #tpu.memory_space<hbm>>
      %dma_wait3A_761 = tpu.memref_squeeze %dma_wait3A_760 : memref<1x16xf32, #tpu.memory_space<hbm>> -> memref<16xf32, #tpu.memory_space<hbm>>
      %dma_wait3A_762 = arith.constant 0 : i32
      %dma_wait3A_763 = tpu.memref_slice %arg10[%add3A, %dma_wait3A_762] : memref<32x16xf32, #tpu.memory_space<hbm>> -> memref<1x16xf32, #tpu.memory_space<hbm>>
      %dma_wait3A_764 = tpu.memref_squeeze %dma_wait3A_763 : memref<1x16xf32, #tpu.memory_space<hbm>> -> memref<16xf32, #tpu.memory_space<hbm>>
      tpu.wait_dma2 semaphore(%run_scoped3A : memref<!tpu.dma_semaphore, #tpu.memory_space<semaphore_mem>>) src(%arg23 : memref<16xf32, #tpu.memory_space<vmem>>) dst(%dma_wait3A_764 : memref<16xf32, #tpu.memory_space<hbm>>)
      tpu.yield
    }) : () -> ()
    return
  }
}

</mosaic_0001>

<sc_bundles>
// kernel: kernel.3.cloned.1.call-start
scs
__scs_entry_jumppad:
0x0: {  	(pc) =	sbr.rel $0x88, $3  }
0x1: {  	(tag) =	ssettag $0x0;
	lr =	simm.s32 $0x1  }
0x2: {  	[smem:$0x3F99] =	sst lr;
	_ =	strace $0xD0000000  }
0x3: {  	_ = 	snop  }
0x4: {  	_ = 	snop  }
0x5: {  	_ = 	snop  }
0x6: {  	_ = 	snop  }
0x7: {  	_ = 	snop  }
__scs_overlays_trampoline_lowered:
0x8: {  	[smem:$0x3FA8] =	sst s0  }
0x9: {  	[smem:$0x3FA9] =	sst s1  }
0xa: {  	[smem:$0x3FAA] =	sst s2  }
0xb: {  	[smem:$0x3FAB] =	sst s3  }
0xc: {  	[smem:$0x3FAC] =	sst s4  }
0xd: {  	[smem:$0x3FAD] =	sst s5  }
0xe: {  	[smem:$0x3FAE] =	sst s6  }
0xf: {  	[smem:$0x3FAF] =	sst s7  }
0x10: {  	[smem:$0x3FB0] =	sst s8  }
0x11: {  	[smem:$0x3FB1] =	sst s9;
	s0 =	simm.s32 @!p0 $0x0  }
0x12: {  	s1 =	sld [smem:$0x3F97];
	s0 =	simm.s32 @p0 $0x1  }
0x13: {  	[smem:$0x3FB2] =	sst s0;
	s0 =	simm.s32 @!p1 $0x0  }
0x14: {  	s2 =	sld [smem:$0x3F96];
	s0 =	simm.s32 @p1 $0x1  }
0x15: {  	[smem:$0x3FB3] =	sst s0;
	s0 =	simm.s32 @!p2 $0x0  }
0x16: {  	s3 =	sld [smem:$0x3FDB];
	s0 =	simm.s32 @p2 $0x1  }
0x17: {  	s4 =	simm.s32 $0x1BF5;
	[smem:$0x3FB5] =	sst s0  }
0x18: {  	s0 =	sld [smem:$0x3F98];
	_ =	swait.ge [sflag:s4], $0x0  }
0x19: {  	s7 =	sld [smem:$0x3F99]  }
0x1a: {  	s8 =	sadd.s32 $0xFFFFE003, lr  }
0x1b: {  	s9 =	sadd.s32 $0xFFFFFEF7, lr;
	s5 =	simm.s32 $0xFFFFFFFF;
	p2 =	slt.u32 s8, $0xFFFFF086  }
0x1c: {  	p1 =	slt.u32 s9, $0xF7A;
	s5 =	simm.s32 @!p2 $0x0  }
0x1d: {  	s5 =	simm.s32 @p1 $0x1;
	p0 =	seq.s32 s7, s2  }
0x1e: {  	s7 =	smul.u32 @!p0 $0xF7A, s2;
	p2 =	seq.s32 @!p0 s5, $0x0  }
0x1f: {  	s9 =	smul.u32 $0xF7A, s1;
	s8 =	simm.s32 @!p0 $0x1BF5;
	p2 =	por !p2, p0  }
0x20: {  	[sflag:s8] =	ssyncset.s32 @!p0 $0xFFFFF086;
	s6 =	sadd.s32 @!p0 s3, s7;
	s7 =	simm.s32 @!p0 $0x108  }
0x21: {  	s3 =	sadd.s32 s3, s9;
	s6 =	sadd.s32 @!p0 $0x88, s6;
	s7 =	simm.s32 @p2 $0x1082  }
0x22: {  	[simem:s7], [sflag:s8] =	dma.local @!p0 [hbm:s6], $0xF7A  }
0x23: {  	s9 =	sor.u32 $0xD0000000, s2;
	s6 =	simm.s32 $0x108;
	_ =	swait.ge @!p0 [sflag:s8], $0x0  }
0x24: {  	s3 =	sadd.s32 $0x88, s3;
	s6 =	simm.s32 @!p1 $0x1082;
	[sflag:s4] =	ssyncset.s32 $0xFFFFF086  }
0x25: {  	[simem:s6], [sflag:s4] =	dma.local [hbm:s3], $0xF7A  }
0x26: {  	[smem:$0x3F99] =	sst s1;
	(tag) =	ssettag s2;
	_ =	strace s9  }
0x27: {  	s1 =	sld [smem:$0x3FA9]  }
0x28: {  	s2 =	sld [smem:$0x3FAA]  }
0x29: {  	s4 =	sld [smem:$0x3FAC]  }
0x2a: {  	p0 =	seq.s32 s5, $0x0;
	s5 =	sld [smem:$0x3FAD]  }
0x2b: {  	s6 =	sld [smem:$0x3FAE]  }
0x2c: {  	s7 =	sld [smem:$0x3FAF]  }
0x2d: {  	s3 =	simm.s32 $0x108;
	s8 =	sld [smem:$0x3FB0]  }
0x2e: {  	s3 =	simm.s32 @!p0 $0x1082;
	s9 =	sld [smem:$0x3FB1]  }
0x2f: {  	lr =	sadd.s32 s0, s3;
	s0 =	sld [smem:$0x3FA8]  }
0x30: {  	s3 =	sld [smem:$0x3FAB]  }
0x31: {  	[smem:$0x3FB4] =	sst s10  }
0x32: {  	s10 =	sld [smem:$0x3FB2];
	_ =	sdelay $0x3  }
0x33: {  	p0 =	seq.s32 s10, $0x1;
	s10 =	sld [smem:$0x3FB4];
	_ =	sdelay $0x3  }
0x34: {  	[smem:$0x3FB4] =	sst s10  }
0x35: {  	s10 =	sld [smem:$0x3FB3];
	_ =	sdelay $0x3  }
0x36: {  	p1 =	seq.s32 s10, $0x1;
	s10 =	sld [smem:$0x3FB4];
	_ =	sdelay $0x3  }
0x37: {  	[smem:$0x3FB4] =	sst s10  }
0x38: {  	s10 =	sld [smem:$0x3FB5]  }
0x39: {  	_ = 	snop;
	(pc) =	sbr.ind lr, $3  }
0x3a: {  	_ = 	snop  }
0x3b: {  	_ = 	snop  }
0x3c: {  	p2 =	seq.s32 s10, $0x1;
	s10 =	sld [smem:$0x3FB4]  }
0x3d: {  	_ =	shalt  }
0x3e: {  	_ =	shalt  }
0x3f: {  	_ =	shalt  }
0x40: {  	_ =	shalt  }
0x41: {  	_ =	shalt  }
0x42: {  	_ =	shalt  }
0x43: {  	_ =	shalt  }
0x44: {  	_ =	shalt  }
0x45: {  	_ =	shalt  }
0x46: {  	_ =	shalt  }
0x47: {  	_ =	shalt  }
0x48: {  	_ =	shalt  }
0x49: {  	_ =	shalt  }
0x4a: {  	_ =	shalt  }
0x4b: {  	_ =	shalt  }
0x4c: {  	_ =	shalt  }
0x4d: {  	_ =	shalt  }
0x4e: {  	_ =	shalt  }
0x4f: {  	_ =	shalt  }
0x50: {  	_ =	shalt  }
0x51: {  	_ =	shalt  }
0x52: {  	_ =	shalt  }
0x53: {  	_ =	shalt  }
0x54: {  	_ =	shalt  }
0x55: {  	_ =	shalt  }
0x56: {  	_ =	shalt  }
0x57: {  	_ =	shalt  }
0x58: {  	_ =	shalt  }
0x59: {  	_ =	shalt  }
0x5a: {  	_ =	shalt  }
0x5b: {  	_ =	shalt  }
0x5c: {  	_ =	shalt  }
0x5d: {  	_ =	shalt  }
0x5e: {  	_ =	shalt  }
0x5f: {  	_ =	shalt  }
0x60: {  	_ =	shalt  }
0x61: {  	_ =	shalt  }
0x62: {  	_ =	shalt  }
0x63: {  	_ =	shalt  }
0x64: {  	_ =	shalt  }
0x65: {  	_ =	shalt  }
0x66: {  	_ =	shalt  }
0x67: {  	_ =	shalt  }
0x68: {  	_ =	shalt  }
0x69: {  	_ =	shalt  }
0x6a: {  	_ =	shalt  }
0x6b: {  	_ =	shalt  }
0x6c: {  	_ =	shalt  }
0x6d: {  	_ =	shalt  }
0x6e: {  	_ =	shalt  }
0x6f: {  	_ =	shalt  }
0x70: {  	_ =	shalt  }
0x71: {  	_ =	shalt  }
0x72: {  	_ =	shalt  }
0x73: {  	_ =	shalt  }
0x74: {  	_ =	shalt  }
0x75: {  	_ =	shalt  }
0x76: {  	_ =	shalt  }
0x77: {  	_ =	shalt  }
0x78: {  	_ =	shalt  }
0x79: {  	_ =	shalt  }
0x7a: {  	_ =	shalt  }
0x7b: {  	_ =	shalt  }
0x7c: {  	_ =	shalt  }
0x7d: {  	_ =	shalt  }
0x7e: {  	_ =	shalt  }
0x7f: {  	_ =	shalt  }
0x80: {  	_ =	shalt  }
0x81: {  	_ =	shalt  }
0x82: {  	_ =	shalt  }
0x83: {  	_ =	shalt  }
0x84: {  	_ =	shalt  }
0x85: {  	_ =	shalt  }
0x86: {  	_ =	shalt  }
0x87: {  	_ =	shalt  }
.Lfunc_end0:
.L_simem_size_0:
called_computation_lowered:
.L_overlay_start_0:
0x88: {  	s2 =	sld [smem:$0x3FD9]  }
0x89: {  	s3 =	sld [smem:$0x3FFE];
	_ =	sdelay $0x1  }
0x8a: {  	s1 =	srdreg.scid  }
0x8b: {  	s0 =	sand.u32 $0x1, s1  }
0x8c: {  	s17 =	sshll.u32 s0, $0xA;
	s2 =	sadd.s32 s3, s2  }
0x8d: {  	s2 =	sadd.s32 s2, s17  }
0x8e: {  	[smem:$0x3FC0] =	sst s2  }
0x8f: {  	_ = 	snop  }
0x90: {  	s2 =	sld [smem:$0x3FC6]  }
0x91: {  	s18 =	sld [smem:$0x3FC3]  }
0x92: {  	s4 =	sld [smem:$0x3FC2];
	(tm) =	ssettm $0x1  }
0x93: {  	s5 =	sld [smem:$0x3FFB];
	_ =	sdelay $0x3  }
0x94: {  	_ =	strace s5  }
0x95: {  	s5 =	sld [smem:$0x3FFC];
	_ =	sdelay $0x3  }
0x96: {  	_ =	strace s5  }
0x97: {  	s5 =	sld [smem:$0x3FFD];
	_ =	sdelay $0x3  }
0x98: {  	_ =	strace s5  }
0x99: {  	_ =	strace $0x8FFFFFFF  }
0x9a: {  	s19 =	sld [smem:$0x3FDB];
	_ =	sdelay $0x1  }
0x9b: {  	s6 =	simm.s32 $_scs_section_size  }
0x9c: {  	s7 =	simm.s32 $_size__tile_overlayer_lowered;
	s8 =	simm.s32 $_tile_overlayer_lowered  }
0x9d: {  	s22 =	simm.s32 $0x1BFF;
	s21 =	sshll.u32 s8, $0x1;
	s5 =	sadd.s32 s6, s19  }
0x9e: {  	s9 =	simm.s32 $0x0;
	s20 =	sshll.u32 s7, $0x1;
	s7 =	sadd.s32 s21, s5  }
0x9f: {  	[timem:s9], [sflag:s22] =	dma.local [hbm:s7], s20  }
0xa0: {  	_ =	swait.ge [sflag:s22], s20  }
0xa1: {  	s6 =	ssub.s32 $0x0, s20;
	[sflag:s22] =	ssyncset.done $0x0  }
0xa2: {  	[sflag:s22] =	ssyncadd.s32 s6;
	_ =	sdelay $0x1  }
0xa3: {  	s23 =	simm.s32 $0x1B8B  }
0xa4: {  	_ =	swait.ge [sflag:s23], $0x1  }
0xa5: {  	[sflag:s23] =	ssyncset.done $0x0  }
0xa6: {  	s25 =	simm.s32 $0x1B8E;
	s24 =	sld [smem:$0x3FFE];
	[sflag:s23] =	ssyncadd.s32 $0xFFFFFFFF  }
0xa7: {  	s26 =	simm.s32 $execute0_lowered;
	[smem:$0x3FD2] =	sst s25  }
0xa8: {  	s7 =	sshll.u32 s26, $0x1;
	_ =	strace $0x80000046;
	[dreg:$0x1] =	wrdreg $0xFFFFFFFF  }
0xa9: {  	s28 =	simm.s32 $_size_execute0_lowered;
	s5 =	sadd.s32 s5, s7;
	[dreg:$0x0] =	wrdreg $0x0  }
0xaa: {  	s7 =	sshll.u32 s28, $0x1;
	[dreg:$0x2] =	wrdreg s5  }
0xab: {  	[dreg:$0x3] =	wrdreg s7  }
0xac: {  	[dreg:$0x4] =	wrdreg $0xC0  }
0xad: {  	_ =	task [dreg:s9], $0x5FFFF  }
0xae: {  	[dreg:$0x1] =	wrdreg $0xFFFFFFFF  }
0xaf: {  	[dreg:$0x0] =	wrdreg $0x60  }
0xb0: {  	[dreg:$0x2] =	wrdreg s24  }
0xb1: {  	[dreg:$0x3] =	wrdreg s2  }
0xb2: {  	[dreg:$0x4] =	wrdreg s18  }
0xb3: {  	[dreg:$0x5] =	wrdreg s4  }
0xb4: {  	[dreg:$0x6] =	wrdreg $0x9  }
0xb5: {  	_ =	task.clear_ibuf [dreg:s9], $0x7FFFF;
	_ =	strace $0x90000046  }
0xb6: {  	s29 =	simm.s32 $0x9;
	_ =	strace $0x80000048  }
0xb7: {  	_ =	swait.ge [sflag:s29], $0x1  }
0xb8: {  	[sflag:s29] =	ssyncadd.s32 $0xFFFFFFFF  }
0xb9: {  	_ =	strace $0x90000048  }
0xba: {  	_ =	sfence  }
0xbb: {  	s30 =	sld [smem:$0x0];
	_ =	sdelay $0x2  }
0xbc: {  	s31 =	sshll.u32 s1, $0xD;
	s1 =	sshrl.u32 s1, $0x2  }
0xbd: {  	s3 =	sand.u32 $0x4000, s31;
	s1 =	sadd.s32 s1, s30  }
0xbe: {  	s0 =	sor.u32 s3, s0;
	s1 =	sshll.u32 s1, $0x11  }
0xbf: {  	s0 =	sor.u32 s1, s0  }
0xc0: {  	s0 =	sadd.s32 $0x8F2B, s0  }
0xc1: {  	[sflag:s0] =	ssyncadd.remote.s32 $0x1  }
0xc2: {  	_ =	sfence.sel $0xFFFF  }
0xc3: {  	[dreg:$0x0] =	wrdreg $0xFFFFFFFF;
	(pc) =	sbr.abs _section_cstart, $3  }
0xc4: {  	[dreg:$0x1] =	wrdreg $0xFFFFFFFF  }
0xc5: {  	_ =	task.clear_ibuf [dreg:s9], $0x2FFFF;
	_ =	strace $0x9FFFFFFF  }
0xc6: {  	(tm) =	ssettm $0x7FFFFFFF  }
0xc7: {  	_ =	shalt  }
tec
execute0_lowered:
.L_overlay_start_1:
0x0: {  	(tag) =	ssettag $0x1  }
0x1: {  	s0 =	rddreg [dreg:$0x0]  }
0x2: {  	s10 =	rddreg [dreg:$0x1]  }
0x3: {  	s1 =	srdreg.scid;
	s8 =	rddreg [dreg:$0x2]  }
0x4: {  	s13 =	stileid.u32;
	s9 =	rddreg [dreg:$0x3]  }
0x5: {  	s16 =	simm.s32 $0x200;
	s17 =	simm.s32 $0x400;
	s18 =	simm.s32 $0x7780  }
0x6: {  	s19 =	simm.s32 $0x8B80;
	s28 =	simm.s32 $0xEC80;
	s30 =	simm.s32 $0x2  }
0x7: {  	s31 =	simm.s32 $0x0;
	s1 =	sand.u32 $0x1, s1;
	s4 =	sshll.u32 s13, $0x9  }
0x8: {  	s23 =	sshll.u32 s13, $0x4;
	s2 =	sshll.u32 s1, $0x4;
	s4 =	sand.u32 $0x200, s4  }
0x9: {  	s1 =	ssub.s32 $0x2, s1;
	s11 =	sor.u32 s13, s2;
	s2 =	simm.s32 $0x0  }
0xa: {  	s25 =	sshrl.u32 s1, $0x1;
	s3 =	sshrl.u32 s11, $0x1;
	[smem:$0x7FF] =	sst s2  }
0xb: {  	s1 =	ssub.s32 s1, s25;
	s26 =	sshll.u32 s11, $0xE;
	s11 =	sshll.u32 s11, $0x4  }
0xc: {  	s25 =	simm.s32 $0x1;
	s5 =	sshll.u32 s3, $0xF;
	s6 =	sshll.u32 s3, $0xA  }
0xd: {  	s3 =	smul.u32 $0x2800, s3;
	_ =	strace $0x80000047;
	s10 =	sadd.s32 s10, s26  }
0xe: {  	s29 =	sand.u32 $0x180, s11;
	s15 =	smax.u32 s1, $0x1;
	s26 =	simm.s32 $0xE780  }
0xf: {  	s5 =	sor.u32 s4, s5;
	s6 =	sor.u32 s4, s6;
	s11 =	sadd.s32 $0x1000, s10  }
0x10: {  	s13 =	sadd.s32 $0x3000, s10;
	s5 =	sshrl.u32 s5, $0x3;
	s12 =	sshrl.u32 s6, $0x3  }
0x11: {  	s3 =	sor.u32 s4, s3;
	s4 =	sand.u32 $0x70, s23;
	s7 =	sadd.s32 s5, s0  }
.Ltmp0:
0x12: {  	s6 =	sadd.s32 s12, s0;
	s3 =	sshrl.u32 s3, $0x3;
	(pc) =	sbr.rel .LBB2_1-.Ltmp0, $4  }
0x13: {  	s8 =	sadd.s32 s8, s12;
	s9 =	sadd.s32 s9, s12;
	s12 =	sadd.s32 $0x2000, s10  }
0x14: {  	s24 =	sadd.s32 s3, s0;
	s0 =	sadd.s32 s4, s0;
	s5 =	sadd.s32 $0x1000, s6  }
0x15: {  	v0 =	vimm.s32 $0x0;
	v1 =	vimm.s32 $0x1;
	v4 =	vimm.f32 $-3.000000010e+38;
	s6 =	sadd.s32 $0x800, s6;
	s7 =	sadd.s32 $0xB800, s7;
	s0 =	sadd.s32 s29, s0  }
0x16: {  	v2 =	vimm.f32 $0.0e+00;
	v3 =	vlaneseq.u32;
	vm0 =	vcmask $0x300;
	s3 =	sadd.s32 $0x6800, s24;
	s4 =	sadd.s32 $0x1800, s24;
	s14 =	sadd.s32 $0x1B800, s0  }
.LBB2_127:
0x17: {  	v8 =	vld [tilespmem:$0xF480]  }
0x18: {  	v9 =	vld [tilespmem:$0xF500]  }
0x19: {  	v10 =	vld [tilespmem:$0xE300]  }
0x1a: {  	v11 =	vld [tilespmem:$0xF490]  }
0x1b: {  	v12 =	vld [tilespmem:$0xF510];
	_ =	sdelay $0x1  }
0x1c: {  	v13 =	vld [tilespmem:$0xE310]  }
0x1d: {  	vm1 =	vlt.s32 v9, $0x500;
	v59 =	vmax.f32 v8, $0.0e+00  }
0x1e: {  	v8 =	vsel vm1, v59, v8  }
0x1f: {  	v60 =	vmax.f32 v11, $0.0e+00;
	vm1 =	vlt.s32 v12, $0x500;
	v8 =	vmul.f32 v8, v10  }
0x20: {  	v9 =	vsel vm1, v60, v11  }
0x21: {  	v61 =	vmul.f32 v9, v13;
	(xrf2) =	vadd.scan.msk.f32 $0xffff, v8;
	_ =	sdelay $0x1  }
0x22: {  	(xrf2) =	vadd.scan.msk.f32 $0xffff, v61;
	_ =	sdelay $0x7  }
0x23: {  	v62, _, _ =	vpop (xrf2)  }
0x24: {  	(v2sf) =	vpush v62, $0xF  }
0x25: {  	v63, _, _ =	vpop (xrf2)  }
0x26: {  	(v2sf) =	vpush v63, $0xF;
	_ =	sdelay $0xc  }
0x27: {  	s21 =	sadd.f32 $0.0e+00, s21;
	s20 =	spop (v2sf)  }
0x28: {  	s20 =	sadd.f32 $0.0e+00, s20  }
0x29: {  	s21 =	sadd.f32 s22, s21;
	s24 =	spop (v2sf)  }
0x2a: {  	s20 =	sadd.f32 s24, s20  }
0x2b: {  	s0 =	sadd.f32 s21, s0  }
0x2c: {  	vm1 =	veq.s32 v3, $0x2;
	s1 =	sadd.f32 s20, s1  }
0x2d: {  	[tilespmem:v6+s2+$0x0] =	vst.idx.msk $0xffff, v0;
	s31 =	sadd.s32 $0x1, s31;
	v7 =	vsel vm1, s0, v7;
	vm1 =	veq.s32 v3, $0x3  }
0x2e: {  	[tilespmem:v5+s2+$0x0] =	vst.idx.msk $0xffff, v0;
	p0 =	sne.s32 s31, s15;
	v6 =	vsel vm1, s1, v7  }
.Ltmp1:
0x2f: {  	s29 =	simm.s32 $0xF580;
	[tilespmem:$0xF580] =	vst v6;
	(pc) =	sbr.rel @!p0 .LBB2_128-.Ltmp1, $4  }
0x30: {  	[hbm4b:s14+s2] =	stream.linear.scatter [tilespmem:s29], [sflag:$0x2], $0x80, $0x38;
	[tilespmem:$0xF600] =	vst v63  }
0x31: {  	_ =	swait.ge [sflag:s30], $0x80  }
0x32: {  	[sflag:s30] =	ssyncset.done $0x0  }
0x33: {  	[sflag:s30] =	ssyncadd.s32 $0xFFFFFF80  }
.LBB2_1:
0x34: {  	[tilespmem:s18], [sflag:$0x1] =	stream.strided.gather [hbm4b:s3+s16], $0x1400, s17, s16, $0x38;
	[tilespmem:$0xF600] =	vst v63  }
0x35: {  	_ = 	snop  }
0x36: {  	[tilespmem:s19], [sflag:$0x1] =	stream.strided.gather [hbm4b:s4+s16], $0x1400, s17, s16, $0x38;
	[tilespmem:$0xF600] =	vst v63  }
0x37: {  	s0 =	simm.s32 $0xDF80  }
0x38: {  	[tilespmem:s0], [sflag:$0x1] =	stream.linear.gather [hbm4b:s5+s2], $0x200, $0x38;
	[tilespmem:$0xF600] =	vst v63  }
0x39: {  	s22 =	simm.s32 $0xE180  }
0x3a: {  	[tilespmem:s22], [sflag:$0x1] =	stream.linear.gather [hbm4b:s6+s2], $0x200, $0x38;
	[tilespmem:$0xF600] =	vst v63  }
0x3b: {  	s23 =	simm.s32 $0x9F80  }
0x3c: {  	[tilespmem:s23], [sflag:$0x1] =	stream.strided.gather [hbm4b:s7+s16], $0x4000, s17, s16, $0x38;
	[tilespmem:$0xF600] =	vst v63  }
0x3d: {  	s24 =	simm.s32 $0xE380  }
0x3e: {  	[tilespmem:s24], [sflag:$0x1] =	stream.linear.gather [hbm4b:s8+s2], $0x200, $0x38;
	[tilespmem:$0xF600] =	vst v63  }
0x3f: {  	s29 =	simm.s32 $0xE580;
	s0 =	simm.s32 $0x60  }
0x40: {  	[tilespmem:s29], [sflag:$0x1] =	stream.linear.gather [hbm4b:s9+s2], $0x200, $0x38;
	[tilespmem:$0xF600] =	vst v63  }
0x41: {  	[tilespmem:s0+$0xFFFFFFB0] =	vst v0  }
0x42: {  	[tilespmem:s0+$0xFFFFFFC0] =	vst v0  }
0x43: {  	[tilespmem:s0+$0xFFFFFFD0] =	vst v0  }
0x44: {  	[tilespmem:s0+$0xFFFFFFE0] =	vst v0  }
0x45: {  	[tilespmem:s0+$0xFFFFFFF0] =	vst v0  }
0x46: {  	[tilespmem:s0+$0x0] =	vst v0  }
0x47: {  	[tilespmem:s0+$0x10] =	vst v0  }
0x48: {  	s20 =	sand.u32 $0xFFC0, s2;
	s1 =	simm.s32 $0xC0;
	[tilespmem:s0+$0xFFFFFFA0] =	vst v0  }
.LBB2_2:
0x49: {  	p0 =	sne.s32 s1, $0x7680;
	[tilespmem:s20+$0x80] =	vst v0  }
0x4a: {  	[tilespmem:s0+$0x30] =	vst v0  }
0x4b: {  	[tilespmem:s0+$0x40] =	vst v0  }
0x4c: {  	[tilespmem:s0+$0x50] =	vst v0;
	s0 =	sadd.s32 $0xC0, s0  }
0x4d: {  	[tilespmem:s0+$0xFFFFFFB0] =	vst v0  }
0x4e: {  	[tilespmem:s0+$0xFFFFFFC0] =	vst v0  }
0x4f: {  	[tilespmem:s0+$0xFFFFFFD0] =	vst v0  }
.Ltmp2:
0x50: {  	[tilespmem:s0+$0xFFFFFFE0] =	vst v0;
	(pc) =	sbr.rel @p0 .LBB2_2-.Ltmp2, $4  }
0x51: {  	[tilespmem:s0+$0xFFFFFFF0] =	vst v0  }
0x52: {  	[tilespmem:s0+$0x0] =	vst v0  }
0x53: {  	[tilespmem:s0+$0x10] =	vst v0  }
0x54: {  	s20 =	sand.u32 $0xFFC0, s1;
	s1 =	sadd.s32 $0xC0, s1;
	[tilespmem:s0+$0xFFFFFFA0] =	vst v0  }
0x55: {  	[tilespmem:s20+$0x80] =	vst v0  }
0x56: {  	[tilespmem:s0+$0x30] =	vst v0  }
0x57: {  	[tilespmem:s0+$0x40] =	vst v0  }
0x58: {  	[tilespmem:s0+$0x50] =	vst v0  }
0x59: {  	_ =	swait.ge [sflag:s25], $0x1400  }
0x5a: {  	[sflag:s25] =	ssyncset.done $0x0  }
0x5b: {  	[sflag:s25] =	ssyncadd.s32 $0xFFFFEC00  }
0x5c: {  	_ =	swait.ge [sflag:s25], $0x1400  }
0x5d: {  	[sflag:s25] =	ssyncset.done $0x0  }
0x5e: {  	[sflag:s25] =	ssyncadd.s32 $0xFFFFEC00  }
0x5f: {  	_ =	swait.ge [sflag:s25], $0x200  }
0x60: {  	[sflag:s25] =	ssyncset.done $0x0  }
0x61: {  	[sflag:s25] =	ssyncadd.s32 $0xFFFFFE00  }
0x62: {  	_ =	swait.ge [sflag:s25], $0x200  }
0x63: {  	[sflag:s25] =	ssyncset.done $0x0  }
0x64: {  	[sflag:s25] =	ssyncadd.s32 $0xFFFFFE00  }
0x65: {  	_ =	swait.ge [sflag:s25], $0x4000  }
0x66: {  	[sflag:s25] =	ssyncset.done $0x0  }
0x67: {  	[sflag:s25] =	ssyncadd.s32 $0xFFFFC000  }
0x68: {  	_ =	swait.ge [sflag:s25], $0x200  }
0x69: {  	[sflag:s25] =	ssyncset.done $0x0  }
0x6a: {  	[sflag:s25] =	ssyncadd.s32 $0xFFFFFE00  }
0x6b: {  	_ =	swait.ge [sflag:s25], $0x200  }
0x6c: {  	[sflag:s25] =	ssyncset.done $0x0  }
0x6d: {  	[sflag:s25] =	ssyncadd.s32 $0xFFFFFE00  }
0x6e: {  	v5 =	vld [tilespmem:$0xDF80]  }
0x6f: {  	v6 =	vld [tilespmem:$0xDF90];
	_ =	sdelay $0x5  }
0x70: {  	s1 =	simm.s32 $0x0  }
0x71: {  	[tilespmem:v5+s1+$0x0] =	vst.idx.msk $0xffff, v1  }
0x72: {  	[tilespmem:v6+s1+$0x0] =	vst.idx.msk $0xffff, v1  }
0x73: {  	v7 =	vld [tilespmem:$0xE380]  }
0x74: {  	v15 =	vld [tilespmem:$0xE580]  }
0x75: {  	v8 =	vld [tilespmem:$0xE390]  }
0x76: {  	v16 =	vld [tilespmem:$0xE590]  }
0x77: {  	v9 =	vld [tilespmem:$0xE3A0]  }
0x78: {  	v17 =	vld [tilespmem:$0xE5A0]  }
0x79: {  	v10 =	vld [tilespmem:$0xE3B0]  }
0x7a: {  	v18 =	vld [tilespmem:$0xE5B0]  }
0x7b: {  	v11 =	vld [tilespmem:$0xE3C0]  }
0x7c: {  	v19 =	vld [tilespmem:$0xE5C0]  }
0x7d: {  	v12 =	vld [tilespmem:$0xE3D0]  }
.Ltmp3:
0x7e: {  	v20 =	vld [tilespmem:$0xE5D0];
	(pc) =	sbr.rel .LBB2_4-.Ltmp3, $4  }
0x7f: {  	v13 =	vld [tilespmem:$0xE3E0]  }
0x80: {  	v21 =	vld [tilespmem:$0xE5E0]  }
0x81: {  	v14 =	vld [tilespmem:$0xE3F0]  }
0x82: {  	s0 =	simm.s32 $0x0;
	v22 =	vld [tilespmem:$0xE5F0]  }
.LBB2_27:
0x83: {  	s0 =	sadd.s32 $0x1, s0  }
0x84: {  	p0 =	sne.s32 s0, $0xA  }
.Ltmp4:
0x85: {  	_ = 	snop;
	(pc) =	sbr.rel @!p0 .LBB2_28-.Ltmp4, $1  }
0x86: {  	_ =	sdelay $0x3  }
.LBB2_4:
0x87: {  	s20 =	sshll.u32 s0, $0x9  }
0x88: {  	s20 =	sand.u32 $0x3FFFFE00, s20  }
0x89: {  	v23 =	vld [tilespmem:s20+$0x77E0]  }
0x8a: {  	v25 =	vld [tilespmem:s20+$0x77F0]  }
0x8b: {  	v26 =	vld [tilespmem:s20+$0x77D0]  }
0x8c: {  	v27 =	vld [tilespmem:s20+$0x77C0]  }
0x8d: {  	v28 =	vld [tilespmem:s20+$0x77B0]  }
0x8e: {  	v29 =	vld [tilespmem:s20+$0x77A0]  }
0x8f: {  	v30 =	vld [tilespmem:s20+$0x7790]  }
0x90: {  	v31 =	vld [tilespmem:s20+$0x7780]  }
0x91: {  	v24 =	vld.idx.msk [tilespmem:v23+s2+$0x0], $0xffff  }
0x92: {  	v23 =	vld.idx.msk [tilespmem:v25+s2+$0x0], $0xffff  }
0x93: {  	v25 =	vld.idx.msk [tilespmem:v26+s2+$0x0], $0xffff  }
0x94: {  	v26 =	vld.idx.msk [tilespmem:v27+s2+$0x0], $0xffff  }
0x95: {  	v27 =	vld.idx.msk [tilespmem:v28+s2+$0x0], $0xffff  }
0x96: {  	v28 =	vld.idx.msk [tilespmem:v29+s2+$0x0], $0xffff  }
0x97: {  	v29 =	vld.idx.msk [tilespmem:v30+s2+$0x0], $0xffff;
	vm2 =	veq.s32 v24, $0x1;
	vm1 =	veq.s32 v23, $0x1  }
0x98: {  	v30 =	vld.idx.msk [tilespmem:v31+s2+$0x0], $0xffff;
	vm3 =	veq.s32 v25, $0x1;
	vm5 =	vmor vm2, vm1  }
0x99: {  	vm4 =	veq.s32 v26, $0x1;
	vm6 =	vmor vm3, vm5  }
0x9a: {  	vm5 =	veq.s32 v27, $0x1;
	vm7 =	vmor vm4, vm6  }
0x9b: {  	vm6 =	veq.s32 v28, $0x1;
	vm8 =	vmor vm5, vm7  }
0x9c: {  	vm7 =	veq.s32 v29, $0x1;
	vm9 =	vmor vm6, vm8  }
0x9d: {  	vm8 =	veq.s32 v30, $0x1;
	vm9 =	vmor vm7, vm9  }
0x9e: {  	vm9 =	vmor vm8, vm9  }
0x9f: {  	v31 =	vsel vm9, $0x3F800000, v2  }
0xa0: {  	(xrf0) =	vmax.scan.msk.f32 $0xffff, v31;
	_ =	sdelay $0x5  }
0xa1: {  	v31, _, _ =	vpop (xrf0)  }
0xa2: {  	(v2sf) =	vpush v31, $0xF;
	_ =	sdelay $0xe  }
0xa3: {  	s29 =	spop (v2sf)  }
0xa4: {  	p0 =	sgt.f32 s29, $0.0e+00  }
.Ltmp5:
0xa5: {  	_ = 	snop;
	(pc) =	sbr.rel @!p0 .LBB2_27-.Ltmp5, $1  }
0xa6: {  	_ =	sdelay $0x3  }
0xa7: {  	vm9 =	veq.s32 v30, $0x1  }
0xa8: {  	v30 =	vsel vm9, $0x3F800000, v2  }
0xa9: {  	(xrf0) =	vmax.scan.msk.f32 $0xffff, v30;
	_ =	sdelay $0x5  }
0xaa: {  	v30, _, _ =	vpop (xrf0)  }
0xab: {  	(v2sf) =	vpush v30, $0xF;
	_ =	sdelay $0xe  }
0xac: {  	s20 =	spop (v2sf)  }
0xad: {  	p0 =	sgt.f32 s20, $0.0e+00  }
.Ltmp6:
0xae: {  	_ = 	snop;
	(pc) =	sbr.rel @!p0 .LBB2_6-.Ltmp6, $2  }
0xaf: {  	_ =	sdelay $0x2  }
0xb0: {  	s20 =	sshll.u32 s0, $0x7  }
.LBB2_129:
0xb1: {  	v30 =	vmctz.xlane vm8;
	_ =	sdelay $0x1  }
0xb2: {  	v30 =	vxor.u32 $0x80000000, v30  }
0xb3: {  	(xrf0) =	vmax.scan.msk.u32 $0xffff, v30;
	_ =	sdelay $0x5  }
0xb4: {  	v30, _, _ =	vpop (xrf0)  }
0xb5: {  	(v2sf) =	vpush v30, $0xF;
	_ =	sdelay $0xe  }
0xb6: {  	s21 =	spop (v2sf)  }
0xb7: {  	s21 =	sxor.u32 $0x80000000, s21  }
0xb8: {  	v30 =	vmov s21  }
0xb9: {  	vm9 =	vne.s32 v30, v3  }
0xba: {  	vm8 =	vmand vm8, vm9  }
0xbb: {  	v30 =	vsel vm8, $0x3F800000, v2  }
0xbc: {  	(xrf0) =	vmax.scan.msk.f32 $0xffff, v30;
	_ =	sdelay $0x5  }
0xbd: {  	v30, _, _ =	vpop (xrf0)  }
0xbe: {  	(v2sf) =	vpush v30, $0xF;
	_ =	sdelay $0xe  }
0xbf: {  	s22 =	spop (v2sf)  }
0xc0: {  	v30 =	vmov s1;
	p0 =	sgt.f32 s22, $0.0e+00  }
.Ltmp7:
0xc1: {  	_ = 	snop;
	(pc) =	sbr.rel @p0 .LBB2_129-.Ltmp7, $4  }
0xc2: {  	_ = 	snop  }
0xc3: {  	s21 =	sadd.s32 s20, s21  }
0xc4: {  	v31 =	vmov s21  }
0xc5: {  	s1 =	sadd.s32 $0x1, s1;
	[tilespmem:v30+s26+$0x0] =	vst.idx.msk $0x1, v31  }
.LBB2_6:
0xc6: {  	vm8 =	veq.s32 v29, $0x1  }
0xc7: {  	v29 =	vsel vm8, $0x3F800000, v2  }
0xc8: {  	(xrf0) =	vmax.scan.msk.f32 $0xffff, v29;
	_ =	sdelay $0x5  }
0xc9: {  	v29, _, _ =	vpop (xrf0)  }
0xca: {  	(v2sf) =	vpush v29, $0xF;
	_ =	sdelay $0xe  }
0xcb: {  	s21 =	spop (v2sf)  }
0xcc: {  	p0 =	sgt.f32 s21, $0.0e+00  }
.Ltmp8:
0xcd: {  	_ = 	snop;
	(pc) =	sbr.rel @!p0 .LBB2_9-.Ltmp8, $1  }
0xce: {  	_ =	sdelay $0x3  }
0xcf: {  	s21 =	sor.u32 $0x10, s20  }
.LBB2_8:
0xd0: {  	v29 =	vmctz.xlane vm7;
	_ =	sdelay $0x1  }
0xd1: {  	v29 =	vxor.u32 $0x80000000, v29  }
0xd2: {  	(xrf0) =	vmax.scan.msk.u32 $0xffff, v29;
	_ =	sdelay $0x5  }
0xd3: {  	v29, _, _ =	vpop (xrf0)  }
0xd4: {  	(v2sf) =	vpush v29, $0xF;
	_ =	sdelay $0xe  }
0xd5: {  	s22 =	spop (v2sf)  }
0xd6: {  	s22 =	sxor.u32 $0x80000000, s22  }
0xd7: {  	v29 =	vmov s22  }
0xd8: {  	vm8 =	vne.s32 v29, v3  }
0xd9: {  	vm7 =	vmand vm7, vm8  }
0xda: {  	v29 =	vsel vm7, $0x3F800000, v2  }
0xdb: {  	(xrf0) =	vmax.scan.msk.f32 $0xffff, v29;
	_ =	sdelay $0x5  }
0xdc: {  	v29, _, _ =	vpop (xrf0)  }
0xdd: {  	(v2sf) =	vpush v29, $0xF;
	_ =	sdelay $0xe  }
0xde: {  	s23 =	spop (v2sf)  }
0xdf: {  	v29 =	vmov s1;
	p0 =	sgt.f32 s23, $0.0e+00  }
.Ltmp9:
0xe0: {  	_ = 	snop;
	(pc) =	sbr.rel @p0 .LBB2_8-.Ltmp9, $4  }
0xe1: {  	_ = 	snop  }
0xe2: {  	s22 =	sadd.s32 s22, s21  }
0xe3: {  	v30 =	vmov s22  }
0xe4: {  	s1 =	sadd.s32 $0x1, s1;
	[tilespmem:v29+s26+$0x0] =	vst.idx.msk $0x1, v30  }
.LBB2_9:
0xe5: {  	vm7 =	veq.s32 v28, $0x1  }
0xe6: {  	v28 =	vsel vm7, $0x3F800000, v2  }
0xe7: {  	(xrf0) =	vmax.scan.msk.f32 $0xffff, v28;
	_ =	sdelay $0x5  }
0xe8: {  	v28, _, _ =	vpop (xrf0)  }
0xe9: {  	(v2sf) =	vpush v28, $0xF;
	_ =	sdelay $0xe  }
0xea: {  	s21 =	spop (v2sf)  }
0xeb: {  	p0 =	sgt.f32 s21, $0.0e+00  }
.Ltmp10:
0xec: {  	_ = 	snop;
	(pc) =	sbr.rel @!p0 .LBB2_12-.Ltmp10, $1  }
0xed: {  	_ =	sdelay $0x3  }
0xee: {  	s21 =	sor.u32 $0x20, s20  }
.LBB2_11:
0xef: {  	v28 =	vmctz.xlane vm6;
	_ =	sdelay $0x1  }
0xf0: {  	v28 =	vxor.u32 $0x80000000, v28  }
0xf1: {  	(xrf0) =	vmax.scan.msk.u32 $0xffff, v28;
	_ =	sdelay $0x5  }
0xf2: {  	v28, _, _ =	vpop (xrf0)  }
0xf3: {  	(v2sf) =	vpush v28, $0xF;
	_ =	sdelay $0xe  }
0xf4: {  	s22 =	spop (v2sf)  }
0xf5: {  	s22 =	sxor.u32 $0x80000000, s22  }
0xf6: {  	v28 =	vmov s22  }
0xf7: {  	vm7 =	vne.s32 v28, v3  }
0xf8: {  	vm6 =	vmand vm6, vm7  }
0xf9: {  	v28 =	vsel vm6, $0x3F800000, v2  }
0xfa: {  	(xrf0) =	vmax.scan.msk.f32 $0xffff, v28;
	_ =	sdelay $0x5  }
0xfb: {  	v28, _, _ =	vpop (xrf0)  }
0xfc: {  	(v2sf) =	vpush v28, $0xF;
	_ =	sdelay $0xe  }
0xfd: {  	s23 =	spop (v2sf)  }
0xfe: {  	v28 =	vmov s1;
	p0 =	sgt.f32 s23, $0.0e+00  }
.Ltmp11:
0xff: {  	_ = 	snop;
	(pc) =	sbr.rel @p0 .LBB2_11-.Ltmp11, $4  }
0x100: {  	_ = 	snop  }
0x101: {  	s22 =	sadd.s32 s22, s21  }
0x102: {  	v29 =	vmov s22  }
0x103: {  	s1 =	sadd.s32 $0x1, s1;
	[tilespmem:v28+s26+$0x0] =	vst.idx.msk $0x1, v29  }
.LBB2_12:
0x104: {  	vm6 =	veq.s32 v27, $0x1  }
0x105: {  	v27 =	vsel vm6, $0x3F800000, v2  }
0x106: {  	(xrf0) =	vmax.scan.msk.f32 $0xffff, v27;
	_ =	sdelay $0x5  }
0x107: {  	v27, _, _ =	vpop (xrf0)  }
0x108: {  	(v2sf) =	vpush v27, $0xF;
	_ =	sdelay $0xe  }
0x109: {  	s21 =	spop (v2sf)  }
0x10a: {  	p0 =	sgt.f32 s21, $0.0e+00  }
.Ltmp12:
0x10b: {  	_ = 	snop;
	(pc) =	sbr.rel @!p0 .LBB2_15-.Ltmp12, $1  }
0x10c: {  	_ =	sdelay $0x3  }
0x10d: {  	s21 =	sor.u32 $0x30, s20  }
.LBB2_14:
0x10e: {  	v27 =	vmctz.xlane vm5;
	_ =	sdelay $0x1  }
0x10f: {  	v27 =	vxor.u32 $0x80000000, v27  }
0x110: {  	(xrf0) =	vmax.scan.msk.u32 $0xffff, v27;
	_ =	sdelay $0x5  }
0x111: {  	v27, _, _ =	vpop (xrf0)  }
0x112: {  	(v2sf) =	vpush v27, $0xF;
	_ =	sdelay $0xe  }
0x113: {  	s22 =	spop (v2sf)  }
0x114: {  	s22 =	sxor.u32 $0x80000000, s22  }
0x115: {  	v27 =	vmov s22  }
0x116: {  	vm6 =	vne.s32 v27, v3  }
0x117: {  	vm5 =	vmand vm5, vm6  }
0x118: {  	v27 =	vsel vm5, $0x3F800000, v2  }
0x119: {  	(xrf0) =	vmax.scan.msk.f32 $0xffff, v27;
	_ =	sdelay $0x5  }
0x11a: {  	v27, _, _ =	vpop (xrf0)  }
0x11b: {  	(v2sf) =	vpush v27, $0xF;
	_ =	sdelay $0xe  }
0x11c: {  	s23 =	spop (v2sf)  }
0x11d: {  	v27 =	vmov s1;
	p0 =	sgt.f32 s23, $0.0e+00  }
.Ltmp13:
0x11e: {  	_ = 	snop;
	(pc) =	sbr.rel @p0 .LBB2_14-.Ltmp13, $4  }
0x11f: {  	_ = 	snop  }
0x120: {  	s22 =	sadd.s32 s22, s21  }
0x121: {  	v28 =	vmov s22  }
0x122: {  	s1 =	sadd.s32 $0x1, s1;
	[tilespmem:v27+s26+$0x0] =	vst.idx.msk $0x1, v28  }
.LBB2_15:
0x123: {  	vm5 =	veq.s32 v26, $0x1  }
0x124: {  	v26 =	vsel vm5, $0x3F800000, v2  }
0x125: {  	(xrf0) =	vmax.scan.msk.f32 $0xffff, v26;
	_ =	sdelay $0x5  }
0x126: {  	v26, _, _ =	vpop (xrf0)  }
0x127: {  	(v2sf) =	vpush v26, $0xF;
	_ =	sdelay $0xe  }
0x128: {  	s21 =	spop (v2sf)  }
0x129: {  	p0 =	sgt.f32 s21, $0.0e+00  }
.Ltmp14:
0x12a: {  	_ = 	snop;
	(pc) =	sbr.rel @!p0 .LBB2_18-.Ltmp14, $1  }
0x12b: {  	_ =	sdelay $0x3  }
0x12c: {  	s21 =	sor.u32 $0x40, s20  }
.LBB2_17:
0x12d: {  	v26 =	vmctz.xlane vm4;
	_ =	sdelay $0x1  }
0x12e: {  	v26 =	vxor.u32 $0x80000000, v26  }
0x12f: {  	(xrf0) =	vmax.scan.msk.u32 $0xffff, v26;
	_ =	sdelay $0x5  }
0x130: {  	v26, _, _ =	vpop (xrf0)  }
0x131: {  	(v2sf) =	vpush v26, $0xF;
	_ =	sdelay $0xe  }
0x132: {  	s22 =	spop (v2sf)  }
0x133: {  	s22 =	sxor.u32 $0x80000000, s22  }
0x134: {  	v26 =	vmov s22  }
0x135: {  	vm5 =	vne.s32 v26, v3  }
0x136: {  	vm4 =	vmand vm4, vm5  }
0x137: {  	v26 =	vsel vm4, $0x3F800000, v2  }
0x138: {  	(xrf0) =	vmax.scan.msk.f32 $0xffff, v26;
	_ =	sdelay $0x5  }
0x139: {  	v26, _, _ =	vpop (xrf0)  }
0x13a: {  	(v2sf) =	vpush v26, $0xF;
	_ =	sdelay $0xe  }
0x13b: {  	s23 =	spop (v2sf)  }
0x13c: {  	v26 =	vmov s1;
	p0 =	sgt.f32 s23, $0.0e+00  }
.Ltmp15:
0x13d: {  	_ = 	snop;
	(pc) =	sbr.rel @p0 .LBB2_17-.Ltmp15, $4  }
0x13e: {  	_ = 	snop  }
0x13f: {  	s22 =	sadd.s32 s22, s21  }
0x140: {  	v27 =	vmov s22  }
0x141: {  	s1 =	sadd.s32 $0x1, s1;
	[tilespmem:v26+s26+$0x0] =	vst.idx.msk $0x1, v27  }
.LBB2_18:
0x142: {  	vm4 =	veq.s32 v25, $0x1  }
0x143: {  	v25 =	vsel vm4, $0x3F800000, v2  }
0x144: {  	(xrf0) =	vmax.scan.msk.f32 $0xffff, v25;
	_ =	sdelay $0x5  }
0x145: {  	v25, _, _ =	vpop (xrf0)  }
0x146: {  	(v2sf) =	vpush v25, $0xF;
	_ =	sdelay $0xe  }
0x147: {  	s21 =	spop (v2sf)  }
0x148: {  	p0 =	sgt.f32 s21, $0.0e+00  }
.Ltmp16:
0x149: {  	_ = 	snop;
	(pc) =	sbr.rel @!p0 .LBB2_21-.Ltmp16, $1  }
0x14a: {  	_ =	sdelay $0x3  }
0x14b: {  	s21 =	sor.u32 $0x50, s20  }
.LBB2_20:
0x14c: {  	v25 =	vmctz.xlane vm3;
	_ =	sdelay $0x1  }
0x14d: {  	v25 =	vxor.u32 $0x80000000, v25  }
0x14e: {  	(xrf0) =	vmax.scan.msk.u32 $0xffff, v25;
	_ =	sdelay $0x5  }
0x14f: {  	v25, _, _ =	vpop (xrf0)  }
0x150: {  	(v2sf) =	vpush v25, $0xF;
	_ =	sdelay $0xe  }
0x151: {  	s22 =	spop (v2sf)  }
0x152: {  	s22 =	sxor.u32 $0x80000000, s22  }
0x153: {  	v25 =	vmov s22  }
0x154: {  	vm4 =	vne.s32 v25, v3  }
0x155: {  	vm3 =	vmand vm3, vm4  }
0x156: {  	v25 =	vsel vm3, $0x3F800000, v2  }
0x157: {  	(xrf0) =	vmax.scan.msk.f32 $0xffff, v25;
	_ =	sdelay $0x5  }
0x158: {  	v25, _, _ =	vpop (xrf0)  }
0x159: {  	(v2sf) =	vpush v25, $0xF;
	_ =	sdelay $0xe  }
0x15a: {  	s23 =	spop (v2sf)  }
0x15b: {  	v25 =	vmov s1;
	p0 =	sgt.f32 s23, $0.0e+00  }
.Ltmp17:
0x15c: {  	_ = 	snop;
	(pc) =	sbr.rel @p0 .LBB2_20-.Ltmp17, $4  }
0x15d: {  	_ = 	snop  }
0x15e: {  	s22 =	sadd.s32 s22, s21  }
0x15f: {  	v26 =	vmov s22  }
0x160: {  	s1 =	sadd.s32 $0x1, s1;
	[tilespmem:v25+s26+$0x0] =	vst.idx.msk $0x1, v26  }
.LBB2_21:
0x161: {  	vm3 =	veq.s32 v24, $0x1  }
0x162: {  	v24 =	vsel vm3, $0x3F800000, v2  }
0x163: {  	(xrf0) =	vmax.scan.msk.f32 $0xffff, v24;
	_ =	sdelay $0x5  }
0x164: {  	v24, _, _ =	vpop (xrf0)  }
0x165: {  	(v2sf) =	vpush v24, $0xF;
	_ =	sdelay $0xe  }
0x166: {  	s21 =	spop (v2sf)  }
0x167: {  	p0 =	sgt.f32 s21, $0.0e+00  }
.Ltmp18:
0x168: {  	_ = 	snop;
	(pc) =	sbr.rel @!p0 .LBB2_24-.Ltmp18, $1  }
0x169: {  	_ =	sdelay $0x3  }
0x16a: {  	s21 =	sor.u32 $0x60, s20  }
.LBB2_23:
0x16b: {  	v24 =	vmctz.xlane vm2;
	_ =	sdelay $0x1  }
0x16c: {  	v24 =	vxor.u32 $0x80000000, v24  }
0x16d: {  	(xrf0) =	vmax.scan.msk.u32 $0xffff, v24;
	_ =	sdelay $0x5  }
0x16e: {  	v24, _, _ =	vpop (xrf0)  }
0x16f: {  	(v2sf) =	vpush v24, $0xF;
	_ =	sdelay $0xe  }
0x170: {  	s22 =	spop (v2sf)  }
0x171: {  	s22 =	sxor.u32 $0x80000000, s22  }
0x172: {  	v61 =	vmov s22  }
0x173: {  	vm3 =	vne.s32 v61, v3  }
0x174: {  	vm2 =	vmand vm2, vm3  }
0x175: {  	v62 =	vsel vm2, $0x3F800000, v2  }
0x176: {  	(xrf0) =	vmax.scan.msk.f32 $0xffff, v62;
	_ =	sdelay $0x5  }
0x177: {  	v24, _, _ =	vpop (xrf0)  }
0x178: {  	(v2sf) =	vpush v24, $0xF;
	_ =	sdelay $0xe  }
0x179: {  	s23 =	spop (v2sf)  }
0x17a: {  	v63 =	vmov s1;
	p0 =	sgt.f32 s23, $0.0e+00  }
.Ltmp19:
0x17b: {  	_ = 	snop;
	(pc) =	sbr.rel @p0 .LBB2_23-.Ltmp19, $4  }
0x17c: {  	_ = 	snop  }
0x17d: {  	s22 =	sadd.s32 s22, s21  }
0x17e: {  	v25 =	vmov s22  }
0x17f: {  	s1 =	sadd.s32 $0x1, s1;
	[tilespmem:v63+s26+$0x0] =	vst.idx.msk $0x1, v25  }
.LBB2_24:
0x180: {  	vm2 =	veq.s32 v23, $0x1  }
0x181: {  	v23 =	vsel vm2, $0x3F800000, v2  }
0x182: {  	(xrf0) =	vmax.scan.msk.f32 $0xffff, v23;
	_ =	sdelay $0x5  }
0x183: {  	v23, _, _ =	vpop (xrf0)  }
0x184: {  	(v2sf) =	vpush v23, $0xF;
	_ =	sdelay $0xe  }
0x185: {  	s21 =	spop (v2sf)  }
0x186: {  	p0 =	sgt.f32 s21, $0.0e+00  }
.Ltmp20:
0x187: {  	_ = 	snop;
	(pc) =	sbr.rel @!p0 .LBB2_27-.Ltmp20, $1  }
0x188: {  	_ =	sdelay $0x3  }
0x189: {  	s20 =	sor.u32 $0x70, s20  }
.LBB2_26:
0x18a: {  	v23 =	vmctz.xlane vm1;
	_ =	sdelay $0x1  }
0x18b: {  	v23 =	vxor.u32 $0x80000000, v23  }
0x18c: {  	(xrf0) =	vmax.scan.msk.u32 $0xffff, v23;
	_ =	sdelay $0x5  }
0x18d: {  	v23, _, _ =	vpop (xrf0)  }
0x18e: {  	(v2sf) =	vpush v23, $0xF;
	_ =	sdelay $0xe  }
0x18f: {  	s21 =	spop (v2sf)  }
0x190: {  	s21 =	sxor.u32 $0x80000000, s21  }
0x191: {  	v23 =	vmov s21  }
0x192: {  	vm2 =	vne.s32 v23, v3  }
0x193: {  	vm1 =	vmand vm1, vm2  }
0x194: {  	v23 =	vsel vm1, $0x3F800000, v2  }
0x195: {  	(xrf0) =	vmax.scan.msk.f32 $0xffff, v23;
	_ =	sdelay $0x5  }
0x196: {  	v23, _, _ =	vpop (xrf0)  }
0x197: {  	(v2sf) =	vpush v23, $0xF;
	_ =	sdelay $0xe  }
0x198: {  	s22 =	spop (v2sf)  }
0x199: {  	v23 =	vmov s1;
	p0 =	sgt.f32 s22, $0.0e+00  }
.Ltmp21:
0x19a: {  	_ = 	snop;
	(pc) =	sbr.rel @p0 .LBB2_26-.Ltmp21, $4  }
0x19b: {  	_ = 	snop  }
0x19c: {  	s21 =	sadd.s32 s21, s20  }
0x19d: {  	v24 =	vmov s21  }
0x19e: {  	s1 =	sadd.s32 $0x1, s1;
	[tilespmem:v23+s26+$0x0] =	vst.idx.msk $0x1, v24  }
.Ltmp22:
0x19f: {  	_ = 	snop;
	(pc) =	sbr.rel .LBB2_27-.Ltmp22, $1  }
0x1a0: {  	_ =	sdelay $0x3  }
.LBB2_28:
0x1a1: {  	v7 =	vmul.f32 v15, v7;
	_ =	sdelay $0x1  }
0x1a2: {  	v8 =	vmul.f32 v16, v8;
	v7 =	vadd.f32 $0.0e+00, v7;
	_ =	sdelay $0x1  }
0x1a3: {  	v7 =	vadd.f32 v8, v7;
	v8 =	vmul.f32 v17, v9;
	_ =	sdelay $0x1  }
0x1a4: {  	v7 =	vadd.f32 v8, v7;
	v8 =	vmul.f32 v18, v10;
	_ =	sdelay $0x1  }
0x1a5: {  	v7 =	vadd.f32 v8, v7;
	v8 =	vmul.f32 v19, v11;
	_ =	sdelay $0x1  }
0x1a6: {  	v7 =	vadd.f32 v8, v7;
	v8 =	vmul.f32 v20, v12;
	_ =	sdelay $0x1  }
0x1a7: {  	v7 =	vadd.f32 v8, v7;
	v8 =	vmul.f32 v21, v13;
	_ =	sdelay $0x1  }
0x1a8: {  	v7 =	vadd.f32 v8, v7;
	v8 =	vmul.f32 v22, v14;
	_ =	sdelay $0x1  }
0x1a9: {  	v7 =	vadd.f32 v8, v7;
	_ =	sdelay $0x1  }
0x1aa: {  	(xrf2) =	vadd.scan.msk.f32 $0xffff, v7;
	_ =	sdelay $0x9  }
0x1ab: {  	v7, _, _ =	vpop (xrf2)  }
0x1ac: {  	(v2sf) =	vpush v7, $0xF;
	_ =	sdelay $0x9  }
0x1ad: {  	p0 =	slt.s32 s1, $0x1  }
.Ltmp23:
0x1ae: {  	_ = 	snop;
	(pc) =	sbr.rel @!p0 .LBB2_29-.Ltmp23, $4  }
0x1af: {  	[tilespmem:$0xF480] =	vst v4  }
0x1b0: {  	[tilespmem:$0xF500] =	vst v0  }
0x1b1: {  	[tilespmem:$0xF490] =	vst v4  }
0x1b2: {  	[tilespmem:$0xF510] =	vst v0;
	s20 =	simm.s32 $0x0;
	s0 =	spop (v2sf)  }
.LBB2_34:
0x1b3: {  	v10 =	vld [tilespmem:$0xF480]  }
0x1b4: {  	v12 =	vld [tilespmem:$0xF500]  }
0x1b5: {  	v9 =	vld [tilespmem:$0xE180]  }
0x1b6: {  	v8 =	vld [tilespmem:$0xF490]  }
0x1b7: {  	v11 =	vld [tilespmem:$0xF510];
	s20 =	simm.s32 $0x0  }
0x1b8: {  	v7 =	vld [tilespmem:$0xE190];
	[tilespmem:v5+s20+$0x0] =	vst.idx.msk $0xffff, v0  }
0x1b9: {  	[tilespmem:v6+s20+$0x0] =	vst.idx.msk $0xffff, v0  }
0x1ba: {  	v5 =	vld [tilespmem:$0xE000]  }
0x1bb: {  	v6 =	vld [tilespmem:$0xE010];
	_ =	sdelay $0x6  }
0x1bc: {  	[tilespmem:v5+s20+$0x0] =	vst.idx.msk $0xffff, v1  }
0x1bd: {  	[tilespmem:v6+s20+$0x0] =	vst.idx.msk $0xffff, v1  }
0x1be: {  	v17 =	vld [tilespmem:$0xE400]  }
0x1bf: {  	v23 =	vld [tilespmem:$0xE600]  }
0x1c0: {  	v18 =	vld [tilespmem:$0xE410]  }
0x1c1: {  	v24 =	vld [tilespmem:$0xE610]  }
0x1c2: {  	v19 =	vld [tilespmem:$0xE420]  }
0x1c3: {  	v25 =	vld [tilespmem:$0xE620]  }
0x1c4: {  	v20 =	vld [tilespmem:$0xE430]  }
0x1c5: {  	v26 =	vld [tilespmem:$0xE630]  }
0x1c6: {  	v21 =	vld [tilespmem:$0xE440]  }
0x1c7: {  	v27 =	vld [tilespmem:$0xE640]  }
0x1c8: {  	v22 =	vld [tilespmem:$0xE450]  }
.Ltmp24:
0x1c9: {  	v28 =	vld [tilespmem:$0xE650];
	(pc) =	sbr.rel .LBB2_35-.Ltmp24, $4  }
0x1ca: {  	v15 =	vld [tilespmem:$0xE460]  }
0x1cb: {  	v16 =	vld [tilespmem:$0xE660]  }
0x1cc: {  	v13 =	vld [tilespmem:$0xE470]  }
0x1cd: {  	s1 =	simm.s32 $0x0;
	v14 =	vld [tilespmem:$0xE670]  }
.LBB2_58:
0x1ce: {  	s1 =	sadd.s32 $0x1, s1  }
0x1cf: {  	p0 =	sne.s32 s1, $0xA  }
.Ltmp25:
0x1d0: {  	_ = 	snop;
	(pc) =	sbr.rel @!p0 .LBB2_59-.Ltmp25, $1  }
0x1d1: {  	_ =	sdelay $0x3  }
.LBB2_35:
0x1d2: {  	s21 =	sshll.u32 s1, $0x9  }
0x1d3: {  	s21 =	sand.u32 $0x3FFFFE00, s21  }
0x1d4: {  	v29 =	vld [tilespmem:s21+$0x7860]  }
0x1d5: {  	v31 =	vld [tilespmem:s21+$0x7870]  }
0x1d6: {  	v32 =	vld [tilespmem:s21+$0x7850]  }
0x1d7: {  	v33 =	vld [tilespmem:s21+$0x7840]  }
0x1d8: {  	v34 =	vld [tilespmem:s21+$0x7830]  }
0x1d9: {  	v35 =	vld [tilespmem:s21+$0x7820]  }
0x1da: {  	v36 =	vld [tilespmem:s21+$0x7810]  }
0x1db: {  	v37 =	vld [tilespmem:s21+$0x7800]  }
0x1dc: {  	v30 =	vld.idx.msk [tilespmem:v29+s2+$0x0], $0xffff  }
0x1dd: {  	v29 =	vld.idx.msk [tilespmem:v31+s2+$0x0], $0xffff  }
0x1de: {  	v31 =	vld.idx.msk [tilespmem:v32+s2+$0x0], $0xffff  }
0x1df: {  	v32 =	vld.idx.msk [tilespmem:v33+s2+$0x0], $0xffff  }
0x1e0: {  	v33 =	vld.idx.msk [tilespmem:v34+s2+$0x0], $0xffff  }
0x1e1: {  	v34 =	vld.idx.msk [tilespmem:v35+s2+$0x0], $0xffff  }
0x1e2: {  	v35 =	vld.idx.msk [tilespmem:v36+s2+$0x0], $0xffff;
	vm2 =	veq.s32 v30, $0x1;
	vm1 =	veq.s32 v29, $0x1  }
0x1e3: {  	v36 =	vld.idx.msk [tilespmem:v37+s2+$0x0], $0xffff;
	vm3 =	veq.s32 v31, $0x1;
	vm5 =	vmor vm2, vm1  }
0x1e4: {  	vm4 =	veq.s32 v32, $0x1;
	vm6 =	vmor vm3, vm5  }
0x1e5: {  	vm5 =	veq.s32 v33, $0x1;
	vm7 =	vmor vm4, vm6  }
0x1e6: {  	vm6 =	veq.s32 v34, $0x1;
	vm8 =	vmor vm5, vm7  }
0x1e7: {  	vm7 =	veq.s32 v35, $0x1;
	vm9 =	vmor vm6, vm8  }
0x1e8: {  	vm8 =	veq.s32 v36, $0x1;
	vm9 =	vmor vm7, vm9  }
0x1e9: {  	vm9 =	vmor vm8, vm9  }
0x1ea: {  	v63 =	vsel vm9, $0x3F800000, v2  }
0x1eb: {  	(xrf0) =	vmax.scan.msk.f32 $0xffff, v63;
	_ =	sdelay $0x5  }
0x1ec: {  	v37, _, _ =	vpop (xrf0)  }
0x1ed: {  	(v2sf) =	vpush v37, $0xF;
	_ =	sdelay $0xe  }
0x1ee: {  	s29 =	spop (v2sf)  }
0x1ef: {  	p0 =	sgt.f32 s29, $0.0e+00  }
.Ltmp26:
0x1f0: {  	_ = 	snop;
	(pc) =	sbr.rel @!p0 .LBB2_58-.Ltmp26, $1  }
0x1f1: {  	_ =	sdelay $0x3  }
0x1f2: {  	vm9 =	veq.s32 v36, $0x1  }
0x1f3: {  	v36 =	vsel vm9, $0x3F800000, v2  }
0x1f4: {  	(xrf0) =	vmax.scan.msk.f32 $0xffff, v36;
	_ =	sdelay $0x5  }
0x1f5: {  	v36, _, _ =	vpop (xrf0)  }
0x1f6: {  	(v2sf) =	vpush v36, $0xF;
	_ =	sdelay $0xe  }
0x1f7: {  	s21 =	spop (v2sf)  }
0x1f8: {  	p0 =	sgt.f32 s21, $0.0e+00  }
.Ltmp27:
0x1f9: {  	_ = 	snop;
	(pc) =	sbr.rel @!p0 .LBB2_37-.Ltmp27, $2  }
0x1fa: {  	_ =	sdelay $0x2  }
0x1fb: {  	s21 =	sshll.u32 s1, $0x7  }
.LBB2_130:
0x1fc: {  	v36 =	vmctz.xlane vm8;
	_ =	sdelay $0x1  }
0x1fd: {  	v36 =	vxor.u32 $0x80000000, v36  }
0x1fe: {  	(xrf0) =	vmax.scan.msk.u32 $0xffff, v36;
	_ =	sdelay $0x5  }
0x1ff: {  	v36, _, _ =	vpop (xrf0)  }
0x200: {  	(v2sf) =	vpush v36, $0xF;
	_ =	sdelay $0xe  }
0x201: {  	s22 =	spop (v2sf)  }
0x202: {  	s22 =	sxor.u32 $0x80000000, s22  }
0x203: {  	v61 =	vmov s22  }
0x204: {  	vm9 =	vne.s32 v61, v3  }
0x205: {  	vm8 =	vmand vm8, vm9  }
0x206: {  	v62 =	vsel vm8, $0x3F800000, v2  }
0x207: {  	(xrf0) =	vmax.scan.msk.f32 $0xffff, v62;
	_ =	sdelay $0x5  }
0x208: {  	v36, _, _ =	vpop (xrf0)  }
0x209: {  	(v2sf) =	vpush v36, $0xF;
	_ =	sdelay $0xe  }
0x20a: {  	s23 =	spop (v2sf)  }
0x20b: {  	v63 =	vmov s20;
	p0 =	sgt.f32 s23, $0.0e+00  }
.Ltmp28:
0x20c: {  	_ = 	snop;
	(pc) =	sbr.rel @p0 .LBB2_130-.Ltmp28, $4  }
0x20d: {  	_ = 	snop  }
0x20e: {  	s22 =	sadd.s32 s21, s22  }
0x20f: {  	v37 =	vmov s22  }
0x210: {  	s20 =	sadd.s32 $0x1, s20;
	[tilespmem:v63+s26+$0x0] =	vst.idx.msk $0x1, v37  }
.LBB2_37:
0x211: {  	vm8 =	veq.s32 v35, $0x1  }
0x212: {  	v35 =	vsel vm8, $0x3F800000, v2  }
0x213: {  	(xrf0) =	vmax.scan.msk.f32 $0xffff, v35;
	_ =	sdelay $0x5  }
0x214: {  	v35, _, _ =	vpop (xrf0)  }
0x215: {  	(v2sf) =	vpush v35, $0xF;
	_ =	sdelay $0xe  }
0x216: {  	s22 =	spop (v2sf)  }
0x217: {  	p0 =	sgt.f32 s22, $0.0e+00  }
.Ltmp29:
0x218: {  	_ = 	snop;
	(pc) =	sbr.rel @!p0 .LBB2_40-.Ltmp29, $1  }
0x219: {  	_ =	sdelay $0x3  }
0x21a: {  	s22 =	sor.u32 $0x10, s21  }
.LBB2_39:
0x21b: {  	v35 =	vmctz.xlane vm7;
	_ =	sdelay $0x1  }
0x21c: {  	v35 =	vxor.u32 $0x80000000, v35  }
0x21d: {  	(xrf0) =	vmax.scan.msk.u32 $0xffff, v35;
	_ =	sdelay $0x5  }
0x21e: {  	v35, _, _ =	vpop (xrf0)  }
0x21f: {  	(v2sf) =	vpush v35, $0xF;
	_ =	sdelay $0xe  }
0x220: {  	s23 =	spop (v2sf)  }
0x221: {  	s23 =	sxor.u32 $0x80000000, s23  }
0x222: {  	v61 =	vmov s23  }
0x223: {  	vm8 =	vne.s32 v61, v3  }
0x224: {  	vm7 =	vmand vm7, vm8  }
0x225: {  	v62 =	vsel vm7, $0x3F800000, v2  }
0x226: {  	(xrf0) =	vmax.scan.msk.f32 $0xffff, v62;
	_ =	sdelay $0x5  }
0x227: {  	v35, _, _ =	vpop (xrf0)  }
0x228: {  	(v2sf) =	vpush v35, $0xF;
	_ =	sdelay $0xe  }
0x229: {  	s24 =	spop (v2sf)  }
0x22a: {  	v63 =	vmov s20;
	p0 =	sgt.f32 s24, $0.0e+00  }
.Ltmp30:
0x22b: {  	_ = 	snop;
	(pc) =	sbr.rel @p0 .LBB2_39-.Ltmp30, $4  }
0x22c: {  	_ = 	snop  }
0x22d: {  	s23 =	sadd.s32 s23, s22  }
0x22e: {  	v36 =	vmov s23  }
0x22f: {  	s20 =	sadd.s32 $0x1, s20;
	[tilespmem:v63+s26+$0x0] =	vst.idx.msk $0x1, v36  }
.LBB2_40:
0x230: {  	vm7 =	veq.s32 v34, $0x1  }
0x231: {  	v34 =	vsel vm7, $0x3F800000, v2  }
0x232: {  	(xrf0) =	vmax.scan.msk.f32 $0xffff, v34;
	_ =	sdelay $0x5  }
0x233: {  	v34, _, _ =	vpop (xrf0)  }
0x234: {  	(v2sf) =	vpush v34, $0xF;
	_ =	sdelay $0xe  }
0x235: {  	s22 =	spop (v2sf)  }
0x236: {  	p0 =	sgt.f32 s22, $0.0e+00  }
.Ltmp31:
0x237: {  	_ = 	snop;
	(pc) =	sbr.rel @!p0 .LBB2_43-.Ltmp31, $1  }
0x238: {  	_ =	sdelay $0x3  }
0x239: {  	s22 =	sor.u32 $0x20, s21  }
.LBB2_42:
0x23a: {  	v34 =	vmctz.xlane vm6;
	_ =	sdelay $0x1  }
0x23b: {  	v34 =	vxor.u32 $0x80000000, v34  }
0x23c: {  	(xrf0) =	vmax.scan.msk.u32 $0xffff, v34;
	_ =	sdelay $0x5  }
0x23d: {  	v34, _, _ =	vpop (xrf0)  }
0x23e: {  	(v2sf) =	vpush v34, $0xF;
	_ =	sdelay $0xe  }
0x23f: {  	s23 =	spop (v2sf)  }
0x240: {  	s23 =	sxor.u32 $0x80000000, s23  }
0x241: {  	v61 =	vmov s23  }
0x242: {  	vm7 =	vne.s32 v61, v3  }
0x243: {  	vm6 =	vmand vm6, vm7  }
0x244: {  	v62 =	vsel vm6, $0x3F800000, v2  }
0x245: {  	(xrf0) =	vmax.scan.msk.f32 $0xffff, v62;
	_ =	sdelay $0x5  }
0x246: {  	v34, _, _ =	vpop (xrf0)  }
0x247: {  	(v2sf) =	vpush v34, $0xF;
	_ =	sdelay $0xe  }
0x248: {  	s24 =	spop (v2sf)  }
0x249: {  	v63 =	vmov s20;
	p0 =	sgt.f32 s24, $0.0e+00  }
.Ltmp32:
0x24a: {  	_ = 	snop;
	(pc) =	sbr.rel @p0 .LBB2_42-.Ltmp32, $4  }
0x24b: {  	_ = 	snop  }
0x24c: {  	s23 =	sadd.s32 s23, s22  }
0x24d: {  	v35 =	vmov s23  }
0x24e: {  	s20 =	sadd.s32 $0x1, s20;
	[tilespmem:v63+s26+$0x0] =	vst.idx.msk $0x1, v35  }
.LBB2_43:
0x24f: {  	vm6 =	veq.s32 v33, $0x1  }
0x250: {  	v33 =	vsel vm6, $0x3F800000, v2  }
0x251: {  	(xrf0) =	vmax.scan.msk.f32 $0xffff, v33;
	_ =	sdelay $0x5  }
0x252: {  	v33, _, _ =	vpop (xrf0)  }
0x253: {  	(v2sf) =	vpush v33, $0xF;
	_ =	sdelay $0xe  }
0x254: {  	s22 =	spop (v2sf)  }
0x255: {  	p0 =	sgt.f32 s22, $0.0e+00  }
.Ltmp33:
0x256: {  	_ = 	snop;
	(pc) =	sbr.rel @!p0 .LBB2_46-.Ltmp33, $1  }
0x257: {  	_ =	sdelay $0x3  }
0x258: {  	s22 =	sor.u32 $0x30, s21  }
.LBB2_45:
0x259: {  	v33 =	vmctz.xlane vm5;
	_ =	sdelay $0x1  }
0x25a: {  	v33 =	vxor.u32 $0x80000000, v33  }
0x25b: {  	(xrf0) =	vmax.scan.msk.u32 $0xffff, v33;
	_ =	sdelay $0x5  }
0x25c: {  	v33, _, _ =	vpop (xrf0)  }
0x25d: {  	(v2sf) =	vpush v33, $0xF;
	_ =	sdelay $0xe  }
0x25e: {  	s23 =	spop (v2sf)  }
0x25f: {  	s23 =	sxor.u32 $0x80000000, s23  }
0x260: {  	v61 =	vmov s23  }
0x261: {  	vm6 =	vne.s32 v61, v3  }
0x262: {  	vm5 =	vmand vm5, vm6  }
0x263: {  	v62 =	vsel vm5, $0x3F800000, v2  }
0x264: {  	(xrf0) =	vmax.scan.msk.f32 $0xffff, v62;
	_ =	sdelay $0x5  }
0x265: {  	v33, _, _ =	vpop (xrf0)  }
0x266: {  	(v2sf) =	vpush v33, $0xF;
	_ =	sdelay $0xe  }
0x267: {  	s24 =	spop (v2sf)  }
0x268: {  	v63 =	vmov s20;
	p0 =	sgt.f32 s24, $0.0e+00  }
.Ltmp34:
0x269: {  	_ = 	snop;
	(pc) =	sbr.rel @p0 .LBB2_45-.Ltmp34, $4  }
0x26a: {  	_ = 	snop  }
0x26b: {  	s23 =	sadd.s32 s23, s22  }
0x26c: {  	v34 =	vmov s23  }
0x26d: {  	s20 =	sadd.s32 $0x1, s20;
	[tilespmem:v63+s26+$0x0] =	vst.idx.msk $0x1, v34  }
.LBB2_46:
0x26e: {  	vm5 =	veq.s32 v32, $0x1  }
0x26f: {  	v32 =	vsel vm5, $0x3F800000, v2  }
0x270: {  	(xrf0) =	vmax.scan.msk.f32 $0xffff, v32;
	_ =	sdelay $0x5  }
0x271: {  	v32, _, _ =	vpop (xrf0)  }
0x272: {  	(v2sf) =	vpush v32, $0xF;
	_ =	sdelay $0xe  }
0x273: {  	s22 =	spop (v2sf)  }
0x274: {  	p0 =	sgt.f32 s22, $0.0e+00  }
.Ltmp35:
0x275: {  	_ = 	snop;
	(pc) =	sbr.rel @!p0 .LBB2_49-.Ltmp35, $1  }
0x276: {  	_ =	sdelay $0x3  }
0x277: {  	s22 =	sor.u32 $0x40, s21  }
.LBB2_48:
0x278: {  	v32 =	vmctz.xlane vm4;
	_ =	sdelay $0x1  }
0x279: {  	v32 =	vxor.u32 $0x80000000, v32  }
0x27a: {  	(xrf0) =	vmax.scan.msk.u32 $0xffff, v32;
	_ =	sdelay $0x5  }
0x27b: {  	v32, _, _ =	vpop (xrf0)  }
0x27c: {  	(v2sf) =	vpush v32, $0xF;
	_ =	sdelay $0xe  }
0x27d: {  	s23 =	spop (v2sf)  }
0x27e: {  	s23 =	sxor.u32 $0x80000000, s23  }
0x27f: {  	v61 =	vmov s23  }
0x280: {  	vm5 =	vne.s32 v61, v3  }
0x281: {  	vm4 =	vmand vm4, vm5  }
0x282: {  	v62 =	vsel vm4, $0x3F800000, v2  }
0x283: {  	(xrf0) =	vmax.scan.msk.f32 $0xffff, v62;
	_ =	sdelay $0x5  }
0x284: {  	v32, _, _ =	vpop (xrf0)  }
0x285: {  	(v2sf) =	vpush v32, $0xF;
	_ =	sdelay $0xe  }
0x286: {  	s24 =	spop (v2sf)  }
0x287: {  	v63 =	vmov s20;
	p0 =	sgt.f32 s24, $0.0e+00  }
.Ltmp36:
0x288: {  	_ = 	snop;
	(pc) =	sbr.rel @p0 .LBB2_48-.Ltmp36, $4  }
0x289: {  	_ = 	snop  }
0x28a: {  	s23 =	sadd.s32 s23, s22  }
0x28b: {  	v33 =	vmov s23  }
0x28c: {  	s20 =	sadd.s32 $0x1, s20;
	[tilespmem:v63+s26+$0x0] =	vst.idx.msk $0x1, v33  }
.LBB2_49:
0x28d: {  	vm4 =	veq.s32 v31, $0x1  }
0x28e: {  	v31 =	vsel vm4, $0x3F800000, v2  }
0x28f: {  	(xrf0) =	vmax.scan.msk.f32 $0xffff, v31;
	_ =	sdelay $0x5  }
0x290: {  	v31, _, _ =	vpop (xrf0)  }
0x291: {  	(v2sf) =	vpush v31, $0xF;
	_ =	sdelay $0xe  }
0x292: {  	s22 =	spop (v2sf)  }
0x293: {  	p0 =	sgt.f32 s22, $0.0e+00  }
.Ltmp37:
0x294: {  	_ = 	snop;
	(pc) =	sbr.rel @!p0 .LBB2_52-.Ltmp37, $1  }
0x295: {  	_ =	sdelay $0x3  }
0x296: {  	s22 =	sor.u32 $0x50, s21  }
.LBB2_51:
0x297: {  	v31 =	vmctz.xlane vm3;
	_ =	sdelay $0x1  }
0x298: {  	v31 =	vxor.u32 $0x80000000, v31  }
0x299: {  	(xrf0) =	vmax.scan.msk.u32 $0xffff, v31;
	_ =	sdelay $0x5  }
0x29a: {  	v31, _, _ =	vpop (xrf0)  }
0x29b: {  	(v2sf) =	vpush v31, $0xF;
	_ =	sdelay $0xe  }
0x29c: {  	s23 =	spop (v2sf)  }
0x29d: {  	s23 =	sxor.u32 $0x80000000, s23  }
0x29e: {  	v31 =	vmov s23  }
0x29f: {  	vm4 =	vne.s32 v31, v3  }
0x2a0: {  	vm3 =	vmand vm3, vm4  }
0x2a1: {  	v31 =	vsel vm3, $0x3F800000, v2  }
0x2a2: {  	(xrf0) =	vmax.scan.msk.f32 $0xffff, v31;
	_ =	sdelay $0x5  }
0x2a3: {  	v31, _, _ =	vpop (xrf0)  }
0x2a4: {  	(v2sf) =	vpush v31, $0xF;
	_ =	sdelay $0xe  }
0x2a5: {  	s24 =	spop (v2sf)  }
0x2a6: {  	v31 =	vmov s20;
	p0 =	sgt.f32 s24, $0.0e+00  }
.Ltmp38:
0x2a7: {  	_ = 	snop;
	(pc) =	sbr.rel @p0 .LBB2_51-.Ltmp38, $4  }
0x2a8: {  	_ = 	snop  }
0x2a9: {  	s23 =	sadd.s32 s23, s22  }
0x2aa: {  	v32 =	vmov s23  }
0x2ab: {  	s20 =	sadd.s32 $0x1, s20;
	[tilespmem:v31+s26+$0x0] =	vst.idx.msk $0x1, v32  }
.LBB2_52:
0x2ac: {  	vm3 =	veq.s32 v30, $0x1  }
0x2ad: {  	v30 =	vsel vm3, $0x3F800000, v2  }
0x2ae: {  	(xrf0) =	vmax.scan.msk.f32 $0xffff, v30;
	_ =	sdelay $0x5  }
0x2af: {  	v30, _, _ =	vpop (xrf0)  }
0x2b0: {  	(v2sf) =	vpush v30, $0xF;
	_ =	sdelay $0xe  }
0x2b1: {  	s22 =	spop (v2sf)  }
0x2b2: {  	p0 =	sgt.f32 s22, $0.0e+00  }
.Ltmp39:
0x2b3: {  	_ = 	snop;
	(pc) =	sbr.rel @!p0 .LBB2_55-.Ltmp39, $1  }
0x2b4: {  	_ =	sdelay $0x3  }
0x2b5: {  	s22 =	sor.u32 $0x60, s21  }
.LBB2_54:
0x2b6: {  	v30 =	vmctz.xlane vm2;
	_ =	sdelay $0x1  }
0x2b7: {  	v30 =	vxor.u32 $0x80000000, v30  }
0x2b8: {  	(xrf0) =	vmax.scan.msk.u32 $0xffff, v30;
	_ =	sdelay $0x5  }
0x2b9: {  	v30, _, _ =	vpop (xrf0)  }
0x2ba: {  	(v2sf) =	vpush v30, $0xF;
	_ =	sdelay $0xe  }
0x2bb: {  	s23 =	spop (v2sf)  }
0x2bc: {  	s23 =	sxor.u32 $0x80000000, s23  }
0x2bd: {  	v30 =	vmov s23  }
0x2be: {  	vm3 =	vne.s32 v30, v3  }
0x2bf: {  	vm2 =	vmand vm2, vm3  }
0x2c0: {  	v30 =	vsel vm2, $0x3F800000, v2  }
0x2c1: {  	(xrf0) =	vmax.scan.msk.f32 $0xffff, v30;
	_ =	sdelay $0x5  }
0x2c2: {  	v30, _, _ =	vpop (xrf0)  }
0x2c3: {  	(v2sf) =	vpush v30, $0xF;
	_ =	sdelay $0xe  }
0x2c4: {  	s24 =	spop (v2sf)  }
0x2c5: {  	v30 =	vmov s20;
	p0 =	sgt.f32 s24, $0.0e+00  }
.Ltmp40:
0x2c6: {  	_ = 	snop;
	(pc) =	sbr.rel @p0 .LBB2_54-.Ltmp40, $4  }
0x2c7: {  	_ = 	snop  }
0x2c8: {  	s23 =	sadd.s32 s23, s22  }
0x2c9: {  	v31 =	vmov s23  }
0x2ca: {  	s20 =	sadd.s32 $0x1, s20;
	[tilespmem:v30+s26+$0x0] =	vst.idx.msk $0x1, v31  }
.LBB2_55:
0x2cb: {  	vm2 =	veq.s32 v29, $0x1  }
0x2cc: {  	v29 =	vsel vm2, $0x3F800000, v2  }
0x2cd: {  	(xrf0) =	vmax.scan.msk.f32 $0xffff, v29;
	_ =	sdelay $0x5  }
0x2ce: {  	v29, _, _ =	vpop (xrf0)  }
0x2cf: {  	(v2sf) =	vpush v29, $0xF;
	_ =	sdelay $0xe  }
0x2d0: {  	s22 =	spop (v2sf)  }
0x2d1: {  	p0 =	sgt.f32 s22, $0.0e+00  }
.Ltmp41:
0x2d2: {  	_ = 	snop;
	(pc) =	sbr.rel @!p0 .LBB2_58-.Ltmp41, $1  }
0x2d3: {  	_ =	sdelay $0x3  }
0x2d4: {  	s21 =	sor.u32 $0x70, s21  }
.LBB2_57:
0x2d5: {  	v29 =	vmctz.xlane vm1;
	_ =	sdelay $0x1  }
0x2d6: {  	v29 =	vxor.u32 $0x80000000, v29  }
0x2d7: {  	(xrf0) =	vmax.scan.msk.u32 $0xffff, v29;
	_ =	sdelay $0x5  }
0x2d8: {  	v29, _, _ =	vpop (xrf0)  }
0x2d9: {  	(v2sf) =	vpush v29, $0xF;
	_ =	sdelay $0xe  }
0x2da: {  	s22 =	spop (v2sf)  }
0x2db: {  	s22 =	sxor.u32 $0x80000000, s22  }
0x2dc: {  	v29 =	vmov s22  }
0x2dd: {  	vm2 =	vne.s32 v29, v3  }
0x2de: {  	vm1 =	vmand vm1, vm2  }
0x2df: {  	v29 =	vsel vm1, $0x3F800000, v2  }
0x2e0: {  	(xrf0) =	vmax.scan.msk.f32 $0xffff, v29;
	_ =	sdelay $0x5  }
0x2e1: {  	v29, _, _ =	vpop (xrf0)  }
0x2e2: {  	(v2sf) =	vpush v29, $0xF;
	_ =	sdelay $0xe  }
0x2e3: {  	s23 =	spop (v2sf)  }
0x2e4: {  	v29 =	vmov s20;
	p0 =	sgt.f32 s23, $0.0e+00  }
.Ltmp42:
0x2e5: {  	_ = 	snop;
	(pc) =	sbr.rel @p0 .LBB2_57-.Ltmp42, $4  }
0x2e6: {  	_ = 	snop  }
0x2e7: {  	s22 =	sadd.s32 s22, s21  }
0x2e8: {  	v30 =	vmov s22  }
0x2e9: {  	s20 =	sadd.s32 $0x1, s20;
	[tilespmem:v29+s26+$0x0] =	vst.idx.msk $0x1, v30  }
.Ltmp43:
0x2ea: {  	_ = 	snop;
	(pc) =	sbr.rel .LBB2_58-.Ltmp43, $1  }
0x2eb: {  	_ =	sdelay $0x3  }
.LBB2_33:
0x2ec: {  	s20 =	sadd.s32 $0x1, s20  }
0x2ed: {  	p0 =	sne.s32 s20, s1  }
.Ltmp44:
0x2ee: {  	_ = 	snop;
	(pc) =	sbr.rel @!p0 .LBB2_34-.Ltmp44, $1  }
0x2ef: {  	_ =	sdelay $0x3  }
.LBB2_29:
0x2f0: {  	v7 =	vmov s20;
	_ =	sdelay $0x4  }
0x2f1: {  	v7 =	vld.idx.msk [tilespmem:v7+s26+$0x0], $0xffff;
	_ =	sdelay $0x4  }
0x2f2: {  	v8 =	vshll.u32 v7, $0x2  }
0x2f3: {  	v9 =	vand.u32 $0xFF, v7;
	v7 =	vand.u32 $0x7F, v7;
	v8 =	vand.u32 $0xFFFFFE00, v8  }
0x2f4: {  	v7 =	vor.u32 v7, v8;
	_ =	sdelay $0x2  }
0x2f5: {  	vm1 =	vmmov $0xffff  }
0x2f6: {  	[tilespmem:s28], [sflag:$0x1] =	stream.indirect_vreg.gather [hbm4b:s10+s2], $0x80, v9, vm1, $0xb8;
	[tilespmem:$0xF600] =	vst v63  }
0x2f7: {  	v8 =	vld.idx.msk [tilespmem:v7+s18+$0x0], $0xffff;
	_ =	sdelay $0x4  }
0x2f8: {  	vm1 =	veq.s32 v5, v8  }
0x2f9: {  	v7 =	vld.idx.msk [tilespmem:v7+s19+$0x0], $0xffff;
	_ =	swait.ge [sflag:s25], $0x800;
	v9 =	vsel vm1, $0x3F800000, v2  }
0x2fa: {  	(xrf0) =	vmax.scan.msk.f32 $0xffff, v9;
	_ =	sdelay $0x5  }
0x2fb: {  	v9, _, _ =	vpop (xrf0)  }
0x2fc: {  	(v2sf) =	vpush v9, $0xF;
	_ =	sdelay $0xe  }
0x2fd: {  	s21 =	spop (v2sf)  }
0x2fe: {  	p0 =	sgt.f32 s21, $0.0e+00  }
.Ltmp45:
0x2ff: {  	_ = 	snop;
	(pc) =	sbr.rel @!p0 .LBB2_31-.Ltmp45, $3  }
0x300: {  	_ =	sdelay $0x1  }
0x301: {  	[sflag:s25] =	ssyncset.done $0x0  }
0x302: {  	[sflag:s25] =	ssyncadd.s32 $0xFFFFF800  }
.LBB2_30:
0x303: {  	v9 =	vmctz.xlane vm1;
	_ =	sdelay $0x1  }
0x304: {  	v9 =	vxor.u32 $0x80000000, v9  }
0x305: {  	(xrf0) =	vmax.scan.msk.u32 $0xffff, v9;
	_ =	sdelay $0x5  }
0x306: {  	v9, _, _ =	vpop (xrf0)  }
0x307: {  	(v2sf) =	vpush v9, $0xF;
	_ =	sdelay $0xe  }
0x308: {  	s21 =	spop (v2sf)  }
0x309: {  	s22 =	sshll.u32 s21, $0xB  }
0x30a: {  	v10 =	vld [tilespmem:$0xEC80];
	s22 =	sshra.s32 s22, $0x2  }
0x30b: {  	v9 =	vld [tilespmem:s22+$0x9F80]  }
0x30c: {  	v12 =	vld [tilespmem:$0xEC90]  }
0x30d: {  	v11 =	vld [tilespmem:s22+$0x9F90]  }
0x30e: {  	v14 =	vld [tilespmem:$0xECA0]  }
0x30f: {  	v13 =	vld [tilespmem:s22+$0x9FA0]  }
0x310: {  	v15 =	vld [tilespmem:$0xECB0];
	v9 =	vmul.f32 v10, v9  }
0x311: {  	v10 =	vld [tilespmem:s22+$0x9FB0]  }
0x312: {  	v16 =	vld [tilespmem:$0xECC0];
	v11 =	vmul.f32 v12, v11;
	v9 =	vadd.f32 $0.0e+00, v9  }
0x313: {  	v57 =	vld [tilespmem:s22+$0x9FC0]  }
0x314: {  	v59 =	vld [tilespmem:$0xECD0];
	v9 =	vadd.f32 v11, v9;
	v11 =	vmul.f32 v14, v13  }
0x315: {  	v58 =	vld [tilespmem:s22+$0x9FD0]  }
0x316: {  	v60 =	vld [tilespmem:$0xECE0];
	v10 =	vmul.f32 v15, v10;
	v9 =	vadd.f32 v11, v9  }
0x317: {  	s21 =	sxor.u32 $0x80000000, s21;
	v11 =	vld [tilespmem:s22+$0x9FE0]  }
0x318: {  	v62 =	vld [tilespmem:$0xECF0];
	v17 =	vmov s21;
	v9 =	vadd.f32 v10, v9;
	v10 =	vmul.f32 v16, v57  }
0x319: {  	v61 =	vld [tilespmem:s22+$0x9FF0];
	vm2 =	vne.s32 v17, v3  }
0x31a: {  	vm1 =	vmand vm1, vm2;
	v9 =	vadd.f32 v10, v9;
	v10 =	vmul.f32 v59, v58  }
0x31b: {  	v63 =	vsel vm1, $0x3F800000, v2  }
0x31c: {  	(xrf0) =	vmax.scan.msk.f32 $0xffff, v63;
	v9 =	vadd.f32 v10, v9;
	v10 =	vmul.f32 v60, v11;
	_ =	sdelay $0x1  }
0x31d: {  	v9 =	vadd.f32 v10, v9;
	v10 =	vmul.f32 v62, v61;
	_ =	sdelay $0x3  }
0x31e: {  	v9 =	vadd.f32 v10, v9;
	v10, _, _ =	vpop (xrf0)  }
0x31f: {  	(v2sf) =	vpush v10, $0xF;
	_ =	sdelay $0x2  }
0x320: {  	(xrf2) =	vadd.scan.msk.f32 $0xffff, v9;
	_ =	sdelay $0x9  }
0x321: {  	v10 =	vld [tilespmem:$0xF480];
	v9, _, _ =	vpop (xrf2)  }
0x322: {  	v9 =	vbroadcast v9, $0xF  }
0x323: {  	v11 =	vld [tilespmem:$0xF500];
	s29 =	spop (v2sf)  }
0x324: {  	v9 =	vmul.f32 v9, v7;
	p0 =	sgt.f32 s29, $0.0e+00  }
.Ltmp46:
0x325: {  	_ = 	snop;
	(pc) =	sbr.rel @p0 .LBB2_30-.Ltmp46, $4  }
0x326: {  	vm2 =	veq.s32 v17, v3;
	v9 =	vmax.f32 v10, v9  }
0x327: {  	v9 =	vsel vm2, v9, v10;
	v10 =	vsel vm2, $0x1, v0  }
0x328: {  	[tilespmem:$0xF480] =	vst v9;
	v9 =	vadd.s32 v10, v11  }
0x329: {  	[tilespmem:$0xF500] =	vst v9  }
.LBB2_31:
0x32a: {  	vm1 =	veq.s32 v6, v8  }
0x32b: {  	v8 =	vsel vm1, $0x3F800000, v2  }
0x32c: {  	(xrf0) =	vmax.scan.msk.f32 $0xffff, v8;
	_ =	sdelay $0x5  }
0x32d: {  	v8, _, _ =	vpop (xrf0)  }
0x32e: {  	(v2sf) =	vpush v8, $0xF;
	_ =	sdelay $0xe  }
0x32f: {  	s21 =	spop (v2sf)  }
0x330: {  	p0 =	sgt.f32 s21, $0.0e+00  }
.Ltmp47:
0x331: {  	_ = 	snop;
	(pc) =	sbr.rel @!p0 .LBB2_33-.Ltmp47, $1  }
0x332: {  	_ =	sdelay $0x3  }
.LBB2_32:
0x333: {  	v8 =	vmctz.xlane vm1;
	_ =	sdelay $0x1  }
0x334: {  	v8 =	vxor.u32 $0x80000000, v8  }
0x335: {  	(xrf0) =	vmax.scan.msk.u32 $0xffff, v8;
	_ =	sdelay $0x5  }
0x336: {  	v8, _, _ =	vpop (xrf0)  }
0x337: {  	(v2sf) =	vpush v8, $0xF;
	_ =	sdelay $0xe  }
0x338: {  	s21 =	spop (v2sf)  }
0x339: {  	s22 =	sshll.u32 s21, $0xB  }
0x33a: {  	v9 =	vld [tilespmem:$0xEC80];
	s22 =	sshra.s32 s22, $0x2  }
0x33b: {  	v8 =	vld [tilespmem:s22+$0xBF80]  }
0x33c: {  	v11 =	vld [tilespmem:$0xEC90]  }
0x33d: {  	v10 =	vld [tilespmem:s22+$0xBF90]  }
0x33e: {  	v13 =	vld [tilespmem:$0xECA0]  }
0x33f: {  	v12 =	vld [tilespmem:s22+$0xBFA0]  }
0x340: {  	v14 =	vld [tilespmem:$0xECB0];
	v8 =	vmul.f32 v9, v8  }
0x341: {  	v46 =	vld [tilespmem:s22+$0xBFB0]  }
0x342: {  	v15 =	vld [tilespmem:$0xECC0];
	v10 =	vmul.f32 v11, v10;
	v8 =	vadd.f32 $0.0e+00, v8  }
0x343: {  	s21 =	sxor.u32 $0x80000000, s21;
	v47 =	vld [tilespmem:s22+$0xBFC0]  }
0x344: {  	v50 =	vld [tilespmem:$0xECD0];
	v16 =	vmov s21;
	v48 =	vmul.f32 v13, v12;
	v8 =	vadd.f32 v10, v8  }
0x345: {  	v49 =	vld [tilespmem:s22+$0xBFD0];
	vm2 =	vne.s32 v16, v3  }
0x346: {  	v52 =	vld [tilespmem:$0xECE0];
	vm1 =	vmand vm1, vm2;
	v9 =	vmul.f32 v14, v46;
	v8 =	vadd.f32 v48, v8  }
0x347: {  	v51 =	vld [tilespmem:s22+$0xBFE0];
	v57 =	vsel vm1, $0x3F800000, v2  }
0x348: {  	v55 =	vld [tilespmem:$0xECF0];
	(xrf0) =	vmax.scan.msk.f32 $0xffff, v57;
	v53 =	vmul.f32 v15, v47;
	v8 =	vadd.f32 v9, v8  }
0x349: {  	v54 =	vld [tilespmem:s22+$0xBFF0]  }
0x34a: {  	v56 =	vmul.f32 v50, v49;
	v8 =	vadd.f32 v53, v8;
	_ =	sdelay $0x1  }
0x34b: {  	v58 =	vmul.f32 v52, v51;
	v8 =	vadd.f32 v56, v8;
	_ =	sdelay $0x1  }
0x34c: {  	v59 =	vmul.f32 v55, v54;
	v60, _, _ =	vpop (xrf0);
	v8 =	vadd.f32 v58, v8  }
0x34d: {  	(v2sf) =	vpush v60, $0xF  }
0x34e: {  	v8 =	vadd.f32 v59, v8;
	_ =	sdelay $0x1  }
0x34f: {  	(xrf2) =	vadd.scan.msk.f32 $0xffff, v8;
	_ =	sdelay $0x9  }
0x350: {  	v61 =	vld [tilespmem:$0xF490];
	v8, _, _ =	vpop (xrf2)  }
0x351: {  	v8 =	vbroadcast v8, $0xF  }
0x352: {  	v62 =	vld [tilespmem:$0xF510];
	s29 =	spop (v2sf)  }
0x353: {  	p0 =	sgt.f32 s29, $0.0e+00;
	v8 =	vmul.f32 v8, v7  }
.Ltmp48:
0x354: {  	_ = 	snop;
	(pc) =	sbr.rel @p0 .LBB2_32-.Ltmp48, $4  }
0x355: {  	vm2 =	veq.s32 v16, v3;
	v8 =	vmax.f32 v61, v8  }
0x356: {  	v63 =	vsel vm2, $0x1, v0;
	v8 =	vsel vm2, v8, v61  }
0x357: {  	[tilespmem:$0xF490] =	vst v8;
	v8 =	vadd.s32 v63, v62  }
0x358: {  	[tilespmem:$0xF510] =	vst v8  }
.Ltmp49:
0x359: {  	_ = 	snop;
	(pc) =	sbr.rel .LBB2_33-.Ltmp49, $1  }
0x35a: {  	_ =	sdelay $0x3  }
.LBB2_59:
0x35b: {  	v17 =	vmul.f32 v23, v17;
	_ =	sdelay $0x1  }
0x35c: {  	v18 =	vmul.f32 v24, v18;
	v17 =	vadd.f32 $0.0e+00, v17;
	_ =	sdelay $0x1  }
0x35d: {  	v55 =	vmul.f32 v25, v19;
	v17 =	vadd.f32 v18, v17;
	_ =	sdelay $0x1  }
0x35e: {  	v56 =	vmul.f32 v26, v20;
	v17 =	vadd.f32 v55, v17;
	_ =	sdelay $0x1  }
0x35f: {  	v57 =	vmul.f32 v27, v21;
	v17 =	vadd.f32 v56, v17;
	_ =	sdelay $0x1  }
0x360: {  	v58 =	vmul.f32 v28, v22;
	v17 =	vadd.f32 v57, v17  }
0x361: {  	vm1 =	vlt.s32 v12, $0x500;
	v59 =	vmax.f32 v10, $0.0e+00  }
0x362: {  	v15 =	vmul.f32 v16, v15;
	v61 =	vmax.f32 v8, $0.0e+00;
	v60 =	vadd.f32 v58, v17  }
0x363: {  	v63 =	vmul.f32 v14, v13;
	v10 =	vsel vm1, v59, v10;
	vm1 =	vlt.s32 v11, $0x500  }
0x364: {  	v9 =	vmul.f32 v10, v9;
	v8 =	vsel vm1, v61, v8;
	v62 =	vadd.f32 v15, v60  }
0x365: {  	v7 =	vmul.f32 v8, v7  }
0x366: {  	(xrf2) =	vadd.scan.msk.f32 $0xffff, v9;
	v8 =	vadd.f32 v63, v62  }
0x367: {  	(xrf2) =	vadd.scan.msk.f32 $0xffff, v7  }
0x368: {  	(xrf2) =	vadd.scan.msk.f32 $0xffff, v8;
	_ =	sdelay $0x7  }
0x369: {  	v7, _, _ =	vpop (xrf2)  }
0x36a: {  	(v2sf) =	vpush v7, $0xF;
	v8, _, _ =	vpop (xrf2)  }
0x36b: {  	(v2sf) =	vpush v8, $0xF;
	v7, _, _ =	vpop (xrf2)  }
0x36c: {  	(v2sf) =	vpush v7, $0xF;
	_ =	sdelay $0x9  }
0x36d: {  	p0 =	slt.s32 s20, $0x1  }
.Ltmp50:
0x36e: {  	_ = 	snop;
	(pc) =	sbr.rel @!p0 .LBB2_60-.Ltmp50, $4  }
0x36f: {  	[tilespmem:$0xF480] =	vst v4  }
0x370: {  	[tilespmem:$0xF500] =	vst v0;
	s22 =	spop (v2sf)  }
0x371: {  	[tilespmem:$0xF490] =	vst v4;
	s21 =	spop (v2sf)  }
0x372: {  	[tilespmem:$0xF510] =	vst v0;
	s23 =	simm.s32 $0x0;
	s1 =	spop (v2sf)  }
.LBB2_65:
0x373: {  	v11 =	vld [tilespmem:$0xF480]  }
0x374: {  	v13 =	vld [tilespmem:$0xF500]  }
0x375: {  	v10 =	vld [tilespmem:$0xE200]  }
0x376: {  	v9 =	vld [tilespmem:$0xF490]  }
0x377: {  	v12 =	vld [tilespmem:$0xF510];
	s20 =	simm.s32 $0x0  }
0x378: {  	v8 =	vld [tilespmem:$0xE210];
	[tilespmem:v5+s20+$0x0] =	vst.idx.msk $0xffff, v0  }
0x379: {  	[tilespmem:v6+s20+$0x0] =	vst.idx.msk $0xffff, v0  }
0x37a: {  	v5 =	vld [tilespmem:$0xE080]  }
0x37b: {  	v6 =	vld [tilespmem:$0xE090];
	_ =	sdelay $0x6  }
0x37c: {  	[tilespmem:v5+s20+$0x0] =	vst.idx.msk $0xffff, v1  }
0x37d: {  	[tilespmem:v6+s20+$0x0] =	vst.idx.msk $0xffff, v1  }
0x37e: {  	v16 =	vld [tilespmem:$0xE480]  }
0x37f: {  	v21 =	vld [tilespmem:$0xE680]  }
0x380: {  	v17 =	vld [tilespmem:$0xE490]  }
0x381: {  	v22 =	vld [tilespmem:$0xE690]  }
0x382: {  	v18 =	vld [tilespmem:$0xE4A0]  }
0x383: {  	v23 =	vld [tilespmem:$0xE6A0]  }
0x384: {  	v19 =	vld [tilespmem:$0xE4B0]  }
0x385: {  	v24 =	vld [tilespmem:$0xE6B0]  }
0x386: {  	s22 =	sadd.f32 $0.0e+00, s22;
	v25 =	vld [tilespmem:$0xE4C0]  }
0x387: {  	v27 =	vld [tilespmem:$0xE6C0]  }
0x388: {  	s21 =	sadd.f32 s21, s22;
	v28 =	vld [tilespmem:$0xE4D0]  }
.Ltmp51:
0x389: {  	v29 =	vld [tilespmem:$0xE6D0];
	(pc) =	sbr.rel .LBB2_66-.Ltmp51, $4  }
0x38a: {  	s0 =	sadd.f32 s21, s0;
	v20 =	vld [tilespmem:$0xE4E0]  }
0x38b: {  	v26 =	vld [tilespmem:$0xE6E0]  }
0x38c: {  	v7 =	vmov s0;
	v14 =	vld [tilespmem:$0xE4F0]  }
0x38d: {  	s0 =	simm.s32 $0x0;
	v7 =	vnsel vm0, $0x0, v7;
	v15 =	vld [tilespmem:$0xE6F0]  }
.LBB2_89:
0x38e: {  	s0 =	sadd.s32 $0x1, s0  }
0x38f: {  	p0 =	sne.s32 s0, $0xA  }
.Ltmp52:
0x390: {  	_ = 	snop;
	(pc) =	sbr.rel @!p0 .LBB2_90-.Ltmp52, $1  }
0x391: {  	_ =	sdelay $0x3  }
.LBB2_66:
0x392: {  	s21 =	sshll.u32 s0, $0x9  }
0x393: {  	s21 =	sand.u32 $0x3FFFFE00, s21  }
0x394: {  	v30 =	vld [tilespmem:s21+$0x78E0]  }
0x395: {  	v32 =	vld [tilespmem:s21+$0x78F0]  }
0x396: {  	v33 =	vld [tilespmem:s21+$0x78D0]  }
0x397: {  	v34 =	vld [tilespmem:s21+$0x78C0]  }
0x398: {  	v35 =	vld [tilespmem:s21+$0x78B0]  }
0x399: {  	v36 =	vld [tilespmem:s21+$0x78A0]  }
0x39a: {  	v37 =	vld [tilespmem:s21+$0x7890]  }
0x39b: {  	v38 =	vld [tilespmem:s21+$0x7880]  }
0x39c: {  	v31 =	vld.idx.msk [tilespmem:v30+s2+$0x0], $0xffff  }
0x39d: {  	v30 =	vld.idx.msk [tilespmem:v32+s2+$0x0], $0xffff  }
0x39e: {  	v32 =	vld.idx.msk [tilespmem:v33+s2+$0x0], $0xffff  }
0x39f: {  	v33 =	vld.idx.msk [tilespmem:v34+s2+$0x0], $0xffff  }
0x3a0: {  	v34 =	vld.idx.msk [tilespmem:v35+s2+$0x0], $0xffff  }
0x3a1: {  	v35 =	vld.idx.msk [tilespmem:v36+s2+$0x0], $0xffff  }
0x3a2: {  	v36 =	vld.idx.msk [tilespmem:v37+s2+$0x0], $0xffff;
	vm2 =	veq.s32 v31, $0x1;
	vm1 =	veq.s32 v30, $0x1  }
0x3a3: {  	v37 =	vld.idx.msk [tilespmem:v38+s2+$0x0], $0xffff;
	vm3 =	veq.s32 v32, $0x1;
	vm5 =	vmor vm2, vm1  }
0x3a4: {  	vm4 =	veq.s32 v33, $0x1;
	vm6 =	vmor vm3, vm5  }
0x3a5: {  	vm5 =	veq.s32 v34, $0x1;
	vm7 =	vmor vm4, vm6  }
0x3a6: {  	vm6 =	veq.s32 v35, $0x1;
	vm8 =	vmor vm5, vm7  }
0x3a7: {  	vm7 =	veq.s32 v36, $0x1;
	vm9 =	vmor vm6, vm8  }
0x3a8: {  	vm8 =	veq.s32 v37, $0x1;
	vm9 =	vmor vm7, vm9  }
0x3a9: {  	vm9 =	vmor vm8, vm9  }
0x3aa: {  	v63 =	vsel vm9, $0x3F800000, v2  }
0x3ab: {  	(xrf0) =	vmax.scan.msk.f32 $0xffff, v63;
	_ =	sdelay $0x5  }
0x3ac: {  	v38, _, _ =	vpop (xrf0)  }
0x3ad: {  	(v2sf) =	vpush v38, $0xF;
	_ =	sdelay $0xe  }
0x3ae: {  	s29 =	spop (v2sf)  }
0x3af: {  	p0 =	sgt.f32 s29, $0.0e+00  }
.Ltmp53:
0x3b0: {  	_ = 	snop;
	(pc) =	sbr.rel @!p0 .LBB2_89-.Ltmp53, $1  }
0x3b1: {  	_ =	sdelay $0x3  }
0x3b2: {  	vm9 =	veq.s32 v37, $0x1  }
0x3b3: {  	v37 =	vsel vm9, $0x3F800000, v2  }
0x3b4: {  	(xrf0) =	vmax.scan.msk.f32 $0xffff, v37;
	_ =	sdelay $0x5  }
0x3b5: {  	v37, _, _ =	vpop (xrf0)  }
0x3b6: {  	(v2sf) =	vpush v37, $0xF;
	_ =	sdelay $0xe  }
0x3b7: {  	s21 =	spop (v2sf)  }
0x3b8: {  	p0 =	sgt.f32 s21, $0.0e+00  }
.Ltmp54:
0x3b9: {  	_ = 	snop;
	(pc) =	sbr.rel @!p0 .LBB2_68-.Ltmp54, $2  }
0x3ba: {  	_ =	sdelay $0x2  }
0x3bb: {  	s21 =	sshll.u32 s0, $0x7  }
.LBB2_131:
0x3bc: {  	v37 =	vmctz.xlane vm8;
	_ =	sdelay $0x1  }
0x3bd: {  	v37 =	vxor.u32 $0x80000000, v37  }
0x3be: {  	(xrf0) =	vmax.scan.msk.u32 $0xffff, v37;
	_ =	sdelay $0x5  }
0x3bf: {  	v37, _, _ =	vpop (xrf0)  }
0x3c0: {  	(v2sf) =	vpush v37, $0xF;
	_ =	sdelay $0xe  }
0x3c1: {  	s22 =	spop (v2sf)  }
0x3c2: {  	s22 =	sxor.u32 $0x80000000, s22  }
0x3c3: {  	v61 =	vmov s22  }
0x3c4: {  	vm9 =	vne.s32 v61, v3  }
0x3c5: {  	vm8 =	vmand vm8, vm9  }
0x3c6: {  	v62 =	vsel vm8, $0x3F800000, v2  }
0x3c7: {  	(xrf0) =	vmax.scan.msk.f32 $0xffff, v62;
	_ =	sdelay $0x5  }
0x3c8: {  	v37, _, _ =	vpop (xrf0)  }
0x3c9: {  	(v2sf) =	vpush v37, $0xF;
	_ =	sdelay $0xe  }
0x3ca: {  	s23 =	spop (v2sf)  }
0x3cb: {  	v63 =	vmov s20;
	p0 =	sgt.f32 s23, $0.0e+00  }
.Ltmp55:
0x3cc: {  	_ = 	snop;
	(pc) =	sbr.rel @p0 .LBB2_131-.Ltmp55, $4  }
0x3cd: {  	_ = 	snop  }
0x3ce: {  	s22 =	sadd.s32 s21, s22  }
0x3cf: {  	v38 =	vmov s22  }
0x3d0: {  	s20 =	sadd.s32 $0x1, s20;
	[tilespmem:v63+s26+$0x0] =	vst.idx.msk $0x1, v38  }
.LBB2_68:
0x3d1: {  	vm8 =	veq.s32 v36, $0x1  }
0x3d2: {  	v36 =	vsel vm8, $0x3F800000, v2  }
0x3d3: {  	(xrf0) =	vmax.scan.msk.f32 $0xffff, v36;
	_ =	sdelay $0x5  }
0x3d4: {  	v36, _, _ =	vpop (xrf0)  }
0x3d5: {  	(v2sf) =	vpush v36, $0xF;
	_ =	sdelay $0xe  }
0x3d6: {  	s22 =	spop (v2sf)  }
0x3d7: {  	p0 =	sgt.f32 s22, $0.0e+00  }
.Ltmp56:
0x3d8: {  	_ = 	snop;
	(pc) =	sbr.rel @!p0 .LBB2_71-.Ltmp56, $1  }
0x3d9: {  	_ =	sdelay $0x3  }
0x3da: {  	s22 =	sor.u32 $0x10, s21  }
.LBB2_70:
0x3db: {  	v36 =	vmctz.xlane vm7;
	_ =	sdelay $0x1  }
0x3dc: {  	v36 =	vxor.u32 $0x80000000, v36  }
0x3dd: {  	(xrf0) =	vmax.scan.msk.u32 $0xffff, v36;
	_ =	sdelay $0x5  }
0x3de: {  	v36, _, _ =	vpop (xrf0)  }
0x3df: {  	(v2sf) =	vpush v36, $0xF;
	_ =	sdelay $0xe  }
0x3e0: {  	s23 =	spop (v2sf)  }
0x3e1: {  	s23 =	sxor.u32 $0x80000000, s23  }
0x3e2: {  	v61 =	vmov s23  }
0x3e3: {  	vm8 =	vne.s32 v61, v3  }
0x3e4: {  	vm7 =	vmand vm7, vm8  }
0x3e5: {  	v62 =	vsel vm7, $0x3F800000, v2  }
0x3e6: {  	(xrf0) =	vmax.scan.msk.f32 $0xffff, v62;
	_ =	sdelay $0x5  }
0x3e7: {  	v36, _, _ =	vpop (xrf0)  }
0x3e8: {  	(v2sf) =	vpush v36, $0xF;
	_ =	sdelay $0xe  }
0x3e9: {  	s24 =	spop (v2sf)  }
0x3ea: {  	v63 =	vmov s20;
	p0 =	sgt.f32 s24, $0.0e+00  }
.Ltmp57:
0x3eb: {  	_ = 	snop;
	(pc) =	sbr.rel @p0 .LBB2_70-.Ltmp57, $4  }
0x3ec: {  	_ = 	snop  }
0x3ed: {  	s23 =	sadd.s32 s23, s22  }
0x3ee: {  	v37 =	vmov s23  }
0x3ef: {  	s20 =	sadd.s32 $0x1, s20;
	[tilespmem:v63+s26+$0x0] =	vst.idx.msk $0x1, v37  }
.LBB2_71:
0x3f0: {  	vm7 =	veq.s32 v35, $0x1  }
0x3f1: {  	v35 =	vsel vm7, $0x3F800000, v2  }
0x3f2: {  	(xrf0) =	vmax.scan.msk.f32 $0xffff, v35;
	_ =	sdelay $0x5  }
0x3f3: {  	v35, _, _ =	vpop (xrf0)  }
0x3f4: {  	(v2sf) =	vpush v35, $0xF;
	_ =	sdelay $0xe  }
0x3f5: {  	s22 =	spop (v2sf)  }
0x3f6: {  	p0 =	sgt.f32 s22, $0.0e+00  }
.Ltmp58:
0x3f7: {  	_ = 	snop;
	(pc) =	sbr.rel @!p0 .LBB2_74-.Ltmp58, $1  }
0x3f8: {  	_ =	sdelay $0x3  }
0x3f9: {  	s22 =	sor.u32 $0x20, s21  }
.LBB2_73:
0x3fa: {  	v35 =	vmctz.xlane vm6;
	_ =	sdelay $0x1  }
0x3fb: {  	v35 =	vxor.u32 $0x80000000, v35  }
0x3fc: {  	(xrf0) =	vmax.scan.msk.u32 $0xffff, v35;
	_ =	sdelay $0x5  }
0x3fd: {  	v35, _, _ =	vpop (xrf0)  }
0x3fe: {  	(v2sf) =	vpush v35, $0xF;
	_ =	sdelay $0xe  }
0x3ff: {  	s23 =	spop (v2sf)  }
0x400: {  	s23 =	sxor.u32 $0x80000000, s23  }
0x401: {  	v61 =	vmov s23  }
0x402: {  	vm7 =	vne.s32 v61, v3  }
0x403: {  	vm6 =	vmand vm6, vm7  }
0x404: {  	v62 =	vsel vm6, $0x3F800000, v2  }
0x405: {  	(xrf0) =	vmax.scan.msk.f32 $0xffff, v62;
	_ =	sdelay $0x5  }
0x406: {  	v35, _, _ =	vpop (xrf0)  }
0x407: {  	(v2sf) =	vpush v35, $0xF;
	_ =	sdelay $0xe  }
0x408: {  	s24 =	spop (v2sf)  }
0x409: {  	v63 =	vmov s20;
	p0 =	sgt.f32 s24, $0.0e+00  }
.Ltmp59:
0x40a: {  	_ = 	snop;
	(pc) =	sbr.rel @p0 .LBB2_73-.Ltmp59, $4  }
0x40b: {  	_ = 	snop  }
0x40c: {  	s23 =	sadd.s32 s23, s22  }
0x40d: {  	v36 =	vmov s23  }
0x40e: {  	s20 =	sadd.s32 $0x1, s20;
	[tilespmem:v63+s26+$0x0] =	vst.idx.msk $0x1, v36  }
.LBB2_74:
0x40f: {  	vm6 =	veq.s32 v34, $0x1  }
0x410: {  	v34 =	vsel vm6, $0x3F800000, v2  }
0x411: {  	(xrf0) =	vmax.scan.msk.f32 $0xffff, v34;
	_ =	sdelay $0x5  }
0x412: {  	v34, _, _ =	vpop (xrf0)  }
0x413: {  	(v2sf) =	vpush v34, $0xF;
	_ =	sdelay $0xe  }
0x414: {  	s22 =	spop (v2sf)  }
0x415: {  	p0 =	sgt.f32 s22, $0.0e+00  }
.Ltmp60:
0x416: {  	_ = 	snop;
	(pc) =	sbr.rel @!p0 .LBB2_77-.Ltmp60, $1  }
0x417: {  	_ =	sdelay $0x3  }
0x418: {  	s22 =	sor.u32 $0x30, s21  }
.LBB2_76:
0x419: {  	v34 =	vmctz.xlane vm5;
	_ =	sdelay $0x1  }
0x41a: {  	v34 =	vxor.u32 $0x80000000, v34  }
0x41b: {  	(xrf0) =	vmax.scan.msk.u32 $0xffff, v34;
	_ =	sdelay $0x5  }
0x41c: {  	v34, _, _ =	vpop (xrf0)  }
0x41d: {  	(v2sf) =	vpush v34, $0xF;
	_ =	sdelay $0xe  }
0x41e: {  	s23 =	spop (v2sf)  }
0x41f: {  	s23 =	sxor.u32 $0x80000000, s23  }
0x420: {  	v61 =	vmov s23  }
0x421: {  	vm6 =	vne.s32 v61, v3  }
0x422: {  	vm5 =	vmand vm5, vm6  }
0x423: {  	v62 =	vsel vm5, $0x3F800000, v2  }
0x424: {  	(xrf0) =	vmax.scan.msk.f32 $0xffff, v62;
	_ =	sdelay $0x5  }
0x425: {  	v34, _, _ =	vpop (xrf0)  }
0x426: {  	(v2sf) =	vpush v34, $0xF;
	_ =	sdelay $0xe  }
0x427: {  	s24 =	spop (v2sf)  }
0x428: {  	v63 =	vmov s20;
	p0 =	sgt.f32 s24, $0.0e+00  }
.Ltmp61:
0x429: {  	_ = 	snop;
	(pc) =	sbr.rel @p0 .LBB2_76-.Ltmp61, $4  }
0x42a: {  	_ = 	snop  }
0x42b: {  	s23 =	sadd.s32 s23, s22  }
0x42c: {  	v35 =	vmov s23  }
0x42d: {  	s20 =	sadd.s32 $0x1, s20;
	[tilespmem:v63+s26+$0x0] =	vst.idx.msk $0x1, v35  }
.LBB2_77:
0x42e: {  	vm5 =	veq.s32 v33, $0x1  }
0x42f: {  	v33 =	vsel vm5, $0x3F800000, v2  }
0x430: {  	(xrf0) =	vmax.scan.msk.f32 $0xffff, v33;
	_ =	sdelay $0x5  }
0x431: {  	v33, _, _ =	vpop (xrf0)  }
0x432: {  	(v2sf) =	vpush v33, $0xF;
	_ =	sdelay $0xe  }
0x433: {  	s22 =	spop (v2sf)  }
0x434: {  	p0 =	sgt.f32 s22, $0.0e+00  }
.Ltmp62:
0x435: {  	_ = 	snop;
	(pc) =	sbr.rel @!p0 .LBB2_80-.Ltmp62, $1  }
0x436: {  	_ =	sdelay $0x3  }
0x437: {  	s22 =	sor.u32 $0x40, s21  }
.LBB2_79:
0x438: {  	v33 =	vmctz.xlane vm4;
	_ =	sdelay $0x1  }
0x439: {  	v33 =	vxor.u32 $0x80000000, v33  }
0x43a: {  	(xrf0) =	vmax.scan.msk.u32 $0xffff, v33;
	_ =	sdelay $0x5  }
0x43b: {  	v33, _, _ =	vpop (xrf0)  }
0x43c: {  	(v2sf) =	vpush v33, $0xF;
	_ =	sdelay $0xe  }
0x43d: {  	s23 =	spop (v2sf)  }
0x43e: {  	s23 =	sxor.u32 $0x80000000, s23  }
0x43f: {  	v61 =	vmov s23  }
0x440: {  	vm5 =	vne.s32 v61, v3  }
0x441: {  	vm4 =	vmand vm4, vm5  }
0x442: {  	v62 =	vsel vm4, $0x3F800000, v2  }
0x443: {  	(xrf0) =	vmax.scan.msk.f32 $0xffff, v62;
	_ =	sdelay $0x5  }
0x444: {  	v33, _, _ =	vpop (xrf0)  }
0x445: {  	(v2sf) =	vpush v33, $0xF;
	_ =	sdelay $0xe  }
0x446: {  	s24 =	spop (v2sf)  }
0x447: {  	v63 =	vmov s20;
	p0 =	sgt.f32 s24, $0.0e+00  }
.Ltmp63:
0x448: {  	_ = 	snop;
	(pc) =	sbr.rel @p0 .LBB2_79-.Ltmp63, $4  }
0x449: {  	_ = 	snop  }
0x44a: {  	s23 =	sadd.s32 s23, s22  }
0x44b: {  	v34 =	vmov s23  }
0x44c: {  	s20 =	sadd.s32 $0x1, s20;
	[tilespmem:v63+s26+$0x0] =	vst.idx.msk $0x1, v34  }
.LBB2_80:
0x44d: {  	vm4 =	veq.s32 v32, $0x1  }
0x44e: {  	v32 =	vsel vm4, $0x3F800000, v2  }
0x44f: {  	(xrf0) =	vmax.scan.msk.f32 $0xffff, v32;
	_ =	sdelay $0x5  }
0x450: {  	v32, _, _ =	vpop (xrf0)  }
0x451: {  	(v2sf) =	vpush v32, $0xF;
	_ =	sdelay $0xe  }
0x452: {  	s22 =	spop (v2sf)  }
0x453: {  	p0 =	sgt.f32 s22, $0.0e+00  }
.Ltmp64:
0x454: {  	_ = 	snop;
	(pc) =	sbr.rel @!p0 .LBB2_83-.Ltmp64, $1  }
0x455: {  	_ =	sdelay $0x3  }
0x456: {  	s22 =	sor.u32 $0x50, s21  }
.LBB2_82:
0x457: {  	v32 =	vmctz.xlane vm3;
	_ =	sdelay $0x1  }
0x458: {  	v32 =	vxor.u32 $0x80000000, v32  }
0x459: {  	(xrf0) =	vmax.scan.msk.u32 $0xffff, v32;
	_ =	sdelay $0x5  }
0x45a: {  	v32, _, _ =	vpop (xrf0)  }
0x45b: {  	(v2sf) =	vpush v32, $0xF;
	_ =	sdelay $0xe  }
0x45c: {  	s23 =	spop (v2sf)  }
0x45d: {  	s23 =	sxor.u32 $0x80000000, s23  }
0x45e: {  	v61 =	vmov s23  }
0x45f: {  	vm4 =	vne.s32 v61, v3  }
0x460: {  	vm3 =	vmand vm3, vm4  }
0x461: {  	v62 =	vsel vm3, $0x3F800000, v2  }
0x462: {  	(xrf0) =	vmax.scan.msk.f32 $0xffff, v62;
	_ =	sdelay $0x5  }
0x463: {  	v32, _, _ =	vpop (xrf0)  }
0x464: {  	(v2sf) =	vpush v32, $0xF;
	_ =	sdelay $0xe  }
0x465: {  	s24 =	spop (v2sf)  }
0x466: {  	v63 =	vmov s20;
	p0 =	sgt.f32 s24, $0.0e+00  }
.Ltmp65:
0x467: {  	_ = 	snop;
	(pc) =	sbr.rel @p0 .LBB2_82-.Ltmp65, $4  }
0x468: {  	_ = 	snop  }
0x469: {  	s23 =	sadd.s32 s23, s22  }
0x46a: {  	v33 =	vmov s23  }
0x46b: {  	s20 =	sadd.s32 $0x1, s20;
	[tilespmem:v63+s26+$0x0] =	vst.idx.msk $0x1, v33  }
.LBB2_83:
0x46c: {  	vm3 =	veq.s32 v31, $0x1  }
0x46d: {  	v31 =	vsel vm3, $0x3F800000, v2  }
0x46e: {  	(xrf0) =	vmax.scan.msk.f32 $0xffff, v31;
	_ =	sdelay $0x5  }
0x46f: {  	v31, _, _ =	vpop (xrf0)  }
0x470: {  	(v2sf) =	vpush v31, $0xF;
	_ =	sdelay $0xe  }
0x471: {  	s22 =	spop (v2sf)  }
0x472: {  	p0 =	sgt.f32 s22, $0.0e+00  }
.Ltmp66:
0x473: {  	_ = 	snop;
	(pc) =	sbr.rel @!p0 .LBB2_86-.Ltmp66, $1  }
0x474: {  	_ =	sdelay $0x3  }
0x475: {  	s22 =	sor.u32 $0x60, s21  }
.LBB2_85:
0x476: {  	v31 =	vmctz.xlane vm2;
	_ =	sdelay $0x1  }
0x477: {  	v31 =	vxor.u32 $0x80000000, v31  }
0x478: {  	(xrf0) =	vmax.scan.msk.u32 $0xffff, v31;
	_ =	sdelay $0x5  }
0x479: {  	v31, _, _ =	vpop (xrf0)  }
0x47a: {  	(v2sf) =	vpush v31, $0xF;
	_ =	sdelay $0xe  }
0x47b: {  	s23 =	spop (v2sf)  }
0x47c: {  	s23 =	sxor.u32 $0x80000000, s23  }
0x47d: {  	v31 =	vmov s23  }
0x47e: {  	vm3 =	vne.s32 v31, v3  }
0x47f: {  	vm2 =	vmand vm2, vm3  }
0x480: {  	v31 =	vsel vm2, $0x3F800000, v2  }
0x481: {  	(xrf0) =	vmax.scan.msk.f32 $0xffff, v31;
	_ =	sdelay $0x5  }
0x482: {  	v31, _, _ =	vpop (xrf0)  }
0x483: {  	(v2sf) =	vpush v31, $0xF;
	_ =	sdelay $0xe  }
0x484: {  	s24 =	spop (v2sf)  }
0x485: {  	v31 =	vmov s20;
	p0 =	sgt.f32 s24, $0.0e+00  }
.Ltmp67:
0x486: {  	_ = 	snop;
	(pc) =	sbr.rel @p0 .LBB2_85-.Ltmp67, $4  }
0x487: {  	_ = 	snop  }
0x488: {  	s23 =	sadd.s32 s23, s22  }
0x489: {  	v32 =	vmov s23  }
0x48a: {  	s20 =	sadd.s32 $0x1, s20;
	[tilespmem:v31+s26+$0x0] =	vst.idx.msk $0x1, v32  }
.LBB2_86:
0x48b: {  	vm2 =	veq.s32 v30, $0x1  }
0x48c: {  	v30 =	vsel vm2, $0x3F800000, v2  }
0x48d: {  	(xrf0) =	vmax.scan.msk.f32 $0xffff, v30;
	_ =	sdelay $0x5  }
0x48e: {  	v30, _, _ =	vpop (xrf0)  }
0x48f: {  	(v2sf) =	vpush v30, $0xF;
	_ =	sdelay $0xe  }
0x490: {  	s22 =	spop (v2sf)  }
0x491: {  	p0 =	sgt.f32 s22, $0.0e+00  }
.Ltmp68:
0x492: {  	_ = 	snop;
	(pc) =	sbr.rel @!p0 .LBB2_89-.Ltmp68, $1  }
0x493: {  	_ =	sdelay $0x3  }
0x494: {  	s21 =	sor.u32 $0x70, s21  }
.LBB2_88:
0x495: {  	v30 =	vmctz.xlane vm1;
	_ =	sdelay $0x1  }
0x496: {  	v30 =	vxor.u32 $0x80000000, v30  }
0x497: {  	(xrf0) =	vmax.scan.msk.u32 $0xffff, v30;
	_ =	sdelay $0x5  }
0x498: {  	v30, _, _ =	vpop (xrf0)  }
0x499: {  	(v2sf) =	vpush v30, $0xF;
	_ =	sdelay $0xe  }
0x49a: {  	s22 =	spop (v2sf)  }
0x49b: {  	s22 =	sxor.u32 $0x80000000, s22  }
0x49c: {  	v30 =	vmov s22  }
0x49d: {  	vm2 =	vne.s32 v30, v3  }
0x49e: {  	vm1 =	vmand vm1, vm2  }
0x49f: {  	v30 =	vsel vm1, $0x3F800000, v2  }
0x4a0: {  	(xrf0) =	vmax.scan.msk.f32 $0xffff, v30;
	_ =	sdelay $0x5  }
0x4a1: {  	v30, _, _ =	vpop (xrf0)  }
0x4a2: {  	(v2sf) =	vpush v30, $0xF;
	_ =	sdelay $0xe  }
0x4a3: {  	s23 =	spop (v2sf)  }
0x4a4: {  	v30 =	vmov s20;
	p0 =	sgt.f32 s23, $0.0e+00  }
.Ltmp69:
0x4a5: {  	_ = 	snop;
	(pc) =	sbr.rel @p0 .LBB2_88-.Ltmp69, $4  }
0x4a6: {  	_ = 	snop  }
0x4a7: {  	s22 =	sadd.s32 s22, s21  }
0x4a8: {  	v31 =	vmov s22  }
0x4a9: {  	s20 =	sadd.s32 $0x1, s20;
	[tilespmem:v30+s26+$0x0] =	vst.idx.msk $0x1, v31  }
.Ltmp70:
0x4aa: {  	_ = 	snop;
	(pc) =	sbr.rel .LBB2_89-.Ltmp70, $1  }
0x4ab: {  	_ =	sdelay $0x3  }
.LBB2_64:
0x4ac: {  	s23 =	sadd.s32 $0x1, s23  }
0x4ad: {  	p0 =	sne.s32 s23, s20  }
.Ltmp71:
0x4ae: {  	_ = 	snop;
	(pc) =	sbr.rel @!p0 .LBB2_65-.Ltmp71, $1  }
0x4af: {  	_ =	sdelay $0x3  }
.LBB2_60:
0x4b0: {  	v7 =	vmov s23;
	_ =	sdelay $0x4  }
0x4b1: {  	v7 =	vld.idx.msk [tilespmem:v7+s26+$0x0], $0xffff;
	_ =	sdelay $0x4  }
0x4b2: {  	v8 =	vshll.u32 v7, $0x2  }
0x4b3: {  	v9 =	vand.u32 $0x7F, v7;
	v8 =	vand.u32 $0xFFFFFE00, v8  }
0x4b4: {  	v7 =	vand.u32 $0xFF, v7;
	v8 =	vor.u32 v8, v9  }
0x4b5: {  	v9 =	vor.u32 $0x80, v8;
	_ =	sdelay $0x2  }
0x4b6: {  	vm1 =	vmmov $0xffff  }
0x4b7: {  	[tilespmem:s28], [sflag:$0x1] =	stream.indirect_vreg.gather [hbm4b:s11+s2], $0x80, v7, vm1, $0xb8;
	[tilespmem:$0xF600] =	vst v63  }
0x4b8: {  	v8 =	vld.idx.msk [tilespmem:v9+s18+$0x0], $0xffff;
	_ =	sdelay $0x4  }
0x4b9: {  	vm1 =	veq.s32 v5, v8  }
0x4ba: {  	v7 =	vld.idx.msk [tilespmem:v9+s19+$0x0], $0xffff;
	_ =	swait.ge [sflag:s25], $0x800;
	v9 =	vsel vm1, $0x3F800000, v2  }
0x4bb: {  	(xrf0) =	vmax.scan.msk.f32 $0xffff, v9;
	_ =	sdelay $0x5  }
0x4bc: {  	v9, _, _ =	vpop (xrf0)  }
0x4bd: {  	(v2sf) =	vpush v9, $0xF;
	_ =	sdelay $0xe  }
0x4be: {  	s24 =	spop (v2sf)  }
0x4bf: {  	p0 =	sgt.f32 s24, $0.0e+00  }
.Ltmp72:
0x4c0: {  	_ = 	snop;
	(pc) =	sbr.rel @!p0 .LBB2_62-.Ltmp72, $3  }
0x4c1: {  	_ =	sdelay $0x1  }
0x4c2: {  	[sflag:s25] =	ssyncset.done $0x0  }
0x4c3: {  	[sflag:s25] =	ssyncadd.s32 $0xFFFFF800  }
.LBB2_61:
0x4c4: {  	v9 =	vmctz.xlane vm1;
	_ =	sdelay $0x1  }
0x4c5: {  	v9 =	vxor.u32 $0x80000000, v9  }
0x4c6: {  	(xrf0) =	vmax.scan.msk.u32 $0xffff, v9;
	_ =	sdelay $0x5  }
0x4c7: {  	v9, _, _ =	vpop (xrf0)  }
0x4c8: {  	(v2sf) =	vpush v9, $0xF;
	_ =	sdelay $0xe  }
0x4c9: {  	s24 =	spop (v2sf)  }
0x4ca: {  	s29 =	sshll.u32 s24, $0xB  }
0x4cb: {  	v10 =	vld [tilespmem:$0xEC80];
	s29 =	sshra.s32 s29, $0x2  }
0x4cc: {  	v9 =	vld [tilespmem:s29+$0xA000]  }
0x4cd: {  	v12 =	vld [tilespmem:$0xEC90]  }
0x4ce: {  	v11 =	vld [tilespmem:s29+$0xA010]  }
0x4cf: {  	v14 =	vld [tilespmem:$0xECA0]  }
0x4d0: {  	v13 =	vld [tilespmem:s29+$0xA020]  }
0x4d1: {  	v15 =	vld [tilespmem:$0xECB0];
	v9 =	vmul.f32 v10, v9  }
0x4d2: {  	v10 =	vld [tilespmem:s29+$0xA030]  }
0x4d3: {  	v16 =	vld [tilespmem:$0xECC0];
	v11 =	vmul.f32 v12, v11;
	v9 =	vadd.f32 $0.0e+00, v9  }
0x4d4: {  	v57 =	vld [tilespmem:s29+$0xA040]  }
0x4d5: {  	v59 =	vld [tilespmem:$0xECD0];
	v9 =	vadd.f32 v11, v9;
	v11 =	vmul.f32 v14, v13  }
0x4d6: {  	v58 =	vld [tilespmem:s29+$0xA050]  }
0x4d7: {  	v60 =	vld [tilespmem:$0xECE0];
	v10 =	vmul.f32 v15, v10;
	v9 =	vadd.f32 v11, v9  }
0x4d8: {  	s24 =	sxor.u32 $0x80000000, s24;
	v11 =	vld [tilespmem:s29+$0xA060]  }
0x4d9: {  	v62 =	vld [tilespmem:$0xECF0];
	v17 =	vmov s24;
	v9 =	vadd.f32 v10, v9;
	v10 =	vmul.f32 v16, v57  }
0x4da: {  	v61 =	vld [tilespmem:s29+$0xA070];
	vm2 =	vne.s32 v17, v3  }
0x4db: {  	vm1 =	vmand vm1, vm2;
	v9 =	vadd.f32 v10, v9;
	v10 =	vmul.f32 v59, v58  }
0x4dc: {  	v63 =	vsel vm1, $0x3F800000, v2  }
0x4dd: {  	(xrf0) =	vmax.scan.msk.f32 $0xffff, v63;
	v9 =	vadd.f32 v10, v9;
	v10 =	vmul.f32 v60, v11;
	_ =	sdelay $0x1  }
0x4de: {  	v9 =	vadd.f32 v10, v9;
	v10 =	vmul.f32 v62, v61;
	_ =	sdelay $0x3  }
0x4df: {  	v9 =	vadd.f32 v10, v9;
	v10, _, _ =	vpop (xrf0)  }
0x4e0: {  	(v2sf) =	vpush v10, $0xF;
	_ =	sdelay $0x2  }
0x4e1: {  	(xrf2) =	vadd.scan.msk.f32 $0xffff, v9;
	_ =	sdelay $0x9  }
0x4e2: {  	v10 =	vld [tilespmem:$0xF480];
	v9, _, _ =	vpop (xrf2)  }
0x4e3: {  	v9 =	vbroadcast v9, $0xF  }
0x4e4: {  	v11 =	vld [tilespmem:$0xF500];
	s29 =	spop (v2sf)  }
0x4e5: {  	v9 =	vmul.f32 v9, v7;
	p0 =	sgt.f32 s29, $0.0e+00  }
.Ltmp73:
0x4e6: {  	_ = 	snop;
	(pc) =	sbr.rel @p0 .LBB2_61-.Ltmp73, $4  }
0x4e7: {  	vm2 =	veq.s32 v17, v3;
	v9 =	vmax.f32 v10, v9  }
0x4e8: {  	v9 =	vsel vm2, v9, v10;
	v10 =	vsel vm2, $0x1, v0  }
0x4e9: {  	[tilespmem:$0xF480] =	vst v9;
	v9 =	vadd.s32 v10, v11  }
0x4ea: {  	[tilespmem:$0xF500] =	vst v9  }
.LBB2_62:
0x4eb: {  	vm1 =	veq.s32 v6, v8  }
0x4ec: {  	v8 =	vsel vm1, $0x3F800000, v2  }
0x4ed: {  	(xrf0) =	vmax.scan.msk.f32 $0xffff, v8;
	_ =	sdelay $0x5  }
0x4ee: {  	v8, _, _ =	vpop (xrf0)  }
0x4ef: {  	(v2sf) =	vpush v8, $0xF;
	_ =	sdelay $0xe  }
0x4f0: {  	s24 =	spop (v2sf)  }
0x4f1: {  	p0 =	sgt.f32 s24, $0.0e+00  }
.Ltmp74:
0x4f2: {  	_ = 	snop;
	(pc) =	sbr.rel @!p0 .LBB2_64-.Ltmp74, $1  }
0x4f3: {  	_ =	sdelay $0x3  }
.LBB2_63:
0x4f4: {  	v8 =	vmctz.xlane vm1;
	_ =	sdelay $0x1  }
0x4f5: {  	v8 =	vxor.u32 $0x80000000, v8  }
0x4f6: {  	(xrf0) =	vmax.scan.msk.u32 $0xffff, v8;
	_ =	sdelay $0x5  }
0x4f7: {  	v8, _, _ =	vpop (xrf0)  }
0x4f8: {  	(v2sf) =	vpush v8, $0xF;
	_ =	sdelay $0xe  }
0x4f9: {  	s24 =	spop (v2sf)  }
0x4fa: {  	s29 =	sshll.u32 s24, $0xB  }
0x4fb: {  	v9 =	vld [tilespmem:$0xEC80];
	s29 =	sshra.s32 s29, $0x2  }
0x4fc: {  	v8 =	vld [tilespmem:s29+$0xC000]  }
0x4fd: {  	v11 =	vld [tilespmem:$0xEC90]  }
0x4fe: {  	v10 =	vld [tilespmem:s29+$0xC010]  }
0x4ff: {  	v13 =	vld [tilespmem:$0xECA0]  }
0x500: {  	v12 =	vld [tilespmem:s29+$0xC020]  }
0x501: {  	v14 =	vld [tilespmem:$0xECB0];
	v8 =	vmul.f32 v9, v8  }
0x502: {  	v46 =	vld [tilespmem:s29+$0xC030]  }
0x503: {  	v15 =	vld [tilespmem:$0xECC0];
	v10 =	vmul.f32 v11, v10;
	v8 =	vadd.f32 $0.0e+00, v8  }
0x504: {  	s24 =	sxor.u32 $0x80000000, s24;
	v47 =	vld [tilespmem:s29+$0xC040]  }
0x505: {  	v50 =	vld [tilespmem:$0xECD0];
	v16 =	vmov s24;
	v48 =	vmul.f32 v13, v12;
	v8 =	vadd.f32 v10, v8  }
0x506: {  	v49 =	vld [tilespmem:s29+$0xC050];
	vm2 =	vne.s32 v16, v3  }
0x507: {  	v52 =	vld [tilespmem:$0xECE0];
	vm1 =	vmand vm1, vm2;
	v9 =	vmul.f32 v14, v46;
	v8 =	vadd.f32 v48, v8  }
0x508: {  	v51 =	vld [tilespmem:s29+$0xC060];
	v57 =	vsel vm1, $0x3F800000, v2  }
0x509: {  	v55 =	vld [tilespmem:$0xECF0];
	(xrf0) =	vmax.scan.msk.f32 $0xffff, v57;
	v53 =	vmul.f32 v15, v47;
	v8 =	vadd.f32 v9, v8  }
0x50a: {  	v54 =	vld [tilespmem:s29+$0xC070]  }
0x50b: {  	v56 =	vmul.f32 v50, v49;
	v8 =	vadd.f32 v53, v8;
	_ =	sdelay $0x1  }
0x50c: {  	v58 =	vmul.f32 v52, v51;
	v8 =	vadd.f32 v56, v8;
	_ =	sdelay $0x1  }
0x50d: {  	v59 =	vmul.f32 v55, v54;
	v60, _, _ =	vpop (xrf0);
	v8 =	vadd.f32 v58, v8  }
0x50e: {  	(v2sf) =	vpush v60, $0xF  }
0x50f: {  	v8 =	vadd.f32 v59, v8;
	_ =	sdelay $0x1  }
0x510: {  	(xrf2) =	vadd.scan.msk.f32 $0xffff, v8;
	_ =	sdelay $0x9  }
0x511: {  	v61 =	vld [tilespmem:$0xF490];
	v8, _, _ =	vpop (xrf2)  }
0x512: {  	v8 =	vbroadcast v8, $0xF  }
0x513: {  	v62 =	vld [tilespmem:$0xF510];
	s29 =	spop (v2sf)  }
0x514: {  	p0 =	sgt.f32 s29, $0.0e+00;
	v8 =	vmul.f32 v8, v7  }
.Ltmp75:
0x515: {  	_ = 	snop;
	(pc) =	sbr.rel @p0 .LBB2_63-.Ltmp75, $4  }
0x516: {  	vm2 =	veq.s32 v16, v3;
	v8 =	vmax.f32 v61, v8  }
0x517: {  	v63 =	vsel vm2, $0x1, v0;
	v8 =	vsel vm2, v8, v61  }
0x518: {  	[tilespmem:$0xF490] =	vst v8;
	v8 =	vadd.s32 v63, v62  }
0x519: {  	[tilespmem:$0xF510] =	vst v8  }
.Ltmp76:
0x51a: {  	_ = 	snop;
	(pc) =	sbr.rel .LBB2_64-.Ltmp76, $1  }
0x51b: {  	_ =	sdelay $0x3  }
.LBB2_90:
0x51c: {  	v16 =	vmul.f32 v21, v16;
	_ =	sdelay $0x1  }
0x51d: {  	v17 =	vmul.f32 v22, v17;
	v16 =	vadd.f32 $0.0e+00, v16;
	_ =	sdelay $0x1  }
0x51e: {  	v52 =	vmul.f32 v23, v18;
	v16 =	vadd.f32 v17, v16;
	_ =	sdelay $0x1  }
0x51f: {  	v53 =	vmul.f32 v24, v19;
	v16 =	vadd.f32 v52, v16;
	_ =	sdelay $0x1  }
0x520: {  	v54 =	vmul.f32 v27, v25;
	v16 =	vadd.f32 v53, v16;
	_ =	sdelay $0x1  }
0x521: {  	v55 =	vmul.f32 v29, v28;
	v16 =	vadd.f32 v54, v16  }
0x522: {  	vm1 =	vlt.s32 v13, $0x500;
	v56 =	vmax.f32 v11, $0.0e+00  }
0x523: {  	v58 =	vmul.f32 v26, v20;
	v59 =	vmax.f32 v9, $0.0e+00;
	v57 =	vadd.f32 v55, v16  }
0x524: {  	v61 =	vmul.f32 v15, v14;
	v11 =	vsel vm1, v56, v11;
	vm1 =	vlt.s32 v12, $0x500  }
0x525: {  	v10 =	vmul.f32 v11, v10;
	v9 =	vsel vm1, v59, v9;
	v60 =	vadd.f32 v58, v57  }
0x526: {  	v8 =	vmul.f32 v9, v8  }
0x527: {  	(xrf2) =	vadd.scan.msk.f32 $0xffff, v10;
	v62 =	vadd.f32 v61, v60  }
0x528: {  	(xrf2) =	vadd.scan.msk.f32 $0xffff, v8  }
0x529: {  	(xrf2) =	vadd.scan.msk.f32 $0xffff, v62;
	_ =	sdelay $0x7  }
0x52a: {  	v8, _, _ =	vpop (xrf2)  }
0x52b: {  	v63, _, _ =	vpop (xrf2);
	(v2sf) =	vpush v8, $0xF  }
0x52c: {  	(v2sf) =	vpush v63, $0xF;
	v8, _, _ =	vpop (xrf2)  }
0x52d: {  	(v2sf) =	vpush v8, $0xF;
	_ =	sdelay $0x9  }
0x52e: {  	p0 =	slt.s32 s20, $0x1  }
.Ltmp77:
0x52f: {  	_ = 	snop;
	(pc) =	sbr.rel @!p0 .LBB2_91-.Ltmp77, $4  }
0x530: {  	[tilespmem:$0xF480] =	vst v4  }
0x531: {  	[tilespmem:$0xF500] =	vst v0;
	s22 =	spop (v2sf)  }
0x532: {  	[tilespmem:$0xF490] =	vst v4;
	s21 =	spop (v2sf)  }
0x533: {  	[tilespmem:$0xF510] =	vst v0;
	s23 =	simm.s32 $0x0;
	s0 =	spop (v2sf)  }
.LBB2_96:
0x534: {  	v11 =	vld [tilespmem:$0xF480]  }
0x535: {  	v13 =	vld [tilespmem:$0xF500]  }
0x536: {  	v10 =	vld [tilespmem:$0xE280]  }
0x537: {  	v9 =	vld [tilespmem:$0xF490]  }
0x538: {  	v12 =	vld [tilespmem:$0xF510];
	s20 =	simm.s32 $0x0  }
0x539: {  	v8 =	vld [tilespmem:$0xE290];
	[tilespmem:v5+s20+$0x0] =	vst.idx.msk $0xffff, v0  }
0x53a: {  	[tilespmem:v6+s20+$0x0] =	vst.idx.msk $0xffff, v0  }
0x53b: {  	v6 =	vld [tilespmem:$0xE100]  }
0x53c: {  	v5 =	vld [tilespmem:$0xE110];
	_ =	sdelay $0x6  }
0x53d: {  	[tilespmem:v6+s20+$0x0] =	vst.idx.msk $0xffff, v1  }
0x53e: {  	[tilespmem:v5+s20+$0x0] =	vst.idx.msk $0xffff, v1  }
0x53f: {  	v17 =	vld [tilespmem:$0xE500]  }
0x540: {  	v22 =	vld [tilespmem:$0xE700]  }
0x541: {  	v18 =	vld [tilespmem:$0xE510]  }
0x542: {  	v23 =	vld [tilespmem:$0xE710]  }
0x543: {  	v19 =	vld [tilespmem:$0xE520]  }
0x544: {  	v24 =	vld [tilespmem:$0xE720]  }
0x545: {  	v20 =	vld [tilespmem:$0xE530]  }
0x546: {  	v25 =	vld [tilespmem:$0xE730]  }
0x547: {  	v21 =	vld [tilespmem:$0xE540]  }
0x548: {  	s22 =	sadd.f32 $0.0e+00, s22;
	v28 =	vld [tilespmem:$0xE740]  }
0x549: {  	v26 =	vld [tilespmem:$0xE550]  }
.Ltmp78:
0x54a: {  	s21 =	sadd.f32 s21, s22;
	v29 =	vld [tilespmem:$0xE750];
	(pc) =	sbr.rel .LBB2_97-.Ltmp78, $4  }
0x54b: {  	v15 =	vld [tilespmem:$0xE560]  }
0x54c: {  	s1 =	sadd.f32 s21, s1;
	v27 =	vld [tilespmem:$0xE760]  }
0x54d: {  	vm1 =	veq.s32 v3, $0x1;
	v14 =	vld [tilespmem:$0xE570]  }
0x54e: {  	v7 =	vsel vm1, s1, v7;
	s1 =	simm.s32 $0x0;
	v16 =	vld [tilespmem:$0xE770]  }
.LBB2_120:
0x54f: {  	s1 =	sadd.s32 $0x1, s1  }
0x550: {  	p0 =	sne.s32 s1, $0xA  }
.Ltmp79:
0x551: {  	_ = 	snop;
	(pc) =	sbr.rel @!p0 .LBB2_121-.Ltmp79, $1  }
0x552: {  	_ =	sdelay $0x3  }
.LBB2_97:
0x553: {  	s21 =	sshll.u32 s1, $0x9  }
0x554: {  	s21 =	sand.u32 $0x3FFFFE00, s21  }
0x555: {  	v30 =	vld [tilespmem:s21+$0x7960]  }
0x556: {  	v32 =	vld [tilespmem:s21+$0x7970]  }
0x557: {  	v33 =	vld [tilespmem:s21+$0x7950]  }
0x558: {  	v34 =	vld [tilespmem:s21+$0x7940]  }
0x559: {  	v35 =	vld [tilespmem:s21+$0x7930]  }
0x55a: {  	v36 =	vld [tilespmem:s21+$0x7920]  }
0x55b: {  	v37 =	vld [tilespmem:s21+$0x7910]  }
0x55c: {  	v38 =	vld [tilespmem:s21+$0x7900]  }
0x55d: {  	v31 =	vld.idx.msk [tilespmem:v30+s2+$0x0], $0xffff  }
0x55e: {  	v30 =	vld.idx.msk [tilespmem:v32+s2+$0x0], $0xffff  }
0x55f: {  	v32 =	vld.idx.msk [tilespmem:v33+s2+$0x0], $0xffff  }
0x560: {  	v33 =	vld.idx.msk [tilespmem:v34+s2+$0x0], $0xffff  }
0x561: {  	v34 =	vld.idx.msk [tilespmem:v35+s2+$0x0], $0xffff  }
0x562: {  	v35 =	vld.idx.msk [tilespmem:v36+s2+$0x0], $0xffff  }
0x563: {  	v36 =	vld.idx.msk [tilespmem:v37+s2+$0x0], $0xffff;
	vm2 =	veq.s32 v31, $0x1;
	vm1 =	veq.s32 v30, $0x1  }
0x564: {  	v37 =	vld.idx.msk [tilespmem:v38+s2+$0x0], $0xffff;
	vm3 =	veq.s32 v32, $0x1;
	vm5 =	vmor vm2, vm1  }
0x565: {  	vm4 =	veq.s32 v33, $0x1;
	vm6 =	vmor vm3, vm5  }
0x566: {  	vm5 =	veq.s32 v34, $0x1;
	vm7 =	vmor vm4, vm6  }
0x567: {  	vm6 =	veq.s32 v35, $0x1;
	vm8 =	vmor vm5, vm7  }
0x568: {  	vm7 =	veq.s32 v36, $0x1;
	vm9 =	vmor vm6, vm8  }
0x569: {  	vm8 =	veq.s32 v37, $0x1;
	vm9 =	vmor vm7, vm9  }
0x56a: {  	vm9 =	vmor vm8, vm9  }
0x56b: {  	v63 =	vsel vm9, $0x3F800000, v2  }
0x56c: {  	(xrf0) =	vmax.scan.msk.f32 $0xffff, v63;
	_ =	sdelay $0x5  }
0x56d: {  	v38, _, _ =	vpop (xrf0)  }
0x56e: {  	(v2sf) =	vpush v38, $0xF;
	_ =	sdelay $0xe  }
0x56f: {  	s29 =	spop (v2sf)  }
0x570: {  	p0 =	sgt.f32 s29, $0.0e+00  }
.Ltmp80:
0x571: {  	_ = 	snop;
	(pc) =	sbr.rel @!p0 .LBB2_120-.Ltmp80, $1  }
0x572: {  	_ =	sdelay $0x3  }
0x573: {  	vm9 =	veq.s32 v37, $0x1  }
0x574: {  	v37 =	vsel vm9, $0x3F800000, v2  }
0x575: {  	(xrf0) =	vmax.scan.msk.f32 $0xffff, v37;
	_ =	sdelay $0x5  }
0x576: {  	v37, _, _ =	vpop (xrf0)  }
0x577: {  	(v2sf) =	vpush v37, $0xF;
	_ =	sdelay $0xe  }
0x578: {  	s21 =	spop (v2sf)  }
0x579: {  	p0 =	sgt.f32 s21, $0.0e+00  }
.Ltmp81:
0x57a: {  	_ = 	snop;
	(pc) =	sbr.rel @!p0 .LBB2_99-.Ltmp81, $2  }
0x57b: {  	_ =	sdelay $0x2  }
0x57c: {  	s21 =	sshll.u32 s1, $0x7  }
.LBB2_132:
0x57d: {  	v37 =	vmctz.xlane vm8;
	_ =	sdelay $0x1  }
0x57e: {  	v37 =	vxor.u32 $0x80000000, v37  }
0x57f: {  	(xrf0) =	vmax.scan.msk.u32 $0xffff, v37;
	_ =	sdelay $0x5  }
0x580: {  	v37, _, _ =	vpop (xrf0)  }
0x581: {  	(v2sf) =	vpush v37, $0xF;
	_ =	sdelay $0xe  }
0x582: {  	s22 =	spop (v2sf)  }
0x583: {  	s22 =	sxor.u32 $0x80000000, s22  }
0x584: {  	v61 =	vmov s22  }
0x585: {  	vm9 =	vne.s32 v61, v3  }
0x586: {  	vm8 =	vmand vm8, vm9  }
0x587: {  	v62 =	vsel vm8, $0x3F800000, v2  }
0x588: {  	(xrf0) =	vmax.scan.msk.f32 $0xffff, v62;
	_ =	sdelay $0x5  }
0x589: {  	v37, _, _ =	vpop (xrf0)  }
0x58a: {  	(v2sf) =	vpush v37, $0xF;
	_ =	sdelay $0xe  }
0x58b: {  	s23 =	spop (v2sf)  }
0x58c: {  	v63 =	vmov s20;
	p0 =	sgt.f32 s23, $0.0e+00  }
.Ltmp82:
0x58d: {  	_ = 	snop;
	(pc) =	sbr.rel @p0 .LBB2_132-.Ltmp82, $4  }
0x58e: {  	_ = 	snop  }
0x58f: {  	s22 =	sadd.s32 s21, s22  }
0x590: {  	v38 =	vmov s22  }
0x591: {  	s20 =	sadd.s32 $0x1, s20;
	[tilespmem:v63+s26+$0x0] =	vst.idx.msk $0x1, v38  }
.LBB2_99:
0x592: {  	vm8 =	veq.s32 v36, $0x1  }
0x593: {  	v36 =	vsel vm8, $0x3F800000, v2  }
0x594: {  	(xrf0) =	vmax.scan.msk.f32 $0xffff, v36;
	_ =	sdelay $0x5  }
0x595: {  	v36, _, _ =	vpop (xrf0)  }
0x596: {  	(v2sf) =	vpush v36, $0xF;
	_ =	sdelay $0xe  }
0x597: {  	s22 =	spop (v2sf)  }
0x598: {  	p0 =	sgt.f32 s22, $0.0e+00  }
.Ltmp83:
0x599: {  	_ = 	snop;
	(pc) =	sbr.rel @!p0 .LBB2_102-.Ltmp83, $1  }
0x59a: {  	_ =	sdelay $0x3  }
0x59b: {  	s22 =	sor.u32 $0x10, s21  }
.LBB2_101:
0x59c: {  	v36 =	vmctz.xlane vm7;
	_ =	sdelay $0x1  }
0x59d: {  	v36 =	vxor.u32 $0x80000000, v36  }
0x59e: {  	(xrf0) =	vmax.scan.msk.u32 $0xffff, v36;
	_ =	sdelay $0x5  }
0x59f: {  	v36, _, _ =	vpop (xrf0)  }
0x5a0: {  	(v2sf) =	vpush v36, $0xF;
	_ =	sdelay $0xe  }
0x5a1: {  	s23 =	spop (v2sf)  }
0x5a2: {  	s23 =	sxor.u32 $0x80000000, s23  }
0x5a3: {  	v61 =	vmov s23  }
0x5a4: {  	vm8 =	vne.s32 v61, v3  }
0x5a5: {  	vm7 =	vmand vm7, vm8  }
0x5a6: {  	v62 =	vsel vm7, $0x3F800000, v2  }
0x5a7: {  	(xrf0) =	vmax.scan.msk.f32 $0xffff, v62;
	_ =	sdelay $0x5  }
0x5a8: {  	v36, _, _ =	vpop (xrf0)  }
0x5a9: {  	(v2sf) =	vpush v36, $0xF;
	_ =	sdelay $0xe  }
0x5aa: {  	s24 =	spop (v2sf)  }
0x5ab: {  	v63 =	vmov s20;
	p0 =	sgt.f32 s24, $0.0e+00  }
.Ltmp84:
0x5ac: {  	_ = 	snop;
	(pc) =	sbr.rel @p0 .LBB2_101-.Ltmp84, $4  }
0x5ad: {  	_ = 	snop  }
0x5ae: {  	s23 =	sadd.s32 s23, s22  }
0x5af: {  	v37 =	vmov s23  }
0x5b0: {  	s20 =	sadd.s32 $0x1, s20;
	[tilespmem:v63+s26+$0x0] =	vst.idx.msk $0x1, v37  }
.LBB2_102:
0x5b1: {  	vm7 =	veq.s32 v35, $0x1  }
0x5b2: {  	v35 =	vsel vm7, $0x3F800000, v2  }
0x5b3: {  	(xrf0) =	vmax.scan.msk.f32 $0xffff, v35;
	_ =	sdelay $0x5  }
0x5b4: {  	v35, _, _ =	vpop (xrf0)  }
0x5b5: {  	(v2sf) =	vpush v35, $0xF;
	_ =	sdelay $0xe  }
0x5b6: {  	s22 =	spop (v2sf)  }
0x5b7: {  	p0 =	sgt.f32 s22, $0.0e+00  }
.Ltmp85:
0x5b8: {  	_ = 	snop;
	(pc) =	sbr.rel @!p0 .LBB2_105-.Ltmp85, $1  }
0x5b9: {  	_ =	sdelay $0x3  }
0x5ba: {  	s22 =	sor.u32 $0x20, s21  }
.LBB2_104:
0x5bb: {  	v35 =	vmctz.xlane vm6;
	_ =	sdelay $0x1  }
0x5bc: {  	v35 =	vxor.u32 $0x80000000, v35  }
0x5bd: {  	(xrf0) =	vmax.scan.msk.u32 $0xffff, v35;
	_ =	sdelay $0x5  }
0x5be: {  	v35, _, _ =	vpop (xrf0)  }
0x5bf: {  	(v2sf) =	vpush v35, $0xF;
	_ =	sdelay $0xe  }
0x5c0: {  	s23 =	spop (v2sf)  }
0x5c1: {  	s23 =	sxor.u32 $0x80000000, s23  }
0x5c2: {  	v61 =	vmov s23  }
0x5c3: {  	vm7 =	vne.s32 v61, v3  }
0x5c4: {  	vm6 =	vmand vm6, vm7  }
0x5c5: {  	v62 =	vsel vm6, $0x3F800000, v2  }
0x5c6: {  	(xrf0) =	vmax.scan.msk.f32 $0xffff, v62;
	_ =	sdelay $0x5  }
0x5c7: {  	v35, _, _ =	vpop (xrf0)  }
0x5c8: {  	(v2sf) =	vpush v35, $0xF;
	_ =	sdelay $0xe  }
0x5c9: {  	s24 =	spop (v2sf)  }
0x5ca: {  	v63 =	vmov s20;
	p0 =	sgt.f32 s24, $0.0e+00  }
.Ltmp86:
0x5cb: {  	_ = 	snop;
	(pc) =	sbr.rel @p0 .LBB2_104-.Ltmp86, $4  }
0x5cc: {  	_ = 	snop  }
0x5cd: {  	s23 =	sadd.s32 s23, s22  }
0x5ce: {  	v36 =	vmov s23  }
0x5cf: {  	s20 =	sadd.s32 $0x1, s20;
	[tilespmem:v63+s26+$0x0] =	vst.idx.msk $0x1, v36  }
.LBB2_105:
0x5d0: {  	vm6 =	veq.s32 v34, $0x1  }
0x5d1: {  	v34 =	vsel vm6, $0x3F800000, v2  }
0x5d2: {  	(xrf0) =	vmax.scan.msk.f32 $0xffff, v34;
	_ =	sdelay $0x5  }
0x5d3: {  	v34, _, _ =	vpop (xrf0)  }
0x5d4: {  	(v2sf) =	vpush v34, $0xF;
	_ =	sdelay $0xe  }
0x5d5: {  	s22 =	spop (v2sf)  }
0x5d6: {  	p0 =	sgt.f32 s22, $0.0e+00  }
.Ltmp87:
0x5d7: {  	_ = 	snop;
	(pc) =	sbr.rel @!p0 .LBB2_108-.Ltmp87, $1  }
0x5d8: {  	_ =	sdelay $0x3  }
0x5d9: {  	s22 =	sor.u32 $0x30, s21  }
.LBB2_107:
0x5da: {  	v34 =	vmctz.xlane vm5;
	_ =	sdelay $0x1  }
0x5db: {  	v34 =	vxor.u32 $0x80000000, v34  }
0x5dc: {  	(xrf0) =	vmax.scan.msk.u32 $0xffff, v34;
	_ =	sdelay $0x5  }
0x5dd: {  	v34, _, _ =	vpop (xrf0)  }
0x5de: {  	(v2sf) =	vpush v34, $0xF;
	_ =	sdelay $0xe  }
0x5df: {  	s23 =	spop (v2sf)  }
0x5e0: {  	s23 =	sxor.u32 $0x80000000, s23  }
0x5e1: {  	v61 =	vmov s23  }
0x5e2: {  	vm6 =	vne.s32 v61, v3  }
0x5e3: {  	vm5 =	vmand vm5, vm6  }
0x5e4: {  	v62 =	vsel vm5, $0x3F800000, v2  }
0x5e5: {  	(xrf0) =	vmax.scan.msk.f32 $0xffff, v62;
	_ =	sdelay $0x5  }
0x5e6: {  	v34, _, _ =	vpop (xrf0)  }
0x5e7: {  	(v2sf) =	vpush v34, $0xF;
	_ =	sdelay $0xe  }
0x5e8: {  	s24 =	spop (v2sf)  }
0x5e9: {  	v63 =	vmov s20;
	p0 =	sgt.f32 s24, $0.0e+00  }
.Ltmp88:
0x5ea: {  	_ = 	snop;
	(pc) =	sbr.rel @p0 .LBB2_107-.Ltmp88, $4  }
0x5eb: {  	_ = 	snop  }
0x5ec: {  	s23 =	sadd.s32 s23, s22  }
0x5ed: {  	v35 =	vmov s23  }
0x5ee: {  	s20 =	sadd.s32 $0x1, s20;
	[tilespmem:v63+s26+$0x0] =	vst.idx.msk $0x1, v35  }
.LBB2_108:
0x5ef: {  	vm5 =	veq.s32 v33, $0x1  }
0x5f0: {  	v33 =	vsel vm5, $0x3F800000, v2  }
0x5f1: {  	(xrf0) =	vmax.scan.msk.f32 $0xffff, v33;
	_ =	sdelay $0x5  }
0x5f2: {  	v33, _, _ =	vpop (xrf0)  }
0x5f3: {  	(v2sf) =	vpush v33, $0xF;
	_ =	sdelay $0xe  }
0x5f4: {  	s22 =	spop (v2sf)  }
0x5f5: {  	p0 =	sgt.f32 s22, $0.0e+00  }
.Ltmp89:
0x5f6: {  	_ = 	snop;
	(pc) =	sbr.rel @!p0 .LBB2_111-.Ltmp89, $1  }
0x5f7: {  	_ =	sdelay $0x3  }
0x5f8: {  	s22 =	sor.u32 $0x40, s21  }
.LBB2_110:
0x5f9: {  	v33 =	vmctz.xlane vm4;
	_ =	sdelay $0x1  }
0x5fa: {  	v33 =	vxor.u32 $0x80000000, v33  }
0x5fb: {  	(xrf0) =	vmax.scan.msk.u32 $0xffff, v33;
	_ =	sdelay $0x5  }
0x5fc: {  	v33, _, _ =	vpop (xrf0)  }
0x5fd: {  	(v2sf) =	vpush v33, $0xF;
	_ =	sdelay $0xe  }
0x5fe: {  	s23 =	spop (v2sf)  }
0x5ff: {  	s23 =	sxor.u32 $0x80000000, s23  }
0x600: {  	v61 =	vmov s23  }
0x601: {  	vm5 =	vne.s32 v61, v3  }
0x602: {  	vm4 =	vmand vm4, vm5  }
0x603: {  	v62 =	vsel vm4, $0x3F800000, v2  }
0x604: {  	(xrf0) =	vmax.scan.msk.f32 $0xffff, v62;
	_ =	sdelay $0x5  }
0x605: {  	v33, _, _ =	vpop (xrf0)  }
0x606: {  	(v2sf) =	vpush v33, $0xF;
	_ =	sdelay $0xe  }
0x607: {  	s24 =	spop (v2sf)  }
0x608: {  	v63 =	vmov s20;
	p0 =	sgt.f32 s24, $0.0e+00  }
.Ltmp90:
0x609: {  	_ = 	snop;
	(pc) =	sbr.rel @p0 .LBB2_110-.Ltmp90, $4  }
0x60a: {  	_ = 	snop  }
0x60b: {  	s23 =	sadd.s32 s23, s22  }
0x60c: {  	v34 =	vmov s23  }
0x60d: {  	s20 =	sadd.s32 $0x1, s20;
	[tilespmem:v63+s26+$0x0] =	vst.idx.msk $0x1, v34  }
.LBB2_111:
0x60e: {  	vm4 =	veq.s32 v32, $0x1  }
0x60f: {  	v32 =	vsel vm4, $0x3F800000, v2  }
0x610: {  	(xrf0) =	vmax.scan.msk.f32 $0xffff, v32;
	_ =	sdelay $0x5  }
0x611: {  	v32, _, _ =	vpop (xrf0)  }
0x612: {  	(v2sf) =	vpush v32, $0xF;
	_ =	sdelay $0xe  }
0x613: {  	s22 =	spop (v2sf)  }
0x614: {  	p0 =	sgt.f32 s22, $0.0e+00  }
.Ltmp91:
0x615: {  	_ = 	snop;
	(pc) =	sbr.rel @!p0 .LBB2_114-.Ltmp91, $1  }
0x616: {  	_ =	sdelay $0x3  }
0x617: {  	s22 =	sor.u32 $0x50, s21  }
.LBB2_113:
0x618: {  	v32 =	vmctz.xlane vm3;
	_ =	sdelay $0x1  }
0x619: {  	v32 =	vxor.u32 $0x80000000, v32  }
0x61a: {  	(xrf0) =	vmax.scan.msk.u32 $0xffff, v32;
	_ =	sdelay $0x5  }
0x61b: {  	v32, _, _ =	vpop (xrf0)  }
0x61c: {  	(v2sf) =	vpush v32, $0xF;
	_ =	sdelay $0xe  }
0x61d: {  	s23 =	spop (v2sf)  }
0x61e: {  	s23 =	sxor.u32 $0x80000000, s23  }
0x61f: {  	v61 =	vmov s23  }
0x620: {  	vm4 =	vne.s32 v61, v3  }
0x621: {  	vm3 =	vmand vm3, vm4  }
0x622: {  	v62 =	vsel vm3, $0x3F800000, v2  }
0x623: {  	(xrf0) =	vmax.scan.msk.f32 $0xffff, v62;
	_ =	sdelay $0x5  }
0x624: {  	v32, _, _ =	vpop (xrf0)  }
0x625: {  	(v2sf) =	vpush v32, $0xF;
	_ =	sdelay $0xe  }
0x626: {  	s24 =	spop (v2sf)  }
0x627: {  	v63 =	vmov s20;
	p0 =	sgt.f32 s24, $0.0e+00  }
.Ltmp92:
0x628: {  	_ = 	snop;
	(pc) =	sbr.rel @p0 .LBB2_113-.Ltmp92, $4  }
0x629: {  	_ = 	snop  }
0x62a: {  	s23 =	sadd.s32 s23, s22  }
0x62b: {  	v33 =	vmov s23  }
0x62c: {  	s20 =	sadd.s32 $0x1, s20;
	[tilespmem:v63+s26+$0x0] =	vst.idx.msk $0x1, v33  }
.LBB2_114:
0x62d: {  	vm3 =	veq.s32 v31, $0x1  }
0x62e: {  	v31 =	vsel vm3, $0x3F800000, v2  }
0x62f: {  	(xrf0) =	vmax.scan.msk.f32 $0xffff, v31;
	_ =	sdelay $0x5  }
0x630: {  	v31, _, _ =	vpop (xrf0)  }
0x631: {  	(v2sf) =	vpush v31, $0xF;
	_ =	sdelay $0xe  }
0x632: {  	s22 =	spop (v2sf)  }
0x633: {  	p0 =	sgt.f32 s22, $0.0e+00  }
.Ltmp93:
0x634: {  	_ = 	snop;
	(pc) =	sbr.rel @!p0 .LBB2_117-.Ltmp93, $1  }
0x635: {  	_ =	sdelay $0x3  }
0x636: {  	s22 =	sor.u32 $0x60, s21  }
.LBB2_116:
0x637: {  	v31 =	vmctz.xlane vm2;
	_ =	sdelay $0x1  }
0x638: {  	v31 =	vxor.u32 $0x80000000, v31  }
0x639: {  	(xrf0) =	vmax.scan.msk.u32 $0xffff, v31;
	_ =	sdelay $0x5  }
0x63a: {  	v31, _, _ =	vpop (xrf0)  }
0x63b: {  	(v2sf) =	vpush v31, $0xF;
	_ =	sdelay $0xe  }
0x63c: {  	s23 =	spop (v2sf)  }
0x63d: {  	s23 =	sxor.u32 $0x80000000, s23  }
0x63e: {  	v31 =	vmov s23  }
0x63f: {  	vm3 =	vne.s32 v31, v3  }
0x640: {  	vm2 =	vmand vm2, vm3  }
0x641: {  	v31 =	vsel vm2, $0x3F800000, v2  }
0x642: {  	(xrf0) =	vmax.scan.msk.f32 $0xffff, v31;
	_ =	sdelay $0x5  }
0x643: {  	v31, _, _ =	vpop (xrf0)  }
0x644: {  	(v2sf) =	vpush v31, $0xF;
	_ =	sdelay $0xe  }
0x645: {  	s24 =	spop (v2sf)  }
0x646: {  	v31 =	vmov s20;
	p0 =	sgt.f32 s24, $0.0e+00  }
.Ltmp94:
0x647: {  	_ = 	snop;
	(pc) =	sbr.rel @p0 .LBB2_116-.Ltmp94, $4  }
0x648: {  	_ = 	snop  }
0x649: {  	s23 =	sadd.s32 s23, s22  }
0x64a: {  	v32 =	vmov s23  }
0x64b: {  	s20 =	sadd.s32 $0x1, s20;
	[tilespmem:v31+s26+$0x0] =	vst.idx.msk $0x1, v32  }
.LBB2_117:
0x64c: {  	vm2 =	veq.s32 v30, $0x1  }
0x64d: {  	v30 =	vsel vm2, $0x3F800000, v2  }
0x64e: {  	(xrf0) =	vmax.scan.msk.f32 $0xffff, v30;
	_ =	sdelay $0x5  }
0x64f: {  	v30, _, _ =	vpop (xrf0)  }
0x650: {  	(v2sf) =	vpush v30, $0xF;
	_ =	sdelay $0xe  }
0x651: {  	s22 =	spop (v2sf)  }
0x652: {  	p0 =	sgt.f32 s22, $0.0e+00  }
.Ltmp95:
0x653: {  	_ = 	snop;
	(pc) =	sbr.rel @!p0 .LBB2_120-.Ltmp95, $1  }
0x654: {  	_ =	sdelay $0x3  }
0x655: {  	s21 =	sor.u32 $0x70, s21  }
.LBB2_119:
0x656: {  	v30 =	vmctz.xlane vm1;
	_ =	sdelay $0x1  }
0x657: {  	v30 =	vxor.u32 $0x80000000, v30  }
0x658: {  	(xrf0) =	vmax.scan.msk.u32 $0xffff, v30;
	_ =	sdelay $0x5  }
0x659: {  	v30, _, _ =	vpop (xrf0)  }
0x65a: {  	(v2sf) =	vpush v30, $0xF;
	_ =	sdelay $0xe  }
0x65b: {  	s22 =	spop (v2sf)  }
0x65c: {  	s22 =	sxor.u32 $0x80000000, s22  }
0x65d: {  	v30 =	vmov s22  }
0x65e: {  	vm2 =	vne.s32 v30, v3  }
0x65f: {  	vm1 =	vmand vm1, vm2  }
0x660: {  	v30 =	vsel vm1, $0x3F800000, v2  }
0x661: {  	(xrf0) =	vmax.scan.msk.f32 $0xffff, v30;
	_ =	sdelay $0x5  }
0x662: {  	v30, _, _ =	vpop (xrf0)  }
0x663: {  	(v2sf) =	vpush v30, $0xF;
	_ =	sdelay $0xe  }
0x664: {  	s23 =	spop (v2sf)  }
0x665: {  	v30 =	vmov s20;
	p0 =	sgt.f32 s23, $0.0e+00  }
.Ltmp96:
0x666: {  	_ = 	snop;
	(pc) =	sbr.rel @p0 .LBB2_119-.Ltmp96, $4  }
0x667: {  	_ = 	snop  }
0x668: {  	s22 =	sadd.s32 s22, s21  }
0x669: {  	v31 =	vmov s22  }
0x66a: {  	s20 =	sadd.s32 $0x1, s20;
	[tilespmem:v30+s26+$0x0] =	vst.idx.msk $0x1, v31  }
.Ltmp97:
0x66b: {  	_ = 	snop;
	(pc) =	sbr.rel .LBB2_120-.Ltmp97, $1  }
0x66c: {  	_ =	sdelay $0x3  }
.LBB2_95:
0x66d: {  	s23 =	sadd.s32 $0x1, s23  }
0x66e: {  	p0 =	sne.s32 s23, s20  }
.Ltmp98:
0x66f: {  	_ = 	snop;
	(pc) =	sbr.rel @!p0 .LBB2_96-.Ltmp98, $1  }
0x670: {  	_ =	sdelay $0x3  }
.LBB2_91:
0x671: {  	v8 =	vmov s23;
	_ =	sdelay $0x4  }
0x672: {  	v8 =	vld.idx.msk [tilespmem:v8+s26+$0x0], $0xffff;
	_ =	sdelay $0x4  }
0x673: {  	v9 =	vshll.u32 v8, $0x2  }
0x674: {  	v10 =	vand.u32 $0x7F, v8;
	v9 =	vand.u32 $0xFFFFFE00, v9  }
0x675: {  	v8 =	vand.u32 $0xFF, v8;
	v9 =	vor.u32 v9, v10  }
0x676: {  	v10 =	vor.u32 $0x100, v9;
	_ =	sdelay $0x2  }
0x677: {  	vm1 =	vmmov $0xffff  }
0x678: {  	[tilespmem:s28], [sflag:$0x1] =	stream.indirect_vreg.gather [hbm4b:s12+s2], $0x80, v8, vm1, $0xb8;
	[tilespmem:$0xF600] =	vst v63  }
0x679: {  	v9 =	vld.idx.msk [tilespmem:v10+s18+$0x0], $0xffff;
	_ =	sdelay $0x4  }
0x67a: {  	vm1 =	veq.s32 v5, v9  }
0x67b: {  	v8 =	vld.idx.msk [tilespmem:v10+s19+$0x0], $0xffff;
	_ =	swait.ge [sflag:s25], $0x800;
	v10 =	vsel vm1, $0x3F800000, v2  }
0x67c: {  	(xrf0) =	vmax.scan.msk.f32 $0xffff, v10;
	_ =	sdelay $0x5  }
0x67d: {  	v10, _, _ =	vpop (xrf0)  }
0x67e: {  	(v2sf) =	vpush v10, $0xF;
	_ =	sdelay $0xe  }
0x67f: {  	s24 =	spop (v2sf)  }
0x680: {  	p0 =	sgt.f32 s24, $0.0e+00  }
.Ltmp99:
0x681: {  	_ = 	snop;
	(pc) =	sbr.rel @!p0 .LBB2_93-.Ltmp99, $3  }
0x682: {  	_ =	sdelay $0x1  }
0x683: {  	[sflag:s25] =	ssyncset.done $0x0  }
0x684: {  	[sflag:s25] =	ssyncadd.s32 $0xFFFFF800  }
.LBB2_92:
0x685: {  	v10 =	vmctz.xlane vm1;
	_ =	sdelay $0x1  }
0x686: {  	v10 =	vxor.u32 $0x80000000, v10  }
0x687: {  	(xrf0) =	vmax.scan.msk.u32 $0xffff, v10;
	_ =	sdelay $0x5  }
0x688: {  	v10, _, _ =	vpop (xrf0)  }
0x689: {  	(v2sf) =	vpush v10, $0xF;
	_ =	sdelay $0xe  }
0x68a: {  	s24 =	spop (v2sf)  }
0x68b: {  	s29 =	sshll.u32 s24, $0xB  }
0x68c: {  	v11 =	vld [tilespmem:$0xEC80];
	s29 =	sshra.s32 s29, $0x2  }
0x68d: {  	v10 =	vld [tilespmem:s29+$0xA080]  }
0x68e: {  	v13 =	vld [tilespmem:$0xEC90]  }
0x68f: {  	v12 =	vld [tilespmem:s29+$0xA090]  }
0x690: {  	v15 =	vld [tilespmem:$0xECA0]  }
0x691: {  	v14 =	vld [tilespmem:s29+$0xA0A0]  }
0x692: {  	v16 =	vld [tilespmem:$0xECB0];
	v10 =	vmul.f32 v11, v10  }
0x693: {  	v11 =	vld [tilespmem:s29+$0xA0B0]  }
0x694: {  	v17 =	vld [tilespmem:$0xECC0];
	v12 =	vmul.f32 v13, v12;
	v10 =	vadd.f32 $0.0e+00, v10  }
0x695: {  	v54 =	vld [tilespmem:s29+$0xA0C0]  }
0x696: {  	v57 =	vld [tilespmem:$0xECD0];
	v55 =	vmul.f32 v15, v14;
	v10 =	vadd.f32 v12, v10  }
0x697: {  	v56 =	vld [tilespmem:s29+$0xA0D0]  }
0x698: {  	v59 =	vld [tilespmem:$0xECE0];
	v11 =	vmul.f32 v16, v11;
	v10 =	vadd.f32 v55, v10  }
0x699: {  	s24 =	sxor.u32 $0x80000000, s24;
	v58 =	vld [tilespmem:s29+$0xA0E0]  }
0x69a: {  	v61 =	vld [tilespmem:$0xECF0];
	v18 =	vmov s24;
	v10 =	vadd.f32 v11, v10;
	v11 =	vmul.f32 v17, v54  }
0x69b: {  	v60 =	vld [tilespmem:s29+$0xA0F0];
	vm2 =	vne.s32 v18, v3  }
0x69c: {  	vm1 =	vmand vm1, vm2;
	v10 =	vadd.f32 v11, v10;
	v11 =	vmul.f32 v57, v56  }
0x69d: {  	v62 =	vsel vm1, $0x3F800000, v2  }
0x69e: {  	(xrf0) =	vmax.scan.msk.f32 $0xffff, v62;
	v10 =	vadd.f32 v11, v10;
	v11 =	vmul.f32 v59, v58;
	_ =	sdelay $0x1  }
0x69f: {  	v10 =	vadd.f32 v11, v10;
	v11 =	vmul.f32 v61, v60;
	_ =	sdelay $0x3  }
0x6a0: {  	v10 =	vadd.f32 v11, v10;
	v11, _, _ =	vpop (xrf0)  }
0x6a1: {  	(v2sf) =	vpush v11, $0xF;
	_ =	sdelay $0x2  }
0x6a2: {  	(xrf2) =	vadd.scan.msk.f32 $0xffff, v10;
	_ =	sdelay $0x9  }
0x6a3: {  	v11 =	vld [tilespmem:$0xF480];
	v10, _, _ =	vpop (xrf2)  }
0x6a4: {  	v10 =	vbroadcast v10, $0xF  }
0x6a5: {  	v63 =	vld [tilespmem:$0xF500];
	s29 =	spop (v2sf)  }
0x6a6: {  	v10 =	vmul.f32 v10, v8;
	p0 =	sgt.f32 s29, $0.0e+00  }
.Ltmp100:
0x6a7: {  	_ = 	snop;
	(pc) =	sbr.rel @p0 .LBB2_92-.Ltmp100, $4  }
0x6a8: {  	vm2 =	veq.s32 v18, v3;
	v10 =	vmax.f32 v11, v10  }
0x6a9: {  	v10 =	vsel vm2, v10, v11;
	v11 =	vsel vm2, $0x1, v0  }
0x6aa: {  	[tilespmem:$0xF480] =	vst v10;
	v10 =	vadd.s32 v11, v63  }
0x6ab: {  	[tilespmem:$0xF500] =	vst v10  }
.LBB2_93:
0x6ac: {  	vm1 =	veq.s32 v6, v9  }
0x6ad: {  	v9 =	vsel vm1, $0x3F800000, v2  }
0x6ae: {  	(xrf0) =	vmax.scan.msk.f32 $0xffff, v9;
	_ =	sdelay $0x5  }
0x6af: {  	v9, _, _ =	vpop (xrf0)  }
0x6b0: {  	(v2sf) =	vpush v9, $0xF;
	_ =	sdelay $0xe  }
0x6b1: {  	s24 =	spop (v2sf)  }
0x6b2: {  	p0 =	sgt.f32 s24, $0.0e+00  }
.Ltmp101:
0x6b3: {  	_ = 	snop;
	(pc) =	sbr.rel @!p0 .LBB2_95-.Ltmp101, $1  }
0x6b4: {  	_ =	sdelay $0x3  }
.LBB2_94:
0x6b5: {  	v9 =	vmctz.xlane vm1;
	_ =	sdelay $0x1  }
0x6b6: {  	v9 =	vxor.u32 $0x80000000, v9  }
0x6b7: {  	(xrf0) =	vmax.scan.msk.u32 $0xffff, v9;
	_ =	sdelay $0x5  }
0x6b8: {  	v9, _, _ =	vpop (xrf0)  }
0x6b9: {  	(v2sf) =	vpush v9, $0xF;
	_ =	sdelay $0xe  }
0x6ba: {  	s24 =	spop (v2sf)  }
0x6bb: {  	s29 =	sshll.u32 s24, $0xB  }
0x6bc: {  	v10 =	vld [tilespmem:$0xEC80];
	s29 =	sshra.s32 s29, $0x2  }
0x6bd: {  	v9 =	vld [tilespmem:s29+$0xC080]  }
0x6be: {  	v12 =	vld [tilespmem:$0xEC90]  }
0x6bf: {  	v11 =	vld [tilespmem:s29+$0xC090]  }
0x6c0: {  	v14 =	vld [tilespmem:$0xECA0]  }
0x6c1: {  	v13 =	vld [tilespmem:s29+$0xC0A0]  }
0x6c2: {  	v15 =	vld [tilespmem:$0xECB0];
	v9 =	vmul.f32 v10, v9  }
0x6c3: {  	v10 =	vld [tilespmem:s29+$0xC0B0]  }
0x6c4: {  	v16 =	vld [tilespmem:$0xECC0];
	v11 =	vmul.f32 v12, v11;
	v9 =	vadd.f32 $0.0e+00, v9  }
0x6c5: {  	v57 =	vld [tilespmem:s29+$0xC0C0]  }
0x6c6: {  	v59 =	vld [tilespmem:$0xECD0];
	v9 =	vadd.f32 v11, v9;
	v11 =	vmul.f32 v14, v13  }
0x6c7: {  	v58 =	vld [tilespmem:s29+$0xC0D0]  }
0x6c8: {  	v60 =	vld [tilespmem:$0xECE0];
	v10 =	vmul.f32 v15, v10;
	v9 =	vadd.f32 v11, v9  }
0x6c9: {  	s24 =	sxor.u32 $0x80000000, s24;
	v11 =	vld [tilespmem:s29+$0xC0E0]  }
0x6ca: {  	v62 =	vld [tilespmem:$0xECF0];
	v17 =	vmov s24;
	v9 =	vadd.f32 v10, v9;
	v10 =	vmul.f32 v16, v57  }
0x6cb: {  	v61 =	vld [tilespmem:s29+$0xC0F0];
	vm2 =	vne.s32 v17, v3  }
0x6cc: {  	vm1 =	vmand vm1, vm2;
	v9 =	vadd.f32 v10, v9;
	v10 =	vmul.f32 v59, v58  }
0x6cd: {  	v63 =	vsel vm1, $0x3F800000, v2  }
0x6ce: {  	(xrf0) =	vmax.scan.msk.f32 $0xffff, v63;
	v9 =	vadd.f32 v10, v9;
	v10 =	vmul.f32 v60, v11;
	_ =	sdelay $0x1  }
0x6cf: {  	v9 =	vadd.f32 v10, v9;
	v10 =	vmul.f32 v62, v61;
	_ =	sdelay $0x3  }
0x6d0: {  	v9 =	vadd.f32 v10, v9;
	v10, _, _ =	vpop (xrf0)  }
0x6d1: {  	(v2sf) =	vpush v10, $0xF;
	_ =	sdelay $0x2  }
0x6d2: {  	(xrf2) =	vadd.scan.msk.f32 $0xffff, v9;
	_ =	sdelay $0x9  }
0x6d3: {  	v10 =	vld [tilespmem:$0xF490];
	v9, _, _ =	vpop (xrf2)  }
0x6d4: {  	v9 =	vbroadcast v9, $0xF  }
0x6d5: {  	v11 =	vld [tilespmem:$0xF510];
	s29 =	spop (v2sf)  }
0x6d6: {  	v9 =	vmul.f32 v9, v8;
	p0 =	sgt.f32 s29, $0.0e+00  }
.Ltmp102:
0x6d7: {  	_ = 	snop;
	(pc) =	sbr.rel @p0 .LBB2_94-.Ltmp102, $4  }
0x6d8: {  	vm2 =	veq.s32 v17, v3;
	v9 =	vmax.f32 v10, v9  }
0x6d9: {  	v9 =	vsel vm2, v9, v10;
	v10 =	vsel vm2, $0x1, v0  }
0x6da: {  	[tilespmem:$0xF490] =	vst v9;
	v9 =	vadd.s32 v10, v11  }
0x6db: {  	[tilespmem:$0xF510] =	vst v9  }
.Ltmp103:
0x6dc: {  	_ = 	snop;
	(pc) =	sbr.rel .LBB2_95-.Ltmp103, $1  }
0x6dd: {  	_ =	sdelay $0x3  }
.LBB2_121:
0x6de: {  	v17 =	vmul.f32 v22, v17;
	_ =	sdelay $0x1  }
0x6df: {  	v18 =	vmul.f32 v23, v18;
	v17 =	vadd.f32 $0.0e+00, v17;
	_ =	sdelay $0x1  }
0x6e0: {  	v53 =	vmul.f32 v24, v19;
	v17 =	vadd.f32 v18, v17;
	_ =	sdelay $0x1  }
0x6e1: {  	v54 =	vmul.f32 v25, v20;
	v17 =	vadd.f32 v53, v17;
	_ =	sdelay $0x1  }
0x6e2: {  	v55 =	vmul.f32 v28, v21;
	v17 =	vadd.f32 v54, v17;
	_ =	sdelay $0x1  }
0x6e3: {  	v56 =	vmul.f32 v29, v26;
	v17 =	vadd.f32 v55, v17  }
0x6e4: {  	vm1 =	vlt.s32 v13, $0x500;
	v57 =	vmax.f32 v11, $0.0e+00  }
0x6e5: {  	v15 =	vmul.f32 v27, v15;
	v59 =	vmax.f32 v9, $0.0e+00;
	v58 =	vadd.f32 v56, v17  }
0x6e6: {  	v61 =	vmul.f32 v16, v14;
	v11 =	vsel vm1, v57, v11;
	vm1 =	vlt.s32 v12, $0x500  }
0x6e7: {  	v10 =	vmul.f32 v11, v10;
	v9 =	vsel vm1, v59, v9;
	v60 =	vadd.f32 v15, v58  }
0x6e8: {  	v8 =	vmul.f32 v9, v8  }
0x6e9: {  	(xrf2) =	vadd.scan.msk.f32 $0xffff, v10;
	v62 =	vadd.f32 v61, v60  }
0x6ea: {  	(xrf2) =	vadd.scan.msk.f32 $0xffff, v8  }
0x6eb: {  	(xrf2) =	vadd.scan.msk.f32 $0xffff, v62;
	_ =	sdelay $0x7  }
0x6ec: {  	v8, _, _ =	vpop (xrf2)  }
0x6ed: {  	v63, _, _ =	vpop (xrf2);
	(v2sf) =	vpush v8, $0xF  }
0x6ee: {  	(v2sf) =	vpush v63, $0xF;
	v8, _, _ =	vpop (xrf2)  }
0x6ef: {  	(v2sf) =	vpush v8, $0xF;
	_ =	sdelay $0x9  }
0x6f0: {  	p0 =	slt.s32 s20, $0x1  }
.Ltmp104:
0x6f1: {  	_ = 	snop;
	(pc) =	sbr.rel @!p0 .LBB2_122-.Ltmp104, $4  }
.Ltmp105:
0x6f2: {  	[tilespmem:$0xF480] =	vst v4;
	(pc) =	sbr.rel @p0 .LBB2_127-.Ltmp105, $4  }
0x6f3: {  	[tilespmem:$0xF500] =	vst v0;
	s21 =	spop (v2sf)  }
0x6f4: {  	[tilespmem:$0xF490] =	vst v4;
	s22 =	spop (v2sf)  }
0x6f5: {  	[tilespmem:$0xF510] =	vst v0;
	s23 =	simm.s32 $0x0;
	s1 =	spop (v2sf)  }
0x6f6: {  	_ = 	snop  }
.LBB2_126:
0x6f7: {  	s23 =	sadd.s32 $0x1, s23  }
0x6f8: {  	p0 =	sne.s32 s23, s20  }
.Ltmp106:
0x6f9: {  	_ = 	snop;
	(pc) =	sbr.rel @!p0 .LBB2_127-.Ltmp106, $1  }
0x6fa: {  	_ =	sdelay $0x3  }
.LBB2_122:
0x6fb: {  	v8 =	vmov s23;
	_ =	sdelay $0x4  }
0x6fc: {  	v8 =	vld.idx.msk [tilespmem:v8+s26+$0x0], $0xffff;
	_ =	sdelay $0x4  }
0x6fd: {  	v9 =	vshll.u32 v8, $0x2  }
0x6fe: {  	v10 =	vand.u32 $0x7F, v8;
	v9 =	vand.u32 $0xFFFFFE00, v9  }
0x6ff: {  	v8 =	vand.u32 $0xFF, v8;
	v9 =	vor.u32 v9, v10  }
0x700: {  	v10 =	vor.u32 $0x180, v9;
	_ =	sdelay $0x2  }
0x701: {  	vm1 =	vmmov $0xffff  }
0x702: {  	[tilespmem:s28], [sflag:$0x1] =	stream.indirect_vreg.gather [hbm4b:s13+s2], $0x80, v8, vm1, $0xb8;
	[tilespmem:$0xF600] =	vst v63  }
0x703: {  	v9 =	vld.idx.msk [tilespmem:v10+s18+$0x0], $0xffff;
	_ =	sdelay $0x4  }
0x704: {  	vm1 =	veq.s32 v6, v9  }
0x705: {  	v8 =	vld.idx.msk [tilespmem:v10+s19+$0x0], $0xffff;
	_ =	swait.ge [sflag:s25], $0x800;
	v10 =	vsel vm1, $0x3F800000, v2  }
0x706: {  	(xrf0) =	vmax.scan.msk.f32 $0xffff, v10;
	_ =	sdelay $0x5  }
0x707: {  	v10, _, _ =	vpop (xrf0)  }
0x708: {  	(v2sf) =	vpush v10, $0xF;
	_ =	sdelay $0xe  }
0x709: {  	s24 =	spop (v2sf)  }
0x70a: {  	p0 =	sgt.f32 s24, $0.0e+00  }
.Ltmp107:
0x70b: {  	_ = 	snop;
	(pc) =	sbr.rel @!p0 .LBB2_124-.Ltmp107, $3  }
0x70c: {  	_ =	sdelay $0x1  }
0x70d: {  	[sflag:s25] =	ssyncset.done $0x0  }
0x70e: {  	[sflag:s25] =	ssyncadd.s32 $0xFFFFF800  }
.LBB2_123:
0x70f: {  	v10 =	vmctz.xlane vm1;
	_ =	sdelay $0x1  }
0x710: {  	v10 =	vxor.u32 $0x80000000, v10  }
0x711: {  	(xrf0) =	vmax.scan.msk.u32 $0xffff, v10;
	_ =	sdelay $0x5  }
0x712: {  	v10, _, _ =	vpop (xrf0)  }
0x713: {  	(v2sf) =	vpush v10, $0xF;
	_ =	sdelay $0xe  }
0x714: {  	s24 =	spop (v2sf)  }
0x715: {  	s29 =	sshll.u32 s24, $0xB  }
0x716: {  	v11 =	vld [tilespmem:$0xEC80];
	s29 =	sshra.s32 s29, $0x2  }
0x717: {  	v10 =	vld [tilespmem:s29+$0xA100]  }
0x718: {  	v13 =	vld [tilespmem:$0xEC90]  }
0x719: {  	v12 =	vld [tilespmem:s29+$0xA110]  }
0x71a: {  	v15 =	vld [tilespmem:$0xECA0]  }
0x71b: {  	v14 =	vld [tilespmem:s29+$0xA120]  }
0x71c: {  	v16 =	vld [tilespmem:$0xECB0];
	v10 =	vmul.f32 v11, v10  }
0x71d: {  	v11 =	vld [tilespmem:s29+$0xA130]  }
0x71e: {  	v17 =	vld [tilespmem:$0xECC0];
	v12 =	vmul.f32 v13, v12;
	v10 =	vadd.f32 $0.0e+00, v10  }
0x71f: {  	v54 =	vld [tilespmem:s29+$0xA140]  }
0x720: {  	v57 =	vld [tilespmem:$0xECD0];
	v55 =	vmul.f32 v15, v14;
	v10 =	vadd.f32 v12, v10  }
0x721: {  	v56 =	vld [tilespmem:s29+$0xA150]  }
0x722: {  	v59 =	vld [tilespmem:$0xECE0];
	v11 =	vmul.f32 v16, v11;
	v10 =	vadd.f32 v55, v10  }
0x723: {  	s24 =	sxor.u32 $0x80000000, s24;
	v58 =	vld [tilespmem:s29+$0xA160]  }
0x724: {  	v61 =	vld [tilespmem:$0xECF0];
	v18 =	vmov s24;
	v10 =	vadd.f32 v11, v10;
	v11 =	vmul.f32 v17, v54  }
0x725: {  	v60 =	vld [tilespmem:s29+$0xA170];
	vm2 =	vne.s32 v18, v3  }
0x726: {  	vm1 =	vmand vm1, vm2;
	v10 =	vadd.f32 v11, v10;
	v11 =	vmul.f32 v57, v56  }
0x727: {  	v62 =	vsel vm1, $0x3F800000, v2  }
0x728: {  	(xrf0) =	vmax.scan.msk.f32 $0xffff, v62;
	v10 =	vadd.f32 v11, v10;
	v11 =	vmul.f32 v59, v58;
	_ =	sdelay $0x1  }
0x729: {  	v10 =	vadd.f32 v11, v10;
	v11 =	vmul.f32 v61, v60;
	_ =	sdelay $0x3  }
0x72a: {  	v10 =	vadd.f32 v11, v10;
	v11, _, _ =	vpop (xrf0)  }
0x72b: {  	(v2sf) =	vpush v11, $0xF;
	_ =	sdelay $0x2  }
0x72c: {  	(xrf2) =	vadd.scan.msk.f32 $0xffff, v10;
	_ =	sdelay $0x9  }
0x72d: {  	v11 =	vld [tilespmem:$0xF480];
	v10, _, _ =	vpop (xrf2)  }
0x72e: {  	v10 =	vbroadcast v10, $0xF  }
0x72f: {  	v63 =	vld [tilespmem:$0xF500];
	s29 =	spop (v2sf)  }
0x730: {  	v10 =	vmul.f32 v10, v8;
	p0 =	sgt.f32 s29, $0.0e+00  }
.Ltmp108:
0x731: {  	_ = 	snop;
	(pc) =	sbr.rel @p0 .LBB2_123-.Ltmp108, $4  }
0x732: {  	vm2 =	veq.s32 v18, v3;
	v10 =	vmax.f32 v11, v10  }
0x733: {  	v10 =	vsel vm2, v10, v11;
	v11 =	vsel vm2, $0x1, v0  }
0x734: {  	[tilespmem:$0xF480] =	vst v10;
	v10 =	vadd.s32 v11, v63  }
0x735: {  	[tilespmem:$0xF500] =	vst v10  }
.LBB2_124:
0x736: {  	vm1 =	veq.s32 v5, v9  }
0x737: {  	v9 =	vsel vm1, $0x3F800000, v2  }
0x738: {  	(xrf0) =	vmax.scan.msk.f32 $0xffff, v9;
	_ =	sdelay $0x5  }
0x739: {  	v9, _, _ =	vpop (xrf0)  }
0x73a: {  	(v2sf) =	vpush v9, $0xF;
	_ =	sdelay $0xe  }
0x73b: {  	s24 =	spop (v2sf)  }
0x73c: {  	p0 =	sgt.f32 s24, $0.0e+00  }
.Ltmp109:
0x73d: {  	_ = 	snop;
	(pc) =	sbr.rel @!p0 .LBB2_126-.Ltmp109, $1  }
0x73e: {  	_ =	sdelay $0x3  }
.LBB2_125:
0x73f: {  	v9 =	vmctz.xlane vm1;
	_ =	sdelay $0x1  }
0x740: {  	v9 =	vxor.u32 $0x80000000, v9  }
0x741: {  	(xrf0) =	vmax.scan.msk.u32 $0xffff, v9;
	_ =	sdelay $0x5  }
0x742: {  	v9, _, _ =	vpop (xrf0)  }
0x743: {  	(v2sf) =	vpush v9, $0xF;
	_ =	sdelay $0xe  }
0x744: {  	s24 =	spop (v2sf)  }
0x745: {  	s29 =	sshll.u32 s24, $0xB  }
0x746: {  	v10 =	vld [tilespmem:$0xEC80];
	s29 =	sshra.s32 s29, $0x2  }
0x747: {  	v9 =	vld [tilespmem:s29+$0xC100]  }
0x748: {  	v12 =	vld [tilespmem:$0xEC90]  }
0x749: {  	v11 =	vld [tilespmem:s29+$0xC110]  }
0x74a: {  	v14 =	vld [tilespmem:$0xECA0]  }
0x74b: {  	v13 =	vld [tilespmem:s29+$0xC120]  }
0x74c: {  	v15 =	vld [tilespmem:$0xECB0];
	v9 =	vmul.f32 v10, v9  }
0x74d: {  	v10 =	vld [tilespmem:s29+$0xC130]  }
0x74e: {  	v16 =	vld [tilespmem:$0xECC0];
	v11 =	vmul.f32 v12, v11;
	v9 =	vadd.f32 $0.0e+00, v9  }
0x74f: {  	v57 =	vld [tilespmem:s29+$0xC140]  }
0x750: {  	v59 =	vld [tilespmem:$0xECD0];
	v9 =	vadd.f32 v11, v9;
	v11 =	vmul.f32 v14, v13  }
0x751: {  	v58 =	vld [tilespmem:s29+$0xC150]  }
0x752: {  	v60 =	vld [tilespmem:$0xECE0];
	v10 =	vmul.f32 v15, v10;
	v9 =	vadd.f32 v11, v9  }
0x753: {  	s24 =	sxor.u32 $0x80000000, s24;
	v11 =	vld [tilespmem:s29+$0xC160]  }
0x754: {  	v62 =	vld [tilespmem:$0xECF0];
	v17 =	vmov s24;
	v9 =	vadd.f32 v10, v9;
	v10 =	vmul.f32 v16, v57  }
0x755: {  	v61 =	vld [tilespmem:s29+$0xC170];
	vm2 =	vne.s32 v17, v3  }
0x756: {  	vm1 =	vmand vm1, vm2;
	v9 =	vadd.f32 v10, v9;
	v10 =	vmul.f32 v59, v58  }
0x757: {  	v63 =	vsel vm1, $0x3F800000, v2  }
0x758: {  	(xrf0) =	vmax.scan.msk.f32 $0xffff, v63;
	v9 =	vadd.f32 v10, v9;
	v10 =	vmul.f32 v60, v11;
	_ =	sdelay $0x1  }
0x759: {  	v9 =	vadd.f32 v10, v9;
	v10 =	vmul.f32 v62, v61;
	_ =	sdelay $0x3  }
0x75a: {  	v9 =	vadd.f32 v10, v9;
	v10, _, _ =	vpop (xrf0)  }
0x75b: {  	(v2sf) =	vpush v10, $0xF;
	_ =	sdelay $0x2  }
0x75c: {  	(xrf2) =	vadd.scan.msk.f32 $0xffff, v9;
	_ =	sdelay $0x9  }
0x75d: {  	v10 =	vld [tilespmem:$0xF490];
	v9, _, _ =	vpop (xrf2)  }
0x75e: {  	v9 =	vbroadcast v9, $0xF  }
0x75f: {  	v11 =	vld [tilespmem:$0xF510];
	s29 =	spop (v2sf)  }
0x760: {  	v9 =	vmul.f32 v9, v8;
	p0 =	sgt.f32 s29, $0.0e+00  }
.Ltmp110:
0x761: {  	_ = 	snop;
	(pc) =	sbr.rel @p0 .LBB2_125-.Ltmp110, $4  }
0x762: {  	vm2 =	veq.s32 v17, v3;
	v9 =	vmax.f32 v10, v9  }
0x763: {  	v9 =	vsel vm2, v9, v10;
	v10 =	vsel vm2, $0x1, v0  }
0x764: {  	[tilespmem:$0xF490] =	vst v9;
	v9 =	vadd.s32 v10, v11  }
0x765: {  	[tilespmem:$0xF510] =	vst v9  }
.Ltmp111:
0x766: {  	_ = 	snop;
	(pc) =	sbr.rel .LBB2_126-.Ltmp111, $1  }
0x767: {  	_ =	sdelay $0x3  }
.LBB2_128:
0x768: {  	_ =	sfence.sel $0x180000  }
0x769: {  	[bflag:$0x0] =	sbarrier.arrive $0xFFFF  }
0x76a: {  	_ =	strace $0x90000047  }
0x76b: {  	s0 =	stileid.u32;
	[bflag:$0x2] =	sbarrier.arrive $0xFFFF  }
0x76c: {  	p0 =	sne.s32 s0, $0x0;
	s0 =	rddreg [dreg:$0x4]  }
0x76d: {  	s0 =	sadd.s32 @!p0 $0x100000, s0  }
0x76e: {  	[sflag:s0] =	ssyncadd.tile.s32 @!p0 $0x1;
	_ =	shalt  }
.Lfunc_end2:
_tile_overlayer_lowered:
.L_overlay_start_2:
0x76f: {  	(tag) =	ssettag $0x2  }
0x770: {  	s0 =	rddreg [dreg:$0x0];
	s2 =	stileid.u32  }
0x771: {  	s1 =	rddreg [dreg:$0x1];
	p0 =	sne.s32 s2, $0x0  }
0x772: {  	s3 =	rddreg [dreg:$0x2];
	[bflag:$0x3] =	sbarrier.arrive $0xFFFF;
	s2 =	simm.s32 @!p0 $0x1C02  }
0x773: {  	[timem:s3], [sflag:s2] =	dma.local @!p0 [hbm:s0], s1  }
0x774: {  	s0 =	simm.s32 @!p0 $0x2  }
0x775: {  	_ =	swait.ge @!p0 [sflag:s0], s1  }
0x776: {  	s1 =	ssub.s32 @!p0 $0x0, s1;
	[sflag:s0] =	ssyncset.done @!p0 $0x0  }
0x777: {  	[sflag:s0] =	ssyncadd.s32 @!p0 s1  }
0x778: {  	[bflag:$0x3] =	sbarrier.arrive $0xFFFF  }
0x779: {  	_ =	shalt  }

</sc_bundles>
